<compile_context>
chip_gen: v7x
topology: tpu7x:2x2x1
jax: 0.10.2.dev20260603
libtpu: 0.0.44.dev20260713+nightly
codegen_flags: <defaults>
</compile_context>

<pallas_src>
import functools

import jax
import jax.numpy as jnp
from jax import lax
from jax.experimental import pallas as pl
from jax.experimental.pallas import tpu as pltpu
from jax.experimental.pallas import tpu_sc as plsc

_E = 1_600_000
_N = 100_000
_C = 200_000

_CHUNK = 1024
_NB = _CHUNK // 128
_EPAD = 512
_EP = _E + _EPAD
_NCH = _EP // _CHUNK

_CB = 128
_CPAD = 64
_NCB = (_C + _CPAD) // _CB

_RPS = 6256


@functools.cache
def _build_sc_main():
  mesh = plsc.VectorSubcoreMesh(core_axis_name="c", subcore_axis_name="s")

  @functools.partial(
      pl.kernel,
      out_type=(
          jax.ShapeDtypeStruct((2, 4 * _N), jnp.float32),
          jax.ShapeDtypeStruct((3 * (_C + _CPAD),), jnp.float32),
      ),
      mesh=mesh,
      compiler_params=pltpu.CompilerParams(needs_layout_passes=False,
                                           use_tc_tiling_on_sc=False),
      scratch_types=[
          pltpu.VMEM_SHARED((_N, 8), jnp.float32),
          pltpu.VMEM((_NB, 128, 8), jnp.float32),
          pltpu.VMEM((_CHUNK, 8), jnp.float32),
          pltpu.VMEM((_NB, 128), jnp.int32),
          pltpu.VMEM((_NB, 128), jnp.int32),
          pltpu.VMEM((128,), jnp.int32),
          pltpu.VMEM((128,), jnp.int32),
          pltpu.VMEM((128,), jnp.int32),
          pltpu.VMEM((_CB, 8), jnp.float32),
          pltpu.VMEM((_CB, 8), jnp.float32),
          pltpu.VMEM((_CB, 8), jnp.float32),
          pltpu.VMEM((3 * _CB,), jnp.float32),
          pltpu.VMEM((4096,), jnp.float32),
          pltpu.SemaphoreType.DMA,
      ],
  )
  def _sc_main(pay3, pay2, ei3, face0, face1, face2,
               partials, cell_out,
               acc, stagep, payload, sidx, ridx, fi0, fi1, fi2,
               g0, g1, g2, cres, flat, sem):
    cid = lax.axis_index("c")
    sid = lax.axis_index("s")
    wid = cid * 16 + sid

    j16 = lax.iota(jnp.int32, 16)
    zeros = jnp.zeros((16,), jnp.float32)

    def _zero_payload(q, _):
        g = 16 * q + j16
        plsc.store_scatter(payload, [g // 8, g % 8], zeros)
        return 0
    lax.fori_loop(0, _CHUNK * 8 // 16, _zero_payload, 0)
    base = sid * _RPS
    for t in range(6):
        pltpu.sync_copy(payload, acc.at[pl.ds(base + t * _CHUNK, _CHUNK)])

    @pl.when(sid != 15)
    def _():
        pltpu.sync_copy(payload.at[pl.ds(0, 112)],
                        acc.at[pl.ds(base + 6 * _CHUNK, 112)])

    @pl.when(sid == 15)
    def _():
        pltpu.sync_copy(payload.at[pl.ds(0, 16)],
                        acc.at[pl.ds(base + 6 * _CHUNK, 16)])

    plsc.subcore_barrier()

    def _chunk(ci):
        r0 = ci * _NB
        pltpu.sync_copy(pay3.at[pl.ds(r0, _NB)], stagep)
        pltpu.sync_copy(ei3.at[0, pl.ds(r0, _NB)], sidx)
        pltpu.sync_copy(ei3.at[1, pl.ds(r0, _NB)], ridx)
        for b in range(_NB):
            src = stagep.at[b]
            pltpu.sync_copy(src, acc.at[sidx.at[b]], add=True)
            pltpu.sync_copy(src, acc.at[ridx.at[b]], add=True)

    nch = (jnp.int32(_NCH + 31) - wid) // 32

    def _edge_body(k, _):
        _chunk(wid + 32 * k)
        return 0
    lax.fori_loop(0, nch, _edge_body, 0)

    def _cells(bi):
        c0 = bi * _CB
        fis = (fi0, fi1, fi2)
        faces = (face0, face1, face2)
        gs = (g0, g1, g2)
        for jf in range(3):
            pltpu.sync_copy(faces[jf].at[pl.ds(c0, _CB)], fis[jf])
        for jf in range(3):
            pltpu.async_copy(pay2.at[fis[jf]], gs[jf], sem).wait()

        def _avg(q, _):
            rows = 16 * q + j16
            for c in range(3):
                cc = jnp.full((16,), c, jnp.int32)
                v = (plsc.load_gather(g0, [rows, cc])
                     + plsc.load_gather(g1, [rows, cc])
                     + plsc.load_gather(g2, [rows, cc])) / 3.0
                plsc.store_scatter(cres, [48 * q + 3 * j16 + c], v)
            return 0
        lax.fori_loop(0, 8, _avg, 0)
        pltpu.sync_copy(cres, cell_out.at[pl.ds(3 * c0, 3 * _CB)])

    ncb = (jnp.int32(_NCB + 31) - wid) // 32

    def _cell_body(k, _):
        _cells(wid + 32 * k)
        return 0
    lax.fori_loop(0, ncb, _cell_body, 0)

    plsc.subcore_barrier()

    def _dump_block(r0, nrows):
        pltpu.sync_copy(acc.at[pl.ds(r0, nrows)], payload.at[pl.ds(0, nrows)])

        def _flatten(q, _):
            g = 16 * q + j16
            flat[pl.ds(16 * q, 16)] = plsc.load_gather(
                payload, [g // 4, g % 4])
            return 0
        lax.fori_loop(0, nrows * 4 // 16, _flatten, 0)
        pltpu.sync_copy(flat.at[pl.ds(0, 4 * nrows)],
                        partials.at[cid, pl.ds(4 * r0, 4 * nrows)])

    for t in range(6):
        _dump_block(base + t * _CHUNK, _CHUNK)

    @pl.when(sid != 15)
    def _():
        _dump_block(base + 6 * _CHUNK, 112)

    @pl.when(sid == 15)
    def _():
        _dump_block(base + 6 * _CHUNK, 16)

  return _sc_main


def _combine(p_ref, o_ref):
    s = p_ref[0] + p_ref[1]
    o_ref[...] = s[:, :3] / jnp.maximum(s[:, 3:4], 1.0)


def kernel(predicted_edge_uvp, edge_index, face):
    pay = jnp.concatenate(
        [predicted_edge_uvp,
         jnp.ones((_E, 1), jnp.float32),
         jnp.zeros((_E, 4), jnp.float32)], axis=1)
    pay = jnp.pad(pay, ((0, _EPAD), (0, 0)))
    pay3 = pay.reshape(_EP // 128, 128, 8)
    pay2 = pay.reshape(_EP, 8)
    ei3 = jnp.pad(edge_index, ((0, 0), (0, _EPAD))).reshape(2, _EP // 128, 128)
    face_p = jnp.pad(face, ((0, 0), (0, _CPAD)))
    partials, cell_flat = _build_sc_main()(
        pay3, pay2, ei3, face_p[0], face_p[1], face_p[2])
    cell = cell_flat[:3 * _C].reshape(_C, 3)
    p4 = partials.reshape(2, _N, 4)
    node = pl.pallas_call(
        _combine,
        grid=(50,),
        in_specs=[pl.BlockSpec((2, _N // 50, 4), lambda i: (0, i, 0))],
        out_specs=pl.BlockSpec((_N // 50, 3), lambda i: (i, 0)),
        out_shape=jax.ShapeDtypeStruct((_N, 3), jnp.float32),
    )(p4)
    return node, cell

# --- scband reference (transcript-rebuilt; emitter-appended) ---
"""Pipeline reference for scband-gen-fvgn-17703855194356 (READ-ONLY COPY).

The authoritative reference and input builder live on the scoring server;
editing this copy changes nothing except your own understanding.
"""

import jax, jax.numpy as jnp
import numpy as np

N_NODES = 100000
N_EDGES = 1600000
N_CELLS = 200000

def setup_inputs(seed: int = 0) -> dict:
    key = jax.random.key(seed)
    k1, k2, k3 = jax.random.split(key, 3)
    predicted_edge_uvp = jax.random.normal(k1, (N_EDGES, 3), dtype=jnp.float32)
    edge_index = jax.random.randint(k2, (2, N_EDGES), 0, N_NODES, dtype=jnp.int32)
    face = jax.random.randint(k3, (3, N_CELLS), 0, N_EDGES, dtype=jnp.int32)
    return {"predicted_edge_uvp": predicted_edge_uvp, "edge_index": edge_index, "face": face}

def reference(predicted_edge_uvp, edge_index, face):
    # Faithful to GenFVGN.interploate_edge_to_node_and_cell:
    # scatter_mean of edge uvp onto both endpoint nodes, plus per-cell average of its 3 faces.
    senders = edge_index[0]
    receivers = edge_index[1]
    twoway_node_connections = jnp.concatenate([senders, receivers], axis=0)
    twoway_edge_attr = jnp.concatenate([predicted_edge_uvp, predicted_edge_uvp], axis=0)
    sums = jax.ops.segment_sum(twoway_edge_attr, twoway_node_connections, num_segments=N_NODES)
    counts = jax.ops.segment_sum(jnp.ones((twoway_node_connections.shape[0], 1), dtype=jnp.float32), twoway_node_connections, num_segments=N_NODES)
    predicted_node_uvp = sums / jnp.maximum(counts, 1.0)
    predicted_cell_uvp = (predicted_edge_uvp[face[0]] + predicted_edge_uvp[face[1]] + predicted_edge_uvp[face[2]]) / 3.0
    return predicted_node_uvp, predicted_cell_uvp

if __name__ == "__main__":
    import jax
    _d = setup_inputs()
    print(jax.jit(kernel)(*tuple(_d.values())))

</pallas_src>

<mosaic_0001>
#map = affine_map<(d0, d1) -> (0, 0, 0)>
#map1 = affine_map<(d0, d1) -> (0, 0)>
#map2 = affine_map<(d0, d1) -> (0)>
module attributes {stable_mosaic.version = 14 : i64} {
  func.func @_sc_main(%arg0: i32, %arg1: i32, %arg2: memref<12504x128x8xf32, #tpu.memory_space<hbm>>, %arg3: memref<1600512x8xf32, #tpu.memory_space<hbm>>, %arg4: memref<2x12504x128xi32, #tpu.memory_space<hbm>>, %arg5: memref<200064xi32, #tpu.memory_space<hbm>>, %arg6: memref<200064xi32, #tpu.memory_space<hbm>>, %arg7: memref<200064xi32, #tpu.memory_space<hbm>>, %arg8: memref<2x400000xf32, #tpu.memory_space<hbm>>, %arg9: memref<600192xf32, #tpu.memory_space<hbm>>, %arg10: memref<100000x8xf32, #tpu.memory_space<vmem_shared>>, %arg11: memref<8x128x8xf32, #tpu.memory_space<vmem>>, %arg12: memref<1024x8xf32, #tpu.memory_space<vmem>>, %arg13: memref<8x128xi32, #tpu.memory_space<vmem>>, %arg14: memref<8x128xi32, #tpu.memory_space<vmem>>, %arg15: memref<128xi32, #tpu.memory_space<vmem>>, %arg16: memref<128xi32, #tpu.memory_space<vmem>>, %arg17: memref<128xi32, #tpu.memory_space<vmem>>, %arg18: memref<128x8xf32, #tpu.memory_space<vmem>>, %arg19: memref<128x8xf32, #tpu.memory_space<vmem>>, %arg20: memref<128x8xf32, #tpu.memory_space<vmem>>, %arg21: memref<384xf32, #tpu.memory_space<vmem>>, %arg22: memref<4096xf32, #tpu.memory_space<vmem>>, %arg23: memref<!tpu.dma_semaphore, #tpu.memory_space<semaphore_mem>>) attributes {dimension_semantics = [#tpu.dimension_semantics<core_parallel>, #tpu.dimension_semantics<subcore_parallel>], iteration_bounds = array<i64: 2, 16>, scalar_prefetch = 0 : i64, scratch_operands = 14 : i64, tpu.core_type = #tpu.core_type<sc_vector_subcore>, window_params = [{transform_indices = #map}, {transform_indices = #map1}, {transform_indices = #map}, {transform_indices = #map2}, {transform_indices = #map2}, {transform_indices = #map2}, {transform_indices = #map1}, {transform_indices = #map2}]} {
    %mul3A = arith.constant 16 : i32
    %mul3A_0 = arith.muli %arg0, %mul3A : i32
    %add3A = arith.addi %mul3A_0, %arg1 : i32
    %iota3A = tpu.iota {dimensions = array<i32: 0>} : vector<16xi32>
    %broadcast_in_dim3A = arith.constant 0.000000e+00 : f32
    %broadcast_in_dim3A_1 = vector.broadcast %broadcast_in_dim3A : f32 to vector<16xf32>
    %scan3A = arith.constant 0 : i32
    %scan3A_2 = arith.constant 0 : i32
    %scan3A_3 = arith.constant 512 : i32
    %scan3A_4 = arith.addi %scan3A_2, %scan3A_3 : i32
    %scan3A_5 = arith.constant 1 : i32
    %scan3A_6 = scf.for %scan3A_173 = %scan3A_2 to %scan3A_4 step %scan3A_5 iter_args(%scan3A_174 = %scan3A) -> (i32)  : i32 {
      %mul3A_175 = arith.constant 16 : i32
      %mul3A_176 = arith.muli %mul3A_175, %scan3A_173 : i32
      %add3A_177 = vector.broadcast %mul3A_176 : i32 to vector<16xi32>
      %add3A_178 = arith.addi %add3A_177, %iota3A : vector<16xi32>
      %jit3A_179 = arith.constant 8 : i32
      %div3A_180 = vector.broadcast %jit3A_179 : i32 to vector<16xi32>
      %div3A_181 = arith.divsi %add3A_178, %div3A_180 : vector<16xi32>
      %sign3A_182 = arith.constant 0 : i32
      %sign3A_183 = vector.broadcast %sign3A_182 : i32 to vector<16xi32>
      %sign3A_184 = arith.cmpi sgt, %add3A_178, %sign3A_183 : vector<16xi32>
      %sign3A_185 = arith.extui %sign3A_184 : vector<16xi1> to vector<16xi32>
      %sign3A_186 = arith.constant 0 : i32
      %sign3A_187 = vector.broadcast %sign3A_186 : i32 to vector<16xi32>
      %sign3A_188 = arith.cmpi slt, %add3A_178, %sign3A_187 : vector<16xi32>
      %sign3A_189 = arith.extui %sign3A_188 : vector<16xi1> to vector<16xi32>
      %sign3A_190 = arith.subi %sign3A_185, %sign3A_189 : vector<16xi32>
      %sign3A_191 = arith.constant 0 : i32
      %sign3A_192 = arith.cmpi sgt, %jit3A_179, %sign3A_191 : i32
      %sign3A_193 = arith.extui %sign3A_192 : i1 to i32
      %sign3A_194 = arith.constant 0 : i32
      %sign3A_195 = arith.cmpi slt, %jit3A_179, %sign3A_194 : i32
      %sign3A_196 = arith.extui %sign3A_195 : i1 to i32
      %sign3A_197 = arith.subi %sign3A_193, %sign3A_196 : i32
      %ne3A_198 = vector.broadcast %sign3A_197 : i32 to vector<16xi32>
      %ne3A_199 = arith.cmpi ne, %sign3A_190, %ne3A_198 : vector<16xi32>
      %rem3A_200 = vector.broadcast %jit3A_179 : i32 to vector<16xi32>
      %rem3A_201 = arith.remsi %add3A_178, %rem3A_200 : vector<16xi32>
      %ne3A_202 = arith.constant 0 : i32
      %ne3A_203 = vector.broadcast %ne3A_202 : i32 to vector<16xi32>
      %ne3A_204 = arith.cmpi ne, %rem3A_201, %ne3A_203 : vector<16xi32>
      %and3A_205 = arith.andi %ne3A_199, %ne3A_204 : vector<16xi1>
      %sub3A_206 = arith.constant 1 : i32
      %sub3A_207 = vector.broadcast %sub3A_206 : i32 to vector<16xi32>
      %sub3A_208 = arith.subi %div3A_181, %sub3A_207 : vector<16xi32>
      %select_n3A_209 = arith.select %and3A_205, %sub3A_208, %div3A_181 : vector<16xi1>, vector<16xi32>
      %jit3A_210 = arith.constant 8 : i32
      %eq3A_211 = arith.constant 0 : i32
      %eq3A_212 = arith.cmpi eq, %jit3A_210, %eq3A_211 : i32
      %jit3A_213 = arith.constant 1 : i32
      %select_n3A_214 = arith.select %eq3A_212, %jit3A_213, %jit3A_210 : i32
      %rem3A_215 = vector.broadcast %select_n3A_214 : i32 to vector<16xi32>
      %rem3A_216 = arith.remsi %add3A_178, %rem3A_215 : vector<16xi32>
      %ne3A_217 = arith.constant 0 : i32
      %ne3A_218 = vector.broadcast %ne3A_217 : i32 to vector<16xi32>
      %ne3A_219 = arith.cmpi ne, %rem3A_216, %ne3A_218 : vector<16xi32>
      %lt3A = arith.constant 0 : i32
      %lt3A_220 = vector.broadcast %lt3A : i32 to vector<16xi32>
      %lt3A_221 = arith.cmpi slt, %rem3A_216, %lt3A_220 : vector<16xi32>
      %lt3A_222 = arith.constant 0 : i32
      %lt3A_223 = arith.cmpi slt, %select_n3A_214, %lt3A_222 : i32
      %ne3A_224 = vector.broadcast %lt3A_223 : i1 to vector<16xi1>
      %ne3A_225 = vector.broadcast %ne3A_224 : vector<16xi1> to vector<16xi1>
      %ne3A_226 = arith.xori %lt3A_221, %ne3A_225 : vector<16xi1>
      %and3A_227 = arith.andi %ne3A_226, %ne3A_219 : vector<16xi1>
      %add3A_228 = vector.broadcast %select_n3A_214 : i32 to vector<16xi32>
      %add3A_229 = arith.addi %rem3A_216, %add3A_228 : vector<16xi32>
      %select_n3A_230 = arith.select %and3A_227, %add3A_229, %rem3A_216 : vector<16xi1>, vector<16xi32>
      tpu.vector_store_idx %arg12[%select_n3A_209, %select_n3A_230], %broadcast_in_dim3A_1 : memref<1024x8xf32, #tpu.memory_space<vmem>>[vector<16xi32>, vector<16xi32>], vector<16xf32>,
      %scan3A_231 = arith.constant 0 : i32
      scf.yield %scan3A_231 : i32
    }
    %scan3A_7 = arith.constant 512 : i32
    %mul3A_8 = arith.constant 6256 : i32
    %mul3A_9 = arith.muli %arg1, %mul3A_8 : i32
    %add3A_10 = arith.constant 0 : i32
    %add3A_11 = arith.addi %mul3A_9, %add3A_10 : i32
    "tpu.region"() ({
      %run_scoped3A = tpu.sem_alloc : memref<!tpu.dma_semaphore, #tpu.memory_space<semaphore_mem>>
      %dma_start3A = arith.constant 0 : i32
      %dma_start3A_173 = tpu.memref_slice %arg10[%add3A_11, %dma_start3A] : memref<100000x8xf32, #tpu.memory_space<vmem_shared>> -> memref<1024x8xf32, #tpu.memory_space<vmem_shared>>
      %dma_start3A_174 = arith.constant 0 : i32
      %dma_start3A_175 = tpu.memref_slice %arg10[%add3A_11, %dma_start3A_174] : memref<100000x8xf32, #tpu.memory_space<vmem_shared>> -> memref<1024x8xf32, #tpu.memory_space<vmem_shared>>
      tpu.enqueue_dma source(%arg12 : memref<1024x8xf32, #tpu.memory_space<vmem>>) target(%dma_start3A_175 : memref<1024x8xf32, #tpu.memory_space<vmem_shared>>) target_semaphore(%run_scoped3A : memref<!tpu.dma_semaphore, #tpu.memory_space<semaphore_mem>>)
      %dma_wait3A = arith.constant 0 : i32
      %dma_wait3A_176 = tpu.memref_slice %arg10[%add3A_11, %dma_wait3A] : memref<100000x8xf32, #tpu.memory_space<vmem_shared>> -> memref<1024x8xf32, #tpu.memory_space<vmem_shared>>
      %dma_wait3A_177 = arith.constant 0 : i32
      %dma_wait3A_178 = tpu.memref_slice %arg10[%add3A_11, %dma_wait3A_177] : memref<100000x8xf32, #tpu.memory_space<vmem_shared>> -> memref<1024x8xf32, #tpu.memory_space<vmem_shared>>
      tpu.wait_dma2 semaphore(%run_scoped3A : memref<!tpu.dma_semaphore, #tpu.memory_space<semaphore_mem>>) src(%arg12 : memref<1024x8xf32, #tpu.memory_space<vmem>>) dst(%dma_wait3A_178 : memref<1024x8xf32, #tpu.memory_space<vmem_shared>>)
      tpu.yield
    }) : () -> ()
    %add3A_12 = arith.constant 1024 : i32
    %add3A_13 = arith.addi %mul3A_9, %add3A_12 : i32
    "tpu.region"() ({
      %run_scoped3A = tpu.sem_alloc : memref<!tpu.dma_semaphore, #tpu.memory_space<semaphore_mem>>
      %dma_start3A = arith.constant 0 : i32
      %dma_start3A_173 = tpu.memref_slice %arg10[%add3A_13, %dma_start3A] : memref<100000x8xf32, #tpu.memory_space<vmem_shared>> -> memref<1024x8xf32, #tpu.memory_space<vmem_shared>>
      %dma_start3A_174 = arith.constant 0 : i32
      %dma_start3A_175 = tpu.memref_slice %arg10[%add3A_13, %dma_start3A_174] : memref<100000x8xf32, #tpu.memory_space<vmem_shared>> -> memref<1024x8xf32, #tpu.memory_space<vmem_shared>>
      tpu.enqueue_dma source(%arg12 : memref<1024x8xf32, #tpu.memory_space<vmem>>) target(%dma_start3A_175 : memref<1024x8xf32, #tpu.memory_space<vmem_shared>>) target_semaphore(%run_scoped3A : memref<!tpu.dma_semaphore, #tpu.memory_space<semaphore_mem>>)
      %dma_wait3A = arith.constant 0 : i32
      %dma_wait3A_176 = tpu.memref_slice %arg10[%add3A_13, %dma_wait3A] : memref<100000x8xf32, #tpu.memory_space<vmem_shared>> -> memref<1024x8xf32, #tpu.memory_space<vmem_shared>>
      %dma_wait3A_177 = arith.constant 0 : i32
      %dma_wait3A_178 = tpu.memref_slice %arg10[%add3A_13, %dma_wait3A_177] : memref<100000x8xf32, #tpu.memory_space<vmem_shared>> -> memref<1024x8xf32, #tpu.memory_space<vmem_shared>>
      tpu.wait_dma2 semaphore(%run_scoped3A : memref<!tpu.dma_semaphore, #tpu.memory_space<semaphore_mem>>) src(%arg12 : memref<1024x8xf32, #tpu.memory_space<vmem>>) dst(%dma_wait3A_178 : memref<1024x8xf32, #tpu.memory_space<vmem_shared>>)
      tpu.yield
    }) : () -> ()
    %add3A_14 = arith.constant 2048 : i32
    %add3A_15 = arith.addi %mul3A_9, %add3A_14 : i32
    "tpu.region"() ({
      %run_scoped3A = tpu.sem_alloc : memref<!tpu.dma_semaphore, #tpu.memory_space<semaphore_mem>>
      %dma_start3A = arith.constant 0 : i32
      %dma_start3A_173 = tpu.memref_slice %arg10[%add3A_15, %dma_start3A] : memref<100000x8xf32, #tpu.memory_space<vmem_shared>> -> memref<1024x8xf32, #tpu.memory_space<vmem_shared>>
      %dma_start3A_174 = arith.constant 0 : i32
      %dma_start3A_175 = tpu.memref_slice %arg10[%add3A_15, %dma_start3A_174] : memref<100000x8xf32, #tpu.memory_space<vmem_shared>> -> memref<1024x8xf32, #tpu.memory_space<vmem_shared>>
      tpu.enqueue_dma source(%arg12 : memref<1024x8xf32, #tpu.memory_space<vmem>>) target(%dma_start3A_175 : memref<1024x8xf32, #tpu.memory_space<vmem_shared>>) target_semaphore(%run_scoped3A : memref<!tpu.dma_semaphore, #tpu.memory_space<semaphore_mem>>)
      %dma_wait3A = arith.constant 0 : i32
      %dma_wait3A_176 = tpu.memref_slice %arg10[%add3A_15, %dma_wait3A] : memref<100000x8xf32, #tpu.memory_space<vmem_shared>> -> memref<1024x8xf32, #tpu.memory_space<vmem_shared>>
      %dma_wait3A_177 = arith.constant 0 : i32
      %dma_wait3A_178 = tpu.memref_slice %arg10[%add3A_15, %dma_wait3A_177] : memref<100000x8xf32, #tpu.memory_space<vmem_shared>> -> memref<1024x8xf32, #tpu.memory_space<vmem_shared>>
      tpu.wait_dma2 semaphore(%run_scoped3A : memref<!tpu.dma_semaphore, #tpu.memory_space<semaphore_mem>>) src(%arg12 : memref<1024x8xf32, #tpu.memory_space<vmem>>) dst(%dma_wait3A_178 : memref<1024x8xf32, #tpu.memory_space<vmem_shared>>)
      tpu.yield
    }) : () -> ()
    %add3A_16 = arith.constant 3072 : i32
    %add3A_17 = arith.addi %mul3A_9, %add3A_16 : i32
    "tpu.region"() ({
      %run_scoped3A = tpu.sem_alloc : memref<!tpu.dma_semaphore, #tpu.memory_space<semaphore_mem>>
      %dma_start3A = arith.constant 0 : i32
      %dma_start3A_173 = tpu.memref_slice %arg10[%add3A_17, %dma_start3A] : memref<100000x8xf32, #tpu.memory_space<vmem_shared>> -> memref<1024x8xf32, #tpu.memory_space<vmem_shared>>
      %dma_start3A_174 = arith.constant 0 : i32
      %dma_start3A_175 = tpu.memref_slice %arg10[%add3A_17, %dma_start3A_174] : memref<100000x8xf32, #tpu.memory_space<vmem_shared>> -> memref<1024x8xf32, #tpu.memory_space<vmem_shared>>
      tpu.enqueue_dma source(%arg12 : memref<1024x8xf32, #tpu.memory_space<vmem>>) target(%dma_start3A_175 : memref<1024x8xf32, #tpu.memory_space<vmem_shared>>) target_semaphore(%run_scoped3A : memref<!tpu.dma_semaphore, #tpu.memory_space<semaphore_mem>>)
      %dma_wait3A = arith.constant 0 : i32
      %dma_wait3A_176 = tpu.memref_slice %arg10[%add3A_17, %dma_wait3A] : memref<100000x8xf32, #tpu.memory_space<vmem_shared>> -> memref<1024x8xf32, #tpu.memory_space<vmem_shared>>
      %dma_wait3A_177 = arith.constant 0 : i32
      %dma_wait3A_178 = tpu.memref_slice %arg10[%add3A_17, %dma_wait3A_177] : memref<100000x8xf32, #tpu.memory_space<vmem_shared>> -> memref<1024x8xf32, #tpu.memory_space<vmem_shared>>
      tpu.wait_dma2 semaphore(%run_scoped3A : memref<!tpu.dma_semaphore, #tpu.memory_space<semaphore_mem>>) src(%arg12 : memref<1024x8xf32, #tpu.memory_space<vmem>>) dst(%dma_wait3A_178 : memref<1024x8xf32, #tpu.memory_space<vmem_shared>>)
      tpu.yield
    }) : () -> ()
    %add3A_18 = arith.constant 4096 : i32
    %add3A_19 = arith.addi %mul3A_9, %add3A_18 : i32
    "tpu.region"() ({
      %run_scoped3A = tpu.sem_alloc : memref<!tpu.dma_semaphore, #tpu.memory_space<semaphore_mem>>
      %dma_start3A = arith.constant 0 : i32
      %dma_start3A_173 = tpu.memref_slice %arg10[%add3A_19, %dma_start3A] : memref<100000x8xf32, #tpu.memory_space<vmem_shared>> -> memref<1024x8xf32, #tpu.memory_space<vmem_shared>>
      %dma_start3A_174 = arith.constant 0 : i32
      %dma_start3A_175 = tpu.memref_slice %arg10[%add3A_19, %dma_start3A_174] : memref<100000x8xf32, #tpu.memory_space<vmem_shared>> -> memref<1024x8xf32, #tpu.memory_space<vmem_shared>>
      tpu.enqueue_dma source(%arg12 : memref<1024x8xf32, #tpu.memory_space<vmem>>) target(%dma_start3A_175 : memref<1024x8xf32, #tpu.memory_space<vmem_shared>>) target_semaphore(%run_scoped3A : memref<!tpu.dma_semaphore, #tpu.memory_space<semaphore_mem>>)
      %dma_wait3A = arith.constant 0 : i32
      %dma_wait3A_176 = tpu.memref_slice %arg10[%add3A_19, %dma_wait3A] : memref<100000x8xf32, #tpu.memory_space<vmem_shared>> -> memref<1024x8xf32, #tpu.memory_space<vmem_shared>>
      %dma_wait3A_177 = arith.constant 0 : i32
      %dma_wait3A_178 = tpu.memref_slice %arg10[%add3A_19, %dma_wait3A_177] : memref<100000x8xf32, #tpu.memory_space<vmem_shared>> -> memref<1024x8xf32, #tpu.memory_space<vmem_shared>>
      tpu.wait_dma2 semaphore(%run_scoped3A : memref<!tpu.dma_semaphore, #tpu.memory_space<semaphore_mem>>) src(%arg12 : memref<1024x8xf32, #tpu.memory_space<vmem>>) dst(%dma_wait3A_178 : memref<1024x8xf32, #tpu.memory_space<vmem_shared>>)
      tpu.yield
    }) : () -> ()
    %add3A_20 = arith.constant 5120 : i32
    %add3A_21 = arith.addi %mul3A_9, %add3A_20 : i32
    "tpu.region"() ({
      %run_scoped3A = tpu.sem_alloc : memref<!tpu.dma_semaphore, #tpu.memory_space<semaphore_mem>>
      %dma_start3A = arith.constant 0 : i32
      %dma_start3A_173 = tpu.memref_slice %arg10[%add3A_21, %dma_start3A] : memref<100000x8xf32, #tpu.memory_space<vmem_shared>> -> memref<1024x8xf32, #tpu.memory_space<vmem_shared>>
      %dma_start3A_174 = arith.constant 0 : i32
      %dma_start3A_175 = tpu.memref_slice %arg10[%add3A_21, %dma_start3A_174] : memref<100000x8xf32, #tpu.memory_space<vmem_shared>> -> memref<1024x8xf32, #tpu.memory_space<vmem_shared>>
      tpu.enqueue_dma source(%arg12 : memref<1024x8xf32, #tpu.memory_space<vmem>>) target(%dma_start3A_175 : memref<1024x8xf32, #tpu.memory_space<vmem_shared>>) target_semaphore(%run_scoped3A : memref<!tpu.dma_semaphore, #tpu.memory_space<semaphore_mem>>)
      %dma_wait3A = arith.constant 0 : i32
      %dma_wait3A_176 = tpu.memref_slice %arg10[%add3A_21, %dma_wait3A] : memref<100000x8xf32, #tpu.memory_space<vmem_shared>> -> memref<1024x8xf32, #tpu.memory_space<vmem_shared>>
      %dma_wait3A_177 = arith.constant 0 : i32
      %dma_wait3A_178 = tpu.memref_slice %arg10[%add3A_21, %dma_wait3A_177] : memref<100000x8xf32, #tpu.memory_space<vmem_shared>> -> memref<1024x8xf32, #tpu.memory_space<vmem_shared>>
      tpu.wait_dma2 semaphore(%run_scoped3A : memref<!tpu.dma_semaphore, #tpu.memory_space<semaphore_mem>>) src(%arg12 : memref<1024x8xf32, #tpu.memory_space<vmem>>) dst(%dma_wait3A_178 : memref<1024x8xf32, #tpu.memory_space<vmem_shared>>)
      tpu.yield
    }) : () -> ()
    %ne3A = arith.constant 15 : i32
    %ne3A_22 = arith.cmpi ne, %arg1, %ne3A : i32
    %convert_element_type3A = arith.extui %ne3A_22 : i1 to i32
    %cond3A = arith.constant 0 : i32
    %cond3A_23 = arith.cmpi ne, %convert_element_type3A, %cond3A : i32
    scf.if %cond3A_23 {
      %add3A_173 = arith.constant 6144 : i32
      %add3A_174 = arith.addi %mul3A_9, %add3A_173 : i32
      "tpu.region"() ({
        %run_scoped3A = tpu.sem_alloc : memref<!tpu.dma_semaphore, #tpu.memory_space<semaphore_mem>>
        %dma_start3A = arith.constant 0 : i32
        %dma_start3A_175 = arith.constant 0 : i32
        %dma_start3A_176 = tpu.memref_slice %arg12[%dma_start3A, %dma_start3A_175] : memref<1024x8xf32, #tpu.memory_space<vmem>> -> memref<112x8xf32, #tpu.memory_space<vmem>>
        %dma_start3A_177 = arith.constant 0 : i32
        %dma_start3A_178 = tpu.memref_slice %arg10[%add3A_174, %dma_start3A_177] : memref<100000x8xf32, #tpu.memory_space<vmem_shared>> -> memref<112x8xf32, #tpu.memory_space<vmem_shared>>
        %dma_start3A_179 = arith.constant 0 : i32
        %dma_start3A_180 = tpu.memref_slice %arg10[%add3A_174, %dma_start3A_179] : memref<100000x8xf32, #tpu.memory_space<vmem_shared>> -> memref<112x8xf32, #tpu.memory_space<vmem_shared>>
        %dma_start3A_181 = arith.constant 0 : i32
        %dma_start3A_182 = arith.constant 0 : i32
        %dma_start3A_183 = tpu.memref_slice %arg12[%dma_start3A_181, %dma_start3A_182] : memref<1024x8xf32, #tpu.memory_space<vmem>> -> memref<112x8xf32, #tpu.memory_space<vmem>>
        tpu.enqueue_dma source(%dma_start3A_183 : memref<112x8xf32, #tpu.memory_space<vmem>>) target(%dma_start3A_180 : memref<112x8xf32, #tpu.memory_space<vmem_shared>>) target_semaphore(%run_scoped3A : memref<!tpu.dma_semaphore, #tpu.memory_space<semaphore_mem>>)
        %dma_wait3A = arith.constant 0 : i32
        %dma_wait3A_184 = arith.constant 0 : i32
        %dma_wait3A_185 = tpu.memref_slice %arg12[%dma_wait3A, %dma_wait3A_184] : memref<1024x8xf32, #tpu.memory_space<vmem>> -> memref<112x8xf32, #tpu.memory_space<vmem>>
        %dma_wait3A_186 = arith.constant 0 : i32
        %dma_wait3A_187 = tpu.memref_slice %arg10[%add3A_174, %dma_wait3A_186] : memref<100000x8xf32, #tpu.memory_space<vmem_shared>> -> memref<112x8xf32, #tpu.memory_space<vmem_shared>>
        %dma_wait3A_188 = arith.constant 0 : i32
        %dma_wait3A_189 = tpu.memref_slice %arg10[%add3A_174, %dma_wait3A_188] : memref<100000x8xf32, #tpu.memory_space<vmem_shared>> -> memref<112x8xf32, #tpu.memory_space<vmem_shared>>
        %dma_wait3A_190 = arith.constant 0 : i32
        %dma_wait3A_191 = arith.constant 0 : i32
        %dma_wait3A_192 = tpu.memref_slice %arg12[%dma_wait3A_190, %dma_wait3A_191] : memref<1024x8xf32, #tpu.memory_space<vmem>> -> memref<112x8xf32, #tpu.memory_space<vmem>>
        tpu.wait_dma2 semaphore(%run_scoped3A : memref<!tpu.dma_semaphore, #tpu.memory_space<semaphore_mem>>) src(%dma_wait3A_192 : memref<112x8xf32, #tpu.memory_space<vmem>>) dst(%dma_wait3A_189 : memref<112x8xf32, #tpu.memory_space<vmem_shared>>)
        tpu.yield
      }) : () -> ()
    } else {
    }
    %eq3A = arith.constant 15 : i32
    %eq3A_24 = arith.cmpi eq, %arg1, %eq3A : i32
    %convert_element_type3A_25 = arith.extui %eq3A_24 : i1 to i32
    %cond3A_26 = arith.constant 0 : i32
    %cond3A_27 = arith.cmpi ne, %convert_element_type3A_25, %cond3A_26 : i32
    scf.if %cond3A_27 {
      %add3A_173 = arith.constant 6144 : i32
      %add3A_174 = arith.addi %mul3A_9, %add3A_173 : i32
      "tpu.region"() ({
        %run_scoped3A = tpu.sem_alloc : memref<!tpu.dma_semaphore, #tpu.memory_space<semaphore_mem>>
        %dma_start3A = arith.constant 0 : i32
        %dma_start3A_175 = arith.constant 0 : i32
        %dma_start3A_176 = tpu.memref_slice %arg12[%dma_start3A, %dma_start3A_175] : memref<1024x8xf32, #tpu.memory_space<vmem>> -> memref<16x8xf32, #tpu.memory_space<vmem>>
        %dma_start3A_177 = arith.constant 0 : i32
        %dma_start3A_178 = tpu.memref_slice %arg10[%add3A_174, %dma_start3A_177] : memref<100000x8xf32, #tpu.memory_space<vmem_shared>> -> memref<16x8xf32, #tpu.memory_space<vmem_shared>>
        %dma_start3A_179 = arith.constant 0 : i32
        %dma_start3A_180 = tpu.memref_slice %arg10[%add3A_174, %dma_start3A_179] : memref<100000x8xf32, #tpu.memory_space<vmem_shared>> -> memref<16x8xf32, #tpu.memory_space<vmem_shared>>
        %dma_start3A_181 = arith.constant 0 : i32
        %dma_start3A_182 = arith.constant 0 : i32
        %dma_start3A_183 = tpu.memref_slice %arg12[%dma_start3A_181, %dma_start3A_182] : memref<1024x8xf32, #tpu.memory_space<vmem>> -> memref<16x8xf32, #tpu.memory_space<vmem>>
        tpu.enqueue_dma source(%dma_start3A_183 : memref<16x8xf32, #tpu.memory_space<vmem>>) target(%dma_start3A_180 : memref<16x8xf32, #tpu.memory_space<vmem_shared>>) target_semaphore(%run_scoped3A : memref<!tpu.dma_semaphore, #tpu.memory_space<semaphore_mem>>)
        %dma_wait3A = arith.constant 0 : i32
        %dma_wait3A_184 = arith.constant 0 : i32
        %dma_wait3A_185 = tpu.memref_slice %arg12[%dma_wait3A, %dma_wait3A_184] : memref<1024x8xf32, #tpu.memory_space<vmem>> -> memref<16x8xf32, #tpu.memory_space<vmem>>
        %dma_wait3A_186 = arith.constant 0 : i32
        %dma_wait3A_187 = tpu.memref_slice %arg10[%add3A_174, %dma_wait3A_186] : memref<100000x8xf32, #tpu.memory_space<vmem_shared>> -> memref<16x8xf32, #tpu.memory_space<vmem_shared>>
        %dma_wait3A_188 = arith.constant 0 : i32
        %dma_wait3A_189 = tpu.memref_slice %arg10[%add3A_174, %dma_wait3A_188] : memref<100000x8xf32, #tpu.memory_space<vmem_shared>> -> memref<16x8xf32, #tpu.memory_space<vmem_shared>>
        %dma_wait3A_190 = arith.constant 0 : i32
        %dma_wait3A_191 = arith.constant 0 : i32
        %dma_wait3A_192 = tpu.memref_slice %arg12[%dma_wait3A_190, %dma_wait3A_191] : memref<1024x8xf32, #tpu.memory_space<vmem>> -> memref<16x8xf32, #tpu.memory_space<vmem>>
        tpu.wait_dma2 semaphore(%run_scoped3A : memref<!tpu.dma_semaphore, #tpu.memory_space<semaphore_mem>>) src(%dma_wait3A_192 : memref<16x8xf32, #tpu.memory_space<vmem>>) dst(%dma_wait3A_189 : memref<16x8xf32, #tpu.memory_space<vmem_shared>>)
        tpu.yield
      }) : () -> ()
    } else {
    }
    %barrier3A = arith.constant 0 : index
    tpu.barrier barrier_id(%barrier3A)
    %sub3A = arith.constant 1594 : i32
    %sub3A_28 = arith.subi %sub3A, %add3A : i32
    %jit3A = arith.constant 32 : i32
    %div3A = arith.divsi %sub3A_28, %jit3A : i32
    %sign3A = arith.constant 0 : i32
    %sign3A_29 = arith.cmpi sgt, %sub3A_28, %sign3A : i32
    %sign3A_30 = arith.extui %sign3A_29 : i1 to i32
    %sign3A_31 = arith.constant 0 : i32
    %sign3A_32 = arith.cmpi slt, %sub3A_28, %sign3A_31 : i32
    %sign3A_33 = arith.extui %sign3A_32 : i1 to i32
    %sign3A_34 = arith.subi %sign3A_30, %sign3A_33 : i32
    %sign3A_35 = arith.constant 0 : i32
    %sign3A_36 = arith.cmpi sgt, %jit3A, %sign3A_35 : i32
    %sign3A_37 = arith.extui %sign3A_36 : i1 to i32
    %sign3A_38 = arith.constant 0 : i32
    %sign3A_39 = arith.cmpi slt, %jit3A, %sign3A_38 : i32
    %sign3A_40 = arith.extui %sign3A_39 : i1 to i32
    %sign3A_41 = arith.subi %sign3A_37, %sign3A_40 : i32
    %ne3A_42 = arith.cmpi ne, %sign3A_34, %sign3A_41 : i32
    %rem3A = arith.remsi %sub3A_28, %jit3A : i32
    %ne3A_43 = arith.constant 0 : i32
    %ne3A_44 = arith.cmpi ne, %rem3A, %ne3A_43 : i32
    %and3A = arith.andi %ne3A_42, %ne3A_44 : i1
    %sub3A_45 = arith.constant 1 : i32
    %sub3A_46 = arith.subi %div3A, %sub3A_45 : i32
    %select_n3A = arith.select %and3A, %sub3A_46, %div3A : i32
    %while3A = arith.constant 0 : i32
    %while3A_47 = arith.constant 0 : i32
    %while3A_48 = arith.subi %select_n3A, %while3A : i32
    %while3A_49 = arith.addi %while3A, %while3A_48 : i32
    %while3A_50 = arith.constant 1 : i32
    %while3A_51 = arith.divsi %while3A_48, %while3A_50 : i32
    %while3A_52 = arith.muli %while3A_51, %while3A_50 : i32
    %while3A_53 = arith.addi %while3A, %while3A_52 : i32
    %while3A_54 = arith.constant 1 : i32
    %while3A_55 = scf.for %while3A_173 = %while3A to %while3A_53 step %while3A_54 iter_args(%while3A_174 = %while3A_47) -> (i32)  : i32 {
      %mul3A_175 = arith.constant 32 : i32
      %mul3A_176 = arith.muli %mul3A_175, %while3A_173 : i32
      %add3A_177 = arith.addi %add3A, %mul3A_176 : i32
      %mul3A_178 = arith.constant 8 : i32
      %mul3A_179 = arith.muli %add3A_177, %mul3A_178 : i32
      "tpu.region"() ({
        %run_scoped3A_214 = tpu.sem_alloc : memref<!tpu.dma_semaphore, #tpu.memory_space<semaphore_mem>>
        %dma_start3A = arith.constant 0 : i32
        %dma_start3A_215 = arith.constant 0 : i32
        %dma_start3A_216 = tpu.memref_slice %arg2[%mul3A_179, %dma_start3A, %dma_start3A_215] : memref<12504x128x8xf32, #tpu.memory_space<hbm>> -> memref<8x128x8xf32, #tpu.memory_space<hbm>>
        %dma_start3A_217 = arith.constant 0 : i32
        %dma_start3A_218 = arith.constant 0 : i32
        %dma_start3A_219 = tpu.memref_slice %arg2[%mul3A_179, %dma_start3A_217, %dma_start3A_218] : memref<12504x128x8xf32, #tpu.memory_space<hbm>> -> memref<8x128x8xf32, #tpu.memory_space<hbm>>
        tpu.enqueue_dma source(%dma_start3A_219 : memref<8x128x8xf32, #tpu.memory_space<hbm>>) target(%arg11 : memref<8x128x8xf32, #tpu.memory_space<vmem>>) target_semaphore(%run_scoped3A_214 : memref<!tpu.dma_semaphore, #tpu.memory_space<semaphore_mem>>)
        %dma_wait3A = arith.constant 0 : i32
        %dma_wait3A_220 = arith.constant 0 : i32
        %dma_wait3A_221 = tpu.memref_slice %arg2[%mul3A_179, %dma_wait3A, %dma_wait3A_220] : memref<12504x128x8xf32, #tpu.memory_space<hbm>> -> memref<8x128x8xf32, #tpu.memory_space<hbm>>
        %dma_wait3A_222 = arith.constant 0 : i32
        %dma_wait3A_223 = arith.constant 0 : i32
        %dma_wait3A_224 = tpu.memref_slice %arg2[%mul3A_179, %dma_wait3A_222, %dma_wait3A_223] : memref<12504x128x8xf32, #tpu.memory_space<hbm>> -> memref<8x128x8xf32, #tpu.memory_space<hbm>>
        tpu.wait_dma2 semaphore(%run_scoped3A_214 : memref<!tpu.dma_semaphore, #tpu.memory_space<semaphore_mem>>) src(%dma_wait3A_224 : memref<8x128x8xf32, #tpu.memory_space<hbm>>) dst(%arg11 : memref<8x128x8xf32, #tpu.memory_space<vmem>>)
        tpu.yield
      }) : () -> ()
      %run_scoped3A = arith.constant 0 : i32
      "tpu.region"() ({
        %run_scoped3A_214 = tpu.sem_alloc : memref<!tpu.dma_semaphore, #tpu.memory_space<semaphore_mem>>
        %dma_start3A = arith.constant 0 : i32
        %dma_start3A_215 = tpu.memref_slice %arg4[%run_scoped3A, %mul3A_179, %dma_start3A] : memref<2x12504x128xi32, #tpu.memory_space<hbm>> -> memref<1x8x128xi32, #tpu.memory_space<hbm>>
        %dma_start3A_216 = tpu.memref_squeeze %dma_start3A_215 : memref<1x8x128xi32, #tpu.memory_space<hbm>> -> memref<8x128xi32, #tpu.memory_space<hbm>>
        %dma_start3A_217 = arith.constant 0 : i32
        %dma_start3A_218 = tpu.memref_slice %arg4[%run_scoped3A, %mul3A_179, %dma_start3A_217] : memref<2x12504x128xi32, #tpu.memory_space<hbm>> -> memref<1x8x128xi32, #tpu.memory_space<hbm>>
        %dma_start3A_219 = tpu.memref_squeeze %dma_start3A_218 : memref<1x8x128xi32, #tpu.memory_space<hbm>> -> memref<8x128xi32, #tpu.memory_space<hbm>>
        tpu.enqueue_dma source(%dma_start3A_219 : memref<8x128xi32, #tpu.memory_space<hbm>>) target(%arg13 : memref<8x128xi32, #tpu.memory_space<vmem>>) target_semaphore(%run_scoped3A_214 : memref<!tpu.dma_semaphore, #tpu.memory_space<semaphore_mem>>)
        %dma_wait3A = arith.constant 0 : i32
        %dma_wait3A_220 = tpu.memref_slice %arg4[%run_scoped3A, %mul3A_179, %dma_wait3A] : memref<2x12504x128xi32, #tpu.memory_space<hbm>> -> memref<1x8x128xi32, #tpu.memory_space<hbm>>
        %dma_wait3A_221 = tpu.memref_squeeze %dma_wait3A_220 : memref<1x8x128xi32, #tpu.memory_space<hbm>> -> memref<8x128xi32, #tpu.memory_space<hbm>>
        %dma_wait3A_222 = arith.constant 0 : i32
        %dma_wait3A_223 = tpu.memref_slice %arg4[%run_scoped3A, %mul3A_179, %dma_wait3A_222] : memref<2x12504x128xi32, #tpu.memory_space<hbm>> -> memref<1x8x128xi32, #tpu.memory_space<hbm>>
        %dma_wait3A_224 = tpu.memref_squeeze %dma_wait3A_223 : memref<1x8x128xi32, #tpu.memory_space<hbm>> -> memref<8x128xi32, #tpu.memory_space<hbm>>
        tpu.wait_dma2 semaphore(%run_scoped3A_214 : memref<!tpu.dma_semaphore, #tpu.memory_space<semaphore_mem>>) src(%dma_wait3A_224 : memref<8x128xi32, #tpu.memory_space<hbm>>) dst(%arg13 : memref<8x128xi32, #tpu.memory_space<vmem>>)
        tpu.yield
      }) : () -> ()
      %run_scoped3A_180 = arith.constant 1 : i32
      "tpu.region"() ({
        %run_scoped3A_214 = tpu.sem_alloc : memref<!tpu.dma_semaphore, #tpu.memory_space<semaphore_mem>>
        %dma_start3A = arith.constant 0 : i32
        %dma_start3A_215 = tpu.memref_slice %arg4[%run_scoped3A_180, %mul3A_179, %dma_start3A] : memref<2x12504x128xi32, #tpu.memory_space<hbm>> -> memref<1x8x128xi32, #tpu.memory_space<hbm>>
        %dma_start3A_216 = tpu.memref_squeeze %dma_start3A_215 : memref<1x8x128xi32, #tpu.memory_space<hbm>> -> memref<8x128xi32, #tpu.memory_space<hbm>>
        %dma_start3A_217 = arith.constant 0 : i32
        %dma_start3A_218 = tpu.memref_slice %arg4[%run_scoped3A_180, %mul3A_179, %dma_start3A_217] : memref<2x12504x128xi32, #tpu.memory_space<hbm>> -> memref<1x8x128xi32, #tpu.memory_space<hbm>>
        %dma_start3A_219 = tpu.memref_squeeze %dma_start3A_218 : memref<1x8x128xi32, #tpu.memory_space<hbm>> -> memref<8x128xi32, #tpu.memory_space<hbm>>
        tpu.enqueue_dma source(%dma_start3A_219 : memref<8x128xi32, #tpu.memory_space<hbm>>) target(%arg14 : memref<8x128xi32, #tpu.memory_space<vmem>>) target_semaphore(%run_scoped3A_214 : memref<!tpu.dma_semaphore, #tpu.memory_space<semaphore_mem>>)
        %dma_wait3A = arith.constant 0 : i32
        %dma_wait3A_220 = tpu.memref_slice %arg4[%run_scoped3A_180, %mul3A_179, %dma_wait3A] : memref<2x12504x128xi32, #tpu.memory_space<hbm>> -> memref<1x8x128xi32, #tpu.memory_space<hbm>>
        %dma_wait3A_221 = tpu.memref_squeeze %dma_wait3A_220 : memref<1x8x128xi32, #tpu.memory_space<hbm>> -> memref<8x128xi32, #tpu.memory_space<hbm>>
        %dma_wait3A_222 = arith.constant 0 : i32
        %dma_wait3A_223 = tpu.memref_slice %arg4[%run_scoped3A_180, %mul3A_179, %dma_wait3A_222] : memref<2x12504x128xi32, #tpu.memory_space<hbm>> -> memref<1x8x128xi32, #tpu.memory_space<hbm>>
        %dma_wait3A_224 = tpu.memref_squeeze %dma_wait3A_223 : memref<1x8x128xi32, #tpu.memory_space<hbm>> -> memref<8x128xi32, #tpu.memory_space<hbm>>
        tpu.wait_dma2 semaphore(%run_scoped3A_214 : memref<!tpu.dma_semaphore, #tpu.memory_space<semaphore_mem>>) src(%dma_wait3A_224 : memref<8x128xi32, #tpu.memory_space<hbm>>) dst(%arg14 : memref<8x128xi32, #tpu.memory_space<vmem>>)
        tpu.yield
      }) : () -> ()
      %run_scoped3A_181 = arith.constant 0 : i32
      %run_scoped3A_182 = arith.constant 0 : i32
      "tpu.region"() ({
        %run_scoped3A_214 = tpu.sem_alloc : memref<!tpu.dma_semaphore, #tpu.memory_space<semaphore_mem>>
        %dma_start3A = arith.constant 0 : i32
        %dma_start3A_215 = arith.constant 0 : i32
        %dma_start3A_216 = tpu.memref_slice %arg11[%run_scoped3A_181, %dma_start3A, %dma_start3A_215] : memref<8x128x8xf32, #tpu.memory_space<vmem>> -> memref<1x128x8xf32, #tpu.memory_space<vmem>>
        %dma_start3A_217 = tpu.memref_squeeze %dma_start3A_216 : memref<1x128x8xf32, #tpu.memory_space<vmem>> -> memref<128x8xf32, #tpu.memory_space<vmem>>
        %dma_start3A_218 = arith.constant 0 : i32
        %dma_start3A_219 = tpu.memref_slice %arg13[%run_scoped3A_182, %dma_start3A_218] : memref<8x128xi32, #tpu.memory_space<vmem>> -> memref<1x128xi32, #tpu.memory_space<vmem>>
        %dma_start3A_220 = tpu.memref_squeeze %dma_start3A_219 : memref<1x128xi32, #tpu.memory_space<vmem>> -> memref<128xi32, #tpu.memory_space<vmem>>
        %dma_start3A_221 = arith.constant 0 : i32
        %dma_start3A_222 = arith.constant 0 : i32
        %dma_start3A_223 = tpu.memref_slice %arg10[%dma_start3A_221, %dma_start3A_222] : memref<100000x8xf32, #tpu.memory_space<vmem_shared>> -> memref<100000x8xf32, #tpu.memory_space<vmem_shared>>
        tpu.enqueue_indirect_dma source(%dma_start3A_217 : memref<128x8xf32, #tpu.memory_space<vmem>>) target(%dma_start3A_223 : memref<100000x8xf32, #tpu.memory_space<vmem_shared>>) offsets(%dma_start3A_220 : memref<128xi32, #tpu.memory_space<vmem>>) semaphore(%run_scoped3A_214 : memref<!tpu.dma_semaphore, #tpu.memory_space<semaphore_mem>>) {add = true}
        %dma_wait3A = arith.constant 0 : i32
        %dma_wait3A_224 = arith.constant 0 : i32
        %dma_wait3A_225 = tpu.memref_slice %arg11[%run_scoped3A_181, %dma_wait3A, %dma_wait3A_224] : memref<8x128x8xf32, #tpu.memory_space<vmem>> -> memref<1x128x8xf32, #tpu.memory_space<vmem>>
        %dma_wait3A_226 = tpu.memref_squeeze %dma_wait3A_225 : memref<1x128x8xf32, #tpu.memory_space<vmem>> -> memref<128x8xf32, #tpu.memory_space<vmem>>
        %dma_wait3A_227 = arith.constant 0 : i32
        %dma_wait3A_228 = tpu.memref_slice %arg13[%run_scoped3A_182, %dma_wait3A_227] : memref<8x128xi32, #tpu.memory_space<vmem>> -> memref<1x128xi32, #tpu.memory_space<vmem>>
        %dma_wait3A_229 = tpu.memref_squeeze %dma_wait3A_228 : memref<1x128xi32, #tpu.memory_space<vmem>> -> memref<128xi32, #tpu.memory_space<vmem>>
        %dma_wait3A_230 = arith.constant 0 : i32
        %dma_wait3A_231 = arith.constant 0 : i32
        %dma_wait3A_232 = tpu.memref_slice %arg10[%dma_wait3A_230, %dma_wait3A_231] : memref<100000x8xf32, #tpu.memory_space<vmem_shared>> -> memref<100000x8xf32, #tpu.memory_space<vmem_shared>>
        tpu.wait_indirect_dma semaphore(%run_scoped3A_214 : memref<!tpu.dma_semaphore, #tpu.memory_space<semaphore_mem>>) src(%dma_wait3A_226 : memref<128x8xf32, #tpu.memory_space<vmem>>) dst(%dma_wait3A_232 : memref<100000x8xf32, #tpu.memory_space<vmem_shared>>)
        tpu.yield
      }) : () -> ()
      %run_scoped3A_183 = arith.constant 0 : i32
      %run_scoped3A_184 = arith.constant 0 : i32
      "tpu.region"() ({
        %run_scoped3A_214 = tpu.sem_alloc : memref<!tpu.dma_semaphore, #tpu.memory_space<semaphore_mem>>
        %dma_start3A = arith.constant 0 : i32
        %dma_start3A_215 = arith.constant 0 : i32
        %dma_start3A_216 = tpu.memref_slice %arg11[%run_scoped3A_183, %dma_start3A, %dma_start3A_215] : memref<8x128x8xf32, #tpu.memory_space<vmem>> -> memref<1x128x8xf32, #tpu.memory_space<vmem>>
        %dma_start3A_217 = tpu.memref_squeeze %dma_start3A_216 : memref<1x128x8xf32, #tpu.memory_space<vmem>> -> memref<128x8xf32, #tpu.memory_space<vmem>>
        %dma_start3A_218 = arith.constant 0 : i32
        %dma_start3A_219 = tpu.memref_slice %arg14[%run_scoped3A_184, %dma_start3A_218] : memref<8x128xi32, #tpu.memory_space<vmem>> -> memref<1x128xi32, #tpu.memory_space<vmem>>
        %dma_start3A_220 = tpu.memref_squeeze %dma_start3A_219 : memref<1x128xi32, #tpu.memory_space<vmem>> -> memref<128xi32, #tpu.memory_space<vmem>>
        %dma_start3A_221 = arith.constant 0 : i32
        %dma_start3A_222 = arith.constant 0 : i32
        %dma_start3A_223 = tpu.memref_slice %arg10[%dma_start3A_221, %dma_start3A_222] : memref<100000x8xf32, #tpu.memory_space<vmem_shared>> -> memref<100000x8xf32, #tpu.memory_space<vmem_shared>>
        tpu.enqueue_indirect_dma source(%dma_start3A_217 : memref<128x8xf32, #tpu.memory_space<vmem>>) target(%dma_start3A_223 : memref<100000x8xf32, #tpu.memory_space<vmem_shared>>) offsets(%dma_start3A_220 : memref<128xi32, #tpu.memory_space<vmem>>) semaphore(%run_scoped3A_214 : memref<!tpu.dma_semaphore, #tpu.memory_space<semaphore_mem>>) {add = true}
        %dma_wait3A = arith.constant 0 : i32
        %dma_wait3A_224 = arith.constant 0 : i32
        %dma_wait3A_225 = tpu.memref_slice %arg11[%run_scoped3A_183, %dma_wait3A, %dma_wait3A_224] : memref<8x128x8xf32, #tpu.memory_space<vmem>> -> memref<1x128x8xf32, #tpu.memory_space<vmem>>
        %dma_wait3A_226 = tpu.memref_squeeze %dma_wait3A_225 : memref<1x128x8xf32, #tpu.memory_space<vmem>> -> memref<128x8xf32, #tpu.memory_space<vmem>>
        %dma_wait3A_227 = arith.constant 0 : i32
        %dma_wait3A_228 = tpu.memref_slice %arg14[%run_scoped3A_184, %dma_wait3A_227] : memref<8x128xi32, #tpu.memory_space<vmem>> -> memref<1x128xi32, #tpu.memory_space<vmem>>
        %dma_wait3A_229 = tpu.memref_squeeze %dma_wait3A_228 : memref<1x128xi32, #tpu.memory_space<vmem>> -> memref<128xi32, #tpu.memory_space<vmem>>
        %dma_wait3A_230 = arith.constant 0 : i32
        %dma_wait3A_231 = arith.constant 0 : i32
        %dma_wait3A_232 = tpu.memref_slice %arg10[%dma_wait3A_230, %dma_wait3A_231] : memref<100000x8xf32, #tpu.memory_space<vmem_shared>> -> memref<100000x8xf32, #tpu.memory_space<vmem_shared>>
        tpu.wait_indirect_dma semaphore(%run_scoped3A_214 : memref<!tpu.dma_semaphore, #tpu.memory_space<semaphore_mem>>) src(%dma_wait3A_226 : memref<128x8xf32, #tpu.memory_space<vmem>>) dst(%dma_wait3A_232 : memref<100000x8xf32, #tpu.memory_space<vmem_shared>>)
        tpu.yield
      }) : () -> ()
      %run_scoped3A_185 = arith.constant 1 : i32
      %run_scoped3A_186 = arith.constant 1 : i32
      "tpu.region"() ({
        %run_scoped3A_214 = tpu.sem_alloc : memref<!tpu.dma_semaphore, #tpu.memory_space<semaphore_mem>>
        %dma_start3A = arith.constant 0 : i32
        %dma_start3A_215 = arith.constant 0 : i32
        %dma_start3A_216 = tpu.memref_slice %arg11[%run_scoped3A_185, %dma_start3A, %dma_start3A_215] : memref<8x128x8xf32, #tpu.memory_space<vmem>> -> memref<1x128x8xf32, #tpu.memory_space<vmem>>
        %dma_start3A_217 = tpu.memref_squeeze %dma_start3A_216 : memref<1x128x8xf32, #tpu.memory_space<vmem>> -> memref<128x8xf32, #tpu.memory_space<vmem>>
        %dma_start3A_218 = arith.constant 0 : i32
        %dma_start3A_219 = tpu.memref_slice %arg13[%run_scoped3A_186, %dma_start3A_218] : memref<8x128xi32, #tpu.memory_space<vmem>> -> memref<1x128xi32, #tpu.memory_space<vmem>>
        %dma_start3A_220 = tpu.memref_squeeze %dma_start3A_219 : memref<1x128xi32, #tpu.memory_space<vmem>> -> memref<128xi32, #tpu.memory_space<vmem>>
        %dma_start3A_221 = arith.constant 0 : i32
        %dma_start3A_222 = arith.constant 0 : i32
        %dma_start3A_223 = tpu.memref_slice %arg10[%dma_start3A_221, %dma_start3A_222] : memref<100000x8xf32, #tpu.memory_space<vmem_shared>> -> memref<100000x8xf32, #tpu.memory_space<vmem_shared>>
        tpu.enqueue_indirect_dma source(%dma_start3A_217 : memref<128x8xf32, #tpu.memory_space<vmem>>) target(%dma_start3A_223 : memref<100000x8xf32, #tpu.memory_space<vmem_shared>>) offsets(%dma_start3A_220 : memref<128xi32, #tpu.memory_space<vmem>>) semaphore(%run_scoped3A_214 : memref<!tpu.dma_semaphore, #tpu.memory_space<semaphore_mem>>) {add = true}
        %dma_wait3A = arith.constant 0 : i32
        %dma_wait3A_224 = arith.constant 0 : i32
        %dma_wait3A_225 = tpu.memref_slice %arg11[%run_scoped3A_185, %dma_wait3A, %dma_wait3A_224] : memref<8x128x8xf32, #tpu.memory_space<vmem>> -> memref<1x128x8xf32, #tpu.memory_space<vmem>>
        %dma_wait3A_226 = tpu.memref_squeeze %dma_wait3A_225 : memref<1x128x8xf32, #tpu.memory_space<vmem>> -> memref<128x8xf32, #tpu.memory_space<vmem>>
        %dma_wait3A_227 = arith.constant 0 : i32
        %dma_wait3A_228 = tpu.memref_slice %arg13[%run_scoped3A_186, %dma_wait3A_227] : memref<8x128xi32, #tpu.memory_space<vmem>> -> memref<1x128xi32, #tpu.memory_space<vmem>>
        %dma_wait3A_229 = tpu.memref_squeeze %dma_wait3A_228 : memref<1x128xi32, #tpu.memory_space<vmem>> -> memref<128xi32, #tpu.memory_space<vmem>>
        %dma_wait3A_230 = arith.constant 0 : i32
        %dma_wait3A_231 = arith.constant 0 : i32
        %dma_wait3A_232 = tpu.memref_slice %arg10[%dma_wait3A_230, %dma_wait3A_231] : memref<100000x8xf32, #tpu.memory_space<vmem_shared>> -> memref<100000x8xf32, #tpu.memory_space<vmem_shared>>
        tpu.wait_indirect_dma semaphore(%run_scoped3A_214 : memref<!tpu.dma_semaphore, #tpu.memory_space<semaphore_mem>>) src(%dma_wait3A_226 : memref<128x8xf32, #tpu.memory_space<vmem>>) dst(%dma_wait3A_232 : memref<100000x8xf32, #tpu.memory_space<vmem_shared>>)
        tpu.yield
      }) : () -> ()
      %run_scoped3A_187 = arith.constant 1 : i32
      %run_scoped3A_188 = arith.constant 1 : i32
      "tpu.region"() ({
        %run_scoped3A_214 = tpu.sem_alloc : memref<!tpu.dma_semaphore, #tpu.memory_space<semaphore_mem>>
        %dma_start3A = arith.constant 0 : i32
        %dma_start3A_215 = arith.constant 0 : i32
        %dma_start3A_216 = tpu.memref_slice %arg11[%run_scoped3A_187, %dma_start3A, %dma_start3A_215] : memref<8x128x8xf32, #tpu.memory_space<vmem>> -> memref<1x128x8xf32, #tpu.memory_space<vmem>>
        %dma_start3A_217 = tpu.memref_squeeze %dma_start3A_216 : memref<1x128x8xf32, #tpu.memory_space<vmem>> -> memref<128x8xf32, #tpu.memory_space<vmem>>
        %dma_start3A_218 = arith.constant 0 : i32
        %dma_start3A_219 = tpu.memref_slice %arg14[%run_scoped3A_188, %dma_start3A_218] : memref<8x128xi32, #tpu.memory_space<vmem>> -> memref<1x128xi32, #tpu.memory_space<vmem>>
        %dma_start3A_220 = tpu.memref_squeeze %dma_start3A_219 : memref<1x128xi32, #tpu.memory_space<vmem>> -> memref<128xi32, #tpu.memory_space<vmem>>
        %dma_start3A_221 = arith.constant 0 : i32
        %dma_start3A_222 = arith.constant 0 : i32
        %dma_start3A_223 = tpu.memref_slice %arg10[%dma_start3A_221, %dma_start3A_222] : memref<100000x8xf32, #tpu.memory_space<vmem_shared>> -> memref<100000x8xf32, #tpu.memory_space<vmem_shared>>
        tpu.enqueue_indirect_dma source(%dma_start3A_217 : memref<128x8xf32, #tpu.memory_space<vmem>>) target(%dma_start3A_223 : memref<100000x8xf32, #tpu.memory_space<vmem_shared>>) offsets(%dma_start3A_220 : memref<128xi32, #tpu.memory_space<vmem>>) semaphore(%run_scoped3A_214 : memref<!tpu.dma_semaphore, #tpu.memory_space<semaphore_mem>>) {add = true}
        %dma_wait3A = arith.constant 0 : i32
        %dma_wait3A_224 = arith.constant 0 : i32
        %dma_wait3A_225 = tpu.memref_slice %arg11[%run_scoped3A_187, %dma_wait3A, %dma_wait3A_224] : memref<8x128x8xf32, #tpu.memory_space<vmem>> -> memref<1x128x8xf32, #tpu.memory_space<vmem>>
        %dma_wait3A_226 = tpu.memref_squeeze %dma_wait3A_225 : memref<1x128x8xf32, #tpu.memory_space<vmem>> -> memref<128x8xf32, #tpu.memory_space<vmem>>
        %dma_wait3A_227 = arith.constant 0 : i32
        %dma_wait3A_228 = tpu.memref_slice %arg14[%run_scoped3A_188, %dma_wait3A_227] : memref<8x128xi32, #tpu.memory_space<vmem>> -> memref<1x128xi32, #tpu.memory_space<vmem>>
        %dma_wait3A_229 = tpu.memref_squeeze %dma_wait3A_228 : memref<1x128xi32, #tpu.memory_space<vmem>> -> memref<128xi32, #tpu.memory_space<vmem>>
        %dma_wait3A_230 = arith.constant 0 : i32
        %dma_wait3A_231 = arith.constant 0 : i32
        %dma_wait3A_232 = tpu.memref_slice %arg10[%dma_wait3A_230, %dma_wait3A_231] : memref<100000x8xf32, #tpu.memory_space<vmem_shared>> -> memref<100000x8xf32, #tpu.memory_space<vmem_shared>>
        tpu.wait_indirect_dma semaphore(%run_scoped3A_214 : memref<!tpu.dma_semaphore, #tpu.memory_space<semaphore_mem>>) src(%dma_wait3A_226 : memref<128x8xf32, #tpu.memory_space<vmem>>) dst(%dma_wait3A_232 : memref<100000x8xf32, #tpu.memory_space<vmem_shared>>)
        tpu.yield
      }) : () -> ()
      %run_scoped3A_189 = arith.constant 2 : i32
      %run_scoped3A_190 = arith.constant 2 : i32
      "tpu.region"() ({
        %run_scoped3A_214 = tpu.sem_alloc : memref<!tpu.dma_semaphore, #tpu.memory_space<semaphore_mem>>
        %dma_start3A = arith.constant 0 : i32
        %dma_start3A_215 = arith.constant 0 : i32
        %dma_start3A_216 = tpu.memref_slice %arg11[%run_scoped3A_189, %dma_start3A, %dma_start3A_215] : memref<8x128x8xf32, #tpu.memory_space<vmem>> -> memref<1x128x8xf32, #tpu.memory_space<vmem>>
        %dma_start3A_217 = tpu.memref_squeeze %dma_start3A_216 : memref<1x128x8xf32, #tpu.memory_space<vmem>> -> memref<128x8xf32, #tpu.memory_space<vmem>>
        %dma_start3A_218 = arith.constant 0 : i32
        %dma_start3A_219 = tpu.memref_slice %arg13[%run_scoped3A_190, %dma_start3A_218] : memref<8x128xi32, #tpu.memory_space<vmem>> -> memref<1x128xi32, #tpu.memory_space<vmem>>
        %dma_start3A_220 = tpu.memref_squeeze %dma_start3A_219 : memref<1x128xi32, #tpu.memory_space<vmem>> -> memref<128xi32, #tpu.memory_space<vmem>>
        %dma_start3A_221 = arith.constant 0 : i32
        %dma_start3A_222 = arith.constant 0 : i32
        %dma_start3A_223 = tpu.memref_slice %arg10[%dma_start3A_221, %dma_start3A_222] : memref<100000x8xf32, #tpu.memory_space<vmem_shared>> -> memref<100000x8xf32, #tpu.memory_space<vmem_shared>>
        tpu.enqueue_indirect_dma source(%dma_start3A_217 : memref<128x8xf32, #tpu.memory_space<vmem>>) target(%dma_start3A_223 : memref<100000x8xf32, #tpu.memory_space<vmem_shared>>) offsets(%dma_start3A_220 : memref<128xi32, #tpu.memory_space<vmem>>) semaphore(%run_scoped3A_214 : memref<!tpu.dma_semaphore, #tpu.memory_space<semaphore_mem>>) {add = true}
        %dma_wait3A = arith.constant 0 : i32
        %dma_wait3A_224 = arith.constant 0 : i32
        %dma_wait3A_225 = tpu.memref_slice %arg11[%run_scoped3A_189, %dma_wait3A, %dma_wait3A_224] : memref<8x128x8xf32, #tpu.memory_space<vmem>> -> memref<1x128x8xf32, #tpu.memory_space<vmem>>
        %dma_wait3A_226 = tpu.memref_squeeze %dma_wait3A_225 : memref<1x128x8xf32, #tpu.memory_space<vmem>> -> memref<128x8xf32, #tpu.memory_space<vmem>>
        %dma_wait3A_227 = arith.constant 0 : i32
        %dma_wait3A_228 = tpu.memref_slice %arg13[%run_scoped3A_190, %dma_wait3A_227] : memref<8x128xi32, #tpu.memory_space<vmem>> -> memref<1x128xi32, #tpu.memory_space<vmem>>
        %dma_wait3A_229 = tpu.memref_squeeze %dma_wait3A_228 : memref<1x128xi32, #tpu.memory_space<vmem>> -> memref<128xi32, #tpu.memory_space<vmem>>
        %dma_wait3A_230 = arith.constant 0 : i32
        %dma_wait3A_231 = arith.constant 0 : i32
        %dma_wait3A_232 = tpu.memref_slice %arg10[%dma_wait3A_230, %dma_wait3A_231] : memref<100000x8xf32, #tpu.memory_space<vmem_shared>> -> memref<100000x8xf32, #tpu.memory_space<vmem_shared>>
        tpu.wait_indirect_dma semaphore(%run_scoped3A_214 : memref<!tpu.dma_semaphore, #tpu.memory_space<semaphore_mem>>) src(%dma_wait3A_226 : memref<128x8xf32, #tpu.memory_space<vmem>>) dst(%dma_wait3A_232 : memref<100000x8xf32, #tpu.memory_space<vmem_shared>>)
        tpu.yield
      }) : () -> ()
      %run_scoped3A_191 = arith.constant 2 : i32
      %run_scoped3A_192 = arith.constant 2 : i32
      "tpu.region"() ({
        %run_scoped3A_214 = tpu.sem_alloc : memref<!tpu.dma_semaphore, #tpu.memory_space<semaphore_mem>>
        %dma_start3A = arith.constant 0 : i32
        %dma_start3A_215 = arith.constant 0 : i32
        %dma_start3A_216 = tpu.memref_slice %arg11[%run_scoped3A_191, %dma_start3A, %dma_start3A_215] : memref<8x128x8xf32, #tpu.memory_space<vmem>> -> memref<1x128x8xf32, #tpu.memory_space<vmem>>
        %dma_start3A_217 = tpu.memref_squeeze %dma_start3A_216 : memref<1x128x8xf32, #tpu.memory_space<vmem>> -> memref<128x8xf32, #tpu.memory_space<vmem>>
        %dma_start3A_218 = arith.constant 0 : i32
        %dma_start3A_219 = tpu.memref_slice %arg14[%run_scoped3A_192, %dma_start3A_218] : memref<8x128xi32, #tpu.memory_space<vmem>> -> memref<1x128xi32, #tpu.memory_space<vmem>>
        %dma_start3A_220 = tpu.memref_squeeze %dma_start3A_219 : memref<1x128xi32, #tpu.memory_space<vmem>> -> memref<128xi32, #tpu.memory_space<vmem>>
        %dma_start3A_221 = arith.constant 0 : i32
        %dma_start3A_222 = arith.constant 0 : i32
        %dma_start3A_223 = tpu.memref_slice %arg10[%dma_start3A_221, %dma_start3A_222] : memref<100000x8xf32, #tpu.memory_space<vmem_shared>> -> memref<100000x8xf32, #tpu.memory_space<vmem_shared>>
        tpu.enqueue_indirect_dma source(%dma_start3A_217 : memref<128x8xf32, #tpu.memory_space<vmem>>) target(%dma_start3A_223 : memref<100000x8xf32, #tpu.memory_space<vmem_shared>>) offsets(%dma_start3A_220 : memref<128xi32, #tpu.memory_space<vmem>>) semaphore(%run_scoped3A_214 : memref<!tpu.dma_semaphore, #tpu.memory_space<semaphore_mem>>) {add = true}
        %dma_wait3A = arith.constant 0 : i32
        %dma_wait3A_224 = arith.constant 0 : i32
        %dma_wait3A_225 = tpu.memref_slice %arg11[%run_scoped3A_191, %dma_wait3A, %dma_wait3A_224] : memref<8x128x8xf32, #tpu.memory_space<vmem>> -> memref<1x128x8xf32, #tpu.memory_space<vmem>>
        %dma_wait3A_226 = tpu.memref_squeeze %dma_wait3A_225 : memref<1x128x8xf32, #tpu.memory_space<vmem>> -> memref<128x8xf32, #tpu.memory_space<vmem>>
        %dma_wait3A_227 = arith.constant 0 : i32
        %dma_wait3A_228 = tpu.memref_slice %arg14[%run_scoped3A_192, %dma_wait3A_227] : memref<8x128xi32, #tpu.memory_space<vmem>> -> memref<1x128xi32, #tpu.memory_space<vmem>>
        %dma_wait3A_229 = tpu.memref_squeeze %dma_wait3A_228 : memref<1x128xi32, #tpu.memory_space<vmem>> -> memref<128xi32, #tpu.memory_space<vmem>>
        %dma_wait3A_230 = arith.constant 0 : i32
        %dma_wait3A_231 = arith.constant 0 : i32
        %dma_wait3A_232 = tpu.memref_slice %arg10[%dma_wait3A_230, %dma_wait3A_231] : memref<100000x8xf32, #tpu.memory_space<vmem_shared>> -> memref<100000x8xf32, #tpu.memory_space<vmem_shared>>
        tpu.wait_indirect_dma semaphore(%run_scoped3A_214 : memref<!tpu.dma_semaphore, #tpu.memory_space<semaphore_mem>>) src(%dma_wait3A_226 : memref<128x8xf32, #tpu.memory_space<vmem>>) dst(%dma_wait3A_232 : memref<100000x8xf32, #tpu.memory_space<vmem_shared>>)
        tpu.yield
      }) : () -> ()
      %run_scoped3A_193 = arith.constant 3 : i32
      %run_scoped3A_194 = arith.constant 3 : i32
      "tpu.region"() ({
        %run_scoped3A_214 = tpu.sem_alloc : memref<!tpu.dma_semaphore, #tpu.memory_space<semaphore_mem>>
        %dma_start3A = arith.constant 0 : i32
        %dma_start3A_215 = arith.constant 0 : i32
        %dma_start3A_216 = tpu.memref_slice %arg11[%run_scoped3A_193, %dma_start3A, %dma_start3A_215] : memref<8x128x8xf32, #tpu.memory_space<vmem>> -> memref<1x128x8xf32, #tpu.memory_space<vmem>>
        %dma_start3A_217 = tpu.memref_squeeze %dma_start3A_216 : memref<1x128x8xf32, #tpu.memory_space<vmem>> -> memref<128x8xf32, #tpu.memory_space<vmem>>
        %dma_start3A_218 = arith.constant 0 : i32
        %dma_start3A_219 = tpu.memref_slice %arg13[%run_scoped3A_194, %dma_start3A_218] : memref<8x128xi32, #tpu.memory_space<vmem>> -> memref<1x128xi32, #tpu.memory_space<vmem>>
        %dma_start3A_220 = tpu.memref_squeeze %dma_start3A_219 : memref<1x128xi32, #tpu.memory_space<vmem>> -> memref<128xi32, #tpu.memory_space<vmem>>
        %dma_start3A_221 = arith.constant 0 : i32
        %dma_start3A_222 = arith.constant 0 : i32
        %dma_start3A_223 = tpu.memref_slice %arg10[%dma_start3A_221, %dma_start3A_222] : memref<100000x8xf32, #tpu.memory_space<vmem_shared>> -> memref<100000x8xf32, #tpu.memory_space<vmem_shared>>
        tpu.enqueue_indirect_dma source(%dma_start3A_217 : memref<128x8xf32, #tpu.memory_space<vmem>>) target(%dma_start3A_223 : memref<100000x8xf32, #tpu.memory_space<vmem_shared>>) offsets(%dma_start3A_220 : memref<128xi32, #tpu.memory_space<vmem>>) semaphore(%run_scoped3A_214 : memref<!tpu.dma_semaphore, #tpu.memory_space<semaphore_mem>>) {add = true}
        %dma_wait3A = arith.constant 0 : i32
        %dma_wait3A_224 = arith.constant 0 : i32
        %dma_wait3A_225 = tpu.memref_slice %arg11[%run_scoped3A_193, %dma_wait3A, %dma_wait3A_224] : memref<8x128x8xf32, #tpu.memory_space<vmem>> -> memref<1x128x8xf32, #tpu.memory_space<vmem>>
        %dma_wait3A_226 = tpu.memref_squeeze %dma_wait3A_225 : memref<1x128x8xf32, #tpu.memory_space<vmem>> -> memref<128x8xf32, #tpu.memory_space<vmem>>
        %dma_wait3A_227 = arith.constant 0 : i32
        %dma_wait3A_228 = tpu.memref_slice %arg13[%run_scoped3A_194, %dma_wait3A_227] : memref<8x128xi32, #tpu.memory_space<vmem>> -> memref<1x128xi32, #tpu.memory_space<vmem>>
        %dma_wait3A_229 = tpu.memref_squeeze %dma_wait3A_228 : memref<1x128xi32, #tpu.memory_space<vmem>> -> memref<128xi32, #tpu.memory_space<vmem>>
        %dma_wait3A_230 = arith.constant 0 : i32
        %dma_wait3A_231 = arith.constant 0 : i32
        %dma_wait3A_232 = tpu.memref_slice %arg10[%dma_wait3A_230, %dma_wait3A_231] : memref<100000x8xf32, #tpu.memory_space<vmem_shared>> -> memref<100000x8xf32, #tpu.memory_space<vmem_shared>>
        tpu.wait_indirect_dma semaphore(%run_scoped3A_214 : memref<!tpu.dma_semaphore, #tpu.memory_space<semaphore_mem>>) src(%dma_wait3A_226 : memref<128x8xf32, #tpu.memory_space<vmem>>) dst(%dma_wait3A_232 : memref<100000x8xf32, #tpu.memory_space<vmem_shared>>)
        tpu.yield
      }) : () -> ()
      %run_scoped3A_195 = arith.constant 3 : i32
      %run_scoped3A_196 = arith.constant 3 : i32
      "tpu.region"() ({
        %run_scoped3A_214 = tpu.sem_alloc : memref<!tpu.dma_semaphore, #tpu.memory_space<semaphore_mem>>
        %dma_start3A = arith.constant 0 : i32
        %dma_start3A_215 = arith.constant 0 : i32
        %dma_start3A_216 = tpu.memref_slice %arg11[%run_scoped3A_195, %dma_start3A, %dma_start3A_215] : memref<8x128x8xf32, #tpu.memory_space<vmem>> -> memref<1x128x8xf32, #tpu.memory_space<vmem>>
        %dma_start3A_217 = tpu.memref_squeeze %dma_start3A_216 : memref<1x128x8xf32, #tpu.memory_space<vmem>> -> memref<128x8xf32, #tpu.memory_space<vmem>>
        %dma_start3A_218 = arith.constant 0 : i32
        %dma_start3A_219 = tpu.memref_slice %arg14[%run_scoped3A_196, %dma_start3A_218] : memref<8x128xi32, #tpu.memory_space<vmem>> -> memref<1x128xi32, #tpu.memory_space<vmem>>
        %dma_start3A_220 = tpu.memref_squeeze %dma_start3A_219 : memref<1x128xi32, #tpu.memory_space<vmem>> -> memref<128xi32, #tpu.memory_space<vmem>>
        %dma_start3A_221 = arith.constant 0 : i32
        %dma_start3A_222 = arith.constant 0 : i32
        %dma_start3A_223 = tpu.memref_slice %arg10[%dma_start3A_221, %dma_start3A_222] : memref<100000x8xf32, #tpu.memory_space<vmem_shared>> -> memref<100000x8xf32, #tpu.memory_space<vmem_shared>>
        tpu.enqueue_indirect_dma source(%dma_start3A_217 : memref<128x8xf32, #tpu.memory_space<vmem>>) target(%dma_start3A_223 : memref<100000x8xf32, #tpu.memory_space<vmem_shared>>) offsets(%dma_start3A_220 : memref<128xi32, #tpu.memory_space<vmem>>) semaphore(%run_scoped3A_214 : memref<!tpu.dma_semaphore, #tpu.memory_space<semaphore_mem>>) {add = true}
        %dma_wait3A = arith.constant 0 : i32
        %dma_wait3A_224 = arith.constant 0 : i32
        %dma_wait3A_225 = tpu.memref_slice %arg11[%run_scoped3A_195, %dma_wait3A, %dma_wait3A_224] : memref<8x128x8xf32, #tpu.memory_space<vmem>> -> memref<1x128x8xf32, #tpu.memory_space<vmem>>
        %dma_wait3A_226 = tpu.memref_squeeze %dma_wait3A_225 : memref<1x128x8xf32, #tpu.memory_space<vmem>> -> memref<128x8xf32, #tpu.memory_space<vmem>>
        %dma_wait3A_227 = arith.constant 0 : i32
        %dma_wait3A_228 = tpu.memref_slice %arg14[%run_scoped3A_196, %dma_wait3A_227] : memref<8x128xi32, #tpu.memory_space<vmem>> -> memref<1x128xi32, #tpu.memory_space<vmem>>
        %dma_wait3A_229 = tpu.memref_squeeze %dma_wait3A_228 : memref<1x128xi32, #tpu.memory_space<vmem>> -> memref<128xi32, #tpu.memory_space<vmem>>
        %dma_wait3A_230 = arith.constant 0 : i32
        %dma_wait3A_231 = arith.constant 0 : i32
        %dma_wait3A_232 = tpu.memref_slice %arg10[%dma_wait3A_230, %dma_wait3A_231] : memref<100000x8xf32, #tpu.memory_space<vmem_shared>> -> memref<100000x8xf32, #tpu.memory_space<vmem_shared>>
        tpu.wait_indirect_dma semaphore(%run_scoped3A_214 : memref<!tpu.dma_semaphore, #tpu.memory_space<semaphore_mem>>) src(%dma_wait3A_226 : memref<128x8xf32, #tpu.memory_space<vmem>>) dst(%dma_wait3A_232 : memref<100000x8xf32, #tpu.memory_space<vmem_shared>>)
        tpu.yield
      }) : () -> ()
      %run_scoped3A_197 = arith.constant 4 : i32
      %run_scoped3A_198 = arith.constant 4 : i32
      "tpu.region"() ({
        %run_scoped3A_214 = tpu.sem_alloc : memref<!tpu.dma_semaphore, #tpu.memory_space<semaphore_mem>>
        %dma_start3A = arith.constant 0 : i32
        %dma_start3A_215 = arith.constant 0 : i32
        %dma_start3A_216 = tpu.memref_slice %arg11[%run_scoped3A_197, %dma_start3A, %dma_start3A_215] : memref<8x128x8xf32, #tpu.memory_space<vmem>> -> memref<1x128x8xf32, #tpu.memory_space<vmem>>
        %dma_start3A_217 = tpu.memref_squeeze %dma_start3A_216 : memref<1x128x8xf32, #tpu.memory_space<vmem>> -> memref<128x8xf32, #tpu.memory_space<vmem>>
        %dma_start3A_218 = arith.constant 0 : i32
        %dma_start3A_219 = tpu.memref_slice %arg13[%run_scoped3A_198, %dma_start3A_218] : memref<8x128xi32, #tpu.memory_space<vmem>> -> memref<1x128xi32, #tpu.memory_space<vmem>>
        %dma_start3A_220 = tpu.memref_squeeze %dma_start3A_219 : memref<1x128xi32, #tpu.memory_space<vmem>> -> memref<128xi32, #tpu.memory_space<vmem>>
        %dma_start3A_221 = arith.constant 0 : i32
        %dma_start3A_222 = arith.constant 0 : i32
        %dma_start3A_223 = tpu.memref_slice %arg10[%dma_start3A_221, %dma_start3A_222] : memref<100000x8xf32, #tpu.memory_space<vmem_shared>> -> memref<100000x8xf32, #tpu.memory_space<vmem_shared>>
        tpu.enqueue_indirect_dma source(%dma_start3A_217 : memref<128x8xf32, #tpu.memory_space<vmem>>) target(%dma_start3A_223 : memref<100000x8xf32, #tpu.memory_space<vmem_shared>>) offsets(%dma_start3A_220 : memref<128xi32, #tpu.memory_space<vmem>>) semaphore(%run_scoped3A_214 : memref<!tpu.dma_semaphore, #tpu.memory_space<semaphore_mem>>) {add = true}
        %dma_wait3A = arith.constant 0 : i32
        %dma_wait3A_224 = arith.constant 0 : i32
        %dma_wait3A_225 = tpu.memref_slice %arg11[%run_scoped3A_197, %dma_wait3A, %dma_wait3A_224] : memref<8x128x8xf32, #tpu.memory_space<vmem>> -> memref<1x128x8xf32, #tpu.memory_space<vmem>>
        %dma_wait3A_226 = tpu.memref_squeeze %dma_wait3A_225 : memref<1x128x8xf32, #tpu.memory_space<vmem>> -> memref<128x8xf32, #tpu.memory_space<vmem>>
        %dma_wait3A_227 = arith.constant 0 : i32
        %dma_wait3A_228 = tpu.memref_slice %arg13[%run_scoped3A_198, %dma_wait3A_227] : memref<8x128xi32, #tpu.memory_space<vmem>> -> memref<1x128xi32, #tpu.memory_space<vmem>>
        %dma_wait3A_229 = tpu.memref_squeeze %dma_wait3A_228 : memref<1x128xi32, #tpu.memory_space<vmem>> -> memref<128xi32, #tpu.memory_space<vmem>>
        %dma_wait3A_230 = arith.constant 0 : i32
        %dma_wait3A_231 = arith.constant 0 : i32
        %dma_wait3A_232 = tpu.memref_slice %arg10[%dma_wait3A_230, %dma_wait3A_231] : memref<100000x8xf32, #tpu.memory_space<vmem_shared>> -> memref<100000x8xf32, #tpu.memory_space<vmem_shared>>
        tpu.wait_indirect_dma semaphore(%run_scoped3A_214 : memref<!tpu.dma_semaphore, #tpu.memory_space<semaphore_mem>>) src(%dma_wait3A_226 : memref<128x8xf32, #tpu.memory_space<vmem>>) dst(%dma_wait3A_232 : memref<100000x8xf32, #tpu.memory_space<vmem_shared>>)
        tpu.yield
      }) : () -> ()
      %run_scoped3A_199 = arith.constant 4 : i32
      %run_scoped3A_200 = arith.constant 4 : i32
      "tpu.region"() ({
        %run_scoped3A_214 = tpu.sem_alloc : memref<!tpu.dma_semaphore, #tpu.memory_space<semaphore_mem>>
        %dma_start3A = arith.constant 0 : i32
        %dma_start3A_215 = arith.constant 0 : i32
        %dma_start3A_216 = tpu.memref_slice %arg11[%run_scoped3A_199, %dma_start3A, %dma_start3A_215] : memref<8x128x8xf32, #tpu.memory_space<vmem>> -> memref<1x128x8xf32, #tpu.memory_space<vmem>>
        %dma_start3A_217 = tpu.memref_squeeze %dma_start3A_216 : memref<1x128x8xf32, #tpu.memory_space<vmem>> -> memref<128x8xf32, #tpu.memory_space<vmem>>
        %dma_start3A_218 = arith.constant 0 : i32
        %dma_start3A_219 = tpu.memref_slice %arg14[%run_scoped3A_200, %dma_start3A_218] : memref<8x128xi32, #tpu.memory_space<vmem>> -> memref<1x128xi32, #tpu.memory_space<vmem>>
        %dma_start3A_220 = tpu.memref_squeeze %dma_start3A_219 : memref<1x128xi32, #tpu.memory_space<vmem>> -> memref<128xi32, #tpu.memory_space<vmem>>
        %dma_start3A_221 = arith.constant 0 : i32
        %dma_start3A_222 = arith.constant 0 : i32
        %dma_start3A_223 = tpu.memref_slice %arg10[%dma_start3A_221, %dma_start3A_222] : memref<100000x8xf32, #tpu.memory_space<vmem_shared>> -> memref<100000x8xf32, #tpu.memory_space<vmem_shared>>
        tpu.enqueue_indirect_dma source(%dma_start3A_217 : memref<128x8xf32, #tpu.memory_space<vmem>>) target(%dma_start3A_223 : memref<100000x8xf32, #tpu.memory_space<vmem_shared>>) offsets(%dma_start3A_220 : memref<128xi32, #tpu.memory_space<vmem>>) semaphore(%run_scoped3A_214 : memref<!tpu.dma_semaphore, #tpu.memory_space<semaphore_mem>>) {add = true}
        %dma_wait3A = arith.constant 0 : i32
        %dma_wait3A_224 = arith.constant 0 : i32
        %dma_wait3A_225 = tpu.memref_slice %arg11[%run_scoped3A_199, %dma_wait3A, %dma_wait3A_224] : memref<8x128x8xf32, #tpu.memory_space<vmem>> -> memref<1x128x8xf32, #tpu.memory_space<vmem>>
        %dma_wait3A_226 = tpu.memref_squeeze %dma_wait3A_225 : memref<1x128x8xf32, #tpu.memory_space<vmem>> -> memref<128x8xf32, #tpu.memory_space<vmem>>
        %dma_wait3A_227 = arith.constant 0 : i32
        %dma_wait3A_228 = tpu.memref_slice %arg14[%run_scoped3A_200, %dma_wait3A_227] : memref<8x128xi32, #tpu.memory_space<vmem>> -> memref<1x128xi32, #tpu.memory_space<vmem>>
        %dma_wait3A_229 = tpu.memref_squeeze %dma_wait3A_228 : memref<1x128xi32, #tpu.memory_space<vmem>> -> memref<128xi32, #tpu.memory_space<vmem>>
        %dma_wait3A_230 = arith.constant 0 : i32
        %dma_wait3A_231 = arith.constant 0 : i32
        %dma_wait3A_232 = tpu.memref_slice %arg10[%dma_wait3A_230, %dma_wait3A_231] : memref<100000x8xf32, #tpu.memory_space<vmem_shared>> -> memref<100000x8xf32, #tpu.memory_space<vmem_shared>>
        tpu.wait_indirect_dma semaphore(%run_scoped3A_214 : memref<!tpu.dma_semaphore, #tpu.memory_space<semaphore_mem>>) src(%dma_wait3A_226 : memref<128x8xf32, #tpu.memory_space<vmem>>) dst(%dma_wait3A_232 : memref<100000x8xf32, #tpu.memory_space<vmem_shared>>)
        tpu.yield
      }) : () -> ()
      %run_scoped3A_201 = arith.constant 5 : i32
      %run_scoped3A_202 = arith.constant 5 : i32
      "tpu.region"() ({
        %run_scoped3A_214 = tpu.sem_alloc : memref<!tpu.dma_semaphore, #tpu.memory_space<semaphore_mem>>
        %dma_start3A = arith.constant 0 : i32
        %dma_start3A_215 = arith.constant 0 : i32
        %dma_start3A_216 = tpu.memref_slice %arg11[%run_scoped3A_201, %dma_start3A, %dma_start3A_215] : memref<8x128x8xf32, #tpu.memory_space<vmem>> -> memref<1x128x8xf32, #tpu.memory_space<vmem>>
        %dma_start3A_217 = tpu.memref_squeeze %dma_start3A_216 : memref<1x128x8xf32, #tpu.memory_space<vmem>> -> memref<128x8xf32, #tpu.memory_space<vmem>>
        %dma_start3A_218 = arith.constant 0 : i32
        %dma_start3A_219 = tpu.memref_slice %arg13[%run_scoped3A_202, %dma_start3A_218] : memref<8x128xi32, #tpu.memory_space<vmem>> -> memref<1x128xi32, #tpu.memory_space<vmem>>
        %dma_start3A_220 = tpu.memref_squeeze %dma_start3A_219 : memref<1x128xi32, #tpu.memory_space<vmem>> -> memref<128xi32, #tpu.memory_space<vmem>>
        %dma_start3A_221 = arith.constant 0 : i32
        %dma_start3A_222 = arith.constant 0 : i32
        %dma_start3A_223 = tpu.memref_slice %arg10[%dma_start3A_221, %dma_start3A_222] : memref<100000x8xf32, #tpu.memory_space<vmem_shared>> -> memref<100000x8xf32, #tpu.memory_space<vmem_shared>>
        tpu.enqueue_indirect_dma source(%dma_start3A_217 : memref<128x8xf32, #tpu.memory_space<vmem>>) target(%dma_start3A_223 : memref<100000x8xf32, #tpu.memory_space<vmem_shared>>) offsets(%dma_start3A_220 : memref<128xi32, #tpu.memory_space<vmem>>) semaphore(%run_scoped3A_214 : memref<!tpu.dma_semaphore, #tpu.memory_space<semaphore_mem>>) {add = true}
        %dma_wait3A = arith.constant 0 : i32
        %dma_wait3A_224 = arith.constant 0 : i32
        %dma_wait3A_225 = tpu.memref_slice %arg11[%run_scoped3A_201, %dma_wait3A, %dma_wait3A_224] : memref<8x128x8xf32, #tpu.memory_space<vmem>> -> memref<1x128x8xf32, #tpu.memory_space<vmem>>
        %dma_wait3A_226 = tpu.memref_squeeze %dma_wait3A_225 : memref<1x128x8xf32, #tpu.memory_space<vmem>> -> memref<128x8xf32, #tpu.memory_space<vmem>>
        %dma_wait3A_227 = arith.constant 0 : i32
        %dma_wait3A_228 = tpu.memref_slice %arg13[%run_scoped3A_202, %dma_wait3A_227] : memref<8x128xi32, #tpu.memory_space<vmem>> -> memref<1x128xi32, #tpu.memory_space<vmem>>
        %dma_wait3A_229 = tpu.memref_squeeze %dma_wait3A_228 : memref<1x128xi32, #tpu.memory_space<vmem>> -> memref<128xi32, #tpu.memory_space<vmem>>
        %dma_wait3A_230 = arith.constant 0 : i32
        %dma_wait3A_231 = arith.constant 0 : i32
        %dma_wait3A_232 = tpu.memref_slice %arg10[%dma_wait3A_230, %dma_wait3A_231] : memref<100000x8xf32, #tpu.memory_space<vmem_shared>> -> memref<100000x8xf32, #tpu.memory_space<vmem_shared>>
        tpu.wait_indirect_dma semaphore(%run_scoped3A_214 : memref<!tpu.dma_semaphore, #tpu.memory_space<semaphore_mem>>) src(%dma_wait3A_226 : memref<128x8xf32, #tpu.memory_space<vmem>>) dst(%dma_wait3A_232 : memref<100000x8xf32, #tpu.memory_space<vmem_shared>>)
        tpu.yield
      }) : () -> ()
      %run_scoped3A_203 = arith.constant 5 : i32
      %run_scoped3A_204 = arith.constant 5 : i32
      "tpu.region"() ({
        %run_scoped3A_214 = tpu.sem_alloc : memref<!tpu.dma_semaphore, #tpu.memory_space<semaphore_mem>>
        %dma_start3A = arith.constant 0 : i32
        %dma_start3A_215 = arith.constant 0 : i32
        %dma_start3A_216 = tpu.memref_slice %arg11[%run_scoped3A_203, %dma_start3A, %dma_start3A_215] : memref<8x128x8xf32, #tpu.memory_space<vmem>> -> memref<1x128x8xf32, #tpu.memory_space<vmem>>
        %dma_start3A_217 = tpu.memref_squeeze %dma_start3A_216 : memref<1x128x8xf32, #tpu.memory_space<vmem>> -> memref<128x8xf32, #tpu.memory_space<vmem>>
        %dma_start3A_218 = arith.constant 0 : i32
        %dma_start3A_219 = tpu.memref_slice %arg14[%run_scoped3A_204, %dma_start3A_218] : memref<8x128xi32, #tpu.memory_space<vmem>> -> memref<1x128xi32, #tpu.memory_space<vmem>>
        %dma_start3A_220 = tpu.memref_squeeze %dma_start3A_219 : memref<1x128xi32, #tpu.memory_space<vmem>> -> memref<128xi32, #tpu.memory_space<vmem>>
        %dma_start3A_221 = arith.constant 0 : i32
        %dma_start3A_222 = arith.constant 0 : i32
        %dma_start3A_223 = tpu.memref_slice %arg10[%dma_start3A_221, %dma_start3A_222] : memref<100000x8xf32, #tpu.memory_space<vmem_shared>> -> memref<100000x8xf32, #tpu.memory_space<vmem_shared>>
        tpu.enqueue_indirect_dma source(%dma_start3A_217 : memref<128x8xf32, #tpu.memory_space<vmem>>) target(%dma_start3A_223 : memref<100000x8xf32, #tpu.memory_space<vmem_shared>>) offsets(%dma_start3A_220 : memref<128xi32, #tpu.memory_space<vmem>>) semaphore(%run_scoped3A_214 : memref<!tpu.dma_semaphore, #tpu.memory_space<semaphore_mem>>) {add = true}
        %dma_wait3A = arith.constant 0 : i32
        %dma_wait3A_224 = arith.constant 0 : i32
        %dma_wait3A_225 = tpu.memref_slice %arg11[%run_scoped3A_203, %dma_wait3A, %dma_wait3A_224] : memref<8x128x8xf32, #tpu.memory_space<vmem>> -> memref<1x128x8xf32, #tpu.memory_space<vmem>>
        %dma_wait3A_226 = tpu.memref_squeeze %dma_wait3A_225 : memref<1x128x8xf32, #tpu.memory_space<vmem>> -> memref<128x8xf32, #tpu.memory_space<vmem>>
        %dma_wait3A_227 = arith.constant 0 : i32
        %dma_wait3A_228 = tpu.memref_slice %arg14[%run_scoped3A_204, %dma_wait3A_227] : memref<8x128xi32, #tpu.memory_space<vmem>> -> memref<1x128xi32, #tpu.memory_space<vmem>>
        %dma_wait3A_229 = tpu.memref_squeeze %dma_wait3A_228 : memref<1x128xi32, #tpu.memory_space<vmem>> -> memref<128xi32, #tpu.memory_space<vmem>>
        %dma_wait3A_230 = arith.constant 0 : i32
        %dma_wait3A_231 = arith.constant 0 : i32
        %dma_wait3A_232 = tpu.memref_slice %arg10[%dma_wait3A_230, %dma_wait3A_231] : memref<100000x8xf32, #tpu.memory_space<vmem_shared>> -> memref<100000x8xf32, #tpu.memory_space<vmem_shared>>
        tpu.wait_indirect_dma semaphore(%run_scoped3A_214 : memref<!tpu.dma_semaphore, #tpu.memory_space<semaphore_mem>>) src(%dma_wait3A_226 : memref<128x8xf32, #tpu.memory_space<vmem>>) dst(%dma_wait3A_232 : memref<100000x8xf32, #tpu.memory_space<vmem_shared>>)
        tpu.yield
      }) : () -> ()
      %run_scoped3A_205 = arith.constant 6 : i32
      %run_scoped3A_206 = arith.constant 6 : i32
      "tpu.region"() ({
        %run_scoped3A_214 = tpu.sem_alloc : memref<!tpu.dma_semaphore, #tpu.memory_space<semaphore_mem>>
        %dma_start3A = arith.constant 0 : i32
        %dma_start3A_215 = arith.constant 0 : i32
        %dma_start3A_216 = tpu.memref_slice %arg11[%run_scoped3A_205, %dma_start3A, %dma_start3A_215] : memref<8x128x8xf32, #tpu.memory_space<vmem>> -> memref<1x128x8xf32, #tpu.memory_space<vmem>>
        %dma_start3A_217 = tpu.memref_squeeze %dma_start3A_216 : memref<1x128x8xf32, #tpu.memory_space<vmem>> -> memref<128x8xf32, #tpu.memory_space<vmem>>
        %dma_start3A_218 = arith.constant 0 : i32
        %dma_start3A_219 = tpu.memref_slice %arg13[%run_scoped3A_206, %dma_start3A_218] : memref<8x128xi32, #tpu.memory_space<vmem>> -> memref<1x128xi32, #tpu.memory_space<vmem>>
        %dma_start3A_220 = tpu.memref_squeeze %dma_start3A_219 : memref<1x128xi32, #tpu.memory_space<vmem>> -> memref<128xi32, #tpu.memory_space<vmem>>
        %dma_start3A_221 = arith.constant 0 : i32
        %dma_start3A_222 = arith.constant 0 : i32
        %dma_start3A_223 = tpu.memref_slice %arg10[%dma_start3A_221, %dma_start3A_222] : memref<100000x8xf32, #tpu.memory_space<vmem_shared>> -> memref<100000x8xf32, #tpu.memory_space<vmem_shared>>
        tpu.enqueue_indirect_dma source(%dma_start3A_217 : memref<128x8xf32, #tpu.memory_space<vmem>>) target(%dma_start3A_223 : memref<100000x8xf32, #tpu.memory_space<vmem_shared>>) offsets(%dma_start3A_220 : memref<128xi32, #tpu.memory_space<vmem>>) semaphore(%run_scoped3A_214 : memref<!tpu.dma_semaphore, #tpu.memory_space<semaphore_mem>>) {add = true}
        %dma_wait3A = arith.constant 0 : i32
        %dma_wait3A_224 = arith.constant 0 : i32
        %dma_wait3A_225 = tpu.memref_slice %arg11[%run_scoped3A_205, %dma_wait3A, %dma_wait3A_224] : memref<8x128x8xf32, #tpu.memory_space<vmem>> -> memref<1x128x8xf32, #tpu.memory_space<vmem>>
        %dma_wait3A_226 = tpu.memref_squeeze %dma_wait3A_225 : memref<1x128x8xf32, #tpu.memory_space<vmem>> -> memref<128x8xf32, #tpu.memory_space<vmem>>
        %dma_wait3A_227 = arith.constant 0 : i32
        %dma_wait3A_228 = tpu.memref_slice %arg13[%run_scoped3A_206, %dma_wait3A_227] : memref<8x128xi32, #tpu.memory_space<vmem>> -> memref<1x128xi32, #tpu.memory_space<vmem>>
        %dma_wait3A_229 = tpu.memref_squeeze %dma_wait3A_228 : memref<1x128xi32, #tpu.memory_space<vmem>> -> memref<128xi32, #tpu.memory_space<vmem>>
        %dma_wait3A_230 = arith.constant 0 : i32
        %dma_wait3A_231 = arith.constant 0 : i32
        %dma_wait3A_232 = tpu.memref_slice %arg10[%dma_wait3A_230, %dma_wait3A_231] : memref<100000x8xf32, #tpu.memory_space<vmem_shared>> -> memref<100000x8xf32, #tpu.memory_space<vmem_shared>>
        tpu.wait_indirect_dma semaphore(%run_scoped3A_214 : memref<!tpu.dma_semaphore, #tpu.memory_space<semaphore_mem>>) src(%dma_wait3A_226 : memref<128x8xf32, #tpu.memory_space<vmem>>) dst(%dma_wait3A_232 : memref<100000x8xf32, #tpu.memory_space<vmem_shared>>)
        tpu.yield
      }) : () -> ()
      %run_scoped3A_207 = arith.constant 6 : i32
      %run_scoped3A_208 = arith.constant 6 : i32
      "tpu.region"() ({
        %run_scoped3A_214 = tpu.sem_alloc : memref<!tpu.dma_semaphore, #tpu.memory_space<semaphore_mem>>
        %dma_start3A = arith.constant 0 : i32
        %dma_start3A_215 = arith.constant 0 : i32
        %dma_start3A_216 = tpu.memref_slice %arg11[%run_scoped3A_207, %dma_start3A, %dma_start3A_215] : memref<8x128x8xf32, #tpu.memory_space<vmem>> -> memref<1x128x8xf32, #tpu.memory_space<vmem>>
        %dma_start3A_217 = tpu.memref_squeeze %dma_start3A_216 : memref<1x128x8xf32, #tpu.memory_space<vmem>> -> memref<128x8xf32, #tpu.memory_space<vmem>>
        %dma_start3A_218 = arith.constant 0 : i32
        %dma_start3A_219 = tpu.memref_slice %arg14[%run_scoped3A_208, %dma_start3A_218] : memref<8x128xi32, #tpu.memory_space<vmem>> -> memref<1x128xi32, #tpu.memory_space<vmem>>
        %dma_start3A_220 = tpu.memref_squeeze %dma_start3A_219 : memref<1x128xi32, #tpu.memory_space<vmem>> -> memref<128xi32, #tpu.memory_space<vmem>>
        %dma_start3A_221 = arith.constant 0 : i32
        %dma_start3A_222 = arith.constant 0 : i32
        %dma_start3A_223 = tpu.memref_slice %arg10[%dma_start3A_221, %dma_start3A_222] : memref<100000x8xf32, #tpu.memory_space<vmem_shared>> -> memref<100000x8xf32, #tpu.memory_space<vmem_shared>>
        tpu.enqueue_indirect_dma source(%dma_start3A_217 : memref<128x8xf32, #tpu.memory_space<vmem>>) target(%dma_start3A_223 : memref<100000x8xf32, #tpu.memory_space<vmem_shared>>) offsets(%dma_start3A_220 : memref<128xi32, #tpu.memory_space<vmem>>) semaphore(%run_scoped3A_214 : memref<!tpu.dma_semaphore, #tpu.memory_space<semaphore_mem>>) {add = true}
        %dma_wait3A = arith.constant 0 : i32
        %dma_wait3A_224 = arith.constant 0 : i32
        %dma_wait3A_225 = tpu.memref_slice %arg11[%run_scoped3A_207, %dma_wait3A, %dma_wait3A_224] : memref<8x128x8xf32, #tpu.memory_space<vmem>> -> memref<1x128x8xf32, #tpu.memory_space<vmem>>
        %dma_wait3A_226 = tpu.memref_squeeze %dma_wait3A_225 : memref<1x128x8xf32, #tpu.memory_space<vmem>> -> memref<128x8xf32, #tpu.memory_space<vmem>>
        %dma_wait3A_227 = arith.constant 0 : i32
        %dma_wait3A_228 = tpu.memref_slice %arg14[%run_scoped3A_208, %dma_wait3A_227] : memref<8x128xi32, #tpu.memory_space<vmem>> -> memref<1x128xi32, #tpu.memory_space<vmem>>
        %dma_wait3A_229 = tpu.memref_squeeze %dma_wait3A_228 : memref<1x128xi32, #tpu.memory_space<vmem>> -> memref<128xi32, #tpu.memory_space<vmem>>
        %dma_wait3A_230 = arith.constant 0 : i32
        %dma_wait3A_231 = arith.constant 0 : i32
        %dma_wait3A_232 = tpu.memref_slice %arg10[%dma_wait3A_230, %dma_wait3A_231] : memref<100000x8xf32, #tpu.memory_space<vmem_shared>> -> memref<100000x8xf32, #tpu.memory_space<vmem_shared>>
        tpu.wait_indirect_dma semaphore(%run_scoped3A_214 : memref<!tpu.dma_semaphore, #tpu.memory_space<semaphore_mem>>) src(%dma_wait3A_226 : memref<128x8xf32, #tpu.memory_space<vmem>>) dst(%dma_wait3A_232 : memref<100000x8xf32, #tpu.memory_space<vmem_shared>>)
        tpu.yield
      }) : () -> ()
      %run_scoped3A_209 = arith.constant 7 : i32
      %run_scoped3A_210 = arith.constant 7 : i32
      "tpu.region"() ({
        %run_scoped3A_214 = tpu.sem_alloc : memref<!tpu.dma_semaphore, #tpu.memory_space<semaphore_mem>>
        %dma_start3A = arith.constant 0 : i32
        %dma_start3A_215 = arith.constant 0 : i32
        %dma_start3A_216 = tpu.memref_slice %arg11[%run_scoped3A_209, %dma_start3A, %dma_start3A_215] : memref<8x128x8xf32, #tpu.memory_space<vmem>> -> memref<1x128x8xf32, #tpu.memory_space<vmem>>
        %dma_start3A_217 = tpu.memref_squeeze %dma_start3A_216 : memref<1x128x8xf32, #tpu.memory_space<vmem>> -> memref<128x8xf32, #tpu.memory_space<vmem>>
        %dma_start3A_218 = arith.constant 0 : i32
        %dma_start3A_219 = tpu.memref_slice %arg13[%run_scoped3A_210, %dma_start3A_218] : memref<8x128xi32, #tpu.memory_space<vmem>> -> memref<1x128xi32, #tpu.memory_space<vmem>>
        %dma_start3A_220 = tpu.memref_squeeze %dma_start3A_219 : memref<1x128xi32, #tpu.memory_space<vmem>> -> memref<128xi32, #tpu.memory_space<vmem>>
        %dma_start3A_221 = arith.constant 0 : i32
        %dma_start3A_222 = arith.constant 0 : i32
        %dma_start3A_223 = tpu.memref_slice %arg10[%dma_start3A_221, %dma_start3A_222] : memref<100000x8xf32, #tpu.memory_space<vmem_shared>> -> memref<100000x8xf32, #tpu.memory_space<vmem_shared>>
        tpu.enqueue_indirect_dma source(%dma_start3A_217 : memref<128x8xf32, #tpu.memory_space<vmem>>) target(%dma_start3A_223 : memref<100000x8xf32, #tpu.memory_space<vmem_shared>>) offsets(%dma_start3A_220 : memref<128xi32, #tpu.memory_space<vmem>>) semaphore(%run_scoped3A_214 : memref<!tpu.dma_semaphore, #tpu.memory_space<semaphore_mem>>) {add = true}
        %dma_wait3A = arith.constant 0 : i32
        %dma_wait3A_224 = arith.constant 0 : i32
        %dma_wait3A_225 = tpu.memref_slice %arg11[%run_scoped3A_209, %dma_wait3A, %dma_wait3A_224] : memref<8x128x8xf32, #tpu.memory_space<vmem>> -> memref<1x128x8xf32, #tpu.memory_space<vmem>>
        %dma_wait3A_226 = tpu.memref_squeeze %dma_wait3A_225 : memref<1x128x8xf32, #tpu.memory_space<vmem>> -> memref<128x8xf32, #tpu.memory_space<vmem>>
        %dma_wait3A_227 = arith.constant 0 : i32
        %dma_wait3A_228 = tpu.memref_slice %arg13[%run_scoped3A_210, %dma_wait3A_227] : memref<8x128xi32, #tpu.memory_space<vmem>> -> memref<1x128xi32, #tpu.memory_space<vmem>>
        %dma_wait3A_229 = tpu.memref_squeeze %dma_wait3A_228 : memref<1x128xi32, #tpu.memory_space<vmem>> -> memref<128xi32, #tpu.memory_space<vmem>>
        %dma_wait3A_230 = arith.constant 0 : i32
        %dma_wait3A_231 = arith.constant 0 : i32
        %dma_wait3A_232 = tpu.memref_slice %arg10[%dma_wait3A_230, %dma_wait3A_231] : memref<100000x8xf32, #tpu.memory_space<vmem_shared>> -> memref<100000x8xf32, #tpu.memory_space<vmem_shared>>
        tpu.wait_indirect_dma semaphore(%run_scoped3A_214 : memref<!tpu.dma_semaphore, #tpu.memory_space<semaphore_mem>>) src(%dma_wait3A_226 : memref<128x8xf32, #tpu.memory_space<vmem>>) dst(%dma_wait3A_232 : memref<100000x8xf32, #tpu.memory_space<vmem_shared>>)
        tpu.yield
      }) : () -> ()
      %run_scoped3A_211 = arith.constant 7 : i32
      %run_scoped3A_212 = arith.constant 7 : i32
      "tpu.region"() ({
        %run_scoped3A_214 = tpu.sem_alloc : memref<!tpu.dma_semaphore, #tpu.memory_space<semaphore_mem>>
        %dma_start3A = arith.constant 0 : i32
        %dma_start3A_215 = arith.constant 0 : i32
        %dma_start3A_216 = tpu.memref_slice %arg11[%run_scoped3A_211, %dma_start3A, %dma_start3A_215] : memref<8x128x8xf32, #tpu.memory_space<vmem>> -> memref<1x128x8xf32, #tpu.memory_space<vmem>>
        %dma_start3A_217 = tpu.memref_squeeze %dma_start3A_216 : memref<1x128x8xf32, #tpu.memory_space<vmem>> -> memref<128x8xf32, #tpu.memory_space<vmem>>
        %dma_start3A_218 = arith.constant 0 : i32
        %dma_start3A_219 = tpu.memref_slice %arg14[%run_scoped3A_212, %dma_start3A_218] : memref<8x128xi32, #tpu.memory_space<vmem>> -> memref<1x128xi32, #tpu.memory_space<vmem>>
        %dma_start3A_220 = tpu.memref_squeeze %dma_start3A_219 : memref<1x128xi32, #tpu.memory_space<vmem>> -> memref<128xi32, #tpu.memory_space<vmem>>
        %dma_start3A_221 = arith.constant 0 : i32
        %dma_start3A_222 = arith.constant 0 : i32
        %dma_start3A_223 = tpu.memref_slice %arg10[%dma_start3A_221, %dma_start3A_222] : memref<100000x8xf32, #tpu.memory_space<vmem_shared>> -> memref<100000x8xf32, #tpu.memory_space<vmem_shared>>
        tpu.enqueue_indirect_dma source(%dma_start3A_217 : memref<128x8xf32, #tpu.memory_space<vmem>>) target(%dma_start3A_223 : memref<100000x8xf32, #tpu.memory_space<vmem_shared>>) offsets(%dma_start3A_220 : memref<128xi32, #tpu.memory_space<vmem>>) semaphore(%run_scoped3A_214 : memref<!tpu.dma_semaphore, #tpu.memory_space<semaphore_mem>>) {add = true}
        %dma_wait3A = arith.constant 0 : i32
        %dma_wait3A_224 = arith.constant 0 : i32
        %dma_wait3A_225 = tpu.memref_slice %arg11[%run_scoped3A_211, %dma_wait3A, %dma_wait3A_224] : memref<8x128x8xf32, #tpu.memory_space<vmem>> -> memref<1x128x8xf32, #tpu.memory_space<vmem>>
        %dma_wait3A_226 = tpu.memref_squeeze %dma_wait3A_225 : memref<1x128x8xf32, #tpu.memory_space<vmem>> -> memref<128x8xf32, #tpu.memory_space<vmem>>
        %dma_wait3A_227 = arith.constant 0 : i32
        %dma_wait3A_228 = tpu.memref_slice %arg14[%run_scoped3A_212, %dma_wait3A_227] : memref<8x128xi32, #tpu.memory_space<vmem>> -> memref<1x128xi32, #tpu.memory_space<vmem>>
        %dma_wait3A_229 = tpu.memref_squeeze %dma_wait3A_228 : memref<1x128xi32, #tpu.memory_space<vmem>> -> memref<128xi32, #tpu.memory_space<vmem>>
        %dma_wait3A_230 = arith.constant 0 : i32
        %dma_wait3A_231 = arith.constant 0 : i32
        %dma_wait3A_232 = tpu.memref_slice %arg10[%dma_wait3A_230, %dma_wait3A_231] : memref<100000x8xf32, #tpu.memory_space<vmem_shared>> -> memref<100000x8xf32, #tpu.memory_space<vmem_shared>>
        tpu.wait_indirect_dma semaphore(%run_scoped3A_214 : memref<!tpu.dma_semaphore, #tpu.memory_space<semaphore_mem>>) src(%dma_wait3A_226 : memref<128x8xf32, #tpu.memory_space<vmem>>) dst(%dma_wait3A_232 : memref<100000x8xf32, #tpu.memory_space<vmem_shared>>)
        tpu.yield
      }) : () -> ()
      %while3A_213 = arith.constant 0 : i32
      scf.yield %while3A_213 : i32
    }
    %while3A_56 = arith.constant 1 : i32
    %while3A_57 = scf.for %while3A_173 = %while3A_53 to %while3A_49 step %while3A_56 iter_args(%while3A_174 = %while3A_55) -> (i32)  : i32 {
      %mul3A_175 = arith.constant 32 : i32
      %mul3A_176 = arith.muli %mul3A_175, %while3A_173 : i32
      %add3A_177 = arith.addi %add3A, %mul3A_176 : i32
      %mul3A_178 = arith.constant 8 : i32
      %mul3A_179 = arith.muli %add3A_177, %mul3A_178 : i32
      "tpu.region"() ({
        %run_scoped3A_214 = tpu.sem_alloc : memref<!tpu.dma_semaphore, #tpu.memory_space<semaphore_mem>>
        %dma_start3A = arith.constant 0 : i32
        %dma_start3A_215 = arith.constant 0 : i32
        %dma_start3A_216 = tpu.memref_slice %arg2[%mul3A_179, %dma_start3A, %dma_start3A_215] : memref<12504x128x8xf32, #tpu.memory_space<hbm>> -> memref<8x128x8xf32, #tpu.memory_space<hbm>>
        %dma_start3A_217 = arith.constant 0 : i32
        %dma_start3A_218 = arith.constant 0 : i32
        %dma_start3A_219 = tpu.memref_slice %arg2[%mul3A_179, %dma_start3A_217, %dma_start3A_218] : memref<12504x128x8xf32, #tpu.memory_space<hbm>> -> memref<8x128x8xf32, #tpu.memory_space<hbm>>
        tpu.enqueue_dma source(%dma_start3A_219 : memref<8x128x8xf32, #tpu.memory_space<hbm>>) target(%arg11 : memref<8x128x8xf32, #tpu.memory_space<vmem>>) target_semaphore(%run_scoped3A_214 : memref<!tpu.dma_semaphore, #tpu.memory_space<semaphore_mem>>)
        %dma_wait3A = arith.constant 0 : i32
        %dma_wait3A_220 = arith.constant 0 : i32
        %dma_wait3A_221 = tpu.memref_slice %arg2[%mul3A_179, %dma_wait3A, %dma_wait3A_220] : memref<12504x128x8xf32, #tpu.memory_space<hbm>> -> memref<8x128x8xf32, #tpu.memory_space<hbm>>
        %dma_wait3A_222 = arith.constant 0 : i32
        %dma_wait3A_223 = arith.constant 0 : i32
        %dma_wait3A_224 = tpu.memref_slice %arg2[%mul3A_179, %dma_wait3A_222, %dma_wait3A_223] : memref<12504x128x8xf32, #tpu.memory_space<hbm>> -> memref<8x128x8xf32, #tpu.memory_space<hbm>>
        tpu.wait_dma2 semaphore(%run_scoped3A_214 : memref<!tpu.dma_semaphore, #tpu.memory_space<semaphore_mem>>) src(%dma_wait3A_224 : memref<8x128x8xf32, #tpu.memory_space<hbm>>) dst(%arg11 : memref<8x128x8xf32, #tpu.memory_space<vmem>>)
        tpu.yield
      }) : () -> ()
      %run_scoped3A = arith.constant 0 : i32
      "tpu.region"() ({
        %run_scoped3A_214 = tpu.sem_alloc : memref<!tpu.dma_semaphore, #tpu.memory_space<semaphore_mem>>
        %dma_start3A = arith.constant 0 : i32
        %dma_start3A_215 = tpu.memref_slice %arg4[%run_scoped3A, %mul3A_179, %dma_start3A] : memref<2x12504x128xi32, #tpu.memory_space<hbm>> -> memref<1x8x128xi32, #tpu.memory_space<hbm>>
        %dma_start3A_216 = tpu.memref_squeeze %dma_start3A_215 : memref<1x8x128xi32, #tpu.memory_space<hbm>> -> memref<8x128xi32, #tpu.memory_space<hbm>>
        %dma_start3A_217 = arith.constant 0 : i32
        %dma_start3A_218 = tpu.memref_slice %arg4[%run_scoped3A, %mul3A_179, %dma_start3A_217] : memref<2x12504x128xi32, #tpu.memory_space<hbm>> -> memref<1x8x128xi32, #tpu.memory_space<hbm>>
        %dma_start3A_219 = tpu.memref_squeeze %dma_start3A_218 : memref<1x8x128xi32, #tpu.memory_space<hbm>> -> memref<8x128xi32, #tpu.memory_space<hbm>>
        tpu.enqueue_dma source(%dma_start3A_219 : memref<8x128xi32, #tpu.memory_space<hbm>>) target(%arg13 : memref<8x128xi32, #tpu.memory_space<vmem>>) target_semaphore(%run_scoped3A_214 : memref<!tpu.dma_semaphore, #tpu.memory_space<semaphore_mem>>)
        %dma_wait3A = arith.constant 0 : i32
        %dma_wait3A_220 = tpu.memref_slice %arg4[%run_scoped3A, %mul3A_179, %dma_wait3A] : memref<2x12504x128xi32, #tpu.memory_space<hbm>> -> memref<1x8x128xi32, #tpu.memory_space<hbm>>
        %dma_wait3A_221 = tpu.memref_squeeze %dma_wait3A_220 : memref<1x8x128xi32, #tpu.memory_space<hbm>> -> memref<8x128xi32, #tpu.memory_space<hbm>>
        %dma_wait3A_222 = arith.constant 0 : i32
        %dma_wait3A_223 = tpu.memref_slice %arg4[%run_scoped3A, %mul3A_179, %dma_wait3A_222] : memref<2x12504x128xi32, #tpu.memory_space<hbm>> -> memref<1x8x128xi32, #tpu.memory_space<hbm>>
        %dma_wait3A_224 = tpu.memref_squeeze %dma_wait3A_223 : memref<1x8x128xi32, #tpu.memory_space<hbm>> -> memref<8x128xi32, #tpu.memory_space<hbm>>
        tpu.wait_dma2 semaphore(%run_scoped3A_214 : memref<!tpu.dma_semaphore, #tpu.memory_space<semaphore_mem>>) src(%dma_wait3A_224 : memref<8x128xi32, #tpu.memory_space<hbm>>) dst(%arg13 : memref<8x128xi32, #tpu.memory_space<vmem>>)
        tpu.yield
      }) : () -> ()
      %run_scoped3A_180 = arith.constant 1 : i32
      "tpu.region"() ({
        %run_scoped3A_214 = tpu.sem_alloc : memref<!tpu.dma_semaphore, #tpu.memory_space<semaphore_mem>>
        %dma_start3A = arith.constant 0 : i32
        %dma_start3A_215 = tpu.memref_slice %arg4[%run_scoped3A_180, %mul3A_179, %dma_start3A] : memref<2x12504x128xi32, #tpu.memory_space<hbm>> -> memref<1x8x128xi32, #tpu.memory_space<hbm>>
        %dma_start3A_216 = tpu.memref_squeeze %dma_start3A_215 : memref<1x8x128xi32, #tpu.memory_space<hbm>> -> memref<8x128xi32, #tpu.memory_space<hbm>>
        %dma_start3A_217 = arith.constant 0 : i32
        %dma_start3A_218 = tpu.memref_slice %arg4[%run_scoped3A_180, %mul3A_179, %dma_start3A_217] : memref<2x12504x128xi32, #tpu.memory_space<hbm>> -> memref<1x8x128xi32, #tpu.memory_space<hbm>>
        %dma_start3A_219 = tpu.memref_squeeze %dma_start3A_218 : memref<1x8x128xi32, #tpu.memory_space<hbm>> -> memref<8x128xi32, #tpu.memory_space<hbm>>
        tpu.enqueue_dma source(%dma_start3A_219 : memref<8x128xi32, #tpu.memory_space<hbm>>) target(%arg14 : memref<8x128xi32, #tpu.memory_space<vmem>>) target_semaphore(%run_scoped3A_214 : memref<!tpu.dma_semaphore, #tpu.memory_space<semaphore_mem>>)
        %dma_wait3A = arith.constant 0 : i32
        %dma_wait3A_220 = tpu.memref_slice %arg4[%run_scoped3A_180, %mul3A_179, %dma_wait3A] : memref<2x12504x128xi32, #tpu.memory_space<hbm>> -> memref<1x8x128xi32, #tpu.memory_space<hbm>>
        %dma_wait3A_221 = tpu.memref_squeeze %dma_wait3A_220 : memref<1x8x128xi32, #tpu.memory_space<hbm>> -> memref<8x128xi32, #tpu.memory_space<hbm>>
        %dma_wait3A_222 = arith.constant 0 : i32
        %dma_wait3A_223 = tpu.memref_slice %arg4[%run_scoped3A_180, %mul3A_179, %dma_wait3A_222] : memref<2x12504x128xi32, #tpu.memory_space<hbm>> -> memref<1x8x128xi32, #tpu.memory_space<hbm>>
        %dma_wait3A_224 = tpu.memref_squeeze %dma_wait3A_223 : memref<1x8x128xi32, #tpu.memory_space<hbm>> -> memref<8x128xi32, #tpu.memory_space<hbm>>
        tpu.wait_dma2 semaphore(%run_scoped3A_214 : memref<!tpu.dma_semaphore, #tpu.memory_space<semaphore_mem>>) src(%dma_wait3A_224 : memref<8x128xi32, #tpu.memory_space<hbm>>) dst(%arg14 : memref<8x128xi32, #tpu.memory_space<vmem>>)
        tpu.yield
      }) : () -> ()
      %run_scoped3A_181 = arith.constant 0 : i32
      %run_scoped3A_182 = arith.constant 0 : i32
      "tpu.region"() ({
        %run_scoped3A_214 = tpu.sem_alloc : memref<!tpu.dma_semaphore, #tpu.memory_space<semaphore_mem>>
        %dma_start3A = arith.constant 0 : i32
        %dma_start3A_215 = arith.constant 0 : i32
        %dma_start3A_216 = tpu.memref_slice %arg11[%run_scoped3A_181, %dma_start3A, %dma_start3A_215] : memref<8x128x8xf32, #tpu.memory_space<vmem>> -> memref<1x128x8xf32, #tpu.memory_space<vmem>>
        %dma_start3A_217 = tpu.memref_squeeze %dma_start3A_216 : memref<1x128x8xf32, #tpu.memory_space<vmem>> -> memref<128x8xf32, #tpu.memory_space<vmem>>
        %dma_start3A_218 = arith.constant 0 : i32
        %dma_start3A_219 = tpu.memref_slice %arg13[%run_scoped3A_182, %dma_start3A_218] : memref<8x128xi32, #tpu.memory_space<vmem>> -> memref<1x128xi32, #tpu.memory_space<vmem>>
        %dma_start3A_220 = tpu.memref_squeeze %dma_start3A_219 : memref<1x128xi32, #tpu.memory_space<vmem>> -> memref<128xi32, #tpu.memory_space<vmem>>
        %dma_start3A_221 = arith.constant 0 : i32
        %dma_start3A_222 = arith.constant 0 : i32
        %dma_start3A_223 = tpu.memref_slice %arg10[%dma_start3A_221, %dma_start3A_222] : memref<100000x8xf32, #tpu.memory_space<vmem_shared>> -> memref<100000x8xf32, #tpu.memory_space<vmem_shared>>
        tpu.enqueue_indirect_dma source(%dma_start3A_217 : memref<128x8xf32, #tpu.memory_space<vmem>>) target(%dma_start3A_223 : memref<100000x8xf32, #tpu.memory_space<vmem_shared>>) offsets(%dma_start3A_220 : memref<128xi32, #tpu.memory_space<vmem>>) semaphore(%run_scoped3A_214 : memref<!tpu.dma_semaphore, #tpu.memory_space<semaphore_mem>>) {add = true}
        %dma_wait3A = arith.constant 0 : i32
        %dma_wait3A_224 = arith.constant 0 : i32
        %dma_wait3A_225 = tpu.memref_slice %arg11[%run_scoped3A_181, %dma_wait3A, %dma_wait3A_224] : memref<8x128x8xf32, #tpu.memory_space<vmem>> -> memref<1x128x8xf32, #tpu.memory_space<vmem>>
        %dma_wait3A_226 = tpu.memref_squeeze %dma_wait3A_225 : memref<1x128x8xf32, #tpu.memory_space<vmem>> -> memref<128x8xf32, #tpu.memory_space<vmem>>
        %dma_wait3A_227 = arith.constant 0 : i32
        %dma_wait3A_228 = tpu.memref_slice %arg13[%run_scoped3A_182, %dma_wait3A_227] : memref<8x128xi32, #tpu.memory_space<vmem>> -> memref<1x128xi32, #tpu.memory_space<vmem>>
        %dma_wait3A_229 = tpu.memref_squeeze %dma_wait3A_228 : memref<1x128xi32, #tpu.memory_space<vmem>> -> memref<128xi32, #tpu.memory_space<vmem>>
        %dma_wait3A_230 = arith.constant 0 : i32
        %dma_wait3A_231 = arith.constant 0 : i32
        %dma_wait3A_232 = tpu.memref_slice %arg10[%dma_wait3A_230, %dma_wait3A_231] : memref<100000x8xf32, #tpu.memory_space<vmem_shared>> -> memref<100000x8xf32, #tpu.memory_space<vmem_shared>>
        tpu.wait_indirect_dma semaphore(%run_scoped3A_214 : memref<!tpu.dma_semaphore, #tpu.memory_space<semaphore_mem>>) src(%dma_wait3A_226 : memref<128x8xf32, #tpu.memory_space<vmem>>) dst(%dma_wait3A_232 : memref<100000x8xf32, #tpu.memory_space<vmem_shared>>)
        tpu.yield
      }) : () -> ()
      %run_scoped3A_183 = arith.constant 0 : i32
      %run_scoped3A_184 = arith.constant 0 : i32
      "tpu.region"() ({
        %run_scoped3A_214 = tpu.sem_alloc : memref<!tpu.dma_semaphore, #tpu.memory_space<semaphore_mem>>
        %dma_start3A = arith.constant 0 : i32
        %dma_start3A_215 = arith.constant 0 : i32
        %dma_start3A_216 = tpu.memref_slice %arg11[%run_scoped3A_183, %dma_start3A, %dma_start3A_215] : memref<8x128x8xf32, #tpu.memory_space<vmem>> -> memref<1x128x8xf32, #tpu.memory_space<vmem>>
        %dma_start3A_217 = tpu.memref_squeeze %dma_start3A_216 : memref<1x128x8xf32, #tpu.memory_space<vmem>> -> memref<128x8xf32, #tpu.memory_space<vmem>>
        %dma_start3A_218 = arith.constant 0 : i32
        %dma_start3A_219 = tpu.memref_slice %arg14[%run_scoped3A_184, %dma_start3A_218] : memref<8x128xi32, #tpu.memory_space<vmem>> -> memref<1x128xi32, #tpu.memory_space<vmem>>
        %dma_start3A_220 = tpu.memref_squeeze %dma_start3A_219 : memref<1x128xi32, #tpu.memory_space<vmem>> -> memref<128xi32, #tpu.memory_space<vmem>>
        %dma_start3A_221 = arith.constant 0 : i32
        %dma_start3A_222 = arith.constant 0 : i32
        %dma_start3A_223 = tpu.memref_slice %arg10[%dma_start3A_221, %dma_start3A_222] : memref<100000x8xf32, #tpu.memory_space<vmem_shared>> -> memref<100000x8xf32, #tpu.memory_space<vmem_shared>>
        tpu.enqueue_indirect_dma source(%dma_start3A_217 : memref<128x8xf32, #tpu.memory_space<vmem>>) target(%dma_start3A_223 : memref<100000x8xf32, #tpu.memory_space<vmem_shared>>) offsets(%dma_start3A_220 : memref<128xi32, #tpu.memory_space<vmem>>) semaphore(%run_scoped3A_214 : memref<!tpu.dma_semaphore, #tpu.memory_space<semaphore_mem>>) {add = true}
        %dma_wait3A = arith.constant 0 : i32
        %dma_wait3A_224 = arith.constant 0 : i32
        %dma_wait3A_225 = tpu.memref_slice %arg11[%run_scoped3A_183, %dma_wait3A, %dma_wait3A_224] : memref<8x128x8xf32, #tpu.memory_space<vmem>> -> memref<1x128x8xf32, #tpu.memory_space<vmem>>
        %dma_wait3A_226 = tpu.memref_squeeze %dma_wait3A_225 : memref<1x128x8xf32, #tpu.memory_space<vmem>> -> memref<128x8xf32, #tpu.memory_space<vmem>>
        %dma_wait3A_227 = arith.constant 0 : i32
        %dma_wait3A_228 = tpu.memref_slice %arg14[%run_scoped3A_184, %dma_wait3A_227] : memref<8x128xi32, #tpu.memory_space<vmem>> -> memref<1x128xi32, #tpu.memory_space<vmem>>
        %dma_wait3A_229 = tpu.memref_squeeze %dma_wait3A_228 : memref<1x128xi32, #tpu.memory_space<vmem>> -> memref<128xi32, #tpu.memory_space<vmem>>
        %dma_wait3A_230 = arith.constant 0 : i32
        %dma_wait3A_231 = arith.constant 0 : i32
        %dma_wait3A_232 = tpu.memref_slice %arg10[%dma_wait3A_230, %dma_wait3A_231] : memref<100000x8xf32, #tpu.memory_space<vmem_shared>> -> memref<100000x8xf32, #tpu.memory_space<vmem_shared>>
        tpu.wait_indirect_dma semaphore(%run_scoped3A_214 : memref<!tpu.dma_semaphore, #tpu.memory_space<semaphore_mem>>) src(%dma_wait3A_226 : memref<128x8xf32, #tpu.memory_space<vmem>>) dst(%dma_wait3A_232 : memref<100000x8xf32, #tpu.memory_space<vmem_shared>>)
        tpu.yield
      }) : () -> ()
      %run_scoped3A_185 = arith.constant 1 : i32
      %run_scoped3A_186 = arith.constant 1 : i32
      "tpu.region"() ({
        %run_scoped3A_214 = tpu.sem_alloc : memref<!tpu.dma_semaphore, #tpu.memory_space<semaphore_mem>>
        %dma_start3A = arith.constant 0 : i32
        %dma_start3A_215 = arith.constant 0 : i32
        %dma_start3A_216 = tpu.memref_slice %arg11[%run_scoped3A_185, %dma_start3A, %dma_start3A_215] : memref<8x128x8xf32, #tpu.memory_space<vmem>> -> memref<1x128x8xf32, #tpu.memory_space<vmem>>
        %dma_start3A_217 = tpu.memref_squeeze %dma_start3A_216 : memref<1x128x8xf32, #tpu.memory_space<vmem>> -> memref<128x8xf32, #tpu.memory_space<vmem>>
        %dma_start3A_218 = arith.constant 0 : i32
        %dma_start3A_219 = tpu.memref_slice %arg13[%run_scoped3A_186, %dma_start3A_218] : memref<8x128xi32, #tpu.memory_space<vmem>> -> memref<1x128xi32, #tpu.memory_space<vmem>>
        %dma_start3A_220 = tpu.memref_squeeze %dma_start3A_219 : memref<1x128xi32, #tpu.memory_space<vmem>> -> memref<128xi32, #tpu.memory_space<vmem>>
        %dma_start3A_221 = arith.constant 0 : i32
        %dma_start3A_222 = arith.constant 0 : i32
        %dma_start3A_223 = tpu.memref_slice %arg10[%dma_start3A_221, %dma_start3A_222] : memref<100000x8xf32, #tpu.memory_space<vmem_shared>> -> memref<100000x8xf32, #tpu.memory_space<vmem_shared>>
        tpu.enqueue_indirect_dma source(%dma_start3A_217 : memref<128x8xf32, #tpu.memory_space<vmem>>) target(%dma_start3A_223 : memref<100000x8xf32, #tpu.memory_space<vmem_shared>>) offsets(%dma_start3A_220 : memref<128xi32, #tpu.memory_space<vmem>>) semaphore(%run_scoped3A_214 : memref<!tpu.dma_semaphore, #tpu.memory_space<semaphore_mem>>) {add = true}
        %dma_wait3A = arith.constant 0 : i32
        %dma_wait3A_224 = arith.constant 0 : i32
        %dma_wait3A_225 = tpu.memref_slice %arg11[%run_scoped3A_185, %dma_wait3A, %dma_wait3A_224] : memref<8x128x8xf32, #tpu.memory_space<vmem>> -> memref<1x128x8xf32, #tpu.memory_space<vmem>>
        %dma_wait3A_226 = tpu.memref_squeeze %dma_wait3A_225 : memref<1x128x8xf32, #tpu.memory_space<vmem>> -> memref<128x8xf32, #tpu.memory_space<vmem>>
        %dma_wait3A_227 = arith.constant 0 : i32
        %dma_wait3A_228 = tpu.memref_slice %arg13[%run_scoped3A_186, %dma_wait3A_227] : memref<8x128xi32, #tpu.memory_space<vmem>> -> memref<1x128xi32, #tpu.memory_space<vmem>>
        %dma_wait3A_229 = tpu.memref_squeeze %dma_wait3A_228 : memref<1x128xi32, #tpu.memory_space<vmem>> -> memref<128xi32, #tpu.memory_space<vmem>>
        %dma_wait3A_230 = arith.constant 0 : i32
        %dma_wait3A_231 = arith.constant 0 : i32
        %dma_wait3A_232 = tpu.memref_slice %arg10[%dma_wait3A_230, %dma_wait3A_231] : memref<100000x8xf32, #tpu.memory_space<vmem_shared>> -> memref<100000x8xf32, #tpu.memory_space<vmem_shared>>
        tpu.wait_indirect_dma semaphore(%run_scoped3A_214 : memref<!tpu.dma_semaphore, #tpu.memory_space<semaphore_mem>>) src(%dma_wait3A_226 : memref<128x8xf32, #tpu.memory_space<vmem>>) dst(%dma_wait3A_232 : memref<100000x8xf32, #tpu.memory_space<vmem_shared>>)
        tpu.yield
      }) : () -> ()
      %run_scoped3A_187 = arith.constant 1 : i32
      %run_scoped3A_188 = arith.constant 1 : i32
      "tpu.region"() ({
        %run_scoped3A_214 = tpu.sem_alloc : memref<!tpu.dma_semaphore, #tpu.memory_space<semaphore_mem>>
        %dma_start3A = arith.constant 0 : i32
        %dma_start3A_215 = arith.constant 0 : i32
        %dma_start3A_216 = tpu.memref_slice %arg11[%run_scoped3A_187, %dma_start3A, %dma_start3A_215] : memref<8x128x8xf32, #tpu.memory_space<vmem>> -> memref<1x128x8xf32, #tpu.memory_space<vmem>>
        %dma_start3A_217 = tpu.memref_squeeze %dma_start3A_216 : memref<1x128x8xf32, #tpu.memory_space<vmem>> -> memref<128x8xf32, #tpu.memory_space<vmem>>
        %dma_start3A_218 = arith.constant 0 : i32
        %dma_start3A_219 = tpu.memref_slice %arg14[%run_scoped3A_188, %dma_start3A_218] : memref<8x128xi32, #tpu.memory_space<vmem>> -> memref<1x128xi32, #tpu.memory_space<vmem>>
        %dma_start3A_220 = tpu.memref_squeeze %dma_start3A_219 : memref<1x128xi32, #tpu.memory_space<vmem>> -> memref<128xi32, #tpu.memory_space<vmem>>
        %dma_start3A_221 = arith.constant 0 : i32
        %dma_start3A_222 = arith.constant 0 : i32
        %dma_start3A_223 = tpu.memref_slice %arg10[%dma_start3A_221, %dma_start3A_222] : memref<100000x8xf32, #tpu.memory_space<vmem_shared>> -> memref<100000x8xf32, #tpu.memory_space<vmem_shared>>
        tpu.enqueue_indirect_dma source(%dma_start3A_217 : memref<128x8xf32, #tpu.memory_space<vmem>>) target(%dma_start3A_223 : memref<100000x8xf32, #tpu.memory_space<vmem_shared>>) offsets(%dma_start3A_220 : memref<128xi32, #tpu.memory_space<vmem>>) semaphore(%run_scoped3A_214 : memref<!tpu.dma_semaphore, #tpu.memory_space<semaphore_mem>>) {add = true}
        %dma_wait3A = arith.constant 0 : i32
        %dma_wait3A_224 = arith.constant 0 : i32
        %dma_wait3A_225 = tpu.memref_slice %arg11[%run_scoped3A_187, %dma_wait3A, %dma_wait3A_224] : memref<8x128x8xf32, #tpu.memory_space<vmem>> -> memref<1x128x8xf32, #tpu.memory_space<vmem>>
        %dma_wait3A_226 = tpu.memref_squeeze %dma_wait3A_225 : memref<1x128x8xf32, #tpu.memory_space<vmem>> -> memref<128x8xf32, #tpu.memory_space<vmem>>
        %dma_wait3A_227 = arith.constant 0 : i32
        %dma_wait3A_228 = tpu.memref_slice %arg14[%run_scoped3A_188, %dma_wait3A_227] : memref<8x128xi32, #tpu.memory_space<vmem>> -> memref<1x128xi32, #tpu.memory_space<vmem>>
        %dma_wait3A_229 = tpu.memref_squeeze %dma_wait3A_228 : memref<1x128xi32, #tpu.memory_space<vmem>> -> memref<128xi32, #tpu.memory_space<vmem>>
        %dma_wait3A_230 = arith.constant 0 : i32
        %dma_wait3A_231 = arith.constant 0 : i32
        %dma_wait3A_232 = tpu.memref_slice %arg10[%dma_wait3A_230, %dma_wait3A_231] : memref<100000x8xf32, #tpu.memory_space<vmem_shared>> -> memref<100000x8xf32, #tpu.memory_space<vmem_shared>>
        tpu.wait_indirect_dma semaphore(%run_scoped3A_214 : memref<!tpu.dma_semaphore, #tpu.memory_space<semaphore_mem>>) src(%dma_wait3A_226 : memref<128x8xf32, #tpu.memory_space<vmem>>) dst(%dma_wait3A_232 : memref<100000x8xf32, #tpu.memory_space<vmem_shared>>)
        tpu.yield
      }) : () -> ()
      %run_scoped3A_189 = arith.constant 2 : i32
      %run_scoped3A_190 = arith.constant 2 : i32
      "tpu.region"() ({
        %run_scoped3A_214 = tpu.sem_alloc : memref<!tpu.dma_semaphore, #tpu.memory_space<semaphore_mem>>
        %dma_start3A = arith.constant 0 : i32
        %dma_start3A_215 = arith.constant 0 : i32
        %dma_start3A_216 = tpu.memref_slice %arg11[%run_scoped3A_189, %dma_start3A, %dma_start3A_215] : memref<8x128x8xf32, #tpu.memory_space<vmem>> -> memref<1x128x8xf32, #tpu.memory_space<vmem>>
        %dma_start3A_217 = tpu.memref_squeeze %dma_start3A_216 : memref<1x128x8xf32, #tpu.memory_space<vmem>> -> memref<128x8xf32, #tpu.memory_space<vmem>>
        %dma_start3A_218 = arith.constant 0 : i32
        %dma_start3A_219 = tpu.memref_slice %arg13[%run_scoped3A_190, %dma_start3A_218] : memref<8x128xi32, #tpu.memory_space<vmem>> -> memref<1x128xi32, #tpu.memory_space<vmem>>
        %dma_start3A_220 = tpu.memref_squeeze %dma_start3A_219 : memref<1x128xi32, #tpu.memory_space<vmem>> -> memref<128xi32, #tpu.memory_space<vmem>>
        %dma_start3A_221 = arith.constant 0 : i32
        %dma_start3A_222 = arith.constant 0 : i32
        %dma_start3A_223 = tpu.memref_slice %arg10[%dma_start3A_221, %dma_start3A_222] : memref<100000x8xf32, #tpu.memory_space<vmem_shared>> -> memref<100000x8xf32, #tpu.memory_space<vmem_shared>>
        tpu.enqueue_indirect_dma source(%dma_start3A_217 : memref<128x8xf32, #tpu.memory_space<vmem>>) target(%dma_start3A_223 : memref<100000x8xf32, #tpu.memory_space<vmem_shared>>) offsets(%dma_start3A_220 : memref<128xi32, #tpu.memory_space<vmem>>) semaphore(%run_scoped3A_214 : memref<!tpu.dma_semaphore, #tpu.memory_space<semaphore_mem>>) {add = true}
        %dma_wait3A = arith.constant 0 : i32
        %dma_wait3A_224 = arith.constant 0 : i32
        %dma_wait3A_225 = tpu.memref_slice %arg11[%run_scoped3A_189, %dma_wait3A, %dma_wait3A_224] : memref<8x128x8xf32, #tpu.memory_space<vmem>> -> memref<1x128x8xf32, #tpu.memory_space<vmem>>
        %dma_wait3A_226 = tpu.memref_squeeze %dma_wait3A_225 : memref<1x128x8xf32, #tpu.memory_space<vmem>> -> memref<128x8xf32, #tpu.memory_space<vmem>>
        %dma_wait3A_227 = arith.constant 0 : i32
        %dma_wait3A_228 = tpu.memref_slice %arg13[%run_scoped3A_190, %dma_wait3A_227] : memref<8x128xi32, #tpu.memory_space<vmem>> -> memref<1x128xi32, #tpu.memory_space<vmem>>
        %dma_wait3A_229 = tpu.memref_squeeze %dma_wait3A_228 : memref<1x128xi32, #tpu.memory_space<vmem>> -> memref<128xi32, #tpu.memory_space<vmem>>
        %dma_wait3A_230 = arith.constant 0 : i32
        %dma_wait3A_231 = arith.constant 0 : i32
        %dma_wait3A_232 = tpu.memref_slice %arg10[%dma_wait3A_230, %dma_wait3A_231] : memref<100000x8xf32, #tpu.memory_space<vmem_shared>> -> memref<100000x8xf32, #tpu.memory_space<vmem_shared>>
        tpu.wait_indirect_dma semaphore(%run_scoped3A_214 : memref<!tpu.dma_semaphore, #tpu.memory_space<semaphore_mem>>) src(%dma_wait3A_226 : memref<128x8xf32, #tpu.memory_space<vmem>>) dst(%dma_wait3A_232 : memref<100000x8xf32, #tpu.memory_space<vmem_shared>>)
        tpu.yield
      }) : () -> ()
      %run_scoped3A_191 = arith.constant 2 : i32
      %run_scoped3A_192 = arith.constant 2 : i32
      "tpu.region"() ({
        %run_scoped3A_214 = tpu.sem_alloc : memref<!tpu.dma_semaphore, #tpu.memory_space<semaphore_mem>>
        %dma_start3A = arith.constant 0 : i32
        %dma_start3A_215 = arith.constant 0 : i32
        %dma_start3A_216 = tpu.memref_slice %arg11[%run_scoped3A_191, %dma_start3A, %dma_start3A_215] : memref<8x128x8xf32, #tpu.memory_space<vmem>> -> memref<1x128x8xf32, #tpu.memory_space<vmem>>
        %dma_start3A_217 = tpu.memref_squeeze %dma_start3A_216 : memref<1x128x8xf32, #tpu.memory_space<vmem>> -> memref<128x8xf32, #tpu.memory_space<vmem>>
        %dma_start3A_218 = arith.constant 0 : i32
        %dma_start3A_219 = tpu.memref_slice %arg14[%run_scoped3A_192, %dma_start3A_218] : memref<8x128xi32, #tpu.memory_space<vmem>> -> memref<1x128xi32, #tpu.memory_space<vmem>>
        %dma_start3A_220 = tpu.memref_squeeze %dma_start3A_219 : memref<1x128xi32, #tpu.memory_space<vmem>> -> memref<128xi32, #tpu.memory_space<vmem>>
        %dma_start3A_221 = arith.constant 0 : i32
        %dma_start3A_222 = arith.constant 0 : i32
        %dma_start3A_223 = tpu.memref_slice %arg10[%dma_start3A_221, %dma_start3A_222] : memref<100000x8xf32, #tpu.memory_space<vmem_shared>> -> memref<100000x8xf32, #tpu.memory_space<vmem_shared>>
        tpu.enqueue_indirect_dma source(%dma_start3A_217 : memref<128x8xf32, #tpu.memory_space<vmem>>) target(%dma_start3A_223 : memref<100000x8xf32, #tpu.memory_space<vmem_shared>>) offsets(%dma_start3A_220 : memref<128xi32, #tpu.memory_space<vmem>>) semaphore(%run_scoped3A_214 : memref<!tpu.dma_semaphore, #tpu.memory_space<semaphore_mem>>) {add = true}
        %dma_wait3A = arith.constant 0 : i32
        %dma_wait3A_224 = arith.constant 0 : i32
        %dma_wait3A_225 = tpu.memref_slice %arg11[%run_scoped3A_191, %dma_wait3A, %dma_wait3A_224] : memref<8x128x8xf32, #tpu.memory_space<vmem>> -> memref<1x128x8xf32, #tpu.memory_space<vmem>>
        %dma_wait3A_226 = tpu.memref_squeeze %dma_wait3A_225 : memref<1x128x8xf32, #tpu.memory_space<vmem>> -> memref<128x8xf32, #tpu.memory_space<vmem>>
        %dma_wait3A_227 = arith.constant 0 : i32
        %dma_wait3A_228 = tpu.memref_slice %arg14[%run_scoped3A_192, %dma_wait3A_227] : memref<8x128xi32, #tpu.memory_space<vmem>> -> memref<1x128xi32, #tpu.memory_space<vmem>>
        %dma_wait3A_229 = tpu.memref_squeeze %dma_wait3A_228 : memref<1x128xi32, #tpu.memory_space<vmem>> -> memref<128xi32, #tpu.memory_space<vmem>>
        %dma_wait3A_230 = arith.constant 0 : i32
        %dma_wait3A_231 = arith.constant 0 : i32
        %dma_wait3A_232 = tpu.memref_slice %arg10[%dma_wait3A_230, %dma_wait3A_231] : memref<100000x8xf32, #tpu.memory_space<vmem_shared>> -> memref<100000x8xf32, #tpu.memory_space<vmem_shared>>
        tpu.wait_indirect_dma semaphore(%run_scoped3A_214 : memref<!tpu.dma_semaphore, #tpu.memory_space<semaphore_mem>>) src(%dma_wait3A_226 : memref<128x8xf32, #tpu.memory_space<vmem>>) dst(%dma_wait3A_232 : memref<100000x8xf32, #tpu.memory_space<vmem_shared>>)
        tpu.yield
      }) : () -> ()
      %run_scoped3A_193 = arith.constant 3 : i32
      %run_scoped3A_194 = arith.constant 3 : i32
      "tpu.region"() ({
        %run_scoped3A_214 = tpu.sem_alloc : memref<!tpu.dma_semaphore, #tpu.memory_space<semaphore_mem>>
        %dma_start3A = arith.constant 0 : i32
        %dma_start3A_215 = arith.constant 0 : i32
        %dma_start3A_216 = tpu.memref_slice %arg11[%run_scoped3A_193, %dma_start3A, %dma_start3A_215] : memref<8x128x8xf32, #tpu.memory_space<vmem>> -> memref<1x128x8xf32, #tpu.memory_space<vmem>>
        %dma_start3A_217 = tpu.memref_squeeze %dma_start3A_216 : memref<1x128x8xf32, #tpu.memory_space<vmem>> -> memref<128x8xf32, #tpu.memory_space<vmem>>
        %dma_start3A_218 = arith.constant 0 : i32
        %dma_start3A_219 = tpu.memref_slice %arg13[%run_scoped3A_194, %dma_start3A_218] : memref<8x128xi32, #tpu.memory_space<vmem>> -> memref<1x128xi32, #tpu.memory_space<vmem>>
        %dma_start3A_220 = tpu.memref_squeeze %dma_start3A_219 : memref<1x128xi32, #tpu.memory_space<vmem>> -> memref<128xi32, #tpu.memory_space<vmem>>
        %dma_start3A_221 = arith.constant 0 : i32
        %dma_start3A_222 = arith.constant 0 : i32
        %dma_start3A_223 = tpu.memref_slice %arg10[%dma_start3A_221, %dma_start3A_222] : memref<100000x8xf32, #tpu.memory_space<vmem_shared>> -> memref<100000x8xf32, #tpu.memory_space<vmem_shared>>
        tpu.enqueue_indirect_dma source(%dma_start3A_217 : memref<128x8xf32, #tpu.memory_space<vmem>>) target(%dma_start3A_223 : memref<100000x8xf32, #tpu.memory_space<vmem_shared>>) offsets(%dma_start3A_220 : memref<128xi32, #tpu.memory_space<vmem>>) semaphore(%run_scoped3A_214 : memref<!tpu.dma_semaphore, #tpu.memory_space<semaphore_mem>>) {add = true}
        %dma_wait3A = arith.constant 0 : i32
        %dma_wait3A_224 = arith.constant 0 : i32
        %dma_wait3A_225 = tpu.memref_slice %arg11[%run_scoped3A_193, %dma_wait3A, %dma_wait3A_224] : memref<8x128x8xf32, #tpu.memory_space<vmem>> -> memref<1x128x8xf32, #tpu.memory_space<vmem>>
        %dma_wait3A_226 = tpu.memref_squeeze %dma_wait3A_225 : memref<1x128x8xf32, #tpu.memory_space<vmem>> -> memref<128x8xf32, #tpu.memory_space<vmem>>
        %dma_wait3A_227 = arith.constant 0 : i32
        %dma_wait3A_228 = tpu.memref_slice %arg13[%run_scoped3A_194, %dma_wait3A_227] : memref<8x128xi32, #tpu.memory_space<vmem>> -> memref<1x128xi32, #tpu.memory_space<vmem>>
        %dma_wait3A_229 = tpu.memref_squeeze %dma_wait3A_228 : memref<1x128xi32, #tpu.memory_space<vmem>> -> memref<128xi32, #tpu.memory_space<vmem>>
        %dma_wait3A_230 = arith.constant 0 : i32
        %dma_wait3A_231 = arith.constant 0 : i32
        %dma_wait3A_232 = tpu.memref_slice %arg10[%dma_wait3A_230, %dma_wait3A_231] : memref<100000x8xf32, #tpu.memory_space<vmem_shared>> -> memref<100000x8xf32, #tpu.memory_space<vmem_shared>>
        tpu.wait_indirect_dma semaphore(%run_scoped3A_214 : memref<!tpu.dma_semaphore, #tpu.memory_space<semaphore_mem>>) src(%dma_wait3A_226 : memref<128x8xf32, #tpu.memory_space<vmem>>) dst(%dma_wait3A_232 : memref<100000x8xf32, #tpu.memory_space<vmem_shared>>)
        tpu.yield
      }) : () -> ()
      %run_scoped3A_195 = arith.constant 3 : i32
      %run_scoped3A_196 = arith.constant 3 : i32
      "tpu.region"() ({
        %run_scoped3A_214 = tpu.sem_alloc : memref<!tpu.dma_semaphore, #tpu.memory_space<semaphore_mem>>
        %dma_start3A = arith.constant 0 : i32
        %dma_start3A_215 = arith.constant 0 : i32
        %dma_start3A_216 = tpu.memref_slice %arg11[%run_scoped3A_195, %dma_start3A, %dma_start3A_215] : memref<8x128x8xf32, #tpu.memory_space<vmem>> -> memref<1x128x8xf32, #tpu.memory_space<vmem>>
        %dma_start3A_217 = tpu.memref_squeeze %dma_start3A_216 : memref<1x128x8xf32, #tpu.memory_space<vmem>> -> memref<128x8xf32, #tpu.memory_space<vmem>>
        %dma_start3A_218 = arith.constant 0 : i32
        %dma_start3A_219 = tpu.memref_slice %arg14[%run_scoped3A_196, %dma_start3A_218] : memref<8x128xi32, #tpu.memory_space<vmem>> -> memref<1x128xi32, #tpu.memory_space<vmem>>
        %dma_start3A_220 = tpu.memref_squeeze %dma_start3A_219 : memref<1x128xi32, #tpu.memory_space<vmem>> -> memref<128xi32, #tpu.memory_space<vmem>>
        %dma_start3A_221 = arith.constant 0 : i32
        %dma_start3A_222 = arith.constant 0 : i32
        %dma_start3A_223 = tpu.memref_slice %arg10[%dma_start3A_221, %dma_start3A_222] : memref<100000x8xf32, #tpu.memory_space<vmem_shared>> -> memref<100000x8xf32, #tpu.memory_space<vmem_shared>>
        tpu.enqueue_indirect_dma source(%dma_start3A_217 : memref<128x8xf32, #tpu.memory_space<vmem>>) target(%dma_start3A_223 : memref<100000x8xf32, #tpu.memory_space<vmem_shared>>) offsets(%dma_start3A_220 : memref<128xi32, #tpu.memory_space<vmem>>) semaphore(%run_scoped3A_214 : memref<!tpu.dma_semaphore, #tpu.memory_space<semaphore_mem>>) {add = true}
        %dma_wait3A = arith.constant 0 : i32
        %dma_wait3A_224 = arith.constant 0 : i32
        %dma_wait3A_225 = tpu.memref_slice %arg11[%run_scoped3A_195, %dma_wait3A, %dma_wait3A_224] : memref<8x128x8xf32, #tpu.memory_space<vmem>> -> memref<1x128x8xf32, #tpu.memory_space<vmem>>
        %dma_wait3A_226 = tpu.memref_squeeze %dma_wait3A_225 : memref<1x128x8xf32, #tpu.memory_space<vmem>> -> memref<128x8xf32, #tpu.memory_space<vmem>>
        %dma_wait3A_227 = arith.constant 0 : i32
        %dma_wait3A_228 = tpu.memref_slice %arg14[%run_scoped3A_196, %dma_wait3A_227] : memref<8x128xi32, #tpu.memory_space<vmem>> -> memref<1x128xi32, #tpu.memory_space<vmem>>
        %dma_wait3A_229 = tpu.memref_squeeze %dma_wait3A_228 : memref<1x128xi32, #tpu.memory_space<vmem>> -> memref<128xi32, #tpu.memory_space<vmem>>
        %dma_wait3A_230 = arith.constant 0 : i32
        %dma_wait3A_231 = arith.constant 0 : i32
        %dma_wait3A_232 = tpu.memref_slice %arg10[%dma_wait3A_230, %dma_wait3A_231] : memref<100000x8xf32, #tpu.memory_space<vmem_shared>> -> memref<100000x8xf32, #tpu.memory_space<vmem_shared>>
        tpu.wait_indirect_dma semaphore(%run_scoped3A_214 : memref<!tpu.dma_semaphore, #tpu.memory_space<semaphore_mem>>) src(%dma_wait3A_226 : memref<128x8xf32, #tpu.memory_space<vmem>>) dst(%dma_wait3A_232 : memref<100000x8xf32, #tpu.memory_space<vmem_shared>>)
        tpu.yield
      }) : () -> ()
      %run_scoped3A_197 = arith.constant 4 : i32
      %run_scoped3A_198 = arith.constant 4 : i32
      "tpu.region"() ({
        %run_scoped3A_214 = tpu.sem_alloc : memref<!tpu.dma_semaphore, #tpu.memory_space<semaphore_mem>>
        %dma_start3A = arith.constant 0 : i32
        %dma_start3A_215 = arith.constant 0 : i32
        %dma_start3A_216 = tpu.memref_slice %arg11[%run_scoped3A_197, %dma_start3A, %dma_start3A_215] : memref<8x128x8xf32, #tpu.memory_space<vmem>> -> memref<1x128x8xf32, #tpu.memory_space<vmem>>
        %dma_start3A_217 = tpu.memref_squeeze %dma_start3A_216 : memref<1x128x8xf32, #tpu.memory_space<vmem>> -> memref<128x8xf32, #tpu.memory_space<vmem>>
        %dma_start3A_218 = arith.constant 0 : i32
        %dma_start3A_219 = tpu.memref_slice %arg13[%run_scoped3A_198, %dma_start3A_218] : memref<8x128xi32, #tpu.memory_space<vmem>> -> memref<1x128xi32, #tpu.memory_space<vmem>>
        %dma_start3A_220 = tpu.memref_squeeze %dma_start3A_219 : memref<1x128xi32, #tpu.memory_space<vmem>> -> memref<128xi32, #tpu.memory_space<vmem>>
        %dma_start3A_221 = arith.constant 0 : i32
        %dma_start3A_222 = arith.constant 0 : i32
        %dma_start3A_223 = tpu.memref_slice %arg10[%dma_start3A_221, %dma_start3A_222] : memref<100000x8xf32, #tpu.memory_space<vmem_shared>> -> memref<100000x8xf32, #tpu.memory_space<vmem_shared>>
        tpu.enqueue_indirect_dma source(%dma_start3A_217 : memref<128x8xf32, #tpu.memory_space<vmem>>) target(%dma_start3A_223 : memref<100000x8xf32, #tpu.memory_space<vmem_shared>>) offsets(%dma_start3A_220 : memref<128xi32, #tpu.memory_space<vmem>>) semaphore(%run_scoped3A_214 : memref<!tpu.dma_semaphore, #tpu.memory_space<semaphore_mem>>) {add = true}
        %dma_wait3A = arith.constant 0 : i32
        %dma_wait3A_224 = arith.constant 0 : i32
        %dma_wait3A_225 = tpu.memref_slice %arg11[%run_scoped3A_197, %dma_wait3A, %dma_wait3A_224] : memref<8x128x8xf32, #tpu.memory_space<vmem>> -> memref<1x128x8xf32, #tpu.memory_space<vmem>>
        %dma_wait3A_226 = tpu.memref_squeeze %dma_wait3A_225 : memref<1x128x8xf32, #tpu.memory_space<vmem>> -> memref<128x8xf32, #tpu.memory_space<vmem>>
        %dma_wait3A_227 = arith.constant 0 : i32
        %dma_wait3A_228 = tpu.memref_slice %arg13[%run_scoped3A_198, %dma_wait3A_227] : memref<8x128xi32, #tpu.memory_space<vmem>> -> memref<1x128xi32, #tpu.memory_space<vmem>>
        %dma_wait3A_229 = tpu.memref_squeeze %dma_wait3A_228 : memref<1x128xi32, #tpu.memory_space<vmem>> -> memref<128xi32, #tpu.memory_space<vmem>>
        %dma_wait3A_230 = arith.constant 0 : i32
        %dma_wait3A_231 = arith.constant 0 : i32
        %dma_wait3A_232 = tpu.memref_slice %arg10[%dma_wait3A_230, %dma_wait3A_231] : memref<100000x8xf32, #tpu.memory_space<vmem_shared>> -> memref<100000x8xf32, #tpu.memory_space<vmem_shared>>
        tpu.wait_indirect_dma semaphore(%run_scoped3A_214 : memref<!tpu.dma_semaphore, #tpu.memory_space<semaphore_mem>>) src(%dma_wait3A_226 : memref<128x8xf32, #tpu.memory_space<vmem>>) dst(%dma_wait3A_232 : memref<100000x8xf32, #tpu.memory_space<vmem_shared>>)
        tpu.yield
      }) : () -> ()
      %run_scoped3A_199 = arith.constant 4 : i32
      %run_scoped3A_200 = arith.constant 4 : i32
      "tpu.region"() ({
        %run_scoped3A_214 = tpu.sem_alloc : memref<!tpu.dma_semaphore, #tpu.memory_space<semaphore_mem>>
        %dma_start3A = arith.constant 0 : i32
        %dma_start3A_215 = arith.constant 0 : i32
        %dma_start3A_216 = tpu.memref_slice %arg11[%run_scoped3A_199, %dma_start3A, %dma_start3A_215] : memref<8x128x8xf32, #tpu.memory_space<vmem>> -> memref<1x128x8xf32, #tpu.memory_space<vmem>>
        %dma_start3A_217 = tpu.memref_squeeze %dma_start3A_216 : memref<1x128x8xf32, #tpu.memory_space<vmem>> -> memref<128x8xf32, #tpu.memory_space<vmem>>
        %dma_start3A_218 = arith.constant 0 : i32
        %dma_start3A_219 = tpu.memref_slice %arg14[%run_scoped3A_200, %dma_start3A_218] : memref<8x128xi32, #tpu.memory_space<vmem>> -> memref<1x128xi32, #tpu.memory_space<vmem>>
        %dma_start3A_220 = tpu.memref_squeeze %dma_start3A_219 : memref<1x128xi32, #tpu.memory_space<vmem>> -> memref<128xi32, #tpu.memory_space<vmem>>
        %dma_start3A_221 = arith.constant 0 : i32
        %dma_start3A_222 = arith.constant 0 : i32
        %dma_start3A_223 = tpu.memref_slice %arg10[%dma_start3A_221, %dma_start3A_222] : memref<100000x8xf32, #tpu.memory_space<vmem_shared>> -> memref<100000x8xf32, #tpu.memory_space<vmem_shared>>
        tpu.enqueue_indirect_dma source(%dma_start3A_217 : memref<128x8xf32, #tpu.memory_space<vmem>>) target(%dma_start3A_223 : memref<100000x8xf32, #tpu.memory_space<vmem_shared>>) offsets(%dma_start3A_220 : memref<128xi32, #tpu.memory_space<vmem>>) semaphore(%run_scoped3A_214 : memref<!tpu.dma_semaphore, #tpu.memory_space<semaphore_mem>>) {add = true}
        %dma_wait3A = arith.constant 0 : i32
        %dma_wait3A_224 = arith.constant 0 : i32
        %dma_wait3A_225 = tpu.memref_slice %arg11[%run_scoped3A_199, %dma_wait3A, %dma_wait3A_224] : memref<8x128x8xf32, #tpu.memory_space<vmem>> -> memref<1x128x8xf32, #tpu.memory_space<vmem>>
        %dma_wait3A_226 = tpu.memref_squeeze %dma_wait3A_225 : memref<1x128x8xf32, #tpu.memory_space<vmem>> -> memref<128x8xf32, #tpu.memory_space<vmem>>
        %dma_wait3A_227 = arith.constant 0 : i32
        %dma_wait3A_228 = tpu.memref_slice %arg14[%run_scoped3A_200, %dma_wait3A_227] : memref<8x128xi32, #tpu.memory_space<vmem>> -> memref<1x128xi32, #tpu.memory_space<vmem>>
        %dma_wait3A_229 = tpu.memref_squeeze %dma_wait3A_228 : memref<1x128xi32, #tpu.memory_space<vmem>> -> memref<128xi32, #tpu.memory_space<vmem>>
        %dma_wait3A_230 = arith.constant 0 : i32
        %dma_wait3A_231 = arith.constant 0 : i32
        %dma_wait3A_232 = tpu.memref_slice %arg10[%dma_wait3A_230, %dma_wait3A_231] : memref<100000x8xf32, #tpu.memory_space<vmem_shared>> -> memref<100000x8xf32, #tpu.memory_space<vmem_shared>>
        tpu.wait_indirect_dma semaphore(%run_scoped3A_214 : memref<!tpu.dma_semaphore, #tpu.memory_space<semaphore_mem>>) src(%dma_wait3A_226 : memref<128x8xf32, #tpu.memory_space<vmem>>) dst(%dma_wait3A_232 : memref<100000x8xf32, #tpu.memory_space<vmem_shared>>)
        tpu.yield
      }) : () -> ()
      %run_scoped3A_201 = arith.constant 5 : i32
      %run_scoped3A_202 = arith.constant 5 : i32
      "tpu.region"() ({
        %run_scoped3A_214 = tpu.sem_alloc : memref<!tpu.dma_semaphore, #tpu.memory_space<semaphore_mem>>
        %dma_start3A = arith.constant 0 : i32
        %dma_start3A_215 = arith.constant 0 : i32
        %dma_start3A_216 = tpu.memref_slice %arg11[%run_scoped3A_201, %dma_start3A, %dma_start3A_215] : memref<8x128x8xf32, #tpu.memory_space<vmem>> -> memref<1x128x8xf32, #tpu.memory_space<vmem>>
        %dma_start3A_217 = tpu.memref_squeeze %dma_start3A_216 : memref<1x128x8xf32, #tpu.memory_space<vmem>> -> memref<128x8xf32, #tpu.memory_space<vmem>>
        %dma_start3A_218 = arith.constant 0 : i32
        %dma_start3A_219 = tpu.memref_slice %arg13[%run_scoped3A_202, %dma_start3A_218] : memref<8x128xi32, #tpu.memory_space<vmem>> -> memref<1x128xi32, #tpu.memory_space<vmem>>
        %dma_start3A_220 = tpu.memref_squeeze %dma_start3A_219 : memref<1x128xi32, #tpu.memory_space<vmem>> -> memref<128xi32, #tpu.memory_space<vmem>>
        %dma_start3A_221 = arith.constant 0 : i32
        %dma_start3A_222 = arith.constant 0 : i32
        %dma_start3A_223 = tpu.memref_slice %arg10[%dma_start3A_221, %dma_start3A_222] : memref<100000x8xf32, #tpu.memory_space<vmem_shared>> -> memref<100000x8xf32, #tpu.memory_space<vmem_shared>>
        tpu.enqueue_indirect_dma source(%dma_start3A_217 : memref<128x8xf32, #tpu.memory_space<vmem>>) target(%dma_start3A_223 : memref<100000x8xf32, #tpu.memory_space<vmem_shared>>) offsets(%dma_start3A_220 : memref<128xi32, #tpu.memory_space<vmem>>) semaphore(%run_scoped3A_214 : memref<!tpu.dma_semaphore, #tpu.memory_space<semaphore_mem>>) {add = true}
        %dma_wait3A = arith.constant 0 : i32
        %dma_wait3A_224 = arith.constant 0 : i32
        %dma_wait3A_225 = tpu.memref_slice %arg11[%run_scoped3A_201, %dma_wait3A, %dma_wait3A_224] : memref<8x128x8xf32, #tpu.memory_space<vmem>> -> memref<1x128x8xf32, #tpu.memory_space<vmem>>
        %dma_wait3A_226 = tpu.memref_squeeze %dma_wait3A_225 : memref<1x128x8xf32, #tpu.memory_space<vmem>> -> memref<128x8xf32, #tpu.memory_space<vmem>>
        %dma_wait3A_227 = arith.constant 0 : i32
        %dma_wait3A_228 = tpu.memref_slice %arg13[%run_scoped3A_202, %dma_wait3A_227] : memref<8x128xi32, #tpu.memory_space<vmem>> -> memref<1x128xi32, #tpu.memory_space<vmem>>
        %dma_wait3A_229 = tpu.memref_squeeze %dma_wait3A_228 : memref<1x128xi32, #tpu.memory_space<vmem>> -> memref<128xi32, #tpu.memory_space<vmem>>
        %dma_wait3A_230 = arith.constant 0 : i32
        %dma_wait3A_231 = arith.constant 0 : i32
        %dma_wait3A_232 = tpu.memref_slice %arg10[%dma_wait3A_230, %dma_wait3A_231] : memref<100000x8xf32, #tpu.memory_space<vmem_shared>> -> memref<100000x8xf32, #tpu.memory_space<vmem_shared>>
        tpu.wait_indirect_dma semaphore(%run_scoped3A_214 : memref<!tpu.dma_semaphore, #tpu.memory_space<semaphore_mem>>) src(%dma_wait3A_226 : memref<128x8xf32, #tpu.memory_space<vmem>>) dst(%dma_wait3A_232 : memref<100000x8xf32, #tpu.memory_space<vmem_shared>>)
        tpu.yield
      }) : () -> ()
      %run_scoped3A_203 = arith.constant 5 : i32
      %run_scoped3A_204 = arith.constant 5 : i32
      "tpu.region"() ({
        %run_scoped3A_214 = tpu.sem_alloc : memref<!tpu.dma_semaphore, #tpu.memory_space<semaphore_mem>>
        %dma_start3A = arith.constant 0 : i32
        %dma_start3A_215 = arith.constant 0 : i32
        %dma_start3A_216 = tpu.memref_slice %arg11[%run_scoped3A_203, %dma_start3A, %dma_start3A_215] : memref<8x128x8xf32, #tpu.memory_space<vmem>> -> memref<1x128x8xf32, #tpu.memory_space<vmem>>
        %dma_start3A_217 = tpu.memref_squeeze %dma_start3A_216 : memref<1x128x8xf32, #tpu.memory_space<vmem>> -> memref<128x8xf32, #tpu.memory_space<vmem>>
        %dma_start3A_218 = arith.constant 0 : i32
        %dma_start3A_219 = tpu.memref_slice %arg14[%run_scoped3A_204, %dma_start3A_218] : memref<8x128xi32, #tpu.memory_space<vmem>> -> memref<1x128xi32, #tpu.memory_space<vmem>>
        %dma_start3A_220 = tpu.memref_squeeze %dma_start3A_219 : memref<1x128xi32, #tpu.memory_space<vmem>> -> memref<128xi32, #tpu.memory_space<vmem>>
        %dma_start3A_221 = arith.constant 0 : i32
        %dma_start3A_222 = arith.constant 0 : i32
        %dma_start3A_223 = tpu.memref_slice %arg10[%dma_start3A_221, %dma_start3A_222] : memref<100000x8xf32, #tpu.memory_space<vmem_shared>> -> memref<100000x8xf32, #tpu.memory_space<vmem_shared>>
        tpu.enqueue_indirect_dma source(%dma_start3A_217 : memref<128x8xf32, #tpu.memory_space<vmem>>) target(%dma_start3A_223 : memref<100000x8xf32, #tpu.memory_space<vmem_shared>>) offsets(%dma_start3A_220 : memref<128xi32, #tpu.memory_space<vmem>>) semaphore(%run_scoped3A_214 : memref<!tpu.dma_semaphore, #tpu.memory_space<semaphore_mem>>) {add = true}
        %dma_wait3A = arith.constant 0 : i32
        %dma_wait3A_224 = arith.constant 0 : i32
        %dma_wait3A_225 = tpu.memref_slice %arg11[%run_scoped3A_203, %dma_wait3A, %dma_wait3A_224] : memref<8x128x8xf32, #tpu.memory_space<vmem>> -> memref<1x128x8xf32, #tpu.memory_space<vmem>>
        %dma_wait3A_226 = tpu.memref_squeeze %dma_wait3A_225 : memref<1x128x8xf32, #tpu.memory_space<vmem>> -> memref<128x8xf32, #tpu.memory_space<vmem>>
        %dma_wait3A_227 = arith.constant 0 : i32
        %dma_wait3A_228 = tpu.memref_slice %arg14[%run_scoped3A_204, %dma_wait3A_227] : memref<8x128xi32, #tpu.memory_space<vmem>> -> memref<1x128xi32, #tpu.memory_space<vmem>>
        %dma_wait3A_229 = tpu.memref_squeeze %dma_wait3A_228 : memref<1x128xi32, #tpu.memory_space<vmem>> -> memref<128xi32, #tpu.memory_space<vmem>>
        %dma_wait3A_230 = arith.constant 0 : i32
        %dma_wait3A_231 = arith.constant 0 : i32
        %dma_wait3A_232 = tpu.memref_slice %arg10[%dma_wait3A_230, %dma_wait3A_231] : memref<100000x8xf32, #tpu.memory_space<vmem_shared>> -> memref<100000x8xf32, #tpu.memory_space<vmem_shared>>
        tpu.wait_indirect_dma semaphore(%run_scoped3A_214 : memref<!tpu.dma_semaphore, #tpu.memory_space<semaphore_mem>>) src(%dma_wait3A_226 : memref<128x8xf32, #tpu.memory_space<vmem>>) dst(%dma_wait3A_232 : memref<100000x8xf32, #tpu.memory_space<vmem_shared>>)
        tpu.yield
      }) : () -> ()
      %run_scoped3A_205 = arith.constant 6 : i32
      %run_scoped3A_206 = arith.constant 6 : i32
      "tpu.region"() ({
        %run_scoped3A_214 = tpu.sem_alloc : memref<!tpu.dma_semaphore, #tpu.memory_space<semaphore_mem>>
        %dma_start3A = arith.constant 0 : i32
        %dma_start3A_215 = arith.constant 0 : i32
        %dma_start3A_216 = tpu.memref_slice %arg11[%run_scoped3A_205, %dma_start3A, %dma_start3A_215] : memref<8x128x8xf32, #tpu.memory_space<vmem>> -> memref<1x128x8xf32, #tpu.memory_space<vmem>>
        %dma_start3A_217 = tpu.memref_squeeze %dma_start3A_216 : memref<1x128x8xf32, #tpu.memory_space<vmem>> -> memref<128x8xf32, #tpu.memory_space<vmem>>
        %dma_start3A_218 = arith.constant 0 : i32
        %dma_start3A_219 = tpu.memref_slice %arg13[%run_scoped3A_206, %dma_start3A_218] : memref<8x128xi32, #tpu.memory_space<vmem>> -> memref<1x128xi32, #tpu.memory_space<vmem>>
        %dma_start3A_220 = tpu.memref_squeeze %dma_start3A_219 : memref<1x128xi32, #tpu.memory_space<vmem>> -> memref<128xi32, #tpu.memory_space<vmem>>
        %dma_start3A_221 = arith.constant 0 : i32
        %dma_start3A_222 = arith.constant 0 : i32
        %dma_start3A_223 = tpu.memref_slice %arg10[%dma_start3A_221, %dma_start3A_222] : memref<100000x8xf32, #tpu.memory_space<vmem_shared>> -> memref<100000x8xf32, #tpu.memory_space<vmem_shared>>
        tpu.enqueue_indirect_dma source(%dma_start3A_217 : memref<128x8xf32, #tpu.memory_space<vmem>>) target(%dma_start3A_223 : memref<100000x8xf32, #tpu.memory_space<vmem_shared>>) offsets(%dma_start3A_220 : memref<128xi32, #tpu.memory_space<vmem>>) semaphore(%run_scoped3A_214 : memref<!tpu.dma_semaphore, #tpu.memory_space<semaphore_mem>>) {add = true}
        %dma_wait3A = arith.constant 0 : i32
        %dma_wait3A_224 = arith.constant 0 : i32
        %dma_wait3A_225 = tpu.memref_slice %arg11[%run_scoped3A_205, %dma_wait3A, %dma_wait3A_224] : memref<8x128x8xf32, #tpu.memory_space<vmem>> -> memref<1x128x8xf32, #tpu.memory_space<vmem>>
        %dma_wait3A_226 = tpu.memref_squeeze %dma_wait3A_225 : memref<1x128x8xf32, #tpu.memory_space<vmem>> -> memref<128x8xf32, #tpu.memory_space<vmem>>
        %dma_wait3A_227 = arith.constant 0 : i32
        %dma_wait3A_228 = tpu.memref_slice %arg13[%run_scoped3A_206, %dma_wait3A_227] : memref<8x128xi32, #tpu.memory_space<vmem>> -> memref<1x128xi32, #tpu.memory_space<vmem>>
        %dma_wait3A_229 = tpu.memref_squeeze %dma_wait3A_228 : memref<1x128xi32, #tpu.memory_space<vmem>> -> memref<128xi32, #tpu.memory_space<vmem>>
        %dma_wait3A_230 = arith.constant 0 : i32
        %dma_wait3A_231 = arith.constant 0 : i32
        %dma_wait3A_232 = tpu.memref_slice %arg10[%dma_wait3A_230, %dma_wait3A_231] : memref<100000x8xf32, #tpu.memory_space<vmem_shared>> -> memref<100000x8xf32, #tpu.memory_space<vmem_shared>>
        tpu.wait_indirect_dma semaphore(%run_scoped3A_214 : memref<!tpu.dma_semaphore, #tpu.memory_space<semaphore_mem>>) src(%dma_wait3A_226 : memref<128x8xf32, #tpu.memory_space<vmem>>) dst(%dma_wait3A_232 : memref<100000x8xf32, #tpu.memory_space<vmem_shared>>)
        tpu.yield
      }) : () -> ()
      %run_scoped3A_207 = arith.constant 6 : i32
      %run_scoped3A_208 = arith.constant 6 : i32
      "tpu.region"() ({
        %run_scoped3A_214 = tpu.sem_alloc : memref<!tpu.dma_semaphore, #tpu.memory_space<semaphore_mem>>
        %dma_start3A = arith.constant 0 : i32
        %dma_start3A_215 = arith.constant 0 : i32
        %dma_start3A_216 = tpu.memref_slice %arg11[%run_scoped3A_207, %dma_start3A, %dma_start3A_215] : memref<8x128x8xf32, #tpu.memory_space<vmem>> -> memref<1x128x8xf32, #tpu.memory_space<vmem>>
        %dma_start3A_217 = tpu.memref_squeeze %dma_start3A_216 : memref<1x128x8xf32, #tpu.memory_space<vmem>> -> memref<128x8xf32, #tpu.memory_space<vmem>>
        %dma_start3A_218 = arith.constant 0 : i32
        %dma_start3A_219 = tpu.memref_slice %arg14[%run_scoped3A_208, %dma_start3A_218] : memref<8x128xi32, #tpu.memory_space<vmem>> -> memref<1x128xi32, #tpu.memory_space<vmem>>
        %dma_start3A_220 = tpu.memref_squeeze %dma_start3A_219 : memref<1x128xi32, #tpu.memory_space<vmem>> -> memref<128xi32, #tpu.memory_space<vmem>>
        %dma_start3A_221 = arith.constant 0 : i32
        %dma_start3A_222 = arith.constant 0 : i32
        %dma_start3A_223 = tpu.memref_slice %arg10[%dma_start3A_221, %dma_start3A_222] : memref<100000x8xf32, #tpu.memory_space<vmem_shared>> -> memref<100000x8xf32, #tpu.memory_space<vmem_shared>>
        tpu.enqueue_indirect_dma source(%dma_start3A_217 : memref<128x8xf32, #tpu.memory_space<vmem>>) target(%dma_start3A_223 : memref<100000x8xf32, #tpu.memory_space<vmem_shared>>) offsets(%dma_start3A_220 : memref<128xi32, #tpu.memory_space<vmem>>) semaphore(%run_scoped3A_214 : memref<!tpu.dma_semaphore, #tpu.memory_space<semaphore_mem>>) {add = true}
        %dma_wait3A = arith.constant 0 : i32
        %dma_wait3A_224 = arith.constant 0 : i32
        %dma_wait3A_225 = tpu.memref_slice %arg11[%run_scoped3A_207, %dma_wait3A, %dma_wait3A_224] : memref<8x128x8xf32, #tpu.memory_space<vmem>> -> memref<1x128x8xf32, #tpu.memory_space<vmem>>
        %dma_wait3A_226 = tpu.memref_squeeze %dma_wait3A_225 : memref<1x128x8xf32, #tpu.memory_space<vmem>> -> memref<128x8xf32, #tpu.memory_space<vmem>>
        %dma_wait3A_227 = arith.constant 0 : i32
        %dma_wait3A_228 = tpu.memref_slice %arg14[%run_scoped3A_208, %dma_wait3A_227] : memref<8x128xi32, #tpu.memory_space<vmem>> -> memref<1x128xi32, #tpu.memory_space<vmem>>
        %dma_wait3A_229 = tpu.memref_squeeze %dma_wait3A_228 : memref<1x128xi32, #tpu.memory_space<vmem>> -> memref<128xi32, #tpu.memory_space<vmem>>
        %dma_wait3A_230 = arith.constant 0 : i32
        %dma_wait3A_231 = arith.constant 0 : i32
        %dma_wait3A_232 = tpu.memref_slice %arg10[%dma_wait3A_230, %dma_wait3A_231] : memref<100000x8xf32, #tpu.memory_space<vmem_shared>> -> memref<100000x8xf32, #tpu.memory_space<vmem_shared>>
        tpu.wait_indirect_dma semaphore(%run_scoped3A_214 : memref<!tpu.dma_semaphore, #tpu.memory_space<semaphore_mem>>) src(%dma_wait3A_226 : memref<128x8xf32, #tpu.memory_space<vmem>>) dst(%dma_wait3A_232 : memref<100000x8xf32, #tpu.memory_space<vmem_shared>>)
        tpu.yield
      }) : () -> ()
      %run_scoped3A_209 = arith.constant 7 : i32
      %run_scoped3A_210 = arith.constant 7 : i32
      "tpu.region"() ({
        %run_scoped3A_214 = tpu.sem_alloc : memref<!tpu.dma_semaphore, #tpu.memory_space<semaphore_mem>>
        %dma_start3A = arith.constant 0 : i32
        %dma_start3A_215 = arith.constant 0 : i32
        %dma_start3A_216 = tpu.memref_slice %arg11[%run_scoped3A_209, %dma_start3A, %dma_start3A_215] : memref<8x128x8xf32, #tpu.memory_space<vmem>> -> memref<1x128x8xf32, #tpu.memory_space<vmem>>
        %dma_start3A_217 = tpu.memref_squeeze %dma_start3A_216 : memref<1x128x8xf32, #tpu.memory_space<vmem>> -> memref<128x8xf32, #tpu.memory_space<vmem>>
        %dma_start3A_218 = arith.constant 0 : i32
        %dma_start3A_219 = tpu.memref_slice %arg13[%run_scoped3A_210, %dma_start3A_218] : memref<8x128xi32, #tpu.memory_space<vmem>> -> memref<1x128xi32, #tpu.memory_space<vmem>>
        %dma_start3A_220 = tpu.memref_squeeze %dma_start3A_219 : memref<1x128xi32, #tpu.memory_space<vmem>> -> memref<128xi32, #tpu.memory_space<vmem>>
        %dma_start3A_221 = arith.constant 0 : i32
        %dma_start3A_222 = arith.constant 0 : i32
        %dma_start3A_223 = tpu.memref_slice %arg10[%dma_start3A_221, %dma_start3A_222] : memref<100000x8xf32, #tpu.memory_space<vmem_shared>> -> memref<100000x8xf32, #tpu.memory_space<vmem_shared>>
        tpu.enqueue_indirect_dma source(%dma_start3A_217 : memref<128x8xf32, #tpu.memory_space<vmem>>) target(%dma_start3A_223 : memref<100000x8xf32, #tpu.memory_space<vmem_shared>>) offsets(%dma_start3A_220 : memref<128xi32, #tpu.memory_space<vmem>>) semaphore(%run_scoped3A_214 : memref<!tpu.dma_semaphore, #tpu.memory_space<semaphore_mem>>) {add = true}
        %dma_wait3A = arith.constant 0 : i32
        %dma_wait3A_224 = arith.constant 0 : i32
        %dma_wait3A_225 = tpu.memref_slice %arg11[%run_scoped3A_209, %dma_wait3A, %dma_wait3A_224] : memref<8x128x8xf32, #tpu.memory_space<vmem>> -> memref<1x128x8xf32, #tpu.memory_space<vmem>>
        %dma_wait3A_226 = tpu.memref_squeeze %dma_wait3A_225 : memref<1x128x8xf32, #tpu.memory_space<vmem>> -> memref<128x8xf32, #tpu.memory_space<vmem>>
        %dma_wait3A_227 = arith.constant 0 : i32
        %dma_wait3A_228 = tpu.memref_slice %arg13[%run_scoped3A_210, %dma_wait3A_227] : memref<8x128xi32, #tpu.memory_space<vmem>> -> memref<1x128xi32, #tpu.memory_space<vmem>>
        %dma_wait3A_229 = tpu.memref_squeeze %dma_wait3A_228 : memref<1x128xi32, #tpu.memory_space<vmem>> -> memref<128xi32, #tpu.memory_space<vmem>>
        %dma_wait3A_230 = arith.constant 0 : i32
        %dma_wait3A_231 = arith.constant 0 : i32
        %dma_wait3A_232 = tpu.memref_slice %arg10[%dma_wait3A_230, %dma_wait3A_231] : memref<100000x8xf32, #tpu.memory_space<vmem_shared>> -> memref<100000x8xf32, #tpu.memory_space<vmem_shared>>
        tpu.wait_indirect_dma semaphore(%run_scoped3A_214 : memref<!tpu.dma_semaphore, #tpu.memory_space<semaphore_mem>>) src(%dma_wait3A_226 : memref<128x8xf32, #tpu.memory_space<vmem>>) dst(%dma_wait3A_232 : memref<100000x8xf32, #tpu.memory_space<vmem_shared>>)
        tpu.yield
      }) : () -> ()
      %run_scoped3A_211 = arith.constant 7 : i32
      %run_scoped3A_212 = arith.constant 7 : i32
      "tpu.region"() ({
        %run_scoped3A_214 = tpu.sem_alloc : memref<!tpu.dma_semaphore, #tpu.memory_space<semaphore_mem>>
        %dma_start3A = arith.constant 0 : i32
        %dma_start3A_215 = arith.constant 0 : i32
        %dma_start3A_216 = tpu.memref_slice %arg11[%run_scoped3A_211, %dma_start3A, %dma_start3A_215] : memref<8x128x8xf32, #tpu.memory_space<vmem>> -> memref<1x128x8xf32, #tpu.memory_space<vmem>>
        %dma_start3A_217 = tpu.memref_squeeze %dma_start3A_216 : memref<1x128x8xf32, #tpu.memory_space<vmem>> -> memref<128x8xf32, #tpu.memory_space<vmem>>
        %dma_start3A_218 = arith.constant 0 : i32
        %dma_start3A_219 = tpu.memref_slice %arg14[%run_scoped3A_212, %dma_start3A_218] : memref<8x128xi32, #tpu.memory_space<vmem>> -> memref<1x128xi32, #tpu.memory_space<vmem>>
        %dma_start3A_220 = tpu.memref_squeeze %dma_start3A_219 : memref<1x128xi32, #tpu.memory_space<vmem>> -> memref<128xi32, #tpu.memory_space<vmem>>
        %dma_start3A_221 = arith.constant 0 : i32
        %dma_start3A_222 = arith.constant 0 : i32
        %dma_start3A_223 = tpu.memref_slice %arg10[%dma_start3A_221, %dma_start3A_222] : memref<100000x8xf32, #tpu.memory_space<vmem_shared>> -> memref<100000x8xf32, #tpu.memory_space<vmem_shared>>
        tpu.enqueue_indirect_dma source(%dma_start3A_217 : memref<128x8xf32, #tpu.memory_space<vmem>>) target(%dma_start3A_223 : memref<100000x8xf32, #tpu.memory_space<vmem_shared>>) offsets(%dma_start3A_220 : memref<128xi32, #tpu.memory_space<vmem>>) semaphore(%run_scoped3A_214 : memref<!tpu.dma_semaphore, #tpu.memory_space<semaphore_mem>>) {add = true}
        %dma_wait3A = arith.constant 0 : i32
        %dma_wait3A_224 = arith.constant 0 : i32
        %dma_wait3A_225 = tpu.memref_slice %arg11[%run_scoped3A_211, %dma_wait3A, %dma_wait3A_224] : memref<8x128x8xf32, #tpu.memory_space<vmem>> -> memref<1x128x8xf32, #tpu.memory_space<vmem>>
        %dma_wait3A_226 = tpu.memref_squeeze %dma_wait3A_225 : memref<1x128x8xf32, #tpu.memory_space<vmem>> -> memref<128x8xf32, #tpu.memory_space<vmem>>
        %dma_wait3A_227 = arith.constant 0 : i32
        %dma_wait3A_228 = tpu.memref_slice %arg14[%run_scoped3A_212, %dma_wait3A_227] : memref<8x128xi32, #tpu.memory_space<vmem>> -> memref<1x128xi32, #tpu.memory_space<vmem>>
        %dma_wait3A_229 = tpu.memref_squeeze %dma_wait3A_228 : memref<1x128xi32, #tpu.memory_space<vmem>> -> memref<128xi32, #tpu.memory_space<vmem>>
        %dma_wait3A_230 = arith.constant 0 : i32
        %dma_wait3A_231 = arith.constant 0 : i32
        %dma_wait3A_232 = tpu.memref_slice %arg10[%dma_wait3A_230, %dma_wait3A_231] : memref<100000x8xf32, #tpu.memory_space<vmem_shared>> -> memref<100000x8xf32, #tpu.memory_space<vmem_shared>>
        tpu.wait_indirect_dma semaphore(%run_scoped3A_214 : memref<!tpu.dma_semaphore, #tpu.memory_space<semaphore_mem>>) src(%dma_wait3A_226 : memref<128x8xf32, #tpu.memory_space<vmem>>) dst(%dma_wait3A_232 : memref<100000x8xf32, #tpu.memory_space<vmem_shared>>)
        tpu.yield
      }) : () -> ()
      %while3A_213 = arith.constant 0 : i32
      scf.yield %while3A_213 : i32
    }
    %sub3A_58 = arith.constant 1594 : i32
    %sub3A_59 = arith.subi %sub3A_58, %add3A : i32
    %jit3A_60 = arith.constant 32 : i32
    %div3A_61 = arith.divsi %sub3A_59, %jit3A_60 : i32
    %sign3A_62 = arith.constant 0 : i32
    %sign3A_63 = arith.cmpi sgt, %sub3A_59, %sign3A_62 : i32
    %sign3A_64 = arith.extui %sign3A_63 : i1 to i32
    %sign3A_65 = arith.constant 0 : i32
    %sign3A_66 = arith.cmpi slt, %sub3A_59, %sign3A_65 : i32
    %sign3A_67 = arith.extui %sign3A_66 : i1 to i32
    %sign3A_68 = arith.subi %sign3A_64, %sign3A_67 : i32
    %sign3A_69 = arith.constant 0 : i32
    %sign3A_70 = arith.cmpi sgt, %jit3A_60, %sign3A_69 : i32
    %sign3A_71 = arith.extui %sign3A_70 : i1 to i32
    %sign3A_72 = arith.constant 0 : i32
    %sign3A_73 = arith.cmpi slt, %jit3A_60, %sign3A_72 : i32
    %sign3A_74 = arith.extui %sign3A_73 : i1 to i32
    %sign3A_75 = arith.subi %sign3A_71, %sign3A_74 : i32
    %ne3A_76 = arith.cmpi ne, %sign3A_68, %sign3A_75 : i32
    %rem3A_77 = arith.remsi %sub3A_59, %jit3A_60 : i32
    %ne3A_78 = arith.constant 0 : i32
    %ne3A_79 = arith.cmpi ne, %rem3A_77, %ne3A_78 : i32
    %and3A_80 = arith.andi %ne3A_76, %ne3A_79 : i1
    %sub3A_81 = arith.constant 1 : i32
    %sub3A_82 = arith.subi %div3A_61, %sub3A_81 : i32
    %select_n3A_83 = arith.select %and3A_80, %sub3A_82, %div3A_61 : i32
    %while3A_84 = arith.constant 0 : i32
    %while3A_85 = arith.constant 0 : i32
    %while3A_86 = arith.subi %select_n3A_83, %while3A_84 : i32
    %while3A_87 = arith.addi %while3A_84, %while3A_86 : i32
    %while3A_88 = arith.constant 1 : i32
    %while3A_89 = arith.divsi %while3A_86, %while3A_88 : i32
    %while3A_90 = arith.muli %while3A_89, %while3A_88 : i32
    %while3A_91 = arith.addi %while3A_84, %while3A_90 : i32
    %while3A_92 = arith.constant 1 : i32
    %while3A_93 = scf.for %while3A_173 = %while3A_84 to %while3A_91 step %while3A_92 iter_args(%while3A_174 = %while3A_85) -> (i32)  : i32 {
      %mul3A_175 = arith.constant 32 : i32
      %mul3A_176 = arith.muli %mul3A_175, %while3A_173 : i32
      %add3A_177 = arith.addi %add3A, %mul3A_176 : i32
      %mul3A_178 = arith.constant 128 : i32
      %mul3A_179 = arith.muli %add3A_177, %mul3A_178 : i32
      "tpu.region"() ({
        %run_scoped3A = tpu.sem_alloc : memref<!tpu.dma_semaphore, #tpu.memory_space<semaphore_mem>>
        %dma_start3A_206 = tpu.memref_slice %arg5[%mul3A_179] : memref<200064xi32, #tpu.memory_space<hbm>> -> memref<128xi32, #tpu.memory_space<hbm>>
        %dma_start3A_207 = tpu.memref_slice %arg5[%mul3A_179] : memref<200064xi32, #tpu.memory_space<hbm>> -> memref<128xi32, #tpu.memory_space<hbm>>
        tpu.enqueue_dma source(%dma_start3A_207 : memref<128xi32, #tpu.memory_space<hbm>>) target(%arg15 : memref<128xi32, #tpu.memory_space<vmem>>) target_semaphore(%run_scoped3A : memref<!tpu.dma_semaphore, #tpu.memory_space<semaphore_mem>>)
        %dma_wait3A_208 = tpu.memref_slice %arg5[%mul3A_179] : memref<200064xi32, #tpu.memory_space<hbm>> -> memref<128xi32, #tpu.memory_space<hbm>>
        %dma_wait3A_209 = tpu.memref_slice %arg5[%mul3A_179] : memref<200064xi32, #tpu.memory_space<hbm>> -> memref<128xi32, #tpu.memory_space<hbm>>
        tpu.wait_dma2 semaphore(%run_scoped3A : memref<!tpu.dma_semaphore, #tpu.memory_space<semaphore_mem>>) src(%dma_wait3A_209 : memref<128xi32, #tpu.memory_space<hbm>>) dst(%arg15 : memref<128xi32, #tpu.memory_space<vmem>>)
        tpu.yield
      }) : () -> ()
      "tpu.region"() ({
        %run_scoped3A = tpu.sem_alloc : memref<!tpu.dma_semaphore, #tpu.memory_space<semaphore_mem>>
        %dma_start3A_206 = tpu.memref_slice %arg6[%mul3A_179] : memref<200064xi32, #tpu.memory_space<hbm>> -> memref<128xi32, #tpu.memory_space<hbm>>
        %dma_start3A_207 = tpu.memref_slice %arg6[%mul3A_179] : memref<200064xi32, #tpu.memory_space<hbm>> -> memref<128xi32, #tpu.memory_space<hbm>>
        tpu.enqueue_dma source(%dma_start3A_207 : memref<128xi32, #tpu.memory_space<hbm>>) target(%arg16 : memref<128xi32, #tpu.memory_space<vmem>>) target_semaphore(%run_scoped3A : memref<!tpu.dma_semaphore, #tpu.memory_space<semaphore_mem>>)
        %dma_wait3A_208 = tpu.memref_slice %arg6[%mul3A_179] : memref<200064xi32, #tpu.memory_space<hbm>> -> memref<128xi32, #tpu.memory_space<hbm>>
        %dma_wait3A_209 = tpu.memref_slice %arg6[%mul3A_179] : memref<200064xi32, #tpu.memory_space<hbm>> -> memref<128xi32, #tpu.memory_space<hbm>>
        tpu.wait_dma2 semaphore(%run_scoped3A : memref<!tpu.dma_semaphore, #tpu.memory_space<semaphore_mem>>) src(%dma_wait3A_209 : memref<128xi32, #tpu.memory_space<hbm>>) dst(%arg16 : memref<128xi32, #tpu.memory_space<vmem>>)
        tpu.yield
      }) : () -> ()
      "tpu.region"() ({
        %run_scoped3A = tpu.sem_alloc : memref<!tpu.dma_semaphore, #tpu.memory_space<semaphore_mem>>
        %dma_start3A_206 = tpu.memref_slice %arg7[%mul3A_179] : memref<200064xi32, #tpu.memory_space<hbm>> -> memref<128xi32, #tpu.memory_space<hbm>>
        %dma_start3A_207 = tpu.memref_slice %arg7[%mul3A_179] : memref<200064xi32, #tpu.memory_space<hbm>> -> memref<128xi32, #tpu.memory_space<hbm>>
        tpu.enqueue_dma source(%dma_start3A_207 : memref<128xi32, #tpu.memory_space<hbm>>) target(%arg17 : memref<128xi32, #tpu.memory_space<vmem>>) target_semaphore(%run_scoped3A : memref<!tpu.dma_semaphore, #tpu.memory_space<semaphore_mem>>)
        %dma_wait3A_208 = tpu.memref_slice %arg7[%mul3A_179] : memref<200064xi32, #tpu.memory_space<hbm>> -> memref<128xi32, #tpu.memory_space<hbm>>
        %dma_wait3A_209 = tpu.memref_slice %arg7[%mul3A_179] : memref<200064xi32, #tpu.memory_space<hbm>> -> memref<128xi32, #tpu.memory_space<hbm>>
        tpu.wait_dma2 semaphore(%run_scoped3A : memref<!tpu.dma_semaphore, #tpu.memory_space<semaphore_mem>>) src(%dma_wait3A_209 : memref<128xi32, #tpu.memory_space<hbm>>) dst(%arg17 : memref<128xi32, #tpu.memory_space<vmem>>)
        tpu.yield
      }) : () -> ()
      %dma_start3A = arith.constant 0 : i32
      %dma_start3A_180 = arith.constant 0 : i32
      %dma_start3A_181 = tpu.memref_slice %arg3[%dma_start3A, %dma_start3A_180] : memref<1600512x8xf32, #tpu.memory_space<hbm>> -> memref<1600512x8xf32, #tpu.memory_space<hbm>>
      tpu.enqueue_indirect_dma source(%dma_start3A_181 : memref<1600512x8xf32, #tpu.memory_space<hbm>>) target(%arg18 : memref<128x8xf32, #tpu.memory_space<vmem>>) offsets(%arg15 : memref<128xi32, #tpu.memory_space<vmem>>) semaphore(%arg23 : memref<!tpu.dma_semaphore, #tpu.memory_space<semaphore_mem>>)
      %dma_wait3A = arith.constant 0 : i32
      %dma_wait3A_182 = arith.constant 0 : i32
      %dma_wait3A_183 = tpu.memref_slice %arg3[%dma_wait3A, %dma_wait3A_182] : memref<1600512x8xf32, #tpu.memory_space<hbm>> -> memref<1600512x8xf32, #tpu.memory_space<hbm>>
      tpu.wait_indirect_dma semaphore(%arg23 : memref<!tpu.dma_semaphore, #tpu.memory_space<semaphore_mem>>) src(%dma_wait3A_183 : memref<1600512x8xf32, #tpu.memory_space<hbm>>) dst(%arg18 : memref<128x8xf32, #tpu.memory_space<vmem>>)
      %dma_start3A_184 = arith.constant 0 : i32
      %dma_start3A_185 = arith.constant 0 : i32
      %dma_start3A_186 = tpu.memref_slice %arg3[%dma_start3A_184, %dma_start3A_185] : memref<1600512x8xf32, #tpu.memory_space<hbm>> -> memref<1600512x8xf32, #tpu.memory_space<hbm>>
      tpu.enqueue_indirect_dma source(%dma_start3A_186 : memref<1600512x8xf32, #tpu.memory_space<hbm>>) target(%arg19 : memref<128x8xf32, #tpu.memory_space<vmem>>) offsets(%arg16 : memref<128xi32, #tpu.memory_space<vmem>>) semaphore(%arg23 : memref<!tpu.dma_semaphore, #tpu.memory_space<semaphore_mem>>)
      %dma_wait3A_187 = arith.constant 0 : i32
      %dma_wait3A_188 = arith.constant 0 : i32
      %dma_wait3A_189 = tpu.memref_slice %arg3[%dma_wait3A_187, %dma_wait3A_188] : memref<1600512x8xf32, #tpu.memory_space<hbm>> -> memref<1600512x8xf32, #tpu.memory_space<hbm>>
      tpu.wait_indirect_dma semaphore(%arg23 : memref<!tpu.dma_semaphore, #tpu.memory_space<semaphore_mem>>) src(%dma_wait3A_189 : memref<1600512x8xf32, #tpu.memory_space<hbm>>) dst(%arg19 : memref<128x8xf32, #tpu.memory_space<vmem>>)
      %dma_start3A_190 = arith.constant 0 : i32
      %dma_start3A_191 = arith.constant 0 : i32
      %dma_start3A_192 = tpu.memref_slice %arg3[%dma_start3A_190, %dma_start3A_191] : memref<1600512x8xf32, #tpu.memory_space<hbm>> -> memref<1600512x8xf32, #tpu.memory_space<hbm>>
      tpu.enqueue_indirect_dma source(%dma_start3A_192 : memref<1600512x8xf32, #tpu.memory_space<hbm>>) target(%arg20 : memref<128x8xf32, #tpu.memory_space<vmem>>) offsets(%arg17 : memref<128xi32, #tpu.memory_space<vmem>>) semaphore(%arg23 : memref<!tpu.dma_semaphore, #tpu.memory_space<semaphore_mem>>)
      %dma_wait3A_193 = arith.constant 0 : i32
      %dma_wait3A_194 = arith.constant 0 : i32
      %dma_wait3A_195 = tpu.memref_slice %arg3[%dma_wait3A_193, %dma_wait3A_194] : memref<1600512x8xf32, #tpu.memory_space<hbm>> -> memref<1600512x8xf32, #tpu.memory_space<hbm>>
      tpu.wait_indirect_dma semaphore(%arg23 : memref<!tpu.dma_semaphore, #tpu.memory_space<semaphore_mem>>) src(%dma_wait3A_195 : memref<1600512x8xf32, #tpu.memory_space<hbm>>) dst(%arg20 : memref<128x8xf32, #tpu.memory_space<vmem>>)
      %scan3A_196 = arith.constant 0 : i32
      %scan3A_197 = arith.constant 0 : i32
      %scan3A_198 = arith.constant 8 : i32
      %scan3A_199 = arith.addi %scan3A_197, %scan3A_198 : i32
      %scan3A_200 = arith.constant 1 : i32
      %scan3A_201 = scf.for %scan3A_206 = %scan3A_197 to %scan3A_199 step %scan3A_200 iter_args(%scan3A_207 = %scan3A_196) -> (i32)  : i32 {
        %mul3A_208 = arith.constant 16 : i32
        %mul3A_209 = arith.muli %mul3A_208, %scan3A_206 : i32
        %add3A_210 = vector.broadcast %mul3A_209 : i32 to vector<16xi32>
        %add3A_211 = arith.addi %add3A_210, %iota3A : vector<16xi32>
        %broadcast_in_dim3A_212 = arith.constant 0 : i32
        %broadcast_in_dim3A_213 = vector.broadcast %broadcast_in_dim3A_212 : i32 to vector<16xi32>
        %gather3A = tpu.vector_load_idx %arg18[%add3A_211, %broadcast_in_dim3A_213] : memref<128x8xf32, #tpu.memory_space<vmem>>[vector<16xi32>, vector<16xi32>], vector<16xf32>,
        %gather3A_214 = tpu.vector_load_idx %arg19[%add3A_211, %broadcast_in_dim3A_213] : memref<128x8xf32, #tpu.memory_space<vmem>>[vector<16xi32>, vector<16xi32>], vector<16xf32>,
        %add3A_215 = arith.addf %gather3A, %gather3A_214 : vector<16xf32>
        %gather3A_216 = tpu.vector_load_idx %arg20[%add3A_211, %broadcast_in_dim3A_213] : memref<128x8xf32, #tpu.memory_space<vmem>>[vector<16xi32>, vector<16xi32>], vector<16xf32>,
        %add3A_217 = arith.addf %add3A_215, %gather3A_216 : vector<16xf32>
        %div3A_218 = arith.constant 3.000000e+00 : f32
        %div3A_219 = vector.broadcast %div3A_218 : f32 to vector<16xf32>
        %div3A_220 = arith.divf %add3A_217, %div3A_219 : vector<16xf32>
        %mul3A_221 = arith.constant 48 : i32
        %mul3A_222 = arith.muli %mul3A_221, %scan3A_206 : i32
        %mul3A_223 = arith.constant 3 : i32
        %mul3A_224 = vector.broadcast %mul3A_223 : i32 to vector<16xi32>
        %mul3A_225 = arith.muli %mul3A_224, %iota3A : vector<16xi32>
        %add3A_226 = vector.broadcast %mul3A_222 : i32 to vector<16xi32>
        %add3A_227 = arith.addi %add3A_226, %mul3A_225 : vector<16xi32>
        %add3A_228 = arith.constant 0 : i32
        %add3A_229 = vector.broadcast %add3A_228 : i32 to vector<16xi32>
        %add3A_230 = arith.addi %add3A_227, %add3A_229 : vector<16xi32>
        tpu.vector_store_idx %arg21[%add3A_230], %div3A_220 : memref<384xf32, #tpu.memory_space<vmem>>[vector<16xi32>], vector<16xf32>,
        %broadcast_in_dim3A_231 = arith.constant 1 : i32
        %broadcast_in_dim3A_232 = vector.broadcast %broadcast_in_dim3A_231 : i32 to vector<16xi32>
        %gather3A_233 = tpu.vector_load_idx %arg18[%add3A_211, %broadcast_in_dim3A_232] : memref<128x8xf32, #tpu.memory_space<vmem>>[vector<16xi32>, vector<16xi32>], vector<16xf32>,
        %gather3A_234 = tpu.vector_load_idx %arg19[%add3A_211, %broadcast_in_dim3A_232] : memref<128x8xf32, #tpu.memory_space<vmem>>[vector<16xi32>, vector<16xi32>], vector<16xf32>,
        %add3A_235 = arith.addf %gather3A_233, %gather3A_234 : vector<16xf32>
        %gather3A_236 = tpu.vector_load_idx %arg20[%add3A_211, %broadcast_in_dim3A_232] : memref<128x8xf32, #tpu.memory_space<vmem>>[vector<16xi32>, vector<16xi32>], vector<16xf32>,
        %add3A_237 = arith.addf %add3A_235, %gather3A_236 : vector<16xf32>
        %div3A_238 = arith.constant 3.000000e+00 : f32
        %div3A_239 = vector.broadcast %div3A_238 : f32 to vector<16xf32>
        %div3A_240 = arith.divf %add3A_237, %div3A_239 : vector<16xf32>
        %mul3A_241 = arith.constant 48 : i32
        %mul3A_242 = arith.muli %mul3A_241, %scan3A_206 : i32
        %mul3A_243 = arith.constant 3 : i32
        %mul3A_244 = vector.broadcast %mul3A_243 : i32 to vector<16xi32>
        %mul3A_245 = arith.muli %mul3A_244, %iota3A : vector<16xi32>
        %add3A_246 = vector.broadcast %mul3A_242 : i32 to vector<16xi32>
        %add3A_247 = arith.addi %add3A_246, %mul3A_245 : vector<16xi32>
        %add3A_248 = arith.constant 1 : i32
        %add3A_249 = vector.broadcast %add3A_248 : i32 to vector<16xi32>
        %add3A_250 = arith.addi %add3A_247, %add3A_249 : vector<16xi32>
        tpu.vector_store_idx %arg21[%add3A_250], %div3A_240 : memref<384xf32, #tpu.memory_space<vmem>>[vector<16xi32>], vector<16xf32>,
        %broadcast_in_dim3A_251 = arith.constant 2 : i32
        %broadcast_in_dim3A_252 = vector.broadcast %broadcast_in_dim3A_251 : i32 to vector<16xi32>
        %gather3A_253 = tpu.vector_load_idx %arg18[%add3A_211, %broadcast_in_dim3A_252] : memref<128x8xf32, #tpu.memory_space<vmem>>[vector<16xi32>, vector<16xi32>], vector<16xf32>,
        %gather3A_254 = tpu.vector_load_idx %arg19[%add3A_211, %broadcast_in_dim3A_252] : memref<128x8xf32, #tpu.memory_space<vmem>>[vector<16xi32>, vector<16xi32>], vector<16xf32>,
        %add3A_255 = arith.addf %gather3A_253, %gather3A_254 : vector<16xf32>
        %gather3A_256 = tpu.vector_load_idx %arg20[%add3A_211, %broadcast_in_dim3A_252] : memref<128x8xf32, #tpu.memory_space<vmem>>[vector<16xi32>, vector<16xi32>], vector<16xf32>,
        %add3A_257 = arith.addf %add3A_255, %gather3A_256 : vector<16xf32>
        %div3A_258 = arith.constant 3.000000e+00 : f32
        %div3A_259 = vector.broadcast %div3A_258 : f32 to vector<16xf32>
        %div3A_260 = arith.divf %add3A_257, %div3A_259 : vector<16xf32>
        %mul3A_261 = arith.constant 48 : i32
        %mul3A_262 = arith.muli %mul3A_261, %scan3A_206 : i32
        %mul3A_263 = arith.constant 3 : i32
        %mul3A_264 = vector.broadcast %mul3A_263 : i32 to vector<16xi32>
        %mul3A_265 = arith.muli %mul3A_264, %iota3A : vector<16xi32>
        %add3A_266 = vector.broadcast %mul3A_262 : i32 to vector<16xi32>
        %add3A_267 = arith.addi %add3A_266, %mul3A_265 : vector<16xi32>
        %add3A_268 = arith.constant 2 : i32
        %add3A_269 = vector.broadcast %add3A_268 : i32 to vector<16xi32>
        %add3A_270 = arith.addi %add3A_267, %add3A_269 : vector<16xi32>
        tpu.vector_store_idx %arg21[%add3A_270], %div3A_260 : memref<384xf32, #tpu.memory_space<vmem>>[vector<16xi32>], vector<16xf32>,
        %scan3A_271 = arith.constant 0 : i32
        scf.yield %scan3A_271 : i32
      }
      %scan3A_202 = arith.constant 8 : i32
      %mul3A_203 = arith.constant 3 : i32
      %mul3A_204 = arith.muli %mul3A_203, %mul3A_179 : i32
      "tpu.region"() ({
        %run_scoped3A = tpu.sem_alloc : memref<!tpu.dma_semaphore, #tpu.memory_space<semaphore_mem>>
        %dma_start3A_206 = tpu.memref_slice %arg9[%mul3A_204] : memref<600192xf32, #tpu.memory_space<hbm>> -> memref<384xf32, #tpu.memory_space<hbm>>
        %dma_start3A_207 = tpu.memref_slice %arg9[%mul3A_204] : memref<600192xf32, #tpu.memory_space<hbm>> -> memref<384xf32, #tpu.memory_space<hbm>>
        tpu.enqueue_dma source(%arg21 : memref<384xf32, #tpu.memory_space<vmem>>) target(%dma_start3A_207 : memref<384xf32, #tpu.memory_space<hbm>>) target_semaphore(%run_scoped3A : memref<!tpu.dma_semaphore, #tpu.memory_space<semaphore_mem>>)
        %dma_wait3A_208 = tpu.memref_slice %arg9[%mul3A_204] : memref<600192xf32, #tpu.memory_space<hbm>> -> memref<384xf32, #tpu.memory_space<hbm>>
        %dma_wait3A_209 = tpu.memref_slice %arg9[%mul3A_204] : memref<600192xf32, #tpu.memory_space<hbm>> -> memref<384xf32, #tpu.memory_space<hbm>>
        tpu.wait_dma2 semaphore(%run_scoped3A : memref<!tpu.dma_semaphore, #tpu.memory_space<semaphore_mem>>) src(%arg21 : memref<384xf32, #tpu.memory_space<vmem>>) dst(%dma_wait3A_209 : memref<384xf32, #tpu.memory_space<hbm>>)
        tpu.yield
      }) : () -> ()
      %while3A_205 = arith.constant 0 : i32
      scf.yield %while3A_205 : i32
    }
    %while3A_94 = arith.constant 1 : i32
    %while3A_95 = scf.for %while3A_173 = %while3A_91 to %while3A_87 step %while3A_94 iter_args(%while3A_174 = %while3A_93) -> (i32)  : i32 {
      %mul3A_175 = arith.constant 32 : i32
      %mul3A_176 = arith.muli %mul3A_175, %while3A_173 : i32
      %add3A_177 = arith.addi %add3A, %mul3A_176 : i32
      %mul3A_178 = arith.constant 128 : i32
      %mul3A_179 = arith.muli %add3A_177, %mul3A_178 : i32
      "tpu.region"() ({
        %run_scoped3A = tpu.sem_alloc : memref<!tpu.dma_semaphore, #tpu.memory_space<semaphore_mem>>
        %dma_start3A_206 = tpu.memref_slice %arg5[%mul3A_179] : memref<200064xi32, #tpu.memory_space<hbm>> -> memref<128xi32, #tpu.memory_space<hbm>>
        %dma_start3A_207 = tpu.memref_slice %arg5[%mul3A_179] : memref<200064xi32, #tpu.memory_space<hbm>> -> memref<128xi32, #tpu.memory_space<hbm>>
        tpu.enqueue_dma source(%dma_start3A_207 : memref<128xi32, #tpu.memory_space<hbm>>) target(%arg15 : memref<128xi32, #tpu.memory_space<vmem>>) target_semaphore(%run_scoped3A : memref<!tpu.dma_semaphore, #tpu.memory_space<semaphore_mem>>)
        %dma_wait3A_208 = tpu.memref_slice %arg5[%mul3A_179] : memref<200064xi32, #tpu.memory_space<hbm>> -> memref<128xi32, #tpu.memory_space<hbm>>
        %dma_wait3A_209 = tpu.memref_slice %arg5[%mul3A_179] : memref<200064xi32, #tpu.memory_space<hbm>> -> memref<128xi32, #tpu.memory_space<hbm>>
        tpu.wait_dma2 semaphore(%run_scoped3A : memref<!tpu.dma_semaphore, #tpu.memory_space<semaphore_mem>>) src(%dma_wait3A_209 : memref<128xi32, #tpu.memory_space<hbm>>) dst(%arg15 : memref<128xi32, #tpu.memory_space<vmem>>)
        tpu.yield
      }) : () -> ()
      "tpu.region"() ({
        %run_scoped3A = tpu.sem_alloc : memref<!tpu.dma_semaphore, #tpu.memory_space<semaphore_mem>>
        %dma_start3A_206 = tpu.memref_slice %arg6[%mul3A_179] : memref<200064xi32, #tpu.memory_space<hbm>> -> memref<128xi32, #tpu.memory_space<hbm>>
        %dma_start3A_207 = tpu.memref_slice %arg6[%mul3A_179] : memref<200064xi32, #tpu.memory_space<hbm>> -> memref<128xi32, #tpu.memory_space<hbm>>
        tpu.enqueue_dma source(%dma_start3A_207 : memref<128xi32, #tpu.memory_space<hbm>>) target(%arg16 : memref<128xi32, #tpu.memory_space<vmem>>) target_semaphore(%run_scoped3A : memref<!tpu.dma_semaphore, #tpu.memory_space<semaphore_mem>>)
        %dma_wait3A_208 = tpu.memref_slice %arg6[%mul3A_179] : memref<200064xi32, #tpu.memory_space<hbm>> -> memref<128xi32, #tpu.memory_space<hbm>>
        %dma_wait3A_209 = tpu.memref_slice %arg6[%mul3A_179] : memref<200064xi32, #tpu.memory_space<hbm>> -> memref<128xi32, #tpu.memory_space<hbm>>
        tpu.wait_dma2 semaphore(%run_scoped3A : memref<!tpu.dma_semaphore, #tpu.memory_space<semaphore_mem>>) src(%dma_wait3A_209 : memref<128xi32, #tpu.memory_space<hbm>>) dst(%arg16 : memref<128xi32, #tpu.memory_space<vmem>>)
        tpu.yield
      }) : () -> ()
      "tpu.region"() ({
        %run_scoped3A = tpu.sem_alloc : memref<!tpu.dma_semaphore, #tpu.memory_space<semaphore_mem>>
        %dma_start3A_206 = tpu.memref_slice %arg7[%mul3A_179] : memref<200064xi32, #tpu.memory_space<hbm>> -> memref<128xi32, #tpu.memory_space<hbm>>
        %dma_start3A_207 = tpu.memref_slice %arg7[%mul3A_179] : memref<200064xi32, #tpu.memory_space<hbm>> -> memref<128xi32, #tpu.memory_space<hbm>>
        tpu.enqueue_dma source(%dma_start3A_207 : memref<128xi32, #tpu.memory_space<hbm>>) target(%arg17 : memref<128xi32, #tpu.memory_space<vmem>>) target_semaphore(%run_scoped3A : memref<!tpu.dma_semaphore, #tpu.memory_space<semaphore_mem>>)
        %dma_wait3A_208 = tpu.memref_slice %arg7[%mul3A_179] : memref<200064xi32, #tpu.memory_space<hbm>> -> memref<128xi32, #tpu.memory_space<hbm>>
        %dma_wait3A_209 = tpu.memref_slice %arg7[%mul3A_179] : memref<200064xi32, #tpu.memory_space<hbm>> -> memref<128xi32, #tpu.memory_space<hbm>>
        tpu.wait_dma2 semaphore(%run_scoped3A : memref<!tpu.dma_semaphore, #tpu.memory_space<semaphore_mem>>) src(%dma_wait3A_209 : memref<128xi32, #tpu.memory_space<hbm>>) dst(%arg17 : memref<128xi32, #tpu.memory_space<vmem>>)
        tpu.yield
      }) : () -> ()
      %dma_start3A = arith.constant 0 : i32
      %dma_start3A_180 = arith.constant 0 : i32
      %dma_start3A_181 = tpu.memref_slice %arg3[%dma_start3A, %dma_start3A_180] : memref<1600512x8xf32, #tpu.memory_space<hbm>> -> memref<1600512x8xf32, #tpu.memory_space<hbm>>
      tpu.enqueue_indirect_dma source(%dma_start3A_181 : memref<1600512x8xf32, #tpu.memory_space<hbm>>) target(%arg18 : memref<128x8xf32, #tpu.memory_space<vmem>>) offsets(%arg15 : memref<128xi32, #tpu.memory_space<vmem>>) semaphore(%arg23 : memref<!tpu.dma_semaphore, #tpu.memory_space<semaphore_mem>>)
      %dma_wait3A = arith.constant 0 : i32
      %dma_wait3A_182 = arith.constant 0 : i32
      %dma_wait3A_183 = tpu.memref_slice %arg3[%dma_wait3A, %dma_wait3A_182] : memref<1600512x8xf32, #tpu.memory_space<hbm>> -> memref<1600512x8xf32, #tpu.memory_space<hbm>>
      tpu.wait_indirect_dma semaphore(%arg23 : memref<!tpu.dma_semaphore, #tpu.memory_space<semaphore_mem>>) src(%dma_wait3A_183 : memref<1600512x8xf32, #tpu.memory_space<hbm>>) dst(%arg18 : memref<128x8xf32, #tpu.memory_space<vmem>>)
      %dma_start3A_184 = arith.constant 0 : i32
      %dma_start3A_185 = arith.constant 0 : i32
      %dma_start3A_186 = tpu.memref_slice %arg3[%dma_start3A_184, %dma_start3A_185] : memref<1600512x8xf32, #tpu.memory_space<hbm>> -> memref<1600512x8xf32, #tpu.memory_space<hbm>>
      tpu.enqueue_indirect_dma source(%dma_start3A_186 : memref<1600512x8xf32, #tpu.memory_space<hbm>>) target(%arg19 : memref<128x8xf32, #tpu.memory_space<vmem>>) offsets(%arg16 : memref<128xi32, #tpu.memory_space<vmem>>) semaphore(%arg23 : memref<!tpu.dma_semaphore, #tpu.memory_space<semaphore_mem>>)
      %dma_wait3A_187 = arith.constant 0 : i32
      %dma_wait3A_188 = arith.constant 0 : i32
      %dma_wait3A_189 = tpu.memref_slice %arg3[%dma_wait3A_187, %dma_wait3A_188] : memref<1600512x8xf32, #tpu.memory_space<hbm>> -> memref<1600512x8xf32, #tpu.memory_space<hbm>>
      tpu.wait_indirect_dma semaphore(%arg23 : memref<!tpu.dma_semaphore, #tpu.memory_space<semaphore_mem>>) src(%dma_wait3A_189 : memref<1600512x8xf32, #tpu.memory_space<hbm>>) dst(%arg19 : memref<128x8xf32, #tpu.memory_space<vmem>>)
      %dma_start3A_190 = arith.constant 0 : i32
      %dma_start3A_191 = arith.constant 0 : i32
      %dma_start3A_192 = tpu.memref_slice %arg3[%dma_start3A_190, %dma_start3A_191] : memref<1600512x8xf32, #tpu.memory_space<hbm>> -> memref<1600512x8xf32, #tpu.memory_space<hbm>>
      tpu.enqueue_indirect_dma source(%dma_start3A_192 : memref<1600512x8xf32, #tpu.memory_space<hbm>>) target(%arg20 : memref<128x8xf32, #tpu.memory_space<vmem>>) offsets(%arg17 : memref<128xi32, #tpu.memory_space<vmem>>) semaphore(%arg23 : memref<!tpu.dma_semaphore, #tpu.memory_space<semaphore_mem>>)
      %dma_wait3A_193 = arith.constant 0 : i32
      %dma_wait3A_194 = arith.constant 0 : i32
      %dma_wait3A_195 = tpu.memref_slice %arg3[%dma_wait3A_193, %dma_wait3A_194] : memref<1600512x8xf32, #tpu.memory_space<hbm>> -> memref<1600512x8xf32, #tpu.memory_space<hbm>>
      tpu.wait_indirect_dma semaphore(%arg23 : memref<!tpu.dma_semaphore, #tpu.memory_space<semaphore_mem>>) src(%dma_wait3A_195 : memref<1600512x8xf32, #tpu.memory_space<hbm>>) dst(%arg20 : memref<128x8xf32, #tpu.memory_space<vmem>>)
      %scan3A_196 = arith.constant 0 : i32
      %scan3A_197 = arith.constant 0 : i32
      %scan3A_198 = arith.constant 8 : i32
      %scan3A_199 = arith.addi %scan3A_197, %scan3A_198 : i32
      %scan3A_200 = arith.constant 1 : i32
      %scan3A_201 = scf.for %scan3A_206 = %scan3A_197 to %scan3A_199 step %scan3A_200 iter_args(%scan3A_207 = %scan3A_196) -> (i32)  : i32 {
        %mul3A_208 = arith.constant 16 : i32
        %mul3A_209 = arith.muli %mul3A_208, %scan3A_206 : i32
        %add3A_210 = vector.broadcast %mul3A_209 : i32 to vector<16xi32>
        %add3A_211 = arith.addi %add3A_210, %iota3A : vector<16xi32>
        %broadcast_in_dim3A_212 = arith.constant 0 : i32
        %broadcast_in_dim3A_213 = vector.broadcast %broadcast_in_dim3A_212 : i32 to vector<16xi32>
        %gather3A = tpu.vector_load_idx %arg18[%add3A_211, %broadcast_in_dim3A_213] : memref<128x8xf32, #tpu.memory_space<vmem>>[vector<16xi32>, vector<16xi32>], vector<16xf32>,
        %gather3A_214 = tpu.vector_load_idx %arg19[%add3A_211, %broadcast_in_dim3A_213] : memref<128x8xf32, #tpu.memory_space<vmem>>[vector<16xi32>, vector<16xi32>], vector<16xf32>,
        %add3A_215 = arith.addf %gather3A, %gather3A_214 : vector<16xf32>
        %gather3A_216 = tpu.vector_load_idx %arg20[%add3A_211, %broadcast_in_dim3A_213] : memref<128x8xf32, #tpu.memory_space<vmem>>[vector<16xi32>, vector<16xi32>], vector<16xf32>,
        %add3A_217 = arith.addf %add3A_215, %gather3A_216 : vector<16xf32>
        %div3A_218 = arith.constant 3.000000e+00 : f32
        %div3A_219 = vector.broadcast %div3A_218 : f32 to vector<16xf32>
        %div3A_220 = arith.divf %add3A_217, %div3A_219 : vector<16xf32>
        %mul3A_221 = arith.constant 48 : i32
        %mul3A_222 = arith.muli %mul3A_221, %scan3A_206 : i32
        %mul3A_223 = arith.constant 3 : i32
        %mul3A_224 = vector.broadcast %mul3A_223 : i32 to vector<16xi32>
        %mul3A_225 = arith.muli %mul3A_224, %iota3A : vector<16xi32>
        %add3A_226 = vector.broadcast %mul3A_222 : i32 to vector<16xi32>
        %add3A_227 = arith.addi %add3A_226, %mul3A_225 : vector<16xi32>
        %add3A_228 = arith.constant 0 : i32
        %add3A_229 = vector.broadcast %add3A_228 : i32 to vector<16xi32>
        %add3A_230 = arith.addi %add3A_227, %add3A_229 : vector<16xi32>
        tpu.vector_store_idx %arg21[%add3A_230], %div3A_220 : memref<384xf32, #tpu.memory_space<vmem>>[vector<16xi32>], vector<16xf32>,
        %broadcast_in_dim3A_231 = arith.constant 1 : i32
        %broadcast_in_dim3A_232 = vector.broadcast %broadcast_in_dim3A_231 : i32 to vector<16xi32>
        %gather3A_233 = tpu.vector_load_idx %arg18[%add3A_211, %broadcast_in_dim3A_232] : memref<128x8xf32, #tpu.memory_space<vmem>>[vector<16xi32>, vector<16xi32>], vector<16xf32>,
        %gather3A_234 = tpu.vector_load_idx %arg19[%add3A_211, %broadcast_in_dim3A_232] : memref<128x8xf32, #tpu.memory_space<vmem>>[vector<16xi32>, vector<16xi32>], vector<16xf32>,
        %add3A_235 = arith.addf %gather3A_233, %gather3A_234 : vector<16xf32>
        %gather3A_236 = tpu.vector_load_idx %arg20[%add3A_211, %broadcast_in_dim3A_232] : memref<128x8xf32, #tpu.memory_space<vmem>>[vector<16xi32>, vector<16xi32>], vector<16xf32>,
        %add3A_237 = arith.addf %add3A_235, %gather3A_236 : vector<16xf32>
        %div3A_238 = arith.constant 3.000000e+00 : f32
        %div3A_239 = vector.broadcast %div3A_238 : f32 to vector<16xf32>
        %div3A_240 = arith.divf %add3A_237, %div3A_239 : vector<16xf32>
        %mul3A_241 = arith.constant 48 : i32
        %mul3A_242 = arith.muli %mul3A_241, %scan3A_206 : i32
        %mul3A_243 = arith.constant 3 : i32
        %mul3A_244 = vector.broadcast %mul3A_243 : i32 to vector<16xi32>
        %mul3A_245 = arith.muli %mul3A_244, %iota3A : vector<16xi32>
        %add3A_246 = vector.broadcast %mul3A_242 : i32 to vector<16xi32>
        %add3A_247 = arith.addi %add3A_246, %mul3A_245 : vector<16xi32>
        %add3A_248 = arith.constant 1 : i32
        %add3A_249 = vector.broadcast %add3A_248 : i32 to vector<16xi32>
        %add3A_250 = arith.addi %add3A_247, %add3A_249 : vector<16xi32>
        tpu.vector_store_idx %arg21[%add3A_250], %div3A_240 : memref<384xf32, #tpu.memory_space<vmem>>[vector<16xi32>], vector<16xf32>,
        %broadcast_in_dim3A_251 = arith.constant 2 : i32
        %broadcast_in_dim3A_252 = vector.broadcast %broadcast_in_dim3A_251 : i32 to vector<16xi32>
        %gather3A_253 = tpu.vector_load_idx %arg18[%add3A_211, %broadcast_in_dim3A_252] : memref<128x8xf32, #tpu.memory_space<vmem>>[vector<16xi32>, vector<16xi32>], vector<16xf32>,
        %gather3A_254 = tpu.vector_load_idx %arg19[%add3A_211, %broadcast_in_dim3A_252] : memref<128x8xf32, #tpu.memory_space<vmem>>[vector<16xi32>, vector<16xi32>], vector<16xf32>,
        %add3A_255 = arith.addf %gather3A_253, %gather3A_254 : vector<16xf32>
        %gather3A_256 = tpu.vector_load_idx %arg20[%add3A_211, %broadcast_in_dim3A_252] : memref<128x8xf32, #tpu.memory_space<vmem>>[vector<16xi32>, vector<16xi32>], vector<16xf32>,
        %add3A_257 = arith.addf %add3A_255, %gather3A_256 : vector<16xf32>
        %div3A_258 = arith.constant 3.000000e+00 : f32
        %div3A_259 = vector.broadcast %div3A_258 : f32 to vector<16xf32>
        %div3A_260 = arith.divf %add3A_257, %div3A_259 : vector<16xf32>
        %mul3A_261 = arith.constant 48 : i32
        %mul3A_262 = arith.muli %mul3A_261, %scan3A_206 : i32
        %mul3A_263 = arith.constant 3 : i32
        %mul3A_264 = vector.broadcast %mul3A_263 : i32 to vector<16xi32>
        %mul3A_265 = arith.muli %mul3A_264, %iota3A : vector<16xi32>
        %add3A_266 = vector.broadcast %mul3A_262 : i32 to vector<16xi32>
        %add3A_267 = arith.addi %add3A_266, %mul3A_265 : vector<16xi32>
        %add3A_268 = arith.constant 2 : i32
        %add3A_269 = vector.broadcast %add3A_268 : i32 to vector<16xi32>
        %add3A_270 = arith.addi %add3A_267, %add3A_269 : vector<16xi32>
        tpu.vector_store_idx %arg21[%add3A_270], %div3A_260 : memref<384xf32, #tpu.memory_space<vmem>>[vector<16xi32>], vector<16xf32>,
        %scan3A_271 = arith.constant 0 : i32
        scf.yield %scan3A_271 : i32
      }
      %scan3A_202 = arith.constant 8 : i32
      %mul3A_203 = arith.constant 3 : i32
      %mul3A_204 = arith.muli %mul3A_203, %mul3A_179 : i32
      "tpu.region"() ({
        %run_scoped3A = tpu.sem_alloc : memref<!tpu.dma_semaphore, #tpu.memory_space<semaphore_mem>>
        %dma_start3A_206 = tpu.memref_slice %arg9[%mul3A_204] : memref<600192xf32, #tpu.memory_space<hbm>> -> memref<384xf32, #tpu.memory_space<hbm>>
        %dma_start3A_207 = tpu.memref_slice %arg9[%mul3A_204] : memref<600192xf32, #tpu.memory_space<hbm>> -> memref<384xf32, #tpu.memory_space<hbm>>
        tpu.enqueue_dma source(%arg21 : memref<384xf32, #tpu.memory_space<vmem>>) target(%dma_start3A_207 : memref<384xf32, #tpu.memory_space<hbm>>) target_semaphore(%run_scoped3A : memref<!tpu.dma_semaphore, #tpu.memory_space<semaphore_mem>>)
        %dma_wait3A_208 = tpu.memref_slice %arg9[%mul3A_204] : memref<600192xf32, #tpu.memory_space<hbm>> -> memref<384xf32, #tpu.memory_space<hbm>>
        %dma_wait3A_209 = tpu.memref_slice %arg9[%mul3A_204] : memref<600192xf32, #tpu.memory_space<hbm>> -> memref<384xf32, #tpu.memory_space<hbm>>
        tpu.wait_dma2 semaphore(%run_scoped3A : memref<!tpu.dma_semaphore, #tpu.memory_space<semaphore_mem>>) src(%arg21 : memref<384xf32, #tpu.memory_space<vmem>>) dst(%dma_wait3A_209 : memref<384xf32, #tpu.memory_space<hbm>>)
        tpu.yield
      }) : () -> ()
      %while3A_205 = arith.constant 0 : i32
      scf.yield %while3A_205 : i32
    }
    %barrier3A_96 = arith.constant 0 : index
    tpu.barrier barrier_id(%barrier3A_96)
    %add3A_97 = arith.constant 0 : i32
    %add3A_98 = arith.addi %mul3A_9, %add3A_97 : i32
    "tpu.region"() ({
      %run_scoped3A = tpu.sem_alloc : memref<!tpu.dma_semaphore, #tpu.memory_space<semaphore_mem>>
      %dma_start3A = arith.constant 0 : i32
      %dma_start3A_173 = arith.constant 0 : i32
      %dma_start3A_174 = tpu.memref_slice %arg12[%dma_start3A, %dma_start3A_173] : memref<1024x8xf32, #tpu.memory_space<vmem>> -> memref<1024x8xf32, #tpu.memory_space<vmem>>
      %dma_start3A_175 = arith.constant 0 : i32
      %dma_start3A_176 = tpu.memref_slice %arg10[%add3A_98, %dma_start3A_175] : memref<100000x8xf32, #tpu.memory_space<vmem_shared>> -> memref<1024x8xf32, #tpu.memory_space<vmem_shared>>
      %dma_start3A_177 = arith.constant 0 : i32
      %dma_start3A_178 = arith.constant 0 : i32
      %dma_start3A_179 = tpu.memref_slice %arg12[%dma_start3A_177, %dma_start3A_178] : memref<1024x8xf32, #tpu.memory_space<vmem>> -> memref<1024x8xf32, #tpu.memory_space<vmem>>
      %dma_start3A_180 = arith.constant 0 : i32
      %dma_start3A_181 = tpu.memref_slice %arg10[%add3A_98, %dma_start3A_180] : memref<100000x8xf32, #tpu.memory_space<vmem_shared>> -> memref<1024x8xf32, #tpu.memory_space<vmem_shared>>
      tpu.enqueue_dma source(%dma_start3A_181 : memref<1024x8xf32, #tpu.memory_space<vmem_shared>>) target(%dma_start3A_179 : memref<1024x8xf32, #tpu.memory_space<vmem>>) target_semaphore(%run_scoped3A : memref<!tpu.dma_semaphore, #tpu.memory_space<semaphore_mem>>)
      %dma_wait3A = arith.constant 0 : i32
      %dma_wait3A_182 = arith.constant 0 : i32
      %dma_wait3A_183 = tpu.memref_slice %arg12[%dma_wait3A, %dma_wait3A_182] : memref<1024x8xf32, #tpu.memory_space<vmem>> -> memref<1024x8xf32, #tpu.memory_space<vmem>>
      %dma_wait3A_184 = arith.constant 0 : i32
      %dma_wait3A_185 = tpu.memref_slice %arg10[%add3A_98, %dma_wait3A_184] : memref<100000x8xf32, #tpu.memory_space<vmem_shared>> -> memref<1024x8xf32, #tpu.memory_space<vmem_shared>>
      %dma_wait3A_186 = arith.constant 0 : i32
      %dma_wait3A_187 = arith.constant 0 : i32
      %dma_wait3A_188 = tpu.memref_slice %arg12[%dma_wait3A_186, %dma_wait3A_187] : memref<1024x8xf32, #tpu.memory_space<vmem>> -> memref<1024x8xf32, #tpu.memory_space<vmem>>
      %dma_wait3A_189 = arith.constant 0 : i32
      %dma_wait3A_190 = tpu.memref_slice %arg10[%add3A_98, %dma_wait3A_189] : memref<100000x8xf32, #tpu.memory_space<vmem_shared>> -> memref<1024x8xf32, #tpu.memory_space<vmem_shared>>
      tpu.wait_dma2 semaphore(%run_scoped3A : memref<!tpu.dma_semaphore, #tpu.memory_space<semaphore_mem>>) src(%dma_wait3A_190 : memref<1024x8xf32, #tpu.memory_space<vmem_shared>>) dst(%dma_wait3A_188 : memref<1024x8xf32, #tpu.memory_space<vmem>>)
      tpu.yield
    }) : () -> ()
    %scan3A_99 = arith.constant 0 : i32
    %scan3A_100 = arith.constant 0 : i32
    %scan3A_101 = arith.constant 256 : i32
    %scan3A_102 = arith.addi %scan3A_100, %scan3A_101 : i32
    %scan3A_103 = arith.constant 1 : i32
    %scan3A_104 = scf.for %scan3A_173 = %scan3A_100 to %scan3A_102 step %scan3A_103 iter_args(%scan3A_174 = %scan3A_99) -> (i32)  : i32 {
      %mul3A_175 = arith.constant 16 : i32
      %mul3A_176 = arith.muli %mul3A_175, %scan3A_173 : i32
      %add3A_177 = vector.broadcast %mul3A_176 : i32 to vector<16xi32>
      %add3A_178 = arith.addi %add3A_177, %iota3A : vector<16xi32>
      %jit3A_179 = arith.constant 4 : i32
      %div3A_180 = vector.broadcast %jit3A_179 : i32 to vector<16xi32>
      %div3A_181 = arith.divsi %add3A_178, %div3A_180 : vector<16xi32>
      %sign3A_182 = arith.constant 0 : i32
      %sign3A_183 = vector.broadcast %sign3A_182 : i32 to vector<16xi32>
      %sign3A_184 = arith.cmpi sgt, %add3A_178, %sign3A_183 : vector<16xi32>
      %sign3A_185 = arith.extui %sign3A_184 : vector<16xi1> to vector<16xi32>
      %sign3A_186 = arith.constant 0 : i32
      %sign3A_187 = vector.broadcast %sign3A_186 : i32 to vector<16xi32>
      %sign3A_188 = arith.cmpi slt, %add3A_178, %sign3A_187 : vector<16xi32>
      %sign3A_189 = arith.extui %sign3A_188 : vector<16xi1> to vector<16xi32>
      %sign3A_190 = arith.subi %sign3A_185, %sign3A_189 : vector<16xi32>
      %sign3A_191 = arith.constant 0 : i32
      %sign3A_192 = arith.cmpi sgt, %jit3A_179, %sign3A_191 : i32
      %sign3A_193 = arith.extui %sign3A_192 : i1 to i32
      %sign3A_194 = arith.constant 0 : i32
      %sign3A_195 = arith.cmpi slt, %jit3A_179, %sign3A_194 : i32
      %sign3A_196 = arith.extui %sign3A_195 : i1 to i32
      %sign3A_197 = arith.subi %sign3A_193, %sign3A_196 : i32
      %ne3A_198 = vector.broadcast %sign3A_197 : i32 to vector<16xi32>
      %ne3A_199 = arith.cmpi ne, %sign3A_190, %ne3A_198 : vector<16xi32>
      %rem3A_200 = vector.broadcast %jit3A_179 : i32 to vector<16xi32>
      %rem3A_201 = arith.remsi %add3A_178, %rem3A_200 : vector<16xi32>
      %ne3A_202 = arith.constant 0 : i32
      %ne3A_203 = vector.broadcast %ne3A_202 : i32 to vector<16xi32>
      %ne3A_204 = arith.cmpi ne, %rem3A_201, %ne3A_203 : vector<16xi32>
      %and3A_205 = arith.andi %ne3A_199, %ne3A_204 : vector<16xi1>
      %sub3A_206 = arith.constant 1 : i32
      %sub3A_207 = vector.broadcast %sub3A_206 : i32 to vector<16xi32>
      %sub3A_208 = arith.subi %div3A_181, %sub3A_207 : vector<16xi32>
      %select_n3A_209 = arith.select %and3A_205, %sub3A_208, %div3A_181 : vector<16xi1>, vector<16xi32>
      %jit3A_210 = arith.constant 4 : i32
      %eq3A_211 = arith.constant 0 : i32
      %eq3A_212 = arith.cmpi eq, %jit3A_210, %eq3A_211 : i32
      %jit3A_213 = arith.constant 1 : i32
      %select_n3A_214 = arith.select %eq3A_212, %jit3A_213, %jit3A_210 : i32
      %rem3A_215 = vector.broadcast %select_n3A_214 : i32 to vector<16xi32>
      %rem3A_216 = arith.remsi %add3A_178, %rem3A_215 : vector<16xi32>
      %ne3A_217 = arith.constant 0 : i32
      %ne3A_218 = vector.broadcast %ne3A_217 : i32 to vector<16xi32>
      %ne3A_219 = arith.cmpi ne, %rem3A_216, %ne3A_218 : vector<16xi32>
      %lt3A = arith.constant 0 : i32
      %lt3A_220 = vector.broadcast %lt3A : i32 to vector<16xi32>
      %lt3A_221 = arith.cmpi slt, %rem3A_216, %lt3A_220 : vector<16xi32>
      %lt3A_222 = arith.constant 0 : i32
      %lt3A_223 = arith.cmpi slt, %select_n3A_214, %lt3A_222 : i32
      %ne3A_224 = vector.broadcast %lt3A_223 : i1 to vector<16xi1>
      %ne3A_225 = vector.broadcast %ne3A_224 : vector<16xi1> to vector<16xi1>
      %ne3A_226 = arith.xori %lt3A_221, %ne3A_225 : vector<16xi1>
      %and3A_227 = arith.andi %ne3A_226, %ne3A_219 : vector<16xi1>
      %add3A_228 = vector.broadcast %select_n3A_214 : i32 to vector<16xi32>
      %add3A_229 = arith.addi %rem3A_216, %add3A_228 : vector<16xi32>
      %select_n3A_230 = arith.select %and3A_227, %add3A_229, %rem3A_216 : vector<16xi1>, vector<16xi32>
      %gather3A = tpu.vector_load_idx %arg12[%select_n3A_209, %select_n3A_230] : memref<1024x8xf32, #tpu.memory_space<vmem>>[vector<16xi32>, vector<16xi32>], vector<16xf32>,
      %mul3A_231 = arith.constant 16 : i32
      %mul3A_232 = arith.muli %mul3A_231, %scan3A_173 : i32
      %swap3A = arith.index_cast %mul3A_232 : i32 to index
      %swap3A_233 = tpu.vector_load %arg22[%swap3A] {strides = array<i32>} : memref<4096xf32, #tpu.memory_space<vmem>>, vector<16xf32>,
      tpu.vector_store %arg22[%swap3A], %gather3A {strides = array<i32>} : memref<4096xf32, #tpu.memory_space<vmem>>, vector<16xf32>,
      %scan3A_234 = arith.constant 0 : i32
      scf.yield %scan3A_234 : i32
    }
    %scan3A_105 = arith.constant 256 : i32
    %mul3A_106 = arith.constant 4 : i32
    %mul3A_107 = arith.muli %mul3A_106, %add3A_98 : i32
    "tpu.region"() ({
      %run_scoped3A = tpu.sem_alloc : memref<!tpu.dma_semaphore, #tpu.memory_space<semaphore_mem>>
      %dma_start3A = arith.constant 0 : i32
      %dma_start3A_173 = tpu.memref_slice %arg22[%dma_start3A] : memref<4096xf32, #tpu.memory_space<vmem>> -> memref<4096xf32, #tpu.memory_space<vmem>>
      %dma_start3A_174 = tpu.memref_slice %arg8[%arg0, %mul3A_107] : memref<2x400000xf32, #tpu.memory_space<hbm>> -> memref<1x4096xf32, #tpu.memory_space<hbm>>
      %dma_start3A_175 = tpu.memref_squeeze %dma_start3A_174 : memref<1x4096xf32, #tpu.memory_space<hbm>> -> memref<4096xf32, #tpu.memory_space<hbm>>
      %dma_start3A_176 = tpu.memref_slice %arg8[%arg0, %mul3A_107] : memref<2x400000xf32, #tpu.memory_space<hbm>> -> memref<1x4096xf32, #tpu.memory_space<hbm>>
      %dma_start3A_177 = tpu.memref_squeeze %dma_start3A_176 : memref<1x4096xf32, #tpu.memory_space<hbm>> -> memref<4096xf32, #tpu.memory_space<hbm>>
      %dma_start3A_178 = arith.constant 0 : i32
      %dma_start3A_179 = tpu.memref_slice %arg22[%dma_start3A_178] : memref<4096xf32, #tpu.memory_space<vmem>> -> memref<4096xf32, #tpu.memory_space<vmem>>
      tpu.enqueue_dma source(%dma_start3A_179 : memref<4096xf32, #tpu.memory_space<vmem>>) target(%dma_start3A_177 : memref<4096xf32, #tpu.memory_space<hbm>>) target_semaphore(%run_scoped3A : memref<!tpu.dma_semaphore, #tpu.memory_space<semaphore_mem>>)
      %dma_wait3A = arith.constant 0 : i32
      %dma_wait3A_180 = tpu.memref_slice %arg22[%dma_wait3A] : memref<4096xf32, #tpu.memory_space<vmem>> -> memref<4096xf32, #tpu.memory_space<vmem>>
      %dma_wait3A_181 = tpu.memref_slice %arg8[%arg0, %mul3A_107] : memref<2x400000xf32, #tpu.memory_space<hbm>> -> memref<1x4096xf32, #tpu.memory_space<hbm>>
      %dma_wait3A_182 = tpu.memref_squeeze %dma_wait3A_181 : memref<1x4096xf32, #tpu.memory_space<hbm>> -> memref<4096xf32, #tpu.memory_space<hbm>>
      %dma_wait3A_183 = tpu.memref_slice %arg8[%arg0, %mul3A_107] : memref<2x400000xf32, #tpu.memory_space<hbm>> -> memref<1x4096xf32, #tpu.memory_space<hbm>>
      %dma_wait3A_184 = tpu.memref_squeeze %dma_wait3A_183 : memref<1x4096xf32, #tpu.memory_space<hbm>> -> memref<4096xf32, #tpu.memory_space<hbm>>
      %dma_wait3A_185 = arith.constant 0 : i32
      %dma_wait3A_186 = tpu.memref_slice %arg22[%dma_wait3A_185] : memref<4096xf32, #tpu.memory_space<vmem>> -> memref<4096xf32, #tpu.memory_space<vmem>>
      tpu.wait_dma2 semaphore(%run_scoped3A : memref<!tpu.dma_semaphore, #tpu.memory_space<semaphore_mem>>) src(%dma_wait3A_186 : memref<4096xf32, #tpu.memory_space<vmem>>) dst(%dma_wait3A_184 : memref<4096xf32, #tpu.memory_space<hbm>>)
      tpu.yield
    }) : () -> ()
    %add3A_108 = arith.constant 1024 : i32
    %add3A_109 = arith.addi %mul3A_9, %add3A_108 : i32
    "tpu.region"() ({
      %run_scoped3A = tpu.sem_alloc : memref<!tpu.dma_semaphore, #tpu.memory_space<semaphore_mem>>
      %dma_start3A = arith.constant 0 : i32
      %dma_start3A_173 = arith.constant 0 : i32
      %dma_start3A_174 = tpu.memref_slice %arg12[%dma_start3A, %dma_start3A_173] : memref<1024x8xf32, #tpu.memory_space<vmem>> -> memref<1024x8xf32, #tpu.memory_space<vmem>>
      %dma_start3A_175 = arith.constant 0 : i32
      %dma_start3A_176 = tpu.memref_slice %arg10[%add3A_109, %dma_start3A_175] : memref<100000x8xf32, #tpu.memory_space<vmem_shared>> -> memref<1024x8xf32, #tpu.memory_space<vmem_shared>>
      %dma_start3A_177 = arith.constant 0 : i32
      %dma_start3A_178 = arith.constant 0 : i32
      %dma_start3A_179 = tpu.memref_slice %arg12[%dma_start3A_177, %dma_start3A_178] : memref<1024x8xf32, #tpu.memory_space<vmem>> -> memref<1024x8xf32, #tpu.memory_space<vmem>>
      %dma_start3A_180 = arith.constant 0 : i32
      %dma_start3A_181 = tpu.memref_slice %arg10[%add3A_109, %dma_start3A_180] : memref<100000x8xf32, #tpu.memory_space<vmem_shared>> -> memref<1024x8xf32, #tpu.memory_space<vmem_shared>>
      tpu.enqueue_dma source(%dma_start3A_181 : memref<1024x8xf32, #tpu.memory_space<vmem_shared>>) target(%dma_start3A_179 : memref<1024x8xf32, #tpu.memory_space<vmem>>) target_semaphore(%run_scoped3A : memref<!tpu.dma_semaphore, #tpu.memory_space<semaphore_mem>>)
      %dma_wait3A = arith.constant 0 : i32
      %dma_wait3A_182 = arith.constant 0 : i32
      %dma_wait3A_183 = tpu.memref_slice %arg12[%dma_wait3A, %dma_wait3A_182] : memref<1024x8xf32, #tpu.memory_space<vmem>> -> memref<1024x8xf32, #tpu.memory_space<vmem>>
      %dma_wait3A_184 = arith.constant 0 : i32
      %dma_wait3A_185 = tpu.memref_slice %arg10[%add3A_109, %dma_wait3A_184] : memref<100000x8xf32, #tpu.memory_space<vmem_shared>> -> memref<1024x8xf32, #tpu.memory_space<vmem_shared>>
      %dma_wait3A_186 = arith.constant 0 : i32
      %dma_wait3A_187 = arith.constant 0 : i32
      %dma_wait3A_188 = tpu.memref_slice %arg12[%dma_wait3A_186, %dma_wait3A_187] : memref<1024x8xf32, #tpu.memory_space<vmem>> -> memref<1024x8xf32, #tpu.memory_space<vmem>>
      %dma_wait3A_189 = arith.constant 0 : i32
      %dma_wait3A_190 = tpu.memref_slice %arg10[%add3A_109, %dma_wait3A_189] : memref<100000x8xf32, #tpu.memory_space<vmem_shared>> -> memref<1024x8xf32, #tpu.memory_space<vmem_shared>>
      tpu.wait_dma2 semaphore(%run_scoped3A : memref<!tpu.dma_semaphore, #tpu.memory_space<semaphore_mem>>) src(%dma_wait3A_190 : memref<1024x8xf32, #tpu.memory_space<vmem_shared>>) dst(%dma_wait3A_188 : memref<1024x8xf32, #tpu.memory_space<vmem>>)
      tpu.yield
    }) : () -> ()
    %scan3A_110 = arith.constant 0 : i32
    %scan3A_111 = arith.constant 0 : i32
    %scan3A_112 = arith.constant 256 : i32
    %scan3A_113 = arith.addi %scan3A_111, %scan3A_112 : i32
    %scan3A_114 = arith.constant 1 : i32
    %scan3A_115 = scf.for %scan3A_173 = %scan3A_111 to %scan3A_113 step %scan3A_114 iter_args(%scan3A_174 = %scan3A_110) -> (i32)  : i32 {
      %mul3A_175 = arith.constant 16 : i32
      %mul3A_176 = arith.muli %mul3A_175, %scan3A_173 : i32
      %add3A_177 = vector.broadcast %mul3A_176 : i32 to vector<16xi32>
      %add3A_178 = arith.addi %add3A_177, %iota3A : vector<16xi32>
      %jit3A_179 = arith.constant 4 : i32
      %div3A_180 = vector.broadcast %jit3A_179 : i32 to vector<16xi32>
      %div3A_181 = arith.divsi %add3A_178, %div3A_180 : vector<16xi32>
      %sign3A_182 = arith.constant 0 : i32
      %sign3A_183 = vector.broadcast %sign3A_182 : i32 to vector<16xi32>
      %sign3A_184 = arith.cmpi sgt, %add3A_178, %sign3A_183 : vector<16xi32>
      %sign3A_185 = arith.extui %sign3A_184 : vector<16xi1> to vector<16xi32>
      %sign3A_186 = arith.constant 0 : i32
      %sign3A_187 = vector.broadcast %sign3A_186 : i32 to vector<16xi32>
      %sign3A_188 = arith.cmpi slt, %add3A_178, %sign3A_187 : vector<16xi32>
      %sign3A_189 = arith.extui %sign3A_188 : vector<16xi1> to vector<16xi32>
      %sign3A_190 = arith.subi %sign3A_185, %sign3A_189 : vector<16xi32>
      %sign3A_191 = arith.constant 0 : i32
      %sign3A_192 = arith.cmpi sgt, %jit3A_179, %sign3A_191 : i32
      %sign3A_193 = arith.extui %sign3A_192 : i1 to i32
      %sign3A_194 = arith.constant 0 : i32
      %sign3A_195 = arith.cmpi slt, %jit3A_179, %sign3A_194 : i32
      %sign3A_196 = arith.extui %sign3A_195 : i1 to i32
      %sign3A_197 = arith.subi %sign3A_193, %sign3A_196 : i32
      %ne3A_198 = vector.broadcast %sign3A_197 : i32 to vector<16xi32>
      %ne3A_199 = arith.cmpi ne, %sign3A_190, %ne3A_198 : vector<16xi32>
      %rem3A_200 = vector.broadcast %jit3A_179 : i32 to vector<16xi32>
      %rem3A_201 = arith.remsi %add3A_178, %rem3A_200 : vector<16xi32>
      %ne3A_202 = arith.constant 0 : i32
      %ne3A_203 = vector.broadcast %ne3A_202 : i32 to vector<16xi32>
      %ne3A_204 = arith.cmpi ne, %rem3A_201, %ne3A_203 : vector<16xi32>
      %and3A_205 = arith.andi %ne3A_199, %ne3A_204 : vector<16xi1>
      %sub3A_206 = arith.constant 1 : i32
      %sub3A_207 = vector.broadcast %sub3A_206 : i32 to vector<16xi32>
      %sub3A_208 = arith.subi %div3A_181, %sub3A_207 : vector<16xi32>
      %select_n3A_209 = arith.select %and3A_205, %sub3A_208, %div3A_181 : vector<16xi1>, vector<16xi32>
      %jit3A_210 = arith.constant 4 : i32
      %eq3A_211 = arith.constant 0 : i32
      %eq3A_212 = arith.cmpi eq, %jit3A_210, %eq3A_211 : i32
      %jit3A_213 = arith.constant 1 : i32
      %select_n3A_214 = arith.select %eq3A_212, %jit3A_213, %jit3A_210 : i32
      %rem3A_215 = vector.broadcast %select_n3A_214 : i32 to vector<16xi32>
      %rem3A_216 = arith.remsi %add3A_178, %rem3A_215 : vector<16xi32>
      %ne3A_217 = arith.constant 0 : i32
      %ne3A_218 = vector.broadcast %ne3A_217 : i32 to vector<16xi32>
      %ne3A_219 = arith.cmpi ne, %rem3A_216, %ne3A_218 : vector<16xi32>
      %lt3A = arith.constant 0 : i32
      %lt3A_220 = vector.broadcast %lt3A : i32 to vector<16xi32>
      %lt3A_221 = arith.cmpi slt, %rem3A_216, %lt3A_220 : vector<16xi32>
      %lt3A_222 = arith.constant 0 : i32
      %lt3A_223 = arith.cmpi slt, %select_n3A_214, %lt3A_222 : i32
      %ne3A_224 = vector.broadcast %lt3A_223 : i1 to vector<16xi1>
      %ne3A_225 = vector.broadcast %ne3A_224 : vector<16xi1> to vector<16xi1>
      %ne3A_226 = arith.xori %lt3A_221, %ne3A_225 : vector<16xi1>
      %and3A_227 = arith.andi %ne3A_226, %ne3A_219 : vector<16xi1>
      %add3A_228 = vector.broadcast %select_n3A_214 : i32 to vector<16xi32>
      %add3A_229 = arith.addi %rem3A_216, %add3A_228 : vector<16xi32>
      %select_n3A_230 = arith.select %and3A_227, %add3A_229, %rem3A_216 : vector<16xi1>, vector<16xi32>
      %gather3A = tpu.vector_load_idx %arg12[%select_n3A_209, %select_n3A_230] : memref<1024x8xf32, #tpu.memory_space<vmem>>[vector<16xi32>, vector<16xi32>], vector<16xf32>,
      %mul3A_231 = arith.constant 16 : i32
      %mul3A_232 = arith.muli %mul3A_231, %scan3A_173 : i32
      %swap3A = arith.index_cast %mul3A_232 : i32 to index
      %swap3A_233 = tpu.vector_load %arg22[%swap3A] {strides = array<i32>} : memref<4096xf32, #tpu.memory_space<vmem>>, vector<16xf32>,
      tpu.vector_store %arg22[%swap3A], %gather3A {strides = array<i32>} : memref<4096xf32, #tpu.memory_space<vmem>>, vector<16xf32>,
      %scan3A_234 = arith.constant 0 : i32
      scf.yield %scan3A_234 : i32
    }
    %scan3A_116 = arith.constant 256 : i32
    %mul3A_117 = arith.constant 4 : i32
    %mul3A_118 = arith.muli %mul3A_117, %add3A_109 : i32
    "tpu.region"() ({
      %run_scoped3A = tpu.sem_alloc : memref<!tpu.dma_semaphore, #tpu.memory_space<semaphore_mem>>
      %dma_start3A = arith.constant 0 : i32
      %dma_start3A_173 = tpu.memref_slice %arg22[%dma_start3A] : memref<4096xf32, #tpu.memory_space<vmem>> -> memref<4096xf32, #tpu.memory_space<vmem>>
      %dma_start3A_174 = tpu.memref_slice %arg8[%arg0, %mul3A_118] : memref<2x400000xf32, #tpu.memory_space<hbm>> -> memref<1x4096xf32, #tpu.memory_space<hbm>>
      %dma_start3A_175 = tpu.memref_squeeze %dma_start3A_174 : memref<1x4096xf32, #tpu.memory_space<hbm>> -> memref<4096xf32, #tpu.memory_space<hbm>>
      %dma_start3A_176 = tpu.memref_slice %arg8[%arg0, %mul3A_118] : memref<2x400000xf32, #tpu.memory_space<hbm>> -> memref<1x4096xf32, #tpu.memory_space<hbm>>
      %dma_start3A_177 = tpu.memref_squeeze %dma_start3A_176 : memref<1x4096xf32, #tpu.memory_space<hbm>> -> memref<4096xf32, #tpu.memory_space<hbm>>
      %dma_start3A_178 = arith.constant 0 : i32
      %dma_start3A_179 = tpu.memref_slice %arg22[%dma_start3A_178] : memref<4096xf32, #tpu.memory_space<vmem>> -> memref<4096xf32, #tpu.memory_space<vmem>>
      tpu.enqueue_dma source(%dma_start3A_179 : memref<4096xf32, #tpu.memory_space<vmem>>) target(%dma_start3A_177 : memref<4096xf32, #tpu.memory_space<hbm>>) target_semaphore(%run_scoped3A : memref<!tpu.dma_semaphore, #tpu.memory_space<semaphore_mem>>)
      %dma_wait3A = arith.constant 0 : i32
      %dma_wait3A_180 = tpu.memref_slice %arg22[%dma_wait3A] : memref<4096xf32, #tpu.memory_space<vmem>> -> memref<4096xf32, #tpu.memory_space<vmem>>
      %dma_wait3A_181 = tpu.memref_slice %arg8[%arg0, %mul3A_118] : memref<2x400000xf32, #tpu.memory_space<hbm>> -> memref<1x4096xf32, #tpu.memory_space<hbm>>
      %dma_wait3A_182 = tpu.memref_squeeze %dma_wait3A_181 : memref<1x4096xf32, #tpu.memory_space<hbm>> -> memref<4096xf32, #tpu.memory_space<hbm>>
      %dma_wait3A_183 = tpu.memref_slice %arg8[%arg0, %mul3A_118] : memref<2x400000xf32, #tpu.memory_space<hbm>> -> memref<1x4096xf32, #tpu.memory_space<hbm>>
      %dma_wait3A_184 = tpu.memref_squeeze %dma_wait3A_183 : memref<1x4096xf32, #tpu.memory_space<hbm>> -> memref<4096xf32, #tpu.memory_space<hbm>>
      %dma_wait3A_185 = arith.constant 0 : i32
      %dma_wait3A_186 = tpu.memref_slice %arg22[%dma_wait3A_185] : memref<4096xf32, #tpu.memory_space<vmem>> -> memref<4096xf32, #tpu.memory_space<vmem>>
      tpu.wait_dma2 semaphore(%run_scoped3A : memref<!tpu.dma_semaphore, #tpu.memory_space<semaphore_mem>>) src(%dma_wait3A_186 : memref<4096xf32, #tpu.memory_space<vmem>>) dst(%dma_wait3A_184 : memref<4096xf32, #tpu.memory_space<hbm>>)
      tpu.yield
    }) : () -> ()
    %add3A_119 = arith.constant 2048 : i32
    %add3A_120 = arith.addi %mul3A_9, %add3A_119 : i32
    "tpu.region"() ({
      %run_scoped3A = tpu.sem_alloc : memref<!tpu.dma_semaphore, #tpu.memory_space<semaphore_mem>>
      %dma_start3A = arith.constant 0 : i32
      %dma_start3A_173 = arith.constant 0 : i32
      %dma_start3A_174 = tpu.memref_slice %arg12[%dma_start3A, %dma_start3A_173] : memref<1024x8xf32, #tpu.memory_space<vmem>> -> memref<1024x8xf32, #tpu.memory_space<vmem>>
      %dma_start3A_175 = arith.constant 0 : i32
      %dma_start3A_176 = tpu.memref_slice %arg10[%add3A_120, %dma_start3A_175] : memref<100000x8xf32, #tpu.memory_space<vmem_shared>> -> memref<1024x8xf32, #tpu.memory_space<vmem_shared>>
      %dma_start3A_177 = arith.constant 0 : i32
      %dma_start3A_178 = arith.constant 0 : i32
      %dma_start3A_179 = tpu.memref_slice %arg12[%dma_start3A_177, %dma_start3A_178] : memref<1024x8xf32, #tpu.memory_space<vmem>> -> memref<1024x8xf32, #tpu.memory_space<vmem>>
      %dma_start3A_180 = arith.constant 0 : i32
      %dma_start3A_181 = tpu.memref_slice %arg10[%add3A_120, %dma_start3A_180] : memref<100000x8xf32, #tpu.memory_space<vmem_shared>> -> memref<1024x8xf32, #tpu.memory_space<vmem_shared>>
      tpu.enqueue_dma source(%dma_start3A_181 : memref<1024x8xf32, #tpu.memory_space<vmem_shared>>) target(%dma_start3A_179 : memref<1024x8xf32, #tpu.memory_space<vmem>>) target_semaphore(%run_scoped3A : memref<!tpu.dma_semaphore, #tpu.memory_space<semaphore_mem>>)
      %dma_wait3A = arith.constant 0 : i32
      %dma_wait3A_182 = arith.constant 0 : i32
      %dma_wait3A_183 = tpu.memref_slice %arg12[%dma_wait3A, %dma_wait3A_182] : memref<1024x8xf32, #tpu.memory_space<vmem>> -> memref<1024x8xf32, #tpu.memory_space<vmem>>
      %dma_wait3A_184 = arith.constant 0 : i32
      %dma_wait3A_185 = tpu.memref_slice %arg10[%add3A_120, %dma_wait3A_184] : memref<100000x8xf32, #tpu.memory_space<vmem_shared>> -> memref<1024x8xf32, #tpu.memory_space<vmem_shared>>
      %dma_wait3A_186 = arith.constant 0 : i32
      %dma_wait3A_187 = arith.constant 0 : i32
      %dma_wait3A_188 = tpu.memref_slice %arg12[%dma_wait3A_186, %dma_wait3A_187] : memref<1024x8xf32, #tpu.memory_space<vmem>> -> memref<1024x8xf32, #tpu.memory_space<vmem>>
      %dma_wait3A_189 = arith.constant 0 : i32
      %dma_wait3A_190 = tpu.memref_slice %arg10[%add3A_120, %dma_wait3A_189] : memref<100000x8xf32, #tpu.memory_space<vmem_shared>> -> memref<1024x8xf32, #tpu.memory_space<vmem_shared>>
      tpu.wait_dma2 semaphore(%run_scoped3A : memref<!tpu.dma_semaphore, #tpu.memory_space<semaphore_mem>>) src(%dma_wait3A_190 : memref<1024x8xf32, #tpu.memory_space<vmem_shared>>) dst(%dma_wait3A_188 : memref<1024x8xf32, #tpu.memory_space<vmem>>)
      tpu.yield
    }) : () -> ()
    %scan3A_121 = arith.constant 0 : i32
    %scan3A_122 = arith.constant 0 : i32
    %scan3A_123 = arith.constant 256 : i32
    %scan3A_124 = arith.addi %scan3A_122, %scan3A_123 : i32
    %scan3A_125 = arith.constant 1 : i32
    %scan3A_126 = scf.for %scan3A_173 = %scan3A_122 to %scan3A_124 step %scan3A_125 iter_args(%scan3A_174 = %scan3A_121) -> (i32)  : i32 {
      %mul3A_175 = arith.constant 16 : i32
      %mul3A_176 = arith.muli %mul3A_175, %scan3A_173 : i32
      %add3A_177 = vector.broadcast %mul3A_176 : i32 to vector<16xi32>
      %add3A_178 = arith.addi %add3A_177, %iota3A : vector<16xi32>
      %jit3A_179 = arith.constant 4 : i32
      %div3A_180 = vector.broadcast %jit3A_179 : i32 to vector<16xi32>
      %div3A_181 = arith.divsi %add3A_178, %div3A_180 : vector<16xi32>
      %sign3A_182 = arith.constant 0 : i32
      %sign3A_183 = vector.broadcast %sign3A_182 : i32 to vector<16xi32>
      %sign3A_184 = arith.cmpi sgt, %add3A_178, %sign3A_183 : vector<16xi32>
      %sign3A_185 = arith.extui %sign3A_184 : vector<16xi1> to vector<16xi32>
      %sign3A_186 = arith.constant 0 : i32
      %sign3A_187 = vector.broadcast %sign3A_186 : i32 to vector<16xi32>
      %sign3A_188 = arith.cmpi slt, %add3A_178, %sign3A_187 : vector<16xi32>
      %sign3A_189 = arith.extui %sign3A_188 : vector<16xi1> to vector<16xi32>
      %sign3A_190 = arith.subi %sign3A_185, %sign3A_189 : vector<16xi32>
      %sign3A_191 = arith.constant 0 : i32
      %sign3A_192 = arith.cmpi sgt, %jit3A_179, %sign3A_191 : i32
      %sign3A_193 = arith.extui %sign3A_192 : i1 to i32
      %sign3A_194 = arith.constant 0 : i32
      %sign3A_195 = arith.cmpi slt, %jit3A_179, %sign3A_194 : i32
      %sign3A_196 = arith.extui %sign3A_195 : i1 to i32
      %sign3A_197 = arith.subi %sign3A_193, %sign3A_196 : i32
      %ne3A_198 = vector.broadcast %sign3A_197 : i32 to vector<16xi32>
      %ne3A_199 = arith.cmpi ne, %sign3A_190, %ne3A_198 : vector<16xi32>
      %rem3A_200 = vector.broadcast %jit3A_179 : i32 to vector<16xi32>
      %rem3A_201 = arith.remsi %add3A_178, %rem3A_200 : vector<16xi32>
      %ne3A_202 = arith.constant 0 : i32
      %ne3A_203 = vector.broadcast %ne3A_202 : i32 to vector<16xi32>
      %ne3A_204 = arith.cmpi ne, %rem3A_201, %ne3A_203 : vector<16xi32>
      %and3A_205 = arith.andi %ne3A_199, %ne3A_204 : vector<16xi1>
      %sub3A_206 = arith.constant 1 : i32
      %sub3A_207 = vector.broadcast %sub3A_206 : i32 to vector<16xi32>
      %sub3A_208 = arith.subi %div3A_181, %sub3A_207 : vector<16xi32>
      %select_n3A_209 = arith.select %and3A_205, %sub3A_208, %div3A_181 : vector<16xi1>, vector<16xi32>
      %jit3A_210 = arith.constant 4 : i32
      %eq3A_211 = arith.constant 0 : i32
      %eq3A_212 = arith.cmpi eq, %jit3A_210, %eq3A_211 : i32
      %jit3A_213 = arith.constant 1 : i32
      %select_n3A_214 = arith.select %eq3A_212, %jit3A_213, %jit3A_210 : i32
      %rem3A_215 = vector.broadcast %select_n3A_214 : i32 to vector<16xi32>
      %rem3A_216 = arith.remsi %add3A_178, %rem3A_215 : vector<16xi32>
      %ne3A_217 = arith.constant 0 : i32
      %ne3A_218 = vector.broadcast %ne3A_217 : i32 to vector<16xi32>
      %ne3A_219 = arith.cmpi ne, %rem3A_216, %ne3A_218 : vector<16xi32>
      %lt3A = arith.constant 0 : i32
      %lt3A_220 = vector.broadcast %lt3A : i32 to vector<16xi32>
      %lt3A_221 = arith.cmpi slt, %rem3A_216, %lt3A_220 : vector<16xi32>
      %lt3A_222 = arith.constant 0 : i32
      %lt3A_223 = arith.cmpi slt, %select_n3A_214, %lt3A_222 : i32
      %ne3A_224 = vector.broadcast %lt3A_223 : i1 to vector<16xi1>
      %ne3A_225 = vector.broadcast %ne3A_224 : vector<16xi1> to vector<16xi1>
      %ne3A_226 = arith.xori %lt3A_221, %ne3A_225 : vector<16xi1>
      %and3A_227 = arith.andi %ne3A_226, %ne3A_219 : vector<16xi1>
      %add3A_228 = vector.broadcast %select_n3A_214 : i32 to vector<16xi32>
      %add3A_229 = arith.addi %rem3A_216, %add3A_228 : vector<16xi32>
      %select_n3A_230 = arith.select %and3A_227, %add3A_229, %rem3A_216 : vector<16xi1>, vector<16xi32>
      %gather3A = tpu.vector_load_idx %arg12[%select_n3A_209, %select_n3A_230] : memref<1024x8xf32, #tpu.memory_space<vmem>>[vector<16xi32>, vector<16xi32>], vector<16xf32>,
      %mul3A_231 = arith.constant 16 : i32
      %mul3A_232 = arith.muli %mul3A_231, %scan3A_173 : i32
      %swap3A = arith.index_cast %mul3A_232 : i32 to index
      %swap3A_233 = tpu.vector_load %arg22[%swap3A] {strides = array<i32>} : memref<4096xf32, #tpu.memory_space<vmem>>, vector<16xf32>,
      tpu.vector_store %arg22[%swap3A], %gather3A {strides = array<i32>} : memref<4096xf32, #tpu.memory_space<vmem>>, vector<16xf32>,
      %scan3A_234 = arith.constant 0 : i32
      scf.yield %scan3A_234 : i32
    }
    %scan3A_127 = arith.constant 256 : i32
    %mul3A_128 = arith.constant 4 : i32
    %mul3A_129 = arith.muli %mul3A_128, %add3A_120 : i32
    "tpu.region"() ({
      %run_scoped3A = tpu.sem_alloc : memref<!tpu.dma_semaphore, #tpu.memory_space<semaphore_mem>>
      %dma_start3A = arith.constant 0 : i32
      %dma_start3A_173 = tpu.memref_slice %arg22[%dma_start3A] : memref<4096xf32, #tpu.memory_space<vmem>> -> memref<4096xf32, #tpu.memory_space<vmem>>
      %dma_start3A_174 = tpu.memref_slice %arg8[%arg0, %mul3A_129] : memref<2x400000xf32, #tpu.memory_space<hbm>> -> memref<1x4096xf32, #tpu.memory_space<hbm>>
      %dma_start3A_175 = tpu.memref_squeeze %dma_start3A_174 : memref<1x4096xf32, #tpu.memory_space<hbm>> -> memref<4096xf32, #tpu.memory_space<hbm>>
      %dma_start3A_176 = tpu.memref_slice %arg8[%arg0, %mul3A_129] : memref<2x400000xf32, #tpu.memory_space<hbm>> -> memref<1x4096xf32, #tpu.memory_space<hbm>>
      %dma_start3A_177 = tpu.memref_squeeze %dma_start3A_176 : memref<1x4096xf32, #tpu.memory_space<hbm>> -> memref<4096xf32, #tpu.memory_space<hbm>>
      %dma_start3A_178 = arith.constant 0 : i32
      %dma_start3A_179 = tpu.memref_slice %arg22[%dma_start3A_178] : memref<4096xf32, #tpu.memory_space<vmem>> -> memref<4096xf32, #tpu.memory_space<vmem>>
      tpu.enqueue_dma source(%dma_start3A_179 : memref<4096xf32, #tpu.memory_space<vmem>>) target(%dma_start3A_177 : memref<4096xf32, #tpu.memory_space<hbm>>) target_semaphore(%run_scoped3A : memref<!tpu.dma_semaphore, #tpu.memory_space<semaphore_mem>>)
      %dma_wait3A = arith.constant 0 : i32
      %dma_wait3A_180 = tpu.memref_slice %arg22[%dma_wait3A] : memref<4096xf32, #tpu.memory_space<vmem>> -> memref<4096xf32, #tpu.memory_space<vmem>>
      %dma_wait3A_181 = tpu.memref_slice %arg8[%arg0, %mul3A_129] : memref<2x400000xf32, #tpu.memory_space<hbm>> -> memref<1x4096xf32, #tpu.memory_space<hbm>>
      %dma_wait3A_182 = tpu.memref_squeeze %dma_wait3A_181 : memref<1x4096xf32, #tpu.memory_space<hbm>> -> memref<4096xf32, #tpu.memory_space<hbm>>
      %dma_wait3A_183 = tpu.memref_slice %arg8[%arg0, %mul3A_129] : memref<2x400000xf32, #tpu.memory_space<hbm>> -> memref<1x4096xf32, #tpu.memory_space<hbm>>
      %dma_wait3A_184 = tpu.memref_squeeze %dma_wait3A_183 : memref<1x4096xf32, #tpu.memory_space<hbm>> -> memref<4096xf32, #tpu.memory_space<hbm>>
      %dma_wait3A_185 = arith.constant 0 : i32
      %dma_wait3A_186 = tpu.memref_slice %arg22[%dma_wait3A_185] : memref<4096xf32, #tpu.memory_space<vmem>> -> memref<4096xf32, #tpu.memory_space<vmem>>
      tpu.wait_dma2 semaphore(%run_scoped3A : memref<!tpu.dma_semaphore, #tpu.memory_space<semaphore_mem>>) src(%dma_wait3A_186 : memref<4096xf32, #tpu.memory_space<vmem>>) dst(%dma_wait3A_184 : memref<4096xf32, #tpu.memory_space<hbm>>)
      tpu.yield
    }) : () -> ()
    %add3A_130 = arith.constant 3072 : i32
    %add3A_131 = arith.addi %mul3A_9, %add3A_130 : i32
    "tpu.region"() ({
      %run_scoped3A = tpu.sem_alloc : memref<!tpu.dma_semaphore, #tpu.memory_space<semaphore_mem>>
      %dma_start3A = arith.constant 0 : i32
      %dma_start3A_173 = arith.constant 0 : i32
      %dma_start3A_174 = tpu.memref_slice %arg12[%dma_start3A, %dma_start3A_173] : memref<1024x8xf32, #tpu.memory_space<vmem>> -> memref<1024x8xf32, #tpu.memory_space<vmem>>
      %dma_start3A_175 = arith.constant 0 : i32
      %dma_start3A_176 = tpu.memref_slice %arg10[%add3A_131, %dma_start3A_175] : memref<100000x8xf32, #tpu.memory_space<vmem_shared>> -> memref<1024x8xf32, #tpu.memory_space<vmem_shared>>
      %dma_start3A_177 = arith.constant 0 : i32
      %dma_start3A_178 = arith.constant 0 : i32
      %dma_start3A_179 = tpu.memref_slice %arg12[%dma_start3A_177, %dma_start3A_178] : memref<1024x8xf32, #tpu.memory_space<vmem>> -> memref<1024x8xf32, #tpu.memory_space<vmem>>
      %dma_start3A_180 = arith.constant 0 : i32
      %dma_start3A_181 = tpu.memref_slice %arg10[%add3A_131, %dma_start3A_180] : memref<100000x8xf32, #tpu.memory_space<vmem_shared>> -> memref<1024x8xf32, #tpu.memory_space<vmem_shared>>
      tpu.enqueue_dma source(%dma_start3A_181 : memref<1024x8xf32, #tpu.memory_space<vmem_shared>>) target(%dma_start3A_179 : memref<1024x8xf32, #tpu.memory_space<vmem>>) target_semaphore(%run_scoped3A : memref<!tpu.dma_semaphore, #tpu.memory_space<semaphore_mem>>)
      %dma_wait3A = arith.constant 0 : i32
      %dma_wait3A_182 = arith.constant 0 : i32
      %dma_wait3A_183 = tpu.memref_slice %arg12[%dma_wait3A, %dma_wait3A_182] : memref<1024x8xf32, #tpu.memory_space<vmem>> -> memref<1024x8xf32, #tpu.memory_space<vmem>>
      %dma_wait3A_184 = arith.constant 0 : i32
      %dma_wait3A_185 = tpu.memref_slice %arg10[%add3A_131, %dma_wait3A_184] : memref<100000x8xf32, #tpu.memory_space<vmem_shared>> -> memref<1024x8xf32, #tpu.memory_space<vmem_shared>>
      %dma_wait3A_186 = arith.constant 0 : i32
      %dma_wait3A_187 = arith.constant 0 : i32
      %dma_wait3A_188 = tpu.memref_slice %arg12[%dma_wait3A_186, %dma_wait3A_187] : memref<1024x8xf32, #tpu.memory_space<vmem>> -> memref<1024x8xf32, #tpu.memory_space<vmem>>
      %dma_wait3A_189 = arith.constant 0 : i32
      %dma_wait3A_190 = tpu.memref_slice %arg10[%add3A_131, %dma_wait3A_189] : memref<100000x8xf32, #tpu.memory_space<vmem_shared>> -> memref<1024x8xf32, #tpu.memory_space<vmem_shared>>
      tpu.wait_dma2 semaphore(%run_scoped3A : memref<!tpu.dma_semaphore, #tpu.memory_space<semaphore_mem>>) src(%dma_wait3A_190 : memref<1024x8xf32, #tpu.memory_space<vmem_shared>>) dst(%dma_wait3A_188 : memref<1024x8xf32, #tpu.memory_space<vmem>>)
      tpu.yield
    }) : () -> ()
    %scan3A_132 = arith.constant 0 : i32
    %scan3A_133 = arith.constant 0 : i32
    %scan3A_134 = arith.constant 256 : i32
    %scan3A_135 = arith.addi %scan3A_133, %scan3A_134 : i32
    %scan3A_136 = arith.constant 1 : i32
    %scan3A_137 = scf.for %scan3A_173 = %scan3A_133 to %scan3A_135 step %scan3A_136 iter_args(%scan3A_174 = %scan3A_132) -> (i32)  : i32 {
      %mul3A_175 = arith.constant 16 : i32
      %mul3A_176 = arith.muli %mul3A_175, %scan3A_173 : i32
      %add3A_177 = vector.broadcast %mul3A_176 : i32 to vector<16xi32>
      %add3A_178 = arith.addi %add3A_177, %iota3A : vector<16xi32>
      %jit3A_179 = arith.constant 4 : i32
      %div3A_180 = vector.broadcast %jit3A_179 : i32 to vector<16xi32>
      %div3A_181 = arith.divsi %add3A_178, %div3A_180 : vector<16xi32>
      %sign3A_182 = arith.constant 0 : i32
      %sign3A_183 = vector.broadcast %sign3A_182 : i32 to vector<16xi32>
      %sign3A_184 = arith.cmpi sgt, %add3A_178, %sign3A_183 : vector<16xi32>
      %sign3A_185 = arith.extui %sign3A_184 : vector<16xi1> to vector<16xi32>
      %sign3A_186 = arith.constant 0 : i32
      %sign3A_187 = vector.broadcast %sign3A_186 : i32 to vector<16xi32>
      %sign3A_188 = arith.cmpi slt, %add3A_178, %sign3A_187 : vector<16xi32>
      %sign3A_189 = arith.extui %sign3A_188 : vector<16xi1> to vector<16xi32>
      %sign3A_190 = arith.subi %sign3A_185, %sign3A_189 : vector<16xi32>
      %sign3A_191 = arith.constant 0 : i32
      %sign3A_192 = arith.cmpi sgt, %jit3A_179, %sign3A_191 : i32
      %sign3A_193 = arith.extui %sign3A_192 : i1 to i32
      %sign3A_194 = arith.constant 0 : i32
      %sign3A_195 = arith.cmpi slt, %jit3A_179, %sign3A_194 : i32
      %sign3A_196 = arith.extui %sign3A_195 : i1 to i32
      %sign3A_197 = arith.subi %sign3A_193, %sign3A_196 : i32
      %ne3A_198 = vector.broadcast %sign3A_197 : i32 to vector<16xi32>
      %ne3A_199 = arith.cmpi ne, %sign3A_190, %ne3A_198 : vector<16xi32>
      %rem3A_200 = vector.broadcast %jit3A_179 : i32 to vector<16xi32>
      %rem3A_201 = arith.remsi %add3A_178, %rem3A_200 : vector<16xi32>
      %ne3A_202 = arith.constant 0 : i32
      %ne3A_203 = vector.broadcast %ne3A_202 : i32 to vector<16xi32>
      %ne3A_204 = arith.cmpi ne, %rem3A_201, %ne3A_203 : vector<16xi32>
      %and3A_205 = arith.andi %ne3A_199, %ne3A_204 : vector<16xi1>
      %sub3A_206 = arith.constant 1 : i32
      %sub3A_207 = vector.broadcast %sub3A_206 : i32 to vector<16xi32>
      %sub3A_208 = arith.subi %div3A_181, %sub3A_207 : vector<16xi32>
      %select_n3A_209 = arith.select %and3A_205, %sub3A_208, %div3A_181 : vector<16xi1>, vector<16xi32>
      %jit3A_210 = arith.constant 4 : i32
      %eq3A_211 = arith.constant 0 : i32
      %eq3A_212 = arith.cmpi eq, %jit3A_210, %eq3A_211 : i32
      %jit3A_213 = arith.constant 1 : i32
      %select_n3A_214 = arith.select %eq3A_212, %jit3A_213, %jit3A_210 : i32
      %rem3A_215 = vector.broadcast %select_n3A_214 : i32 to vector<16xi32>
      %rem3A_216 = arith.remsi %add3A_178, %rem3A_215 : vector<16xi32>
      %ne3A_217 = arith.constant 0 : i32
      %ne3A_218 = vector.broadcast %ne3A_217 : i32 to vector<16xi32>
      %ne3A_219 = arith.cmpi ne, %rem3A_216, %ne3A_218 : vector<16xi32>
      %lt3A = arith.constant 0 : i32
      %lt3A_220 = vector.broadcast %lt3A : i32 to vector<16xi32>
      %lt3A_221 = arith.cmpi slt, %rem3A_216, %lt3A_220 : vector<16xi32>
      %lt3A_222 = arith.constant 0 : i32
      %lt3A_223 = arith.cmpi slt, %select_n3A_214, %lt3A_222 : i32
      %ne3A_224 = vector.broadcast %lt3A_223 : i1 to vector<16xi1>
      %ne3A_225 = vector.broadcast %ne3A_224 : vector<16xi1> to vector<16xi1>
      %ne3A_226 = arith.xori %lt3A_221, %ne3A_225 : vector<16xi1>
      %and3A_227 = arith.andi %ne3A_226, %ne3A_219 : vector<16xi1>
      %add3A_228 = vector.broadcast %select_n3A_214 : i32 to vector<16xi32>
      %add3A_229 = arith.addi %rem3A_216, %add3A_228 : vector<16xi32>
      %select_n3A_230 = arith.select %and3A_227, %add3A_229, %rem3A_216 : vector<16xi1>, vector<16xi32>
      %gather3A = tpu.vector_load_idx %arg12[%select_n3A_209, %select_n3A_230] : memref<1024x8xf32, #tpu.memory_space<vmem>>[vector<16xi32>, vector<16xi32>], vector<16xf32>,
      %mul3A_231 = arith.constant 16 : i32
      %mul3A_232 = arith.muli %mul3A_231, %scan3A_173 : i32
      %swap3A = arith.index_cast %mul3A_232 : i32 to index
      %swap3A_233 = tpu.vector_load %arg22[%swap3A] {strides = array<i32>} : memref<4096xf32, #tpu.memory_space<vmem>>, vector<16xf32>,
      tpu.vector_store %arg22[%swap3A], %gather3A {strides = array<i32>} : memref<4096xf32, #tpu.memory_space<vmem>>, vector<16xf32>,
      %scan3A_234 = arith.constant 0 : i32
      scf.yield %scan3A_234 : i32
    }
    %scan3A_138 = arith.constant 256 : i32
    %mul3A_139 = arith.constant 4 : i32
    %mul3A_140 = arith.muli %mul3A_139, %add3A_131 : i32
    "tpu.region"() ({
      %run_scoped3A = tpu.sem_alloc : memref<!tpu.dma_semaphore, #tpu.memory_space<semaphore_mem>>
      %dma_start3A = arith.constant 0 : i32
      %dma_start3A_173 = tpu.memref_slice %arg22[%dma_start3A] : memref<4096xf32, #tpu.memory_space<vmem>> -> memref<4096xf32, #tpu.memory_space<vmem>>
      %dma_start3A_174 = tpu.memref_slice %arg8[%arg0, %mul3A_140] : memref<2x400000xf32, #tpu.memory_space<hbm>> -> memref<1x4096xf32, #tpu.memory_space<hbm>>
      %dma_start3A_175 = tpu.memref_squeeze %dma_start3A_174 : memref<1x4096xf32, #tpu.memory_space<hbm>> -> memref<4096xf32, #tpu.memory_space<hbm>>
      %dma_start3A_176 = tpu.memref_slice %arg8[%arg0, %mul3A_140] : memref<2x400000xf32, #tpu.memory_space<hbm>> -> memref<1x4096xf32, #tpu.memory_space<hbm>>
      %dma_start3A_177 = tpu.memref_squeeze %dma_start3A_176 : memref<1x4096xf32, #tpu.memory_space<hbm>> -> memref<4096xf32, #tpu.memory_space<hbm>>
      %dma_start3A_178 = arith.constant 0 : i32
      %dma_start3A_179 = tpu.memref_slice %arg22[%dma_start3A_178] : memref<4096xf32, #tpu.memory_space<vmem>> -> memref<4096xf32, #tpu.memory_space<vmem>>
      tpu.enqueue_dma source(%dma_start3A_179 : memref<4096xf32, #tpu.memory_space<vmem>>) target(%dma_start3A_177 : memref<4096xf32, #tpu.memory_space<hbm>>) target_semaphore(%run_scoped3A : memref<!tpu.dma_semaphore, #tpu.memory_space<semaphore_mem>>)
      %dma_wait3A = arith.constant 0 : i32
      %dma_wait3A_180 = tpu.memref_slice %arg22[%dma_wait3A] : memref<4096xf32, #tpu.memory_space<vmem>> -> memref<4096xf32, #tpu.memory_space<vmem>>
      %dma_wait3A_181 = tpu.memref_slice %arg8[%arg0, %mul3A_140] : memref<2x400000xf32, #tpu.memory_space<hbm>> -> memref<1x4096xf32, #tpu.memory_space<hbm>>
      %dma_wait3A_182 = tpu.memref_squeeze %dma_wait3A_181 : memref<1x4096xf32, #tpu.memory_space<hbm>> -> memref<4096xf32, #tpu.memory_space<hbm>>
      %dma_wait3A_183 = tpu.memref_slice %arg8[%arg0, %mul3A_140] : memref<2x400000xf32, #tpu.memory_space<hbm>> -> memref<1x4096xf32, #tpu.memory_space<hbm>>
      %dma_wait3A_184 = tpu.memref_squeeze %dma_wait3A_183 : memref<1x4096xf32, #tpu.memory_space<hbm>> -> memref<4096xf32, #tpu.memory_space<hbm>>
      %dma_wait3A_185 = arith.constant 0 : i32
      %dma_wait3A_186 = tpu.memref_slice %arg22[%dma_wait3A_185] : memref<4096xf32, #tpu.memory_space<vmem>> -> memref<4096xf32, #tpu.memory_space<vmem>>
      tpu.wait_dma2 semaphore(%run_scoped3A : memref<!tpu.dma_semaphore, #tpu.memory_space<semaphore_mem>>) src(%dma_wait3A_186 : memref<4096xf32, #tpu.memory_space<vmem>>) dst(%dma_wait3A_184 : memref<4096xf32, #tpu.memory_space<hbm>>)
      tpu.yield
    }) : () -> ()
    %add3A_141 = arith.constant 4096 : i32
    %add3A_142 = arith.addi %mul3A_9, %add3A_141 : i32
    "tpu.region"() ({
      %run_scoped3A = tpu.sem_alloc : memref<!tpu.dma_semaphore, #tpu.memory_space<semaphore_mem>>
      %dma_start3A = arith.constant 0 : i32
      %dma_start3A_173 = arith.constant 0 : i32
      %dma_start3A_174 = tpu.memref_slice %arg12[%dma_start3A, %dma_start3A_173] : memref<1024x8xf32, #tpu.memory_space<vmem>> -> memref<1024x8xf32, #tpu.memory_space<vmem>>
      %dma_start3A_175 = arith.constant 0 : i32
      %dma_start3A_176 = tpu.memref_slice %arg10[%add3A_142, %dma_start3A_175] : memref<100000x8xf32, #tpu.memory_space<vmem_shared>> -> memref<1024x8xf32, #tpu.memory_space<vmem_shared>>
      %dma_start3A_177 = arith.constant 0 : i32
      %dma_start3A_178 = arith.constant 0 : i32
      %dma_start3A_179 = tpu.memref_slice %arg12[%dma_start3A_177, %dma_start3A_178] : memref<1024x8xf32, #tpu.memory_space<vmem>> -> memref<1024x8xf32, #tpu.memory_space<vmem>>
      %dma_start3A_180 = arith.constant 0 : i32
      %dma_start3A_181 = tpu.memref_slice %arg10[%add3A_142, %dma_start3A_180] : memref<100000x8xf32, #tpu.memory_space<vmem_shared>> -> memref<1024x8xf32, #tpu.memory_space<vmem_shared>>
      tpu.enqueue_dma source(%dma_start3A_181 : memref<1024x8xf32, #tpu.memory_space<vmem_shared>>) target(%dma_start3A_179 : memref<1024x8xf32, #tpu.memory_space<vmem>>) target_semaphore(%run_scoped3A : memref<!tpu.dma_semaphore, #tpu.memory_space<semaphore_mem>>)
      %dma_wait3A = arith.constant 0 : i32
      %dma_wait3A_182 = arith.constant 0 : i32
      %dma_wait3A_183 = tpu.memref_slice %arg12[%dma_wait3A, %dma_wait3A_182] : memref<1024x8xf32, #tpu.memory_space<vmem>> -> memref<1024x8xf32, #tpu.memory_space<vmem>>
      %dma_wait3A_184 = arith.constant 0 : i32
      %dma_wait3A_185 = tpu.memref_slice %arg10[%add3A_142, %dma_wait3A_184] : memref<100000x8xf32, #tpu.memory_space<vmem_shared>> -> memref<1024x8xf32, #tpu.memory_space<vmem_shared>>
      %dma_wait3A_186 = arith.constant 0 : i32
      %dma_wait3A_187 = arith.constant 0 : i32
      %dma_wait3A_188 = tpu.memref_slice %arg12[%dma_wait3A_186, %dma_wait3A_187] : memref<1024x8xf32, #tpu.memory_space<vmem>> -> memref<1024x8xf32, #tpu.memory_space<vmem>>
      %dma_wait3A_189 = arith.constant 0 : i32
      %dma_wait3A_190 = tpu.memref_slice %arg10[%add3A_142, %dma_wait3A_189] : memref<100000x8xf32, #tpu.memory_space<vmem_shared>> -> memref<1024x8xf32, #tpu.memory_space<vmem_shared>>
      tpu.wait_dma2 semaphore(%run_scoped3A : memref<!tpu.dma_semaphore, #tpu.memory_space<semaphore_mem>>) src(%dma_wait3A_190 : memref<1024x8xf32, #tpu.memory_space<vmem_shared>>) dst(%dma_wait3A_188 : memref<1024x8xf32, #tpu.memory_space<vmem>>)
      tpu.yield
    }) : () -> ()
    %scan3A_143 = arith.constant 0 : i32
    %scan3A_144 = arith.constant 0 : i32
    %scan3A_145 = arith.constant 256 : i32
    %scan3A_146 = arith.addi %scan3A_144, %scan3A_145 : i32
    %scan3A_147 = arith.constant 1 : i32
    %scan3A_148 = scf.for %scan3A_173 = %scan3A_144 to %scan3A_146 step %scan3A_147 iter_args(%scan3A_174 = %scan3A_143) -> (i32)  : i32 {
      %mul3A_175 = arith.constant 16 : i32
      %mul3A_176 = arith.muli %mul3A_175, %scan3A_173 : i32
      %add3A_177 = vector.broadcast %mul3A_176 : i32 to vector<16xi32>
      %add3A_178 = arith.addi %add3A_177, %iota3A : vector<16xi32>
      %jit3A_179 = arith.constant 4 : i32
      %div3A_180 = vector.broadcast %jit3A_179 : i32 to vector<16xi32>
      %div3A_181 = arith.divsi %add3A_178, %div3A_180 : vector<16xi32>
      %sign3A_182 = arith.constant 0 : i32
      %sign3A_183 = vector.broadcast %sign3A_182 : i32 to vector<16xi32>
      %sign3A_184 = arith.cmpi sgt, %add3A_178, %sign3A_183 : vector<16xi32>
      %sign3A_185 = arith.extui %sign3A_184 : vector<16xi1> to vector<16xi32>
      %sign3A_186 = arith.constant 0 : i32
      %sign3A_187 = vector.broadcast %sign3A_186 : i32 to vector<16xi32>
      %sign3A_188 = arith.cmpi slt, %add3A_178, %sign3A_187 : vector<16xi32>
      %sign3A_189 = arith.extui %sign3A_188 : vector<16xi1> to vector<16xi32>
      %sign3A_190 = arith.subi %sign3A_185, %sign3A_189 : vector<16xi32>
      %sign3A_191 = arith.constant 0 : i32
      %sign3A_192 = arith.cmpi sgt, %jit3A_179, %sign3A_191 : i32
      %sign3A_193 = arith.extui %sign3A_192 : i1 to i32
      %sign3A_194 = arith.constant 0 : i32
      %sign3A_195 = arith.cmpi slt, %jit3A_179, %sign3A_194 : i32
      %sign3A_196 = arith.extui %sign3A_195 : i1 to i32
      %sign3A_197 = arith.subi %sign3A_193, %sign3A_196 : i32
      %ne3A_198 = vector.broadcast %sign3A_197 : i32 to vector<16xi32>
      %ne3A_199 = arith.cmpi ne, %sign3A_190, %ne3A_198 : vector<16xi32>
      %rem3A_200 = vector.broadcast %jit3A_179 : i32 to vector<16xi32>
      %rem3A_201 = arith.remsi %add3A_178, %rem3A_200 : vector<16xi32>
      %ne3A_202 = arith.constant 0 : i32
      %ne3A_203 = vector.broadcast %ne3A_202 : i32 to vector<16xi32>
      %ne3A_204 = arith.cmpi ne, %rem3A_201, %ne3A_203 : vector<16xi32>
      %and3A_205 = arith.andi %ne3A_199, %ne3A_204 : vector<16xi1>
      %sub3A_206 = arith.constant 1 : i32
      %sub3A_207 = vector.broadcast %sub3A_206 : i32 to vector<16xi32>
      %sub3A_208 = arith.subi %div3A_181, %sub3A_207 : vector<16xi32>
      %select_n3A_209 = arith.select %and3A_205, %sub3A_208, %div3A_181 : vector<16xi1>, vector<16xi32>
      %jit3A_210 = arith.constant 4 : i32
      %eq3A_211 = arith.constant 0 : i32
      %eq3A_212 = arith.cmpi eq, %jit3A_210, %eq3A_211 : i32
      %jit3A_213 = arith.constant 1 : i32
      %select_n3A_214 = arith.select %eq3A_212, %jit3A_213, %jit3A_210 : i32
      %rem3A_215 = vector.broadcast %select_n3A_214 : i32 to vector<16xi32>
      %rem3A_216 = arith.remsi %add3A_178, %rem3A_215 : vector<16xi32>
      %ne3A_217 = arith.constant 0 : i32
      %ne3A_218 = vector.broadcast %ne3A_217 : i32 to vector<16xi32>
      %ne3A_219 = arith.cmpi ne, %rem3A_216, %ne3A_218 : vector<16xi32>
      %lt3A = arith.constant 0 : i32
      %lt3A_220 = vector.broadcast %lt3A : i32 to vector<16xi32>
      %lt3A_221 = arith.cmpi slt, %rem3A_216, %lt3A_220 : vector<16xi32>
      %lt3A_222 = arith.constant 0 : i32
      %lt3A_223 = arith.cmpi slt, %select_n3A_214, %lt3A_222 : i32
      %ne3A_224 = vector.broadcast %lt3A_223 : i1 to vector<16xi1>
      %ne3A_225 = vector.broadcast %ne3A_224 : vector<16xi1> to vector<16xi1>
      %ne3A_226 = arith.xori %lt3A_221, %ne3A_225 : vector<16xi1>
      %and3A_227 = arith.andi %ne3A_226, %ne3A_219 : vector<16xi1>
      %add3A_228 = vector.broadcast %select_n3A_214 : i32 to vector<16xi32>
      %add3A_229 = arith.addi %rem3A_216, %add3A_228 : vector<16xi32>
      %select_n3A_230 = arith.select %and3A_227, %add3A_229, %rem3A_216 : vector<16xi1>, vector<16xi32>
      %gather3A = tpu.vector_load_idx %arg12[%select_n3A_209, %select_n3A_230] : memref<1024x8xf32, #tpu.memory_space<vmem>>[vector<16xi32>, vector<16xi32>], vector<16xf32>,
      %mul3A_231 = arith.constant 16 : i32
      %mul3A_232 = arith.muli %mul3A_231, %scan3A_173 : i32
      %swap3A = arith.index_cast %mul3A_232 : i32 to index
      %swap3A_233 = tpu.vector_load %arg22[%swap3A] {strides = array<i32>} : memref<4096xf32, #tpu.memory_space<vmem>>, vector<16xf32>,
      tpu.vector_store %arg22[%swap3A], %gather3A {strides = array<i32>} : memref<4096xf32, #tpu.memory_space<vmem>>, vector<16xf32>,
      %scan3A_234 = arith.constant 0 : i32
      scf.yield %scan3A_234 : i32
    }
    %scan3A_149 = arith.constant 256 : i32
    %mul3A_150 = arith.constant 4 : i32
    %mul3A_151 = arith.muli %mul3A_150, %add3A_142 : i32
    "tpu.region"() ({
      %run_scoped3A = tpu.sem_alloc : memref<!tpu.dma_semaphore, #tpu.memory_space<semaphore_mem>>
      %dma_start3A = arith.constant 0 : i32
      %dma_start3A_173 = tpu.memref_slice %arg22[%dma_start3A] : memref<4096xf32, #tpu.memory_space<vmem>> -> memref<4096xf32, #tpu.memory_space<vmem>>
      %dma_start3A_174 = tpu.memref_slice %arg8[%arg0, %mul3A_151] : memref<2x400000xf32, #tpu.memory_space<hbm>> -> memref<1x4096xf32, #tpu.memory_space<hbm>>
      %dma_start3A_175 = tpu.memref_squeeze %dma_start3A_174 : memref<1x4096xf32, #tpu.memory_space<hbm>> -> memref<4096xf32, #tpu.memory_space<hbm>>
      %dma_start3A_176 = tpu.memref_slice %arg8[%arg0, %mul3A_151] : memref<2x400000xf32, #tpu.memory_space<hbm>> -> memref<1x4096xf32, #tpu.memory_space<hbm>>
      %dma_start3A_177 = tpu.memref_squeeze %dma_start3A_176 : memref<1x4096xf32, #tpu.memory_space<hbm>> -> memref<4096xf32, #tpu.memory_space<hbm>>
      %dma_start3A_178 = arith.constant 0 : i32
      %dma_start3A_179 = tpu.memref_slice %arg22[%dma_start3A_178] : memref<4096xf32, #tpu.memory_space<vmem>> -> memref<4096xf32, #tpu.memory_space<vmem>>
      tpu.enqueue_dma source(%dma_start3A_179 : memref<4096xf32, #tpu.memory_space<vmem>>) target(%dma_start3A_177 : memref<4096xf32, #tpu.memory_space<hbm>>) target_semaphore(%run_scoped3A : memref<!tpu.dma_semaphore, #tpu.memory_space<semaphore_mem>>)
      %dma_wait3A = arith.constant 0 : i32
      %dma_wait3A_180 = tpu.memref_slice %arg22[%dma_wait3A] : memref<4096xf32, #tpu.memory_space<vmem>> -> memref<4096xf32, #tpu.memory_space<vmem>>
      %dma_wait3A_181 = tpu.memref_slice %arg8[%arg0, %mul3A_151] : memref<2x400000xf32, #tpu.memory_space<hbm>> -> memref<1x4096xf32, #tpu.memory_space<hbm>>
      %dma_wait3A_182 = tpu.memref_squeeze %dma_wait3A_181 : memref<1x4096xf32, #tpu.memory_space<hbm>> -> memref<4096xf32, #tpu.memory_space<hbm>>
      %dma_wait3A_183 = tpu.memref_slice %arg8[%arg0, %mul3A_151] : memref<2x400000xf32, #tpu.memory_space<hbm>> -> memref<1x4096xf32, #tpu.memory_space<hbm>>
      %dma_wait3A_184 = tpu.memref_squeeze %dma_wait3A_183 : memref<1x4096xf32, #tpu.memory_space<hbm>> -> memref<4096xf32, #tpu.memory_space<hbm>>
      %dma_wait3A_185 = arith.constant 0 : i32
      %dma_wait3A_186 = tpu.memref_slice %arg22[%dma_wait3A_185] : memref<4096xf32, #tpu.memory_space<vmem>> -> memref<4096xf32, #tpu.memory_space<vmem>>
      tpu.wait_dma2 semaphore(%run_scoped3A : memref<!tpu.dma_semaphore, #tpu.memory_space<semaphore_mem>>) src(%dma_wait3A_186 : memref<4096xf32, #tpu.memory_space<vmem>>) dst(%dma_wait3A_184 : memref<4096xf32, #tpu.memory_space<hbm>>)
      tpu.yield
    }) : () -> ()
    %add3A_152 = arith.constant 5120 : i32
    %add3A_153 = arith.addi %mul3A_9, %add3A_152 : i32
    "tpu.region"() ({
      %run_scoped3A = tpu.sem_alloc : memref<!tpu.dma_semaphore, #tpu.memory_space<semaphore_mem>>
      %dma_start3A = arith.constant 0 : i32
      %dma_start3A_173 = arith.constant 0 : i32
      %dma_start3A_174 = tpu.memref_slice %arg12[%dma_start3A, %dma_start3A_173] : memref<1024x8xf32, #tpu.memory_space<vmem>> -> memref<1024x8xf32, #tpu.memory_space<vmem>>
      %dma_start3A_175 = arith.constant 0 : i32
      %dma_start3A_176 = tpu.memref_slice %arg10[%add3A_153, %dma_start3A_175] : memref<100000x8xf32, #tpu.memory_space<vmem_shared>> -> memref<1024x8xf32, #tpu.memory_space<vmem_shared>>
      %dma_start3A_177 = arith.constant 0 : i32
      %dma_start3A_178 = arith.constant 0 : i32
      %dma_start3A_179 = tpu.memref_slice %arg12[%dma_start3A_177, %dma_start3A_178] : memref<1024x8xf32, #tpu.memory_space<vmem>> -> memref<1024x8xf32, #tpu.memory_space<vmem>>
      %dma_start3A_180 = arith.constant 0 : i32
      %dma_start3A_181 = tpu.memref_slice %arg10[%add3A_153, %dma_start3A_180] : memref<100000x8xf32, #tpu.memory_space<vmem_shared>> -> memref<1024x8xf32, #tpu.memory_space<vmem_shared>>
      tpu.enqueue_dma source(%dma_start3A_181 : memref<1024x8xf32, #tpu.memory_space<vmem_shared>>) target(%dma_start3A_179 : memref<1024x8xf32, #tpu.memory_space<vmem>>) target_semaphore(%run_scoped3A : memref<!tpu.dma_semaphore, #tpu.memory_space<semaphore_mem>>)
      %dma_wait3A = arith.constant 0 : i32
      %dma_wait3A_182 = arith.constant 0 : i32
      %dma_wait3A_183 = tpu.memref_slice %arg12[%dma_wait3A, %dma_wait3A_182] : memref<1024x8xf32, #tpu.memory_space<vmem>> -> memref<1024x8xf32, #tpu.memory_space<vmem>>
      %dma_wait3A_184 = arith.constant 0 : i32
      %dma_wait3A_185 = tpu.memref_slice %arg10[%add3A_153, %dma_wait3A_184] : memref<100000x8xf32, #tpu.memory_space<vmem_shared>> -> memref<1024x8xf32, #tpu.memory_space<vmem_shared>>
      %dma_wait3A_186 = arith.constant 0 : i32
      %dma_wait3A_187 = arith.constant 0 : i32
      %dma_wait3A_188 = tpu.memref_slice %arg12[%dma_wait3A_186, %dma_wait3A_187] : memref<1024x8xf32, #tpu.memory_space<vmem>> -> memref<1024x8xf32, #tpu.memory_space<vmem>>
      %dma_wait3A_189 = arith.constant 0 : i32
      %dma_wait3A_190 = tpu.memref_slice %arg10[%add3A_153, %dma_wait3A_189] : memref<100000x8xf32, #tpu.memory_space<vmem_shared>> -> memref<1024x8xf32, #tpu.memory_space<vmem_shared>>
      tpu.wait_dma2 semaphore(%run_scoped3A : memref<!tpu.dma_semaphore, #tpu.memory_space<semaphore_mem>>) src(%dma_wait3A_190 : memref<1024x8xf32, #tpu.memory_space<vmem_shared>>) dst(%dma_wait3A_188 : memref<1024x8xf32, #tpu.memory_space<vmem>>)
      tpu.yield
    }) : () -> ()
    %scan3A_154 = arith.constant 0 : i32
    %scan3A_155 = arith.constant 0 : i32
    %scan3A_156 = arith.constant 256 : i32
    %scan3A_157 = arith.addi %scan3A_155, %scan3A_156 : i32
    %scan3A_158 = arith.constant 1 : i32
    %scan3A_159 = scf.for %scan3A_173 = %scan3A_155 to %scan3A_157 step %scan3A_158 iter_args(%scan3A_174 = %scan3A_154) -> (i32)  : i32 {
      %mul3A_175 = arith.constant 16 : i32
      %mul3A_176 = arith.muli %mul3A_175, %scan3A_173 : i32
      %add3A_177 = vector.broadcast %mul3A_176 : i32 to vector<16xi32>
      %add3A_178 = arith.addi %add3A_177, %iota3A : vector<16xi32>
      %jit3A_179 = arith.constant 4 : i32
      %div3A_180 = vector.broadcast %jit3A_179 : i32 to vector<16xi32>
      %div3A_181 = arith.divsi %add3A_178, %div3A_180 : vector<16xi32>
      %sign3A_182 = arith.constant 0 : i32
      %sign3A_183 = vector.broadcast %sign3A_182 : i32 to vector<16xi32>
      %sign3A_184 = arith.cmpi sgt, %add3A_178, %sign3A_183 : vector<16xi32>
      %sign3A_185 = arith.extui %sign3A_184 : vector<16xi1> to vector<16xi32>
      %sign3A_186 = arith.constant 0 : i32
      %sign3A_187 = vector.broadcast %sign3A_186 : i32 to vector<16xi32>
      %sign3A_188 = arith.cmpi slt, %add3A_178, %sign3A_187 : vector<16xi32>
      %sign3A_189 = arith.extui %sign3A_188 : vector<16xi1> to vector<16xi32>
      %sign3A_190 = arith.subi %sign3A_185, %sign3A_189 : vector<16xi32>
      %sign3A_191 = arith.constant 0 : i32
      %sign3A_192 = arith.cmpi sgt, %jit3A_179, %sign3A_191 : i32
      %sign3A_193 = arith.extui %sign3A_192 : i1 to i32
      %sign3A_194 = arith.constant 0 : i32
      %sign3A_195 = arith.cmpi slt, %jit3A_179, %sign3A_194 : i32
      %sign3A_196 = arith.extui %sign3A_195 : i1 to i32
      %sign3A_197 = arith.subi %sign3A_193, %sign3A_196 : i32
      %ne3A_198 = vector.broadcast %sign3A_197 : i32 to vector<16xi32>
      %ne3A_199 = arith.cmpi ne, %sign3A_190, %ne3A_198 : vector<16xi32>
      %rem3A_200 = vector.broadcast %jit3A_179 : i32 to vector<16xi32>
      %rem3A_201 = arith.remsi %add3A_178, %rem3A_200 : vector<16xi32>
      %ne3A_202 = arith.constant 0 : i32
      %ne3A_203 = vector.broadcast %ne3A_202 : i32 to vector<16xi32>
      %ne3A_204 = arith.cmpi ne, %rem3A_201, %ne3A_203 : vector<16xi32>
      %and3A_205 = arith.andi %ne3A_199, %ne3A_204 : vector<16xi1>
      %sub3A_206 = arith.constant 1 : i32
      %sub3A_207 = vector.broadcast %sub3A_206 : i32 to vector<16xi32>
      %sub3A_208 = arith.subi %div3A_181, %sub3A_207 : vector<16xi32>
      %select_n3A_209 = arith.select %and3A_205, %sub3A_208, %div3A_181 : vector<16xi1>, vector<16xi32>
      %jit3A_210 = arith.constant 4 : i32
      %eq3A_211 = arith.constant 0 : i32
      %eq3A_212 = arith.cmpi eq, %jit3A_210, %eq3A_211 : i32
      %jit3A_213 = arith.constant 1 : i32
      %select_n3A_214 = arith.select %eq3A_212, %jit3A_213, %jit3A_210 : i32
      %rem3A_215 = vector.broadcast %select_n3A_214 : i32 to vector<16xi32>
      %rem3A_216 = arith.remsi %add3A_178, %rem3A_215 : vector<16xi32>
      %ne3A_217 = arith.constant 0 : i32
      %ne3A_218 = vector.broadcast %ne3A_217 : i32 to vector<16xi32>
      %ne3A_219 = arith.cmpi ne, %rem3A_216, %ne3A_218 : vector<16xi32>
      %lt3A = arith.constant 0 : i32
      %lt3A_220 = vector.broadcast %lt3A : i32 to vector<16xi32>
      %lt3A_221 = arith.cmpi slt, %rem3A_216, %lt3A_220 : vector<16xi32>
      %lt3A_222 = arith.constant 0 : i32
      %lt3A_223 = arith.cmpi slt, %select_n3A_214, %lt3A_222 : i32
      %ne3A_224 = vector.broadcast %lt3A_223 : i1 to vector<16xi1>
      %ne3A_225 = vector.broadcast %ne3A_224 : vector<16xi1> to vector<16xi1>
      %ne3A_226 = arith.xori %lt3A_221, %ne3A_225 : vector<16xi1>
      %and3A_227 = arith.andi %ne3A_226, %ne3A_219 : vector<16xi1>
      %add3A_228 = vector.broadcast %select_n3A_214 : i32 to vector<16xi32>
      %add3A_229 = arith.addi %rem3A_216, %add3A_228 : vector<16xi32>
      %select_n3A_230 = arith.select %and3A_227, %add3A_229, %rem3A_216 : vector<16xi1>, vector<16xi32>
      %gather3A = tpu.vector_load_idx %arg12[%select_n3A_209, %select_n3A_230] : memref<1024x8xf32, #tpu.memory_space<vmem>>[vector<16xi32>, vector<16xi32>], vector<16xf32>,
      %mul3A_231 = arith.constant 16 : i32
      %mul3A_232 = arith.muli %mul3A_231, %scan3A_173 : i32
      %swap3A = arith.index_cast %mul3A_232 : i32 to index
      %swap3A_233 = tpu.vector_load %arg22[%swap3A] {strides = array<i32>} : memref<4096xf32, #tpu.memory_space<vmem>>, vector<16xf32>,
      tpu.vector_store %arg22[%swap3A], %gather3A {strides = array<i32>} : memref<4096xf32, #tpu.memory_space<vmem>>, vector<16xf32>,
      %scan3A_234 = arith.constant 0 : i32
      scf.yield %scan3A_234 : i32
    }
    %scan3A_160 = arith.constant 256 : i32
    %mul3A_161 = arith.constant 4 : i32
    %mul3A_162 = arith.muli %mul3A_161, %add3A_153 : i32
    "tpu.region"() ({
      %run_scoped3A = tpu.sem_alloc : memref<!tpu.dma_semaphore, #tpu.memory_space<semaphore_mem>>
      %dma_start3A = arith.constant 0 : i32
      %dma_start3A_173 = tpu.memref_slice %arg22[%dma_start3A] : memref<4096xf32, #tpu.memory_space<vmem>> -> memref<4096xf32, #tpu.memory_space<vmem>>
      %dma_start3A_174 = tpu.memref_slice %arg8[%arg0, %mul3A_162] : memref<2x400000xf32, #tpu.memory_space<hbm>> -> memref<1x4096xf32, #tpu.memory_space<hbm>>
      %dma_start3A_175 = tpu.memref_squeeze %dma_start3A_174 : memref<1x4096xf32, #tpu.memory_space<hbm>> -> memref<4096xf32, #tpu.memory_space<hbm>>
      %dma_start3A_176 = tpu.memref_slice %arg8[%arg0, %mul3A_162] : memref<2x400000xf32, #tpu.memory_space<hbm>> -> memref<1x4096xf32, #tpu.memory_space<hbm>>
      %dma_start3A_177 = tpu.memref_squeeze %dma_start3A_176 : memref<1x4096xf32, #tpu.memory_space<hbm>> -> memref<4096xf32, #tpu.memory_space<hbm>>
      %dma_start3A_178 = arith.constant 0 : i32
      %dma_start3A_179 = tpu.memref_slice %arg22[%dma_start3A_178] : memref<4096xf32, #tpu.memory_space<vmem>> -> memref<4096xf32, #tpu.memory_space<vmem>>
      tpu.enqueue_dma source(%dma_start3A_179 : memref<4096xf32, #tpu.memory_space<vmem>>) target(%dma_start3A_177 : memref<4096xf32, #tpu.memory_space<hbm>>) target_semaphore(%run_scoped3A : memref<!tpu.dma_semaphore, #tpu.memory_space<semaphore_mem>>)
      %dma_wait3A = arith.constant 0 : i32
      %dma_wait3A_180 = tpu.memref_slice %arg22[%dma_wait3A] : memref<4096xf32, #tpu.memory_space<vmem>> -> memref<4096xf32, #tpu.memory_space<vmem>>
      %dma_wait3A_181 = tpu.memref_slice %arg8[%arg0, %mul3A_162] : memref<2x400000xf32, #tpu.memory_space<hbm>> -> memref<1x4096xf32, #tpu.memory_space<hbm>>
      %dma_wait3A_182 = tpu.memref_squeeze %dma_wait3A_181 : memref<1x4096xf32, #tpu.memory_space<hbm>> -> memref<4096xf32, #tpu.memory_space<hbm>>
      %dma_wait3A_183 = tpu.memref_slice %arg8[%arg0, %mul3A_162] : memref<2x400000xf32, #tpu.memory_space<hbm>> -> memref<1x4096xf32, #tpu.memory_space<hbm>>
      %dma_wait3A_184 = tpu.memref_squeeze %dma_wait3A_183 : memref<1x4096xf32, #tpu.memory_space<hbm>> -> memref<4096xf32, #tpu.memory_space<hbm>>
      %dma_wait3A_185 = arith.constant 0 : i32
      %dma_wait3A_186 = tpu.memref_slice %arg22[%dma_wait3A_185] : memref<4096xf32, #tpu.memory_space<vmem>> -> memref<4096xf32, #tpu.memory_space<vmem>>
      tpu.wait_dma2 semaphore(%run_scoped3A : memref<!tpu.dma_semaphore, #tpu.memory_space<semaphore_mem>>) src(%dma_wait3A_186 : memref<4096xf32, #tpu.memory_space<vmem>>) dst(%dma_wait3A_184 : memref<4096xf32, #tpu.memory_space<hbm>>)
      tpu.yield
    }) : () -> ()
    %ne3A_163 = arith.constant 15 : i32
    %ne3A_164 = arith.cmpi ne, %arg1, %ne3A_163 : i32
    %convert_element_type3A_165 = arith.extui %ne3A_164 : i1 to i32
    %cond3A_166 = arith.constant 0 : i32
    %cond3A_167 = arith.cmpi ne, %convert_element_type3A_165, %cond3A_166 : i32
    scf.if %cond3A_167 {
      %add3A_173 = arith.constant 6144 : i32
      %add3A_174 = arith.addi %mul3A_9, %add3A_173 : i32
      "tpu.region"() ({
        %run_scoped3A = tpu.sem_alloc : memref<!tpu.dma_semaphore, #tpu.memory_space<semaphore_mem>>
        %dma_start3A = arith.constant 0 : i32
        %dma_start3A_184 = arith.constant 0 : i32
        %dma_start3A_185 = tpu.memref_slice %arg12[%dma_start3A, %dma_start3A_184] : memref<1024x8xf32, #tpu.memory_space<vmem>> -> memref<112x8xf32, #tpu.memory_space<vmem>>
        %dma_start3A_186 = arith.constant 0 : i32
        %dma_start3A_187 = tpu.memref_slice %arg10[%add3A_174, %dma_start3A_186] : memref<100000x8xf32, #tpu.memory_space<vmem_shared>> -> memref<112x8xf32, #tpu.memory_space<vmem_shared>>
        %dma_start3A_188 = arith.constant 0 : i32
        %dma_start3A_189 = arith.constant 0 : i32
        %dma_start3A_190 = tpu.memref_slice %arg12[%dma_start3A_188, %dma_start3A_189] : memref<1024x8xf32, #tpu.memory_space<vmem>> -> memref<112x8xf32, #tpu.memory_space<vmem>>
        %dma_start3A_191 = arith.constant 0 : i32
        %dma_start3A_192 = tpu.memref_slice %arg10[%add3A_174, %dma_start3A_191] : memref<100000x8xf32, #tpu.memory_space<vmem_shared>> -> memref<112x8xf32, #tpu.memory_space<vmem_shared>>
        tpu.enqueue_dma source(%dma_start3A_192 : memref<112x8xf32, #tpu.memory_space<vmem_shared>>) target(%dma_start3A_190 : memref<112x8xf32, #tpu.memory_space<vmem>>) target_semaphore(%run_scoped3A : memref<!tpu.dma_semaphore, #tpu.memory_space<semaphore_mem>>)
        %dma_wait3A = arith.constant 0 : i32
        %dma_wait3A_193 = arith.constant 0 : i32
        %dma_wait3A_194 = tpu.memref_slice %arg12[%dma_wait3A, %dma_wait3A_193] : memref<1024x8xf32, #tpu.memory_space<vmem>> -> memref<112x8xf32, #tpu.memory_space<vmem>>
        %dma_wait3A_195 = arith.constant 0 : i32
        %dma_wait3A_196 = tpu.memref_slice %arg10[%add3A_174, %dma_wait3A_195] : memref<100000x8xf32, #tpu.memory_space<vmem_shared>> -> memref<112x8xf32, #tpu.memory_space<vmem_shared>>
        %dma_wait3A_197 = arith.constant 0 : i32
        %dma_wait3A_198 = arith.constant 0 : i32
        %dma_wait3A_199 = tpu.memref_slice %arg12[%dma_wait3A_197, %dma_wait3A_198] : memref<1024x8xf32, #tpu.memory_space<vmem>> -> memref<112x8xf32, #tpu.memory_space<vmem>>
        %dma_wait3A_200 = arith.constant 0 : i32
        %dma_wait3A_201 = tpu.memref_slice %arg10[%add3A_174, %dma_wait3A_200] : memref<100000x8xf32, #tpu.memory_space<vmem_shared>> -> memref<112x8xf32, #tpu.memory_space<vmem_shared>>
        tpu.wait_dma2 semaphore(%run_scoped3A : memref<!tpu.dma_semaphore, #tpu.memory_space<semaphore_mem>>) src(%dma_wait3A_201 : memref<112x8xf32, #tpu.memory_space<vmem_shared>>) dst(%dma_wait3A_199 : memref<112x8xf32, #tpu.memory_space<vmem>>)
        tpu.yield
      }) : () -> ()
      %scan3A_175 = arith.constant 0 : i32
      %scan3A_176 = arith.constant 0 : i32
      %scan3A_177 = arith.constant 28 : i32
      %scan3A_178 = arith.addi %scan3A_176, %scan3A_177 : i32
      %scan3A_179 = arith.constant 1 : i32
      %scan3A_180 = scf.for %scan3A_184 = %scan3A_176 to %scan3A_178 step %scan3A_179 iter_args(%scan3A_185 = %scan3A_175) -> (i32)  : i32 {
        %mul3A_186 = arith.constant 16 : i32
        %mul3A_187 = arith.muli %mul3A_186, %scan3A_184 : i32
        %add3A_188 = vector.broadcast %mul3A_187 : i32 to vector<16xi32>
        %add3A_189 = arith.addi %add3A_188, %iota3A : vector<16xi32>
        %jit3A_190 = arith.constant 4 : i32
        %div3A_191 = vector.broadcast %jit3A_190 : i32 to vector<16xi32>
        %div3A_192 = arith.divsi %add3A_189, %div3A_191 : vector<16xi32>
        %sign3A_193 = arith.constant 0 : i32
        %sign3A_194 = vector.broadcast %sign3A_193 : i32 to vector<16xi32>
        %sign3A_195 = arith.cmpi sgt, %add3A_189, %sign3A_194 : vector<16xi32>
        %sign3A_196 = arith.extui %sign3A_195 : vector<16xi1> to vector<16xi32>
        %sign3A_197 = arith.constant 0 : i32
        %sign3A_198 = vector.broadcast %sign3A_197 : i32 to vector<16xi32>
        %sign3A_199 = arith.cmpi slt, %add3A_189, %sign3A_198 : vector<16xi32>
        %sign3A_200 = arith.extui %sign3A_199 : vector<16xi1> to vector<16xi32>
        %sign3A_201 = arith.subi %sign3A_196, %sign3A_200 : vector<16xi32>
        %sign3A_202 = arith.constant 0 : i32
        %sign3A_203 = arith.cmpi sgt, %jit3A_190, %sign3A_202 : i32
        %sign3A_204 = arith.extui %sign3A_203 : i1 to i32
        %sign3A_205 = arith.constant 0 : i32
        %sign3A_206 = arith.cmpi slt, %jit3A_190, %sign3A_205 : i32
        %sign3A_207 = arith.extui %sign3A_206 : i1 to i32
        %sign3A_208 = arith.subi %sign3A_204, %sign3A_207 : i32
        %ne3A_209 = vector.broadcast %sign3A_208 : i32 to vector<16xi32>
        %ne3A_210 = arith.cmpi ne, %sign3A_201, %ne3A_209 : vector<16xi32>
        %rem3A_211 = vector.broadcast %jit3A_190 : i32 to vector<16xi32>
        %rem3A_212 = arith.remsi %add3A_189, %rem3A_211 : vector<16xi32>
        %ne3A_213 = arith.constant 0 : i32
        %ne3A_214 = vector.broadcast %ne3A_213 : i32 to vector<16xi32>
        %ne3A_215 = arith.cmpi ne, %rem3A_212, %ne3A_214 : vector<16xi32>
        %and3A_216 = arith.andi %ne3A_210, %ne3A_215 : vector<16xi1>
        %sub3A_217 = arith.constant 1 : i32
        %sub3A_218 = vector.broadcast %sub3A_217 : i32 to vector<16xi32>
        %sub3A_219 = arith.subi %div3A_192, %sub3A_218 : vector<16xi32>
        %select_n3A_220 = arith.select %and3A_216, %sub3A_219, %div3A_192 : vector<16xi1>, vector<16xi32>
        %jit3A_221 = arith.constant 4 : i32
        %eq3A_222 = arith.constant 0 : i32
        %eq3A_223 = arith.cmpi eq, %jit3A_221, %eq3A_222 : i32
        %jit3A_224 = arith.constant 1 : i32
        %select_n3A_225 = arith.select %eq3A_223, %jit3A_224, %jit3A_221 : i32
        %rem3A_226 = vector.broadcast %select_n3A_225 : i32 to vector<16xi32>
        %rem3A_227 = arith.remsi %add3A_189, %rem3A_226 : vector<16xi32>
        %ne3A_228 = arith.constant 0 : i32
        %ne3A_229 = vector.broadcast %ne3A_228 : i32 to vector<16xi32>
        %ne3A_230 = arith.cmpi ne, %rem3A_227, %ne3A_229 : vector<16xi32>
        %lt3A = arith.constant 0 : i32
        %lt3A_231 = vector.broadcast %lt3A : i32 to vector<16xi32>
        %lt3A_232 = arith.cmpi slt, %rem3A_227, %lt3A_231 : vector<16xi32>
        %lt3A_233 = arith.constant 0 : i32
        %lt3A_234 = arith.cmpi slt, %select_n3A_225, %lt3A_233 : i32
        %ne3A_235 = vector.broadcast %lt3A_234 : i1 to vector<16xi1>
        %ne3A_236 = vector.broadcast %ne3A_235 : vector<16xi1> to vector<16xi1>
        %ne3A_237 = arith.xori %lt3A_232, %ne3A_236 : vector<16xi1>
        %and3A_238 = arith.andi %ne3A_237, %ne3A_230 : vector<16xi1>
        %add3A_239 = vector.broadcast %select_n3A_225 : i32 to vector<16xi32>
        %add3A_240 = arith.addi %rem3A_227, %add3A_239 : vector<16xi32>
        %select_n3A_241 = arith.select %and3A_238, %add3A_240, %rem3A_227 : vector<16xi1>, vector<16xi32>
        %gather3A = tpu.vector_load_idx %arg12[%select_n3A_220, %select_n3A_241] : memref<1024x8xf32, #tpu.memory_space<vmem>>[vector<16xi32>, vector<16xi32>], vector<16xf32>,
        %mul3A_242 = arith.constant 16 : i32
        %mul3A_243 = arith.muli %mul3A_242, %scan3A_184 : i32
        %swap3A = arith.index_cast %mul3A_243 : i32 to index
        %swap3A_244 = tpu.vector_load %arg22[%swap3A] {strides = array<i32>} : memref<4096xf32, #tpu.memory_space<vmem>>, vector<16xf32>,
        tpu.vector_store %arg22[%swap3A], %gather3A {strides = array<i32>} : memref<4096xf32, #tpu.memory_space<vmem>>, vector<16xf32>,
        %scan3A_245 = arith.constant 0 : i32
        scf.yield %scan3A_245 : i32
      }
      %scan3A_181 = arith.constant 28 : i32
      %mul3A_182 = arith.constant 4 : i32
      %mul3A_183 = arith.muli %mul3A_182, %add3A_174 : i32
      "tpu.region"() ({
        %run_scoped3A = tpu.sem_alloc : memref<!tpu.dma_semaphore, #tpu.memory_space<semaphore_mem>>
        %dma_start3A = arith.constant 0 : i32
        %dma_start3A_184 = tpu.memref_slice %arg22[%dma_start3A] : memref<4096xf32, #tpu.memory_space<vmem>> -> memref<448xf32, #tpu.memory_space<vmem>>
        %dma_start3A_185 = tpu.memref_slice %arg8[%arg0, %mul3A_183] : memref<2x400000xf32, #tpu.memory_space<hbm>> -> memref<1x448xf32, #tpu.memory_space<hbm>>
        %dma_start3A_186 = tpu.memref_squeeze %dma_start3A_185 : memref<1x448xf32, #tpu.memory_space<hbm>> -> memref<448xf32, #tpu.memory_space<hbm>>
        %dma_start3A_187 = tpu.memref_slice %arg8[%arg0, %mul3A_183] : memref<2x400000xf32, #tpu.memory_space<hbm>> -> memref<1x448xf32, #tpu.memory_space<hbm>>
        %dma_start3A_188 = tpu.memref_squeeze %dma_start3A_187 : memref<1x448xf32, #tpu.memory_space<hbm>> -> memref<448xf32, #tpu.memory_space<hbm>>
        %dma_start3A_189 = arith.constant 0 : i32
        %dma_start3A_190 = tpu.memref_slice %arg22[%dma_start3A_189] : memref<4096xf32, #tpu.memory_space<vmem>> -> memref<448xf32, #tpu.memory_space<vmem>>
        tpu.enqueue_dma source(%dma_start3A_190 : memref<448xf32, #tpu.memory_space<vmem>>) target(%dma_start3A_188 : memref<448xf32, #tpu.memory_space<hbm>>) target_semaphore(%run_scoped3A : memref<!tpu.dma_semaphore, #tpu.memory_space<semaphore_mem>>)
        %dma_wait3A = arith.constant 0 : i32
        %dma_wait3A_191 = tpu.memref_slice %arg22[%dma_wait3A] : memref<4096xf32, #tpu.memory_space<vmem>> -> memref<448xf32, #tpu.memory_space<vmem>>
        %dma_wait3A_192 = tpu.memref_slice %arg8[%arg0, %mul3A_183] : memref<2x400000xf32, #tpu.memory_space<hbm>> -> memref<1x448xf32, #tpu.memory_space<hbm>>
        %dma_wait3A_193 = tpu.memref_squeeze %dma_wait3A_192 : memref<1x448xf32, #tpu.memory_space<hbm>> -> memref<448xf32, #tpu.memory_space<hbm>>
        %dma_wait3A_194 = tpu.memref_slice %arg8[%arg0, %mul3A_183] : memref<2x400000xf32, #tpu.memory_space<hbm>> -> memref<1x448xf32, #tpu.memory_space<hbm>>
        %dma_wait3A_195 = tpu.memref_squeeze %dma_wait3A_194 : memref<1x448xf32, #tpu.memory_space<hbm>> -> memref<448xf32, #tpu.memory_space<hbm>>
        %dma_wait3A_196 = arith.constant 0 : i32
        %dma_wait3A_197 = tpu.memref_slice %arg22[%dma_wait3A_196] : memref<4096xf32, #tpu.memory_space<vmem>> -> memref<448xf32, #tpu.memory_space<vmem>>
        tpu.wait_dma2 semaphore(%run_scoped3A : memref<!tpu.dma_semaphore, #tpu.memory_space<semaphore_mem>>) src(%dma_wait3A_197 : memref<448xf32, #tpu.memory_space<vmem>>) dst(%dma_wait3A_195 : memref<448xf32, #tpu.memory_space<hbm>>)
        tpu.yield
      }) : () -> ()
    } else {
    }
    %eq3A_168 = arith.constant 15 : i32
    %eq3A_169 = arith.cmpi eq, %arg1, %eq3A_168 : i32
    %convert_element_type3A_170 = arith.extui %eq3A_169 : i1 to i32
    %cond3A_171 = arith.constant 0 : i32
    %cond3A_172 = arith.cmpi ne, %convert_element_type3A_170, %cond3A_171 : i32
    scf.if %cond3A_172 {
      %add3A_173 = arith.constant 6144 : i32
      %add3A_174 = arith.addi %mul3A_9, %add3A_173 : i32
      "tpu.region"() ({
        %run_scoped3A = tpu.sem_alloc : memref<!tpu.dma_semaphore, #tpu.memory_space<semaphore_mem>>
        %dma_start3A = arith.constant 0 : i32
        %dma_start3A_184 = arith.constant 0 : i32
        %dma_start3A_185 = tpu.memref_slice %arg12[%dma_start3A, %dma_start3A_184] : memref<1024x8xf32, #tpu.memory_space<vmem>> -> memref<16x8xf32, #tpu.memory_space<vmem>>
        %dma_start3A_186 = arith.constant 0 : i32
        %dma_start3A_187 = tpu.memref_slice %arg10[%add3A_174, %dma_start3A_186] : memref<100000x8xf32, #tpu.memory_space<vmem_shared>> -> memref<16x8xf32, #tpu.memory_space<vmem_shared>>
        %dma_start3A_188 = arith.constant 0 : i32
        %dma_start3A_189 = arith.constant 0 : i32
        %dma_start3A_190 = tpu.memref_slice %arg12[%dma_start3A_188, %dma_start3A_189] : memref<1024x8xf32, #tpu.memory_space<vmem>> -> memref<16x8xf32, #tpu.memory_space<vmem>>
        %dma_start3A_191 = arith.constant 0 : i32
        %dma_start3A_192 = tpu.memref_slice %arg10[%add3A_174, %dma_start3A_191] : memref<100000x8xf32, #tpu.memory_space<vmem_shared>> -> memref<16x8xf32, #tpu.memory_space<vmem_shared>>
        tpu.enqueue_dma source(%dma_start3A_192 : memref<16x8xf32, #tpu.memory_space<vmem_shared>>) target(%dma_start3A_190 : memref<16x8xf32, #tpu.memory_space<vmem>>) target_semaphore(%run_scoped3A : memref<!tpu.dma_semaphore, #tpu.memory_space<semaphore_mem>>)
        %dma_wait3A = arith.constant 0 : i32
        %dma_wait3A_193 = arith.constant 0 : i32
        %dma_wait3A_194 = tpu.memref_slice %arg12[%dma_wait3A, %dma_wait3A_193] : memref<1024x8xf32, #tpu.memory_space<vmem>> -> memref<16x8xf32, #tpu.memory_space<vmem>>
        %dma_wait3A_195 = arith.constant 0 : i32
        %dma_wait3A_196 = tpu.memref_slice %arg10[%add3A_174, %dma_wait3A_195] : memref<100000x8xf32, #tpu.memory_space<vmem_shared>> -> memref<16x8xf32, #tpu.memory_space<vmem_shared>>
        %dma_wait3A_197 = arith.constant 0 : i32
        %dma_wait3A_198 = arith.constant 0 : i32
        %dma_wait3A_199 = tpu.memref_slice %arg12[%dma_wait3A_197, %dma_wait3A_198] : memref<1024x8xf32, #tpu.memory_space<vmem>> -> memref<16x8xf32, #tpu.memory_space<vmem>>
        %dma_wait3A_200 = arith.constant 0 : i32
        %dma_wait3A_201 = tpu.memref_slice %arg10[%add3A_174, %dma_wait3A_200] : memref<100000x8xf32, #tpu.memory_space<vmem_shared>> -> memref<16x8xf32, #tpu.memory_space<vmem_shared>>
        tpu.wait_dma2 semaphore(%run_scoped3A : memref<!tpu.dma_semaphore, #tpu.memory_space<semaphore_mem>>) src(%dma_wait3A_201 : memref<16x8xf32, #tpu.memory_space<vmem_shared>>) dst(%dma_wait3A_199 : memref<16x8xf32, #tpu.memory_space<vmem>>)
        tpu.yield
      }) : () -> ()
      %scan3A_175 = arith.constant 0 : i32
      %scan3A_176 = arith.constant 0 : i32
      %scan3A_177 = arith.constant 4 : i32
      %scan3A_178 = arith.addi %scan3A_176, %scan3A_177 : i32
      %scan3A_179 = arith.constant 1 : i32
      %scan3A_180 = scf.for %scan3A_184 = %scan3A_176 to %scan3A_178 step %scan3A_179 iter_args(%scan3A_185 = %scan3A_175) -> (i32)  : i32 {
        %mul3A_186 = arith.constant 16 : i32
        %mul3A_187 = arith.muli %mul3A_186, %scan3A_184 : i32
        %add3A_188 = vector.broadcast %mul3A_187 : i32 to vector<16xi32>
        %add3A_189 = arith.addi %add3A_188, %iota3A : vector<16xi32>
        %jit3A_190 = arith.constant 4 : i32
        %div3A_191 = vector.broadcast %jit3A_190 : i32 to vector<16xi32>
        %div3A_192 = arith.divsi %add3A_189, %div3A_191 : vector<16xi32>
        %sign3A_193 = arith.constant 0 : i32
        %sign3A_194 = vector.broadcast %sign3A_193 : i32 to vector<16xi32>
        %sign3A_195 = arith.cmpi sgt, %add3A_189, %sign3A_194 : vector<16xi32>
        %sign3A_196 = arith.extui %sign3A_195 : vector<16xi1> to vector<16xi32>
        %sign3A_197 = arith.constant 0 : i32
        %sign3A_198 = vector.broadcast %sign3A_197 : i32 to vector<16xi32>
        %sign3A_199 = arith.cmpi slt, %add3A_189, %sign3A_198 : vector<16xi32>
        %sign3A_200 = arith.extui %sign3A_199 : vector<16xi1> to vector<16xi32>
        %sign3A_201 = arith.subi %sign3A_196, %sign3A_200 : vector<16xi32>
        %sign3A_202 = arith.constant 0 : i32
        %sign3A_203 = arith.cmpi sgt, %jit3A_190, %sign3A_202 : i32
        %sign3A_204 = arith.extui %sign3A_203 : i1 to i32
        %sign3A_205 = arith.constant 0 : i32
        %sign3A_206 = arith.cmpi slt, %jit3A_190, %sign3A_205 : i32
        %sign3A_207 = arith.extui %sign3A_206 : i1 to i32
        %sign3A_208 = arith.subi %sign3A_204, %sign3A_207 : i32
        %ne3A_209 = vector.broadcast %sign3A_208 : i32 to vector<16xi32>
        %ne3A_210 = arith.cmpi ne, %sign3A_201, %ne3A_209 : vector<16xi32>
        %rem3A_211 = vector.broadcast %jit3A_190 : i32 to vector<16xi32>
        %rem3A_212 = arith.remsi %add3A_189, %rem3A_211 : vector<16xi32>
        %ne3A_213 = arith.constant 0 : i32
        %ne3A_214 = vector.broadcast %ne3A_213 : i32 to vector<16xi32>
        %ne3A_215 = arith.cmpi ne, %rem3A_212, %ne3A_214 : vector<16xi32>
        %and3A_216 = arith.andi %ne3A_210, %ne3A_215 : vector<16xi1>
        %sub3A_217 = arith.constant 1 : i32
        %sub3A_218 = vector.broadcast %sub3A_217 : i32 to vector<16xi32>
        %sub3A_219 = arith.subi %div3A_192, %sub3A_218 : vector<16xi32>
        %select_n3A_220 = arith.select %and3A_216, %sub3A_219, %div3A_192 : vector<16xi1>, vector<16xi32>
        %jit3A_221 = arith.constant 4 : i32
        %eq3A_222 = arith.constant 0 : i32
        %eq3A_223 = arith.cmpi eq, %jit3A_221, %eq3A_222 : i32
        %jit3A_224 = arith.constant 1 : i32
        %select_n3A_225 = arith.select %eq3A_223, %jit3A_224, %jit3A_221 : i32
        %rem3A_226 = vector.broadcast %select_n3A_225 : i32 to vector<16xi32>
        %rem3A_227 = arith.remsi %add3A_189, %rem3A_226 : vector<16xi32>
        %ne3A_228 = arith.constant 0 : i32
        %ne3A_229 = vector.broadcast %ne3A_228 : i32 to vector<16xi32>
        %ne3A_230 = arith.cmpi ne, %rem3A_227, %ne3A_229 : vector<16xi32>
        %lt3A = arith.constant 0 : i32
        %lt3A_231 = vector.broadcast %lt3A : i32 to vector<16xi32>
        %lt3A_232 = arith.cmpi slt, %rem3A_227, %lt3A_231 : vector<16xi32>
        %lt3A_233 = arith.constant 0 : i32
        %lt3A_234 = arith.cmpi slt, %select_n3A_225, %lt3A_233 : i32
        %ne3A_235 = vector.broadcast %lt3A_234 : i1 to vector<16xi1>
        %ne3A_236 = vector.broadcast %ne3A_235 : vector<16xi1> to vector<16xi1>
        %ne3A_237 = arith.xori %lt3A_232, %ne3A_236 : vector<16xi1>
        %and3A_238 = arith.andi %ne3A_237, %ne3A_230 : vector<16xi1>
        %add3A_239 = vector.broadcast %select_n3A_225 : i32 to vector<16xi32>
        %add3A_240 = arith.addi %rem3A_227, %add3A_239 : vector<16xi32>
        %select_n3A_241 = arith.select %and3A_238, %add3A_240, %rem3A_227 : vector<16xi1>, vector<16xi32>
        %gather3A = tpu.vector_load_idx %arg12[%select_n3A_220, %select_n3A_241] : memref<1024x8xf32, #tpu.memory_space<vmem>>[vector<16xi32>, vector<16xi32>], vector<16xf32>,
        %mul3A_242 = arith.constant 16 : i32
        %mul3A_243 = arith.muli %mul3A_242, %scan3A_184 : i32
        %swap3A = arith.index_cast %mul3A_243 : i32 to index
        %swap3A_244 = tpu.vector_load %arg22[%swap3A] {strides = array<i32>} : memref<4096xf32, #tpu.memory_space<vmem>>, vector<16xf32>,
        tpu.vector_store %arg22[%swap3A], %gather3A {strides = array<i32>} : memref<4096xf32, #tpu.memory_space<vmem>>, vector<16xf32>,
        %scan3A_245 = arith.constant 0 : i32
        scf.yield %scan3A_245 : i32
      }
      %scan3A_181 = arith.constant 4 : i32
      %mul3A_182 = arith.constant 4 : i32
      %mul3A_183 = arith.muli %mul3A_182, %add3A_174 : i32
      "tpu.region"() ({
        %run_scoped3A = tpu.sem_alloc : memref<!tpu.dma_semaphore, #tpu.memory_space<semaphore_mem>>
        %dma_start3A = arith.constant 0 : i32
        %dma_start3A_184 = tpu.memref_slice %arg22[%dma_start3A] : memref<4096xf32, #tpu.memory_space<vmem>> -> memref<64xf32, #tpu.memory_space<vmem>>
        %dma_start3A_185 = tpu.memref_slice %arg8[%arg0, %mul3A_183] : memref<2x400000xf32, #tpu.memory_space<hbm>> -> memref<1x64xf32, #tpu.memory_space<hbm>>
        %dma_start3A_186 = tpu.memref_squeeze %dma_start3A_185 : memref<1x64xf32, #tpu.memory_space<hbm>> -> memref<64xf32, #tpu.memory_space<hbm>>
        %dma_start3A_187 = tpu.memref_slice %arg8[%arg0, %mul3A_183] : memref<2x400000xf32, #tpu.memory_space<hbm>> -> memref<1x64xf32, #tpu.memory_space<hbm>>
        %dma_start3A_188 = tpu.memref_squeeze %dma_start3A_187 : memref<1x64xf32, #tpu.memory_space<hbm>> -> memref<64xf32, #tpu.memory_space<hbm>>
        %dma_start3A_189 = arith.constant 0 : i32
        %dma_start3A_190 = tpu.memref_slice %arg22[%dma_start3A_189] : memref<4096xf32, #tpu.memory_space<vmem>> -> memref<64xf32, #tpu.memory_space<vmem>>
        tpu.enqueue_dma source(%dma_start3A_190 : memref<64xf32, #tpu.memory_space<vmem>>) target(%dma_start3A_188 : memref<64xf32, #tpu.memory_space<hbm>>) target_semaphore(%run_scoped3A : memref<!tpu.dma_semaphore, #tpu.memory_space<semaphore_mem>>)
        %dma_wait3A = arith.constant 0 : i32
        %dma_wait3A_191 = tpu.memref_slice %arg22[%dma_wait3A] : memref<4096xf32, #tpu.memory_space<vmem>> -> memref<64xf32, #tpu.memory_space<vmem>>
        %dma_wait3A_192 = tpu.memref_slice %arg8[%arg0, %mul3A_183] : memref<2x400000xf32, #tpu.memory_space<hbm>> -> memref<1x64xf32, #tpu.memory_space<hbm>>
        %dma_wait3A_193 = tpu.memref_squeeze %dma_wait3A_192 : memref<1x64xf32, #tpu.memory_space<hbm>> -> memref<64xf32, #tpu.memory_space<hbm>>
        %dma_wait3A_194 = tpu.memref_slice %arg8[%arg0, %mul3A_183] : memref<2x400000xf32, #tpu.memory_space<hbm>> -> memref<1x64xf32, #tpu.memory_space<hbm>>
        %dma_wait3A_195 = tpu.memref_squeeze %dma_wait3A_194 : memref<1x64xf32, #tpu.memory_space<hbm>> -> memref<64xf32, #tpu.memory_space<hbm>>
        %dma_wait3A_196 = arith.constant 0 : i32
        %dma_wait3A_197 = tpu.memref_slice %arg22[%dma_wait3A_196] : memref<4096xf32, #tpu.memory_space<vmem>> -> memref<64xf32, #tpu.memory_space<vmem>>
        tpu.wait_dma2 semaphore(%run_scoped3A : memref<!tpu.dma_semaphore, #tpu.memory_space<semaphore_mem>>) src(%dma_wait3A_197 : memref<64xf32, #tpu.memory_space<vmem>>) dst(%dma_wait3A_195 : memref<64xf32, #tpu.memory_space<hbm>>)
        tpu.yield
      }) : () -> ()
    } else {
    }
    return
  }
}

module attributes {stable_mosaic.version = 14 : i64} {
  func.func @_combine(%arg0: i32, %arg1: memref<2x2000x4xf32, #tpu.memory_space<vmem>>, %arg2: memref<2000x3xf32, #tpu.memory_space<vmem>>) attributes {dimension_semantics = [#tpu.dimension_semantics<arbitrary>], iteration_bounds = array<i64: 50>, scalar_prefetch = 0 : i64, scratch_operands = 0 : i64, tpu.core_type = #tpu.core_type<tc>, window_params = [{transform_indices = @transform_0, window_bounds = array<i64: 2, 2000, 4>}, {transform_indices = @transform_1, window_bounds = array<i64: 2000, 3>}]} {
    %get3A = arith.constant 0 : index
    %get3A_0 = arith.constant 0 : index
    %get3A_1 = arith.constant 0 : index
    %get3A_2 = vector.load %arg1[%get3A, %get3A_0, %get3A_1] : memref<2x2000x4xf32, #tpu.memory_space<vmem>>, vector<1x2000x4xf32>
    %get3A_3 = vector.shape_cast %get3A_2 : vector<1x2000x4xf32> to vector<2000x4xf32>
    %get3A_4 = arith.constant 1 : index
    %get3A_5 = arith.constant 0 : index
    %get3A_6 = arith.constant 0 : index
    %get3A_7 = vector.load %arg1[%get3A_4, %get3A_5, %get3A_6] : memref<2x2000x4xf32, #tpu.memory_space<vmem>>, vector<1x2000x4xf32>
    %get3A_8 = vector.shape_cast %get3A_7 : vector<1x2000x4xf32> to vector<2000x4xf32>
    %add3A = arith.addf %get3A_3, %get3A_8 : vector<2000x4xf32>
    %slice3A = vector.extract_strided_slice %add3A {offsets = [0, 0], sizes = [2000, 3], strides = [1, 1]} : vector<2000x4xf32> to vector<2000x3xf32>
    %slice3A_9 = vector.extract_strided_slice %add3A {offsets = [0, 3], sizes = [2000, 1], strides = [1, 1]} : vector<2000x4xf32> to vector<2000x1xf32>
    %max3A = arith.constant 1.000000e+00 : f32
    %max3A_10 = vector.broadcast %max3A : f32 to vector<2000x1xf32>
    %max3A_11 = arith.maximumf %slice3A_9, %max3A_10 : vector<2000x1xf32>
    %div3A = vector.broadcast %max3A_11 : vector<2000x1xf32> to vector<2000x3xf32>
    %div3A_12 = arith.divf %slice3A, %div3A : vector<2000x3xf32>
    %swap3A = arith.constant 0 : index
    %swap3A_13 = arith.constant 0 : index
    %swap3A_14 = vector.load %arg2[%swap3A, %swap3A_13] : memref<2000x3xf32, #tpu.memory_space<vmem>>, vector<2000x3xf32>
    tpu.vector_store %arg2[%swap3A, %swap3A_13], %div3A_12 {strides = array<i32>} : memref<2000x3xf32, #tpu.memory_space<vmem>>, vector<2000x3xf32>,
    return
  }
  func.func @transform_0(%arg0: i32) -> (i32, i32, i32) {
    %c0_i32 = arith.constant 0 : i32
    %c0_i32_0 = arith.constant 0 : i32
    %c0_i32_1 = arith.constant 0 : i32
    return %c0_i32, %arg0, %c0_i32_0 : i32, i32, i32
  }
  func.func @transform_1(%arg0: i32) -> (i32, i32) {
    %c0_i32 = arith.constant 0 : i32
    %c0_i32_0 = arith.constant 0 : i32
    return %arg0, %c0_i32 : i32, i32
  }
}

</mosaic_0001>

<sc_bundles>
// kernel: kernel.4.cloned.1.call-start
scs
__scs_entry_jumppad:
0x0: {  	(pc) =	sbr.rel $0x88, $3  }
0x1: {  	(tag) =	ssettag $0x0;
	lr =	simm.s32 $0x1  }
0x2: {  	[smem:$0x3F9E] =	sst lr;
	_ =	strace $0xD0000000  }
0x3: {  	_ = 	snop  }
0x4: {  	_ = 	snop  }
0x5: {  	_ = 	snop  }
0x6: {  	_ = 	snop  }
0x7: {  	_ = 	snop  }
__scs_overlays_trampoline_lowered:
0x8: {  	[smem:$0x3FAD] =	sst s0  }
0x9: {  	[smem:$0x3FAE] =	sst s1  }
0xa: {  	[smem:$0x3FAF] =	sst s2  }
0xb: {  	[smem:$0x3FB0] =	sst s3  }
0xc: {  	[smem:$0x3FB1] =	sst s4  }
0xd: {  	[smem:$0x3FB2] =	sst s5  }
0xe: {  	[smem:$0x3FB3] =	sst s6  }
0xf: {  	[smem:$0x3FB4] =	sst s7  }
0x10: {  	[smem:$0x3FB5] =	sst s8  }
0x11: {  	[smem:$0x3FB6] =	sst s9;
	s0 =	simm.s32 @!p0 $0x0  }
0x12: {  	s1 =	sld [smem:$0x3F9C];
	s0 =	simm.s32 @p0 $0x1  }
0x13: {  	[smem:$0x3FB7] =	sst s0;
	s0 =	simm.s32 @!p1 $0x0  }
0x14: {  	s2 =	sld [smem:$0x3F9B];
	s0 =	simm.s32 @p1 $0x1  }
0x15: {  	[smem:$0x3FB8] =	sst s0;
	s0 =	simm.s32 @!p2 $0x0  }
0x16: {  	s3 =	sld [smem:$0x3FDB];
	s0 =	simm.s32 @p2 $0x1  }
0x17: {  	s4 =	simm.s32 $0x1BF5;
	[smem:$0x3FBA] =	sst s0  }
0x18: {  	s0 =	sld [smem:$0x3F9D];
	_ =	swait.ge [sflag:s4], $0x0  }
0x19: {  	s7 =	sld [smem:$0x3F9E]  }
0x1a: {  	s8 =	sadd.s32 $0xFFFFE003, lr  }
0x1b: {  	s9 =	sadd.s32 $0xFFFFFEF7, lr;
	s5 =	simm.s32 $0xFFFFFFFF;
	p2 =	slt.u32 s8, $0xFFFFF086  }
0x1c: {  	p1 =	slt.u32 s9, $0xF7A;
	s5 =	simm.s32 @!p2 $0x0  }
0x1d: {  	s5 =	simm.s32 @p1 $0x1;
	p0 =	seq.s32 s7, s2  }
0x1e: {  	s7 =	smul.u32 @!p0 $0xF7A, s2;
	p2 =	seq.s32 @!p0 s5, $0x0  }
0x1f: {  	s9 =	smul.u32 $0xF7A, s1;
	s8 =	simm.s32 @!p0 $0x1BF5;
	p2 =	por !p2, p0  }
0x20: {  	[sflag:s8] =	ssyncset.s32 @!p0 $0xFFFFF086;
	s6 =	sadd.s32 @!p0 s3, s7;
	s7 =	simm.s32 @!p0 $0x108  }
0x21: {  	s3 =	sadd.s32 s3, s9;
	s6 =	sadd.s32 @!p0 $0x88, s6;
	s7 =	simm.s32 @p2 $0x1082  }
0x22: {  	[simem:s7], [sflag:s8] =	dma.local @!p0 [hbm:s6], $0xF7A  }
0x23: {  	s9 =	sor.u32 $0xD0000000, s2;
	s6 =	simm.s32 $0x108;
	_ =	swait.ge @!p0 [sflag:s8], $0x0  }
0x24: {  	s3 =	sadd.s32 $0x88, s3;
	s6 =	simm.s32 @!p1 $0x1082;
	[sflag:s4] =	ssyncset.s32 $0xFFFFF086  }
0x25: {  	[simem:s6], [sflag:s4] =	dma.local [hbm:s3], $0xF7A  }
0x26: {  	[smem:$0x3F9E] =	sst s1;
	(tag) =	ssettag s2;
	_ =	strace s9  }
0x27: {  	s1 =	sld [smem:$0x3FAE]  }
0x28: {  	s2 =	sld [smem:$0x3FAF]  }
0x29: {  	s4 =	sld [smem:$0x3FB1]  }
0x2a: {  	p0 =	seq.s32 s5, $0x0;
	s5 =	sld [smem:$0x3FB2]  }
0x2b: {  	s6 =	sld [smem:$0x3FB3]  }
0x2c: {  	s7 =	sld [smem:$0x3FB4]  }
0x2d: {  	s3 =	simm.s32 $0x108;
	s8 =	sld [smem:$0x3FB5]  }
0x2e: {  	s3 =	simm.s32 @!p0 $0x1082;
	s9 =	sld [smem:$0x3FB6]  }
0x2f: {  	lr =	sadd.s32 s0, s3;
	s0 =	sld [smem:$0x3FAD]  }
0x30: {  	s3 =	sld [smem:$0x3FB0]  }
0x31: {  	[smem:$0x3FB9] =	sst s10  }
0x32: {  	s10 =	sld [smem:$0x3FB7];
	_ =	sdelay $0x3  }
0x33: {  	p0 =	seq.s32 s10, $0x1;
	s10 =	sld [smem:$0x3FB9];
	_ =	sdelay $0x3  }
0x34: {  	[smem:$0x3FB9] =	sst s10  }
0x35: {  	s10 =	sld [smem:$0x3FB8];
	_ =	sdelay $0x3  }
0x36: {  	p1 =	seq.s32 s10, $0x1;
	s10 =	sld [smem:$0x3FB9];
	_ =	sdelay $0x3  }
0x37: {  	[smem:$0x3FB9] =	sst s10  }
0x38: {  	s10 =	sld [smem:$0x3FBA]  }
0x39: {  	_ = 	snop;
	(pc) =	sbr.ind lr, $3  }
0x3a: {  	_ = 	snop  }
0x3b: {  	_ = 	snop  }
0x3c: {  	p2 =	seq.s32 s10, $0x1;
	s10 =	sld [smem:$0x3FB9]  }
0x3d: {  	_ =	shalt  }
0x3e: {  	_ =	shalt  }
0x3f: {  	_ =	shalt  }
0x40: {  	_ =	shalt  }
0x41: {  	_ =	shalt  }
0x42: {  	_ =	shalt  }
0x43: {  	_ =	shalt  }
0x44: {  	_ =	shalt  }
0x45: {  	_ =	shalt  }
0x46: {  	_ =	shalt  }
0x47: {  	_ =	shalt  }
0x48: {  	_ =	shalt  }
0x49: {  	_ =	shalt  }
0x4a: {  	_ =	shalt  }
0x4b: {  	_ =	shalt  }
0x4c: {  	_ =	shalt  }
0x4d: {  	_ =	shalt  }
0x4e: {  	_ =	shalt  }
0x4f: {  	_ =	shalt  }
0x50: {  	_ =	shalt  }
0x51: {  	_ =	shalt  }
0x52: {  	_ =	shalt  }
0x53: {  	_ =	shalt  }
0x54: {  	_ =	shalt  }
0x55: {  	_ =	shalt  }
0x56: {  	_ =	shalt  }
0x57: {  	_ =	shalt  }
0x58: {  	_ =	shalt  }
0x59: {  	_ =	shalt  }
0x5a: {  	_ =	shalt  }
0x5b: {  	_ =	shalt  }
0x5c: {  	_ =	shalt  }
0x5d: {  	_ =	shalt  }
0x5e: {  	_ =	shalt  }
0x5f: {  	_ =	shalt  }
0x60: {  	_ =	shalt  }
0x61: {  	_ =	shalt  }
0x62: {  	_ =	shalt  }
0x63: {  	_ =	shalt  }
0x64: {  	_ =	shalt  }
0x65: {  	_ =	shalt  }
0x66: {  	_ =	shalt  }
0x67: {  	_ =	shalt  }
0x68: {  	_ =	shalt  }
0x69: {  	_ =	shalt  }
0x6a: {  	_ =	shalt  }
0x6b: {  	_ =	shalt  }
0x6c: {  	_ =	shalt  }
0x6d: {  	_ =	shalt  }
0x6e: {  	_ =	shalt  }
0x6f: {  	_ =	shalt  }
0x70: {  	_ =	shalt  }
0x71: {  	_ =	shalt  }
0x72: {  	_ =	shalt  }
0x73: {  	_ =	shalt  }
0x74: {  	_ =	shalt  }
0x75: {  	_ =	shalt  }
0x76: {  	_ =	shalt  }
0x77: {  	_ =	shalt  }
0x78: {  	_ =	shalt  }
0x79: {  	_ =	shalt  }
0x7a: {  	_ =	shalt  }
0x7b: {  	_ =	shalt  }
0x7c: {  	_ =	shalt  }
0x7d: {  	_ =	shalt  }
0x7e: {  	_ =	shalt  }
0x7f: {  	_ =	shalt  }
0x80: {  	_ =	shalt  }
0x81: {  	_ =	shalt  }
0x82: {  	_ =	shalt  }
0x83: {  	_ =	shalt  }
0x84: {  	_ =	shalt  }
0x85: {  	_ =	shalt  }
0x86: {  	_ =	shalt  }
0x87: {  	_ =	shalt  }
.Lfunc_end0:
.L_simem_size_0:
called_computation.1_lowered:
.L_overlay_start_0:
0x88: {  	s2 =	sld [smem:$0x3FD9]  }
0x89: {  	s3 =	sld [smem:$0x3FFE];
	_ =	sdelay $0x1  }
0x8a: {  	s1 =	srdreg.scid  }
0x8b: {  	s0 =	sand.u32 $0x1, s1  }
0x8c: {  	s14 =	sshll.u32 s0, $0xA;
	s2 =	sadd.s32 s3, s2  }
0x8d: {  	s2 =	sadd.s32 s2, s14  }
0x8e: {  	[smem:$0x3FC5] =	sst s2  }
0x8f: {  	_ = 	snop  }
0x90: {  	s2 =	sld [smem:$0x3FD0];
	_ =	sdelay $0x2  }
0x91: {  	s15 =	simm.s32 $0xA;
	s4 =	simm.s32 $0x10  }
0x92: {  	[smem:s4], [sflag:s15] =	dma.local [hbm:s2], $0x1  }
0x93: {  	_ =	swait.eq [sflag:s15], $0x1  }
0x94: {  	[sflag:s15] =	ssyncset.done $0x0  }
0x95: {  	s16 =	sld [smem:$0x10];
	[sflag:s15] =	ssyncadd.s32 $0xFFFFFFFF  }
0x96: {  	s17 =	sld [smem:$0x11];
	(tm) =	ssettm $0x1  }
0x97: {  	s18 =	sld [smem:$0x3FFB];
	_ =	sdelay $0x3  }
0x98: {  	_ =	strace s18  }
0x99: {  	s4 =	sld [smem:$0x3FFC];
	_ =	sdelay $0x3  }
0x9a: {  	_ =	strace s4  }
0x9b: {  	s4 =	sld [smem:$0x3FFD];
	_ =	sdelay $0x3  }
0x9c: {  	_ =	strace s4  }
0x9d: {  	_ =	strace $0x8FFFFFFF  }
0x9e: {  	s19 =	sld [smem:$0x3FDB];
	_ =	sdelay $0x1  }
0x9f: {  	s5 =	simm.s32 $_scs_section_size  }
0xa0: {  	s6 =	simm.s32 $_size__tile_overlayer_lowered;
	s7 =	simm.s32 $_tile_overlayer_lowered  }
0xa1: {  	s22 =	simm.s32 $0x1BFF;
	s21 =	sshll.u32 s7, $0x1;
	s4 =	sadd.s32 s5, s19  }
0xa2: {  	s8 =	simm.s32 $0x0;
	s20 =	sshll.u32 s6, $0x1;
	s6 =	sadd.s32 s21, s4  }
0xa3: {  	[timem:s8], [sflag:s22] =	dma.local [hbm:s6], s20  }
0xa4: {  	_ =	swait.ge [sflag:s22], s20  }
0xa5: {  	s5 =	ssub.s32 $0x0, s20;
	[sflag:s22] =	ssyncset.done $0x0  }
0xa6: {  	[sflag:s22] =	ssyncadd.s32 s5;
	_ =	sdelay $0x1  }
0xa7: {  	s23 =	simm.s32 $0x1B8B  }
0xa8: {  	_ =	swait.ge [sflag:s23], $0x1  }
0xa9: {  	[sflag:s23] =	ssyncset.done $0x0  }
0xaa: {  	s25 =	simm.s32 $0x1B8E;
	s24 =	sld [smem:$0x3FFE];
	[sflag:s23] =	ssyncadd.s32 $0xFFFFFFFF  }
0xab: {  	s26 =	simm.s32 $execute0_lowered;
	[smem:$0x3FD2] =	sst s25  }
0xac: {  	s6 =	sshll.u32 s26, $0x1;
	_ =	strace $0x80000049;
	[dreg:$0x1] =	wrdreg $0xFFFFFFFF  }
0xad: {  	s28 =	simm.s32 $_size_execute0_lowered;
	s4 =	sadd.s32 s4, s6;
	[dreg:$0x0] =	wrdreg $0x0  }
0xae: {  	s6 =	sshll.u32 s28, $0x1;
	[dreg:$0x2] =	wrdreg s4  }
0xaf: {  	[dreg:$0x3] =	wrdreg s6  }
0xb0: {  	[dreg:$0x4] =	wrdreg $0xC0  }
0xb1: {  	_ =	task [dreg:s8], $0x5FFFF  }
0xb2: {  	[dreg:$0x1] =	wrdreg $0xFFFFFFFF  }
0xb3: {  	[dreg:$0x0] =	wrdreg $0x60  }
0xb4: {  	[dreg:$0x2] =	wrdreg s24  }
0xb5: {  	[dreg:$0x3] =	wrdreg s16  }
0xb6: {  	[dreg:$0x4] =	wrdreg s17  }
0xb7: {  	[dreg:$0x5] =	wrdreg $0x0  }
0xb8: {  	[dreg:$0x6] =	wrdreg $0x9  }
0xb9: {  	_ =	task.clear_ibuf [dreg:s8], $0x7FFFF;
	_ =	strace $0x90000049  }
0xba: {  	s29 =	simm.s32 $0x9;
	_ =	strace $0x8000004B  }
0xbb: {  	_ =	swait.ge [sflag:s29], $0x1  }
0xbc: {  	[sflag:s29] =	ssyncadd.s32 $0xFFFFFFFF  }
0xbd: {  	_ =	strace $0x9000004B  }
0xbe: {  	_ =	sfence  }
0xbf: {  	s30 =	sld [smem:$0x0];
	_ =	sdelay $0x2  }
0xc0: {  	s31 =	sshll.u32 s1, $0xD;
	s1 =	sshrl.u32 s1, $0x2  }
0xc1: {  	s3 =	sand.u32 $0x4000, s31;
	s1 =	sadd.s32 s1, s30  }
0xc2: {  	s0 =	sor.u32 s3, s0;
	s1 =	sshll.u32 s1, $0x11  }
0xc3: {  	s0 =	sor.u32 s1, s0  }
0xc4: {  	s0 =	sadd.s32 $0x8F2B, s0  }
0xc5: {  	[sflag:s0] =	ssyncadd.remote.s32 $0x1  }
0xc6: {  	_ =	sfence.sel $0xFFFF  }
0xc7: {  	[dreg:$0x0] =	wrdreg $0xFFFFFFFF;
	(pc) =	sbr.abs _section_cstart, $3  }
0xc8: {  	[dreg:$0x1] =	wrdreg $0xFFFFFFFF  }
0xc9: {  	_ =	task.clear_ibuf [dreg:s8], $0x2FFFF;
	_ =	strace $0x9FFFFFFF  }
0xca: {  	(tm) =	ssettm $0x7FFFFFFF  }
0xcb: {  	_ =	shalt  }
tec
execute0_lowered:
.L_overlay_start_1:
0x0: {  	(tag) =	ssettag $0x1  }
0x1: {  	s1 =	rddreg [dreg:$0x0]  }
0x2: {  	s4 =	rddreg [dreg:$0x3];
	s28 =	simm.s32 $0x0;
	s0 =	srdreg.scid  }
0x3: {  	s15 =	stileid.u32;
	s25 =	simm.s32 $0x103D0;
	s26 =	simm.s32 $0x107D0  }
0x4: {  	s29 =	simm.s32 $0xD750;
	s30 =	simm.s32 $0x109D0;
	s31 =	simm.s32 $0x10650  }
0x5: {  	[smem:$0x7FF] =	sst s28;
	s6 =	sand.u32 $0x1, s0;
	s9 =	smul.u32 $0x1870, s15  }
0x6: {  	s2 =	sadd.s32 $0x187000, s1;
	s5 =	smul.u32 $0x61C0, s15;
	s11 =	sadd.s32 $0x30DC00, s1  }
0x7: {  	p0 =	seq.s32 s15, $0xF;
	_ =	strace $0x8000004A;
	[dreg:$0x5] =	wrdreg s2  }
0x8: {  	s0 =	ssub.s32 $0x2, s6;
	s10 =	smul.u32 $0x61A80, s6;
	[dreg:$0x6] =	wrdreg s25  }
0x9: {  	[dreg:$0x7] =	wrdreg s26;
	s25 =	sshll.u32 s6, $0x4;
	s3 =	sshrl.u32 s0, $0x1  }
0xa: {  	s8 =	sadd.s32 $0x400, s9;
	s7 =	sadd.s32 $0x800, s9;
	s2 =	sadd.s32 $0x1400, s9  }
0xb: {  	s26 =	sor.u32 s15, s25;
	s0 =	ssub.s32 s0, s3;
	s13 =	sadd.s32 s5, s10  }
0xc: {  	s3 =	sadd.s32 $0xC00, s9;
	s5 =	sadd.s32 $0x1000, s9;
	s14 =	sshll.u32 s8, $0x2  }
0xd: {  	s20 =	sshll.u32 s2, $0x2;
	s9 =	sadd.s32 $0x1800, s9;
	s8 =	sshll.u32 s8, $0x3  }
0xe: {  	[dreg:$0x19] =	wrdreg s26;
	s12 =	sshrl.u32 s13, $0x3;
	s13 =	sshll.u32 s7, $0x2  }
0xf: {  	s19 =	sshll.u32 s5, $0x2;
	s21 =	sshll.u32 s9, $0x2;
	s0 =	smax.u32 s0, $0x1  }
0x10: {  	s12 =	sadd.s32 s11, s12;
	s13 =	sadd.s32 s10, s13;
	s23 =	sadd.s32 s10, s21  }
0x11: {  	s21 =	simm.s32 $0x10950;
	[smem:$0x7FB] =	sst s0;
	s0 =	simm.s32 $0xE350  }
0x12: {  	[dreg:$0xe] =	wrdreg s12;
	s12 =	sadd.s32 s10, s14;
	s14 =	sshll.u32 s3, $0x2  }
0x13: {  	s16 =	sshrl.u32 s13, $0x3;
	s13 =	sadd.s32 s10, s20;
	s24 =	sshrl.u32 s23, $0x3  }
0x14: {  	s20 =	simm.s32 $0x10550;
	[dreg:$0xd] =	wrdreg s21;
	s23 =	smul.u32 $0x30E00, s15  }
0x15: {  	s21 =	sshll.u32 s9, $0x3;
	s9 =	simm.s32 $0xCF50;
	s12 =	sshrl.u32 s12, $0x3  }
0x16: {  	s14 =	sadd.s32 s10, s14;
	s22 =	sshrl.u32 s13, $0x3;
	s13 =	simm.s32 $0x10450  }
0x17: {  	[dreg:$0xc] =	wrdreg s20;
	s20 =	sshll.u32 s2, $0x3;
	s2 =	simm.s32 $0x10CD0  }
0x18: {  	s12 =	sadd.s32 s11, s12;
	s17 =	sshrl.u32 s14, $0x3;
	[dreg:$0x8] =	wrdreg s13  }
0x19: {  	s14 =	simm.s32 $0x10850;
	s13 =	sshll.u32 s7, $0x3;
	s7 =	simm.s32 $0xC750  }
0x1a: {  	v0 =	vimm.f32 $3.000000000e+00;
	vm0 =	vcmask $0x3F24;
	v1 =	vimm.s32 $0x52741630;
	[dreg:$0xf] =	wrdreg s12;
	s12 =	sadd.s32 s11, s16;
	s18 =	sadd.s32 s11, s17  }
0x1b: {  	vm1 =	vcmask $0x1F04;
	vm2 =	vcmask $0xF04;
	v8 =	vimm.s32 $0x63052741;
	s16 =	sshll.u32 s6, $0xE;
	[dreg:$0x9] =	wrdreg s14;
	s17 =	simm.s32 $0x104D0  }
0x1c: {  	v9 =	vimm.s32 $0x13121110;
	v11 =	vimm.s32 $0x1B1A1918;
	s14 =	sadd.s32 $0x19F0E00, s1;
	s6 =	sshrl.u32 s23, $0x2;
	[dreg:$0x10] =	wrdreg s12  }
0x1d: {  	v12 =	vimm.s32 $0xBA983210;
	v14 =	vimm.s32 $0x23222120;
	v15 =	vimm.s32 $0x2B2A2928;
	[dreg:$0x11] =	wrdreg s18;
	s12 =	sadd.s32 s10, s19;
	s10 =	sshrl.u32 s10, $0x3  }
0x1e: {  	v4 =	vimm.f32 $0.0e+00;
	v16 =	vimm.s32 $0x5B5A5958;
	v17 =	vimm.s32 $0x4B4A4948;
	s18 =	sshll.u32 s15, $0xA;
	[dreg:$0xa] =	wrdreg s17;
	s19 =	simm.s32 $0x108D0  }
0x1f: {  	v18 =	vimm.s32 $0x73727170;
	vm0 =	vmor vm1, vm0;
	v6 =	vunpack.c.l.s4.s8 v1;
	s12 =	sshrl.u32 s12, $0x3;
	[dreg:$0xb] =	wrdreg s19;
	s19 =	sadd.s32 s6, s4  }
0x20: {  	v1 =	vimm.s32 $0x0;
	vm1 =	vcmask $0x1F14;
	v10 =	vunpack.c.l.s4.s8 v8;
	s10 =	sadd.s32 s11, s10;
	s12 =	sadd.s32 s11, s12;
	[dreg:$0x1a] =	wrdreg s19  }
0x21: {  	v8 =	vimm.s32 $0x74163052;
	v9 =	vunpack.c.0.s8.s32 v9;
	v11 =	vunpack.c.0.s8.s32 v11;
	s17 =	sshll.u32 s5, $0x3;
	s23 =	sadd.s32 $0xC348, s10;
	[dreg:$0x12] =	wrdreg s12  }
0x22: {  	v12 =	vunpack.c.l.s4.s8 v12;
	v14 =	vunpack.c.0.s8.s32 v14;
	v15 =	vunpack.c.0.s8.s32 v15;
	s5 =	simm.s32 $0x0;
	s25 =	sadd.s32 $0xC000, s19;
	[smem:$0x7F9] =	sst s23  }
0x23: {  	v16 =	vunpack.c.0.s8.s32 v16;
	vm1 =	vmor vm2, vm1;
	vm2 =	vcmask $0x2F24;
	s6 =	simm.s32 $0x80;
	s12 =	sadd.s32 s11, s22;
	[smem:$0x7FC] =	sst s25  }
0x24: {  	v13 =	vunpack.c.l.s4.s8 v8;
	vm1 =	vmor vm1, vm2;
	vm2 =	vcmask $0x3F34;
	s10 =	simm.s32 $0xD350;
	s22 =	sadd.s32 $0x400, s1;
	[dreg:$0x13] =	wrdreg s12  }
0x25: {  	(erf) = vrcp.f32 v0;
	vm1 =	vmor vm1, vm2;
	vm2 =	vcmask $0x1F10;
	s25 =	simm.s32 $0x10350;
	s12 =	sadd.s32 s11, s24;
	[dreg:$0x16] =	wrdreg s22  }
0x26: {  	v0 =	vlaneseq.u32;
	v6 =	vunpack.c.0.s8.s32 v6;
	v8 =	vsel vm2, v11, v9;
	s23 =	simm.s32 $0xDF50;
	s24 =	sadd.s32 $0x1A58C00, s1;
	[dreg:$0x14] =	wrdreg s12  }
0x27: {  	v9 =	vimm.s32 $0x33323130;
	v11 =	vunpack.c.0.s8.s32 v12;
	v12 =	vimm.s32 $0x3B3A3938;
	s1 =	sadd.s32 $0x1A52A00, s1;
	s11 =	sadd.s32 s8, s4;
	[dreg:$0x17] =	wrdreg s24  }
0x28: {  	v10 =	vunpack.c.0.s8.s32 v10;
	v9 =	vunpack.c.0.s8.s32 v9;
	v12 =	vunpack.c.0.s8.s32 v12;
	s22 =	ssub.s32 $0x63A, s26;
	s26 =	sadd.s32 $0xC3480, s4;
	[dreg:$0x18] =	wrdreg s1  }
0x29: {  	v2 =	vand.u32 $0x7, v0;
	v3 =	vmul.u32 $0x3, v0;
	v5 =	vmul.u32 $0x8, v0;
	s8 =	simm.s32 $0xCB50;
	s12 =	sor.u32 s18, s16;
	[dreg:$0x1b] =	wrdreg s11  }
0x2a: {  	v14 =	vsel vm2, v15, v14;
	v9 =	vsel vm2, v12, v9;
	v12 =	vimm.s32 $0x53525150;
	s1 =	sadd.s32 s13, s4;
	s16 =	sshll.u32 s3, $0x3;
	s18 =	sadd.s32 s17, s4  }
0x2b: {  	v15 =	vimm.s32 $0x43424140;
	v11 =	vand.u32 $0xF, v11;
	v12 =	vunpack.c.0.s8.s32 v12;
	s24 =	sshrl.u32 s22, $0x5;
	[smem:$0x7FD] =	sst s26;
	s3 =	simm.s32 $0x2  }
0x2c: {  	v8 =	vcombine.low v11, v8;
	v11 =	vimm.s32 $0x7B7A7978;
	v9 =	vcombine.low v14, v9;
	s26 =	simm.s32 $0x10750;
	s11 =	simm.s32 $0x105D0;
	[dreg:$0x15] =	wrdreg s12  }
0x2d: {  	v14 =	vimm.s32 $0x63626160;
	v16 =	vsel vm2, v16, v12;
	v12 =	vunpack.c.0.s8.s32 v15;
	s22 =	simm.s32 $0x106D0;
	s17 =	simm.s32 $0x114D0;
	[dreg:$0x1c] =	wrdreg s1  }
.Ltmp0:
0x2e: {  	v15 =	vunpack.c.0.s8.s32 v17;
	v17 =	vunpack.c.0.s8.s32 v18;
	v18 =	vimm.s32 $0x6B6A6968;
	s1 =	sadd.s32 s16, s4;
	[dreg:$0x1e] =	wrdreg s18;
	(pc) =	sbr.rel .LBB2_1-.Ltmp0, $4  }
0x2f: {  	v19 =	vunpack.c.0.s8.s32 v11;
	v14 =	vunpack.c.0.s8.s32 v14;
	v18 =	vunpack.c.0.s8.s32 v18;
	[smem:$0x7FA] =	sst s24;
	s12 =	simm.s32 $0xC350;
	s24 =	simm.s32 $0x10AD0  }
0x30: {  	v7 =	vadd.s32 $0x1, v3;
	v11 =	vadd.s32 $0x2, v3;
	v15 =	vsel vm2, v15, v12;
	s16 =	simm.s32 $0x110D0;
	[dreg:$0x1d] =	wrdreg s1;
	s1 =	sadd.s32 s20, s4  }
0x31: {  	v12 =	vunpack.c.0.s8.s32 v13;
	v17 =	vsel vm2, v19, v17;
	v18 =	vsel vm2, v18, v14;
	s18 =	simm.s32 $0x118D0;
	[dreg:$0x1f] =	wrdreg s1;
	s1 =	sadd.s32 s21, s4  }
0x32: {  	v13 =	vpop (erf);
	v14 =	vand.u32 $0x3, v0;
	v15 =	vcombine.low v15, v16;
	v16 =	vcombine.low v18, v17;
	s20 =	simm.s32 $0xDB50;
	s21 =	simm.s32 $0x10A50;
	[smem:$0x7F8] =	sst s1  }
.LBB2_32:
0x33: {  	s1 =	sld [smem:$0x7FD];
	_ =	sdelay $0x2  }
0x34: {  	[tilespmem:s0], [sflag:$0x2] =	stream.linear.gather [spmem:s1], $0x80, $0x38;
	[tilespmem:$0x12A50] =	vst v63  }
0x35: {  	_ =	swait.ge [sflag:s3], $0x80  }
0x36: {  	[sflag:s3] =	ssyncset.done $0x0  }
0x37: {  	[sflag:s3] =	ssyncadd.s32 $0xFFFFFF80  }
0x38: {  	v17 =	vld.idx.msk [tilespmem:v8+s0+$0x0], $0xffff;
	_ =	sdelay $0x4  }
0x39: {  	[tilespmem:$0x11A50] =	vst v17  }
0x3a: {  	v17 =	vld.idx.msk [tilespmem:v9+s0+$0x0], $0xffff;
	_ =	sdelay $0x4  }
0x3b: {  	[tilespmem:$0x11A60] =	vst v17  }
0x3c: {  	v17 =	vld.idx.msk [tilespmem:v15+s0+$0x0], $0xffff;
	_ =	sdelay $0x4  }
0x3d: {  	[tilespmem:$0x11A70] =	vst v17  }
0x3e: {  	v17 =	vld.idx.msk [tilespmem:v16+s0+$0x0], $0xffff;
	_ =	sdelay $0x2  }
0x3f: {  	s13 =	sld [smem:$0x7F9];
	_ =	sdelay $0x1  }
0x40: {  	[tilespmem:$0x11A80] =	vst v17  }
0x41: {  	[hbm4b:s13+s28] =	stream.linear.scatter [tilespmem:s15], [sflag:$0x2], $0x40, $0x38;
	[tilespmem:$0x12A50] =	vst v63  }
0x42: {  	_ =	swait.ge [sflag:s3], $0x40  }
0x43: {  	[sflag:s3] =	ssyncset.done $0x0  }
0x44: {  	s5 =	sld [smem:$0x7F7];
	[sflag:s3] =	ssyncadd.s32 $0xFFFFFFC0  }
.LBB2_33:
0x45: {  	s1 =	sld [smem:$0x7FB];
	_ =	sdelay $0x1  }
0x46: {  	s5 =	sadd.s32 $0x1, s5  }
0x47: {  	p1 =	sne.s32 s5, s1  }
.Ltmp1:
0x48: {  	_ = 	snop;
	(pc) =	sbr.rel @!p1 .LBB2_34-.Ltmp1, $1  }
0x49: {  	_ =	sdelay $0x3  }
.LBB2_1:
0x4a: {  	v17 =	vmov s28  }
0x4b: {  	vm2 =	veq.s32 v17, v0  }
0x4c: {  	vm2 =	vmand vm2, vm0  }
0x4d: {  	v17 =	vsel vm2, $0xFFFFFFFF, v1  }
0x4e: {  	v17 =	vshll.u32 v17, $0x3  }
0x4f: {  	s15 =	simm.s32 $0x10;
	v17 =	vadd.s32 s28, v17  }
0x50: {  	v18 =	vmov s15;
	v17 =	vadd.s32 v0, v17  }
0x51: {  	vm2 =	veq.s32 v18, v0;
	v17 =	vand.u32 $0xFFFFFFF8, v17  }
0x52: {  	vm2 =	vmand vm2, vm0;
	v17 =	vor.u32 v2, v17  }
0x53: {  	v18 =	vsel vm2, $0xFFFFFFFF, v1  }
0x54: {  	v18 =	vshll.u32 v18, $0x3  }
0x55: {  	[smem:$0x7F7] =	sst s5;
	s1 =	simm.s32 $0x20;
	v18 =	vadd.s32 s15, v18  }
.LBB2_2:
0x56: {  	v19 =	vmov s1;
	p1 =	sne.s32 s1, $0x1FF0;
	v18 =	vadd.s32 v0, v18;
	s5 =	smov.u32 s1;
	s1 =	sadd.s32 $0x10, s1  }
.Ltmp2:
0x57: {  	vm2 =	veq.s32 v19, v0;
	v18 =	vand.u32 $0xFFFFFFF8, v18;
	[tilespmem:v17+s0+$0x0] =	vst.idx.msk $0xffff, v4;
	(pc) =	sbr.rel @p1 .LBB2_2-.Ltmp2, $4  }
0x58: {  	vm2 =	vmand vm2, vm0;
	v17 =	vor.u32 v2, v18  }
0x59: {  	v18 =	vsel vm2, $0xFFFFFFFF, v1  }
0x5a: {  	v18 =	vshll.u32 v18, $0x3  }
0x5b: {  	v18 =	vadd.s32 s5, v18  }
0x5c: {  	v18 =	vadd.s32 v0, v18  }
0x5d: {  	v18 =	vand.u32 $0xFFFFFFF8, v18  }
0x5e: {  	v18 =	vor.u32 v2, v18;
	_ =	sdelay $0x3  }
0x5f: {  	[tilespmem:v17+s0+$0x0] =	vst.idx.msk $0xffff, v4  }
0x60: {  	[tilespmem:v18+s0+$0x0] =	vst.idx.msk $0xffff, v4  }
0x61: {  	[spmem:s19] =	stream.linear.scatter [tilespmem:s0], [sflag:$0x2], $0x2000, $0x38;
	[tilespmem:$0x12A50] =	vst v63  }
0x62: {  	_ =	swait.ge [sflag:s3], $0x2000  }
0x63: {  	[sflag:s3] =	ssyncset.done $0x0  }
0x64: {  	s1 =	rddreg [dreg:$0x1b];
	[sflag:s3] =	ssyncadd.s32 $0xFFFFE000  }
0x65: {  	[spmem:s1] =	stream.linear.scatter [tilespmem:s0], [sflag:$0x2], $0x2000, $0x38;
	[tilespmem:$0x12A50] =	vst v63  }
0x66: {  	_ =	swait.ge [sflag:s3], $0x2000  }
0x67: {  	[sflag:s3] =	ssyncset.done $0x0  }
0x68: {  	s19 =	rddreg [dreg:$0x1c];
	[sflag:s3] =	ssyncadd.s32 $0xFFFFE000  }
0x69: {  	[spmem:s19] =	stream.linear.scatter [tilespmem:s0], [sflag:$0x2], $0x2000, $0x38;
	[tilespmem:$0x12A50] =	vst v63  }
0x6a: {  	_ =	swait.ge [sflag:s3], $0x2000  }
0x6b: {  	[sflag:s3] =	ssyncset.done $0x0  }
0x6c: {  	s5 =	rddreg [dreg:$0x1d];
	[sflag:s3] =	ssyncadd.s32 $0xFFFFE000  }
0x6d: {  	[spmem:s5] =	stream.linear.scatter [tilespmem:s0], [sflag:$0x2], $0x2000, $0x38;
	[tilespmem:$0x12A50] =	vst v63  }
0x6e: {  	_ =	swait.ge [sflag:s3], $0x2000  }
0x6f: {  	[sflag:s3] =	ssyncset.done $0x0  }
0x70: {  	s13 =	rddreg [dreg:$0x1e];
	[sflag:s3] =	ssyncadd.s32 $0xFFFFE000  }
0x71: {  	[spmem:s13] =	stream.linear.scatter [tilespmem:s0], [sflag:$0x2], $0x2000, $0x38;
	[tilespmem:$0x12A50] =	vst v63  }
0x72: {  	_ =	swait.ge [sflag:s3], $0x2000  }
0x73: {  	[sflag:s3] =	ssyncset.done $0x0  }
0x74: {  	s15 =	rddreg [dreg:$0x1f];
	[sflag:s3] =	ssyncadd.s32 $0xFFFFE000  }
0x75: {  	[spmem:s15] =	stream.linear.scatter [tilespmem:s0], [sflag:$0x2], $0x2000, $0x38;
	[tilespmem:$0x12A50] =	vst v63  }
0x76: {  	_ =	swait.ge [sflag:s3], $0x2000  }
0x77: {  	s5 =	sld [smem:$0x7FD]  }
0x78: {  	[sflag:s3] =	ssyncset.done $0x0  }
0x79: {  	s1 =	simm.s32 @p0 $0xE350;
	[sflag:s3] =	ssyncadd.s32 $0xFFFFE000  }
0x7a: {  	[spmem:s5] =	stream.linear.scatter @p0 [tilespmem:s1], [sflag:$0x2], $0x80, $0x38;
	[tilespmem:$0x12A50] =	vst v63  }
0x7b: {  	s1 =	simm.s32 @p0 $0x2  }
0x7c: {  	_ =	swait.ge @p0 [sflag:s1], $0x80  }
0x7d: {  	s5 =	sld [smem:$0x7FC]  }
0x7e: {  	[sflag:s1] =	ssyncset.done @p0 $0x0  }
0x7f: {  	[sflag:s1] =	ssyncadd.s32 @p0 $0xFFFFFF80;
	s1 =	simm.s32 @!p0 $0xE350  }
0x80: {  	[spmem:s5] =	stream.linear.scatter @!p0 [tilespmem:s1], [sflag:$0x2], $0x380, $0x38;
	[tilespmem:$0x12A50] =	vst v63  }
0x81: {  	s1 =	simm.s32 @!p0 $0x2  }
0x82: {  	_ =	swait.ge @!p0 [sflag:s1], $0x380  }
0x83: {  	[sflag:s1] =	ssyncset.done @!p0 $0x0  }
0x84: {  	[sflag:s1] =	ssyncadd.s32 @!p0 $0xFFFFFC80  }
0x85: {  	[bflag:$0x0] =	sbarrier.arrive $0xFFFF  }
0x86: {  	s19 =	sld [smem:$0x7FA];
	_ =	sdelay $0x2  }
0x87: {  	p2 =	sne.s32 s19, $0x1  }
.Ltmp3:
0x88: {  	_ = 	snop;
	(pc) =	sbr.rel @!p2 .LBB2_4-.Ltmp3, $3  }
0x89: {  	_ =	sdelay $0x1  }
0x8a: {  	s5 =	rddreg [dreg:$0x5]  }
0x8b: {  	p1 =	por $0x0, $0x0;
	s28 =	rddreg [dreg:$0x15];
	s1 =	sadd.s32 $0xFFFFFFFF, s19  }
0x8c: {  	s13 =	sand.u32 $0x1FFFFC00, s28  }
0x8d: {  	s19 =	simm.s32 $0x0;
	s5 =	sadd.s32 s5, s13  }
0x8e: {  	[tilespmem:s12], [sflag:$0x2] =	stream.linear.gather [hbm4b:s5+s19], $0x2000, $0x38;
	[tilespmem:$0x12A50] =	vst v63  }
0x8f: {  	_ =	swait.ge [sflag:s3], $0x2000  }
0x90: {  	s13 =	sshrl.u32 s28, $0x3;
	[sflag:s3] =	ssyncset.done $0x0  }
0x91: {  	s5 =	sadd.s32 s14, s13;
	[sflag:s3] =	ssyncadd.s32 $0xFFFFE000  }
0x92: {  	[tilespmem:s25], [sflag:$0x2] =	stream.linear.gather [hbm4b:s5+s19], $0x400, $0x38;
	[tilespmem:$0x12A50] =	vst v63  }
0x93: {  	s15 =	sadd.s32 $0x186C00, s28;
	_ =	swait.ge [sflag:s3], $0x400  }
0x94: {  	s5 =	sshrl.u32 s15, $0x3;
	[sflag:s3] =	ssyncset.done $0x0  }
0x95: {  	s5 =	sadd.s32 s14, s5;
	[sflag:s3] =	ssyncadd.s32 $0xFFFFFC00  }
0x96: {  	[tilespmem:s26], [sflag:$0x2] =	stream.linear.gather [hbm4b:s5+s19], $0x400, $0x38;
	[tilespmem:$0x12A50] =	vst v63  }
0x97: {  	_ =	swait.ge [sflag:s3], $0x400  }
0x98: {  	[sflag:s3] =	ssyncset.done $0x0  }
0x99: {  	[sflag:s3] =	ssyncadd.s32 $0xFFFFFC00  }
0x9a: {  	[spmem:s4] =	stream.indirect.scatter.add.f32 [tilespmem:s12], [sflag:$0x2], $0x8, s25, s6, $0xb8;
	[tilespmem:$0x12A50] =	vst v63  }
0x9b: {  	_ =	swait.ge [sflag:s3], $0x400  }
0x9c: {  	[sflag:s3] =	ssyncset.done $0x0  }
0x9d: {  	[sflag:s3] =	ssyncadd.s32 $0xFFFFFC00  }
0x9e: {  	[spmem:s4] =	stream.indirect.scatter.add.f32 [tilespmem:s12], [sflag:$0x2], $0x8, s26, s6, $0xb8;
	[tilespmem:$0x12A50] =	vst v63  }
0x9f: {  	_ =	swait.ge [sflag:s3], $0x400  }
0xa0: {  	[sflag:s3] =	ssyncset.done $0x0  }
0xa1: {  	s13 =	rddreg [dreg:$0x6];
	[sflag:s3] =	ssyncadd.s32 $0xFFFFFC00  }
0xa2: {  	[spmem:s4] =	stream.indirect.scatter.add.f32 [tilespmem:s7], [sflag:$0x2], $0x8, s13, s6, $0xb8;
	[tilespmem:$0x12A50] =	vst v63  }
0xa3: {  	_ =	swait.ge [sflag:s3], $0x400  }
0xa4: {  	[sflag:s3] =	ssyncset.done $0x0  }
0xa5: {  	s15 =	rddreg [dreg:$0x7];
	[sflag:s3] =	ssyncadd.s32 $0xFFFFFC00  }
0xa6: {  	[spmem:s4] =	stream.indirect.scatter.add.f32 [tilespmem:s7], [sflag:$0x2], $0x8, s15, s6, $0xb8;
	[tilespmem:$0x12A50] =	vst v63  }
0xa7: {  	_ =	swait.ge [sflag:s3], $0x400  }
0xa8: {  	[sflag:s3] =	ssyncset.done $0x0  }
0xa9: {  	s13 =	rddreg [dreg:$0x8];
	[sflag:s3] =	ssyncadd.s32 $0xFFFFFC00  }
0xaa: {  	[spmem:s4] =	stream.indirect.scatter.add.f32 [tilespmem:s8], [sflag:$0x2], $0x8, s13, s6, $0xb8;
	[tilespmem:$0x12A50] =	vst v63  }
0xab: {  	_ =	swait.ge [sflag:s3], $0x400  }
0xac: {  	[sflag:s3] =	ssyncset.done $0x0  }
0xad: {  	s15 =	rddreg [dreg:$0x9];
	[sflag:s3] =	ssyncadd.s32 $0xFFFFFC00  }
0xae: {  	[spmem:s4] =	stream.indirect.scatter.add.f32 [tilespmem:s8], [sflag:$0x2], $0x8, s15, s6, $0xb8;
	[tilespmem:$0x12A50] =	vst v63  }
0xaf: {  	_ =	swait.ge [sflag:s3], $0x400  }
0xb0: {  	[sflag:s3] =	ssyncset.done $0x0  }
0xb1: {  	s13 =	rddreg [dreg:$0xa];
	[sflag:s3] =	ssyncadd.s32 $0xFFFFFC00  }
0xb2: {  	[spmem:s4] =	stream.indirect.scatter.add.f32 [tilespmem:s9], [sflag:$0x2], $0x8, s13, s6, $0xb8;
	[tilespmem:$0x12A50] =	vst v63  }
0xb3: {  	_ =	swait.ge [sflag:s3], $0x400  }
0xb4: {  	[sflag:s3] =	ssyncset.done $0x0  }
0xb5: {  	s15 =	rddreg [dreg:$0xb];
	[sflag:s3] =	ssyncadd.s32 $0xFFFFFC00  }
0xb6: {  	[spmem:s4] =	stream.indirect.scatter.add.f32 [tilespmem:s9], [sflag:$0x2], $0x8, s15, s6, $0xb8;
	[tilespmem:$0x12A50] =	vst v63  }
0xb7: {  	_ =	swait.ge [sflag:s3], $0x400  }
0xb8: {  	[sflag:s3] =	ssyncset.done $0x0  }
0xb9: {  	s13 =	rddreg [dreg:$0xc];
	[sflag:s3] =	ssyncadd.s32 $0xFFFFFC00  }
0xba: {  	[spmem:s4] =	stream.indirect.scatter.add.f32 [tilespmem:s10], [sflag:$0x2], $0x8, s13, s6, $0xb8;
	[tilespmem:$0x12A50] =	vst v63  }
0xbb: {  	_ =	swait.ge [sflag:s3], $0x400  }
0xbc: {  	[sflag:s3] =	ssyncset.done $0x0  }
0xbd: {  	s15 =	rddreg [dreg:$0xd];
	[sflag:s3] =	ssyncadd.s32 $0xFFFFFC00  }
0xbe: {  	[spmem:s4] =	stream.indirect.scatter.add.f32 [tilespmem:s10], [sflag:$0x2], $0x8, s15, s6, $0xb8;
	[tilespmem:$0x12A50] =	vst v63  }
0xbf: {  	_ =	swait.ge [sflag:s3], $0x400  }
0xc0: {  	[sflag:s3] =	ssyncset.done $0x0  }
0xc1: {  	[sflag:s3] =	ssyncadd.s32 $0xFFFFFC00  }
0xc2: {  	[spmem:s4] =	stream.indirect.scatter.add.f32 [tilespmem:s29], [sflag:$0x2], $0x8, s11, s6, $0xb8;
	[tilespmem:$0x12A50] =	vst v63  }
0xc3: {  	_ =	swait.ge [sflag:s3], $0x400  }
0xc4: {  	[sflag:s3] =	ssyncset.done $0x0  }
0xc5: {  	[sflag:s3] =	ssyncadd.s32 $0xFFFFFC00  }
0xc6: {  	[spmem:s4] =	stream.indirect.scatter.add.f32 [tilespmem:s29], [sflag:$0x2], $0x8, s30, s6, $0xb8;
	[tilespmem:$0x12A50] =	vst v63  }
0xc7: {  	_ =	swait.ge [sflag:s3], $0x400  }
0xc8: {  	[sflag:s3] =	ssyncset.done $0x0  }
0xc9: {  	[sflag:s3] =	ssyncadd.s32 $0xFFFFFC00  }
0xca: {  	[spmem:s4] =	stream.indirect.scatter.add.f32 [tilespmem:s20], [sflag:$0x2], $0x8, s31, s6, $0xb8;
	[tilespmem:$0x12A50] =	vst v63  }
0xcb: {  	_ =	swait.ge [sflag:s3], $0x400  }
0xcc: {  	[sflag:s3] =	ssyncset.done $0x0  }
0xcd: {  	[sflag:s3] =	ssyncadd.s32 $0xFFFFFC00  }
0xce: {  	[spmem:s4] =	stream.indirect.scatter.add.f32 [tilespmem:s20], [sflag:$0x2], $0x8, s21, s6, $0xb8;
	[tilespmem:$0x12A50] =	vst v63  }
0xcf: {  	_ =	swait.ge [sflag:s3], $0x400  }
0xd0: {  	[sflag:s3] =	ssyncset.done $0x0  }
0xd1: {  	[sflag:s3] =	ssyncadd.s32 $0xFFFFFC00  }
0xd2: {  	[spmem:s4] =	stream.indirect.scatter.add.f32 [tilespmem:s23], [sflag:$0x2], $0x8, s22, s6, $0xb8;
	[tilespmem:$0x12A50] =	vst v63  }
0xd3: {  	p2 =	sne.s32 s1, $0x1;
	_ =	swait.ge [sflag:s3], $0x400  }
.Ltmp4:
0xd4: {  	[sflag:s3] =	ssyncset.done $0x0;
	(pc) =	sbr.rel @!p2 .LBB2_6-.Ltmp4, $4  }
0xd5: {  	[sflag:s3] =	ssyncadd.s32 $0xFFFFFC00  }
0xd6: {  	[spmem:s4] =	stream.indirect.scatter.add.f32 [tilespmem:s23], [sflag:$0x2], $0x8, s24, s6, $0xb8;
	[tilespmem:$0x12A50] =	vst v63  }
0xd7: {  	p1 =	por $0x1, $0x1;
	s13 =	sadd.s32 $0xFFFFFFFF, s1;
	_ =	swait.ge [sflag:s3], $0x400  }
0xd8: {  	s1 =	smov.u32 s28;
	s5 =	rddreg [dreg:$0x5];
	[sflag:s3] =	ssyncset.done $0x0  }
.LBB2_7:
0xd9: {  	s1 =	sadd.s32 $0x8000, s1  }
0xda: {  	s15 =	sand.u32 $0x1FFFFC00, s1  }
0xdb: {  	[sflag:s3] =	ssyncadd.s32 $0xFFFFFC00;
	s5 =	sadd.s32 s5, s15  }
0xdc: {  	[tilespmem:s12], [sflag:$0x2] =	stream.linear.gather [hbm4b:s5+s19], $0x2000, $0x38;
	[tilespmem:$0x12A50] =	vst v63  }
0xdd: {  	_ =	swait.ge [sflag:s3], $0x2000  }
0xde: {  	s15 =	sshrl.u32 s1, $0x3;
	[sflag:s3] =	ssyncset.done $0x0  }
0xdf: {  	s5 =	sadd.s32 s14, s15;
	[sflag:s3] =	ssyncadd.s32 $0xFFFFE000  }
0xe0: {  	[tilespmem:s25], [sflag:$0x2] =	stream.linear.gather [hbm4b:s5+s19], $0x400, $0x38;
	[tilespmem:$0x12A50] =	vst v63  }
0xe1: {  	s15 =	sadd.s32 $0x186C00, s1;
	_ =	swait.ge [sflag:s3], $0x400  }
0xe2: {  	s5 =	sshrl.u32 s15, $0x3;
	[sflag:s3] =	ssyncset.done $0x0  }
0xe3: {  	s5 =	sadd.s32 s14, s5;
	[sflag:s3] =	ssyncadd.s32 $0xFFFFFC00  }
0xe4: {  	[tilespmem:s26], [sflag:$0x2] =	stream.linear.gather [hbm4b:s5+s19], $0x400, $0x38;
	[tilespmem:$0x12A50] =	vst v63  }
0xe5: {  	_ =	swait.ge [sflag:s3], $0x400  }
0xe6: {  	[sflag:s3] =	ssyncset.done $0x0  }
0xe7: {  	[sflag:s3] =	ssyncadd.s32 $0xFFFFFC00  }
0xe8: {  	[spmem:s4] =	stream.indirect.scatter.add.f32 [tilespmem:s12], [sflag:$0x2], $0x8, s25, s6, $0xb8;
	[tilespmem:$0x12A50] =	vst v63  }
0xe9: {  	_ =	swait.ge [sflag:s3], $0x400  }
0xea: {  	[sflag:s3] =	ssyncset.done $0x0  }
0xeb: {  	[sflag:s3] =	ssyncadd.s32 $0xFFFFFC00  }
0xec: {  	[spmem:s4] =	stream.indirect.scatter.add.f32 [tilespmem:s12], [sflag:$0x2], $0x8, s26, s6, $0xb8;
	[tilespmem:$0x12A50] =	vst v63  }
0xed: {  	_ =	swait.ge [sflag:s3], $0x400  }
0xee: {  	[sflag:s3] =	ssyncset.done $0x0  }
0xef: {  	s15 =	rddreg [dreg:$0x6];
	[sflag:s3] =	ssyncadd.s32 $0xFFFFFC00  }
0xf0: {  	[spmem:s4] =	stream.indirect.scatter.add.f32 [tilespmem:s7], [sflag:$0x2], $0x8, s15, s6, $0xb8;
	[tilespmem:$0x12A50] =	vst v63  }
0xf1: {  	_ =	swait.ge [sflag:s3], $0x400  }
0xf2: {  	[sflag:s3] =	ssyncset.done $0x0  }
0xf3: {  	s15 =	rddreg [dreg:$0x7];
	[sflag:s3] =	ssyncadd.s32 $0xFFFFFC00  }
0xf4: {  	[spmem:s4] =	stream.indirect.scatter.add.f32 [tilespmem:s7], [sflag:$0x2], $0x8, s15, s6, $0xb8;
	[tilespmem:$0x12A50] =	vst v63  }
0xf5: {  	_ =	swait.ge [sflag:s3], $0x400  }
0xf6: {  	[sflag:s3] =	ssyncset.done $0x0  }
0xf7: {  	s15 =	rddreg [dreg:$0x8];
	[sflag:s3] =	ssyncadd.s32 $0xFFFFFC00  }
0xf8: {  	[spmem:s4] =	stream.indirect.scatter.add.f32 [tilespmem:s8], [sflag:$0x2], $0x8, s15, s6, $0xb8;
	[tilespmem:$0x12A50] =	vst v63  }
0xf9: {  	_ =	swait.ge [sflag:s3], $0x400  }
0xfa: {  	[sflag:s3] =	ssyncset.done $0x0  }
0xfb: {  	s15 =	rddreg [dreg:$0x9];
	[sflag:s3] =	ssyncadd.s32 $0xFFFFFC00  }
0xfc: {  	[spmem:s4] =	stream.indirect.scatter.add.f32 [tilespmem:s8], [sflag:$0x2], $0x8, s15, s6, $0xb8;
	[tilespmem:$0x12A50] =	vst v63  }
0xfd: {  	_ =	swait.ge [sflag:s3], $0x400  }
0xfe: {  	[sflag:s3] =	ssyncset.done $0x0  }
0xff: {  	s15 =	rddreg [dreg:$0xa];
	[sflag:s3] =	ssyncadd.s32 $0xFFFFFC00  }
0x100: {  	[spmem:s4] =	stream.indirect.scatter.add.f32 [tilespmem:s9], [sflag:$0x2], $0x8, s15, s6, $0xb8;
	[tilespmem:$0x12A50] =	vst v63  }
0x101: {  	_ =	swait.ge [sflag:s3], $0x400  }
0x102: {  	[sflag:s3] =	ssyncset.done $0x0  }
0x103: {  	s15 =	rddreg [dreg:$0xb];
	[sflag:s3] =	ssyncadd.s32 $0xFFFFFC00  }
0x104: {  	[spmem:s4] =	stream.indirect.scatter.add.f32 [tilespmem:s9], [sflag:$0x2], $0x8, s15, s6, $0xb8;
	[tilespmem:$0x12A50] =	vst v63  }
0x105: {  	_ =	swait.ge [sflag:s3], $0x400  }
0x106: {  	[sflag:s3] =	ssyncset.done $0x0  }
0x107: {  	s15 =	rddreg [dreg:$0xc];
	[sflag:s3] =	ssyncadd.s32 $0xFFFFFC00  }
0x108: {  	[spmem:s4] =	stream.indirect.scatter.add.f32 [tilespmem:s10], [sflag:$0x2], $0x8, s15, s6, $0xb8;
	[tilespmem:$0x12A50] =	vst v63  }
0x109: {  	_ =	swait.ge [sflag:s3], $0x400  }
0x10a: {  	[sflag:s3] =	ssyncset.done $0x0  }
0x10b: {  	s15 =	rddreg [dreg:$0xd];
	[sflag:s3] =	ssyncadd.s32 $0xFFFFFC00  }
0x10c: {  	[spmem:s4] =	stream.indirect.scatter.add.f32 [tilespmem:s10], [sflag:$0x2], $0x8, s15, s6, $0xb8;
	[tilespmem:$0x12A50] =	vst v63  }
0x10d: {  	_ =	swait.ge [sflag:s3], $0x400  }
0x10e: {  	[sflag:s3] =	ssyncset.done $0x0  }
0x10f: {  	[sflag:s3] =	ssyncadd.s32 $0xFFFFFC00  }
0x110: {  	[spmem:s4] =	stream.indirect.scatter.add.f32 [tilespmem:s29], [sflag:$0x2], $0x8, s11, s6, $0xb8;
	[tilespmem:$0x12A50] =	vst v63  }
0x111: {  	_ =	swait.ge [sflag:s3], $0x400  }
0x112: {  	[sflag:s3] =	ssyncset.done $0x0  }
0x113: {  	[sflag:s3] =	ssyncadd.s32 $0xFFFFFC00  }
0x114: {  	[spmem:s4] =	stream.indirect.scatter.add.f32 [tilespmem:s29], [sflag:$0x2], $0x8, s30, s6, $0xb8;
	[tilespmem:$0x12A50] =	vst v63  }
0x115: {  	_ =	swait.ge [sflag:s3], $0x400  }
0x116: {  	[sflag:s3] =	ssyncset.done $0x0  }
0x117: {  	[sflag:s3] =	ssyncadd.s32 $0xFFFFFC00  }
0x118: {  	[spmem:s4] =	stream.indirect.scatter.add.f32 [tilespmem:s20], [sflag:$0x2], $0x8, s31, s6, $0xb8;
	[tilespmem:$0x12A50] =	vst v63  }
0x119: {  	_ =	swait.ge [sflag:s3], $0x400  }
0x11a: {  	[sflag:s3] =	ssyncset.done $0x0  }
0x11b: {  	[sflag:s3] =	ssyncadd.s32 $0xFFFFFC00  }
0x11c: {  	[spmem:s4] =	stream.indirect.scatter.add.f32 [tilespmem:s20], [sflag:$0x2], $0x8, s21, s6, $0xb8;
	[tilespmem:$0x12A50] =	vst v63  }
0x11d: {  	_ =	swait.ge [sflag:s3], $0x400  }
0x11e: {  	[sflag:s3] =	ssyncset.done $0x0  }
0x11f: {  	[sflag:s3] =	ssyncadd.s32 $0xFFFFFC00  }
0x120: {  	[spmem:s4] =	stream.indirect.scatter.add.f32 [tilespmem:s23], [sflag:$0x2], $0x8, s22, s6, $0xb8;
	[tilespmem:$0x12A50] =	vst v63  }
0x121: {  	p2 =	sne.s32 s13, $0x1;
	_ =	swait.ge [sflag:s3], $0x400  }
.Ltmp5:
0x122: {  	[sflag:s3] =	ssyncset.done $0x0;
	(pc) =	sbr.rel @p2 .LBB2_7-.Ltmp5, $4  }
0x123: {  	[sflag:s3] =	ssyncadd.s32 $0xFFFFFC00  }
0x124: {  	[spmem:s4] =	stream.indirect.scatter.add.f32 [tilespmem:s23], [sflag:$0x2], $0x8, s24, s6, $0xb8;
	[tilespmem:$0x12A50] =	vst v63  }
0x125: {  	_ =	swait.ge [sflag:s3], $0x400  }
0x126: {  	s13 =	sadd.s32 $0xFFFFFFFF, s13;
	s5 =	rddreg [dreg:$0x5];
	[sflag:s3] =	ssyncset.done $0x0  }
.LBB2_8:
0x127: {  	s1 =	sadd.s32 @p1 $0x8000, s1;
	s13 =	smov.u32 s28  }
0x128: {  	s13 =	smov.u32 @p1 s1  }
0x129: {  	s1 =	sand.u32 $0x1FFFFC00, s13  }
0x12a: {  	[sflag:s3] =	ssyncadd.s32 @p1 $0xFFFFFC00;
	s19 =	simm.s32 $0x0;
	s1 =	sadd.s32 s5, s1  }
0x12b: {  	[tilespmem:s12], [sflag:$0x2] =	stream.linear.gather [hbm4b:s1+s19], $0x2000, $0x38;
	[tilespmem:$0x12A50] =	vst v63  }
0x12c: {  	_ =	swait.ge [sflag:s3], $0x2000  }
0x12d: {  	s15 =	sshrl.u32 s13, $0x3;
	[sflag:s3] =	ssyncset.done $0x0  }
0x12e: {  	s1 =	sadd.s32 s14, s15;
	[sflag:s3] =	ssyncadd.s32 $0xFFFFE000  }
0x12f: {  	[tilespmem:s25], [sflag:$0x2] =	stream.linear.gather [hbm4b:s1+s19], $0x400, $0x38;
	[tilespmem:$0x12A50] =	vst v63  }
0x130: {  	s28 =	sadd.s32 $0x186C00, s13;
	_ =	swait.ge [sflag:s3], $0x400  }
0x131: {  	s1 =	sshrl.u32 s28, $0x3;
	[sflag:s3] =	ssyncset.done $0x0  }
0x132: {  	s1 =	sadd.s32 s14, s1;
	[sflag:s3] =	ssyncadd.s32 $0xFFFFFC00  }
0x133: {  	[tilespmem:s26], [sflag:$0x2] =	stream.linear.gather [hbm4b:s1+s19], $0x400, $0x38;
	[tilespmem:$0x12A50] =	vst v63  }
0x134: {  	_ =	swait.ge [sflag:s3], $0x400  }
0x135: {  	[sflag:s3] =	ssyncset.done $0x0  }
0x136: {  	[sflag:s3] =	ssyncadd.s32 $0xFFFFFC00  }
0x137: {  	[spmem:s4] =	stream.indirect.scatter.add.f32 [tilespmem:s12], [sflag:$0x2], $0x8, s25, s6, $0xb8;
	[tilespmem:$0x12A50] =	vst v63  }
0x138: {  	_ =	swait.ge [sflag:s3], $0x400  }
0x139: {  	[sflag:s3] =	ssyncset.done $0x0  }
0x13a: {  	[sflag:s3] =	ssyncadd.s32 $0xFFFFFC00  }
0x13b: {  	[spmem:s4] =	stream.indirect.scatter.add.f32 [tilespmem:s12], [sflag:$0x2], $0x8, s26, s6, $0xb8;
	[tilespmem:$0x12A50] =	vst v63  }
0x13c: {  	_ =	swait.ge [sflag:s3], $0x400  }
0x13d: {  	[sflag:s3] =	ssyncset.done $0x0  }
0x13e: {  	s5 =	rddreg [dreg:$0x6];
	[sflag:s3] =	ssyncadd.s32 $0xFFFFFC00  }
0x13f: {  	[spmem:s4] =	stream.indirect.scatter.add.f32 [tilespmem:s7], [sflag:$0x2], $0x8, s5, s6, $0xb8;
	[tilespmem:$0x12A50] =	vst v63  }
0x140: {  	_ =	swait.ge [sflag:s3], $0x400  }
0x141: {  	[sflag:s3] =	ssyncset.done $0x0  }
0x142: {  	s13 =	rddreg [dreg:$0x7];
	[sflag:s3] =	ssyncadd.s32 $0xFFFFFC00  }
0x143: {  	[spmem:s4] =	stream.indirect.scatter.add.f32 [tilespmem:s7], [sflag:$0x2], $0x8, s13, s6, $0xb8;
	[tilespmem:$0x12A50] =	vst v63  }
0x144: {  	_ =	swait.ge [sflag:s3], $0x400  }
0x145: {  	[sflag:s3] =	ssyncset.done $0x0  }
0x146: {  	s15 =	rddreg [dreg:$0x8];
	[sflag:s3] =	ssyncadd.s32 $0xFFFFFC00  }
0x147: {  	[spmem:s4] =	stream.indirect.scatter.add.f32 [tilespmem:s8], [sflag:$0x2], $0x8, s15, s6, $0xb8;
	[tilespmem:$0x12A50] =	vst v63  }
0x148: {  	_ =	swait.ge [sflag:s3], $0x400  }
0x149: {  	[sflag:s3] =	ssyncset.done $0x0  }
0x14a: {  	s28 =	rddreg [dreg:$0x9];
	[sflag:s3] =	ssyncadd.s32 $0xFFFFFC00  }
0x14b: {  	[spmem:s4] =	stream.indirect.scatter.add.f32 [tilespmem:s8], [sflag:$0x2], $0x8, s28, s6, $0xb8;
	[tilespmem:$0x12A50] =	vst v63  }
0x14c: {  	_ =	swait.ge [sflag:s3], $0x400  }
0x14d: {  	[sflag:s3] =	ssyncset.done $0x0  }
0x14e: {  	s5 =	rddreg [dreg:$0xa];
	[sflag:s3] =	ssyncadd.s32 $0xFFFFFC00  }
0x14f: {  	[spmem:s4] =	stream.indirect.scatter.add.f32 [tilespmem:s9], [sflag:$0x2], $0x8, s5, s6, $0xb8;
	[tilespmem:$0x12A50] =	vst v63  }
0x150: {  	_ =	swait.ge [sflag:s3], $0x400  }
0x151: {  	[sflag:s3] =	ssyncset.done $0x0  }
0x152: {  	s13 =	rddreg [dreg:$0xb];
	[sflag:s3] =	ssyncadd.s32 $0xFFFFFC00  }
0x153: {  	[spmem:s4] =	stream.indirect.scatter.add.f32 [tilespmem:s9], [sflag:$0x2], $0x8, s13, s6, $0xb8;
	[tilespmem:$0x12A50] =	vst v63  }
0x154: {  	_ =	swait.ge [sflag:s3], $0x400  }
0x155: {  	[sflag:s3] =	ssyncset.done $0x0  }
0x156: {  	s15 =	rddreg [dreg:$0xc];
	[sflag:s3] =	ssyncadd.s32 $0xFFFFFC00  }
0x157: {  	[spmem:s4] =	stream.indirect.scatter.add.f32 [tilespmem:s10], [sflag:$0x2], $0x8, s15, s6, $0xb8;
	[tilespmem:$0x12A50] =	vst v63  }
0x158: {  	_ =	swait.ge [sflag:s3], $0x400  }
0x159: {  	[sflag:s3] =	ssyncset.done $0x0  }
0x15a: {  	s28 =	rddreg [dreg:$0xd];
	[sflag:s3] =	ssyncadd.s32 $0xFFFFFC00  }
0x15b: {  	[spmem:s4] =	stream.indirect.scatter.add.f32 [tilespmem:s10], [sflag:$0x2], $0x8, s28, s6, $0xb8;
	[tilespmem:$0x12A50] =	vst v63  }
0x15c: {  	_ =	swait.ge [sflag:s3], $0x400  }
0x15d: {  	[sflag:s3] =	ssyncset.done $0x0  }
0x15e: {  	[sflag:s3] =	ssyncadd.s32 $0xFFFFFC00  }
0x15f: {  	[spmem:s4] =	stream.indirect.scatter.add.f32 [tilespmem:s29], [sflag:$0x2], $0x8, s11, s6, $0xb8;
	[tilespmem:$0x12A50] =	vst v63  }
0x160: {  	_ =	swait.ge [sflag:s3], $0x400  }
0x161: {  	[sflag:s3] =	ssyncset.done $0x0  }
0x162: {  	[sflag:s3] =	ssyncadd.s32 $0xFFFFFC00  }
0x163: {  	[spmem:s4] =	stream.indirect.scatter.add.f32 [tilespmem:s29], [sflag:$0x2], $0x8, s30, s6, $0xb8;
	[tilespmem:$0x12A50] =	vst v63  }
0x164: {  	_ =	swait.ge [sflag:s3], $0x400  }
0x165: {  	[sflag:s3] =	ssyncset.done $0x0  }
0x166: {  	[sflag:s3] =	ssyncadd.s32 $0xFFFFFC00  }
0x167: {  	[spmem:s4] =	stream.indirect.scatter.add.f32 [tilespmem:s20], [sflag:$0x2], $0x8, s31, s6, $0xb8;
	[tilespmem:$0x12A50] =	vst v63  }
0x168: {  	_ =	swait.ge [sflag:s3], $0x400  }
0x169: {  	[sflag:s3] =	ssyncset.done $0x0  }
0x16a: {  	[sflag:s3] =	ssyncadd.s32 $0xFFFFFC00  }
0x16b: {  	[spmem:s4] =	stream.indirect.scatter.add.f32 [tilespmem:s20], [sflag:$0x2], $0x8, s21, s6, $0xb8;
	[tilespmem:$0x12A50] =	vst v63  }
0x16c: {  	_ =	swait.ge [sflag:s3], $0x400  }
0x16d: {  	[sflag:s3] =	ssyncset.done $0x0  }
0x16e: {  	[sflag:s3] =	ssyncadd.s32 $0xFFFFFC00  }
0x16f: {  	[spmem:s4] =	stream.indirect.scatter.add.f32 [tilespmem:s23], [sflag:$0x2], $0x8, s22, s6, $0xb8;
	[tilespmem:$0x12A50] =	vst v63  }
0x170: {  	_ =	swait.ge [sflag:s3], $0x400  }
0x171: {  	[sflag:s3] =	ssyncset.done $0x0  }
0x172: {  	[sflag:s3] =	ssyncadd.s32 $0xFFFFFC00  }
0x173: {  	[spmem:s4] =	stream.indirect.scatter.add.f32 [tilespmem:s23], [sflag:$0x2], $0x8, s24, s6, $0xb8;
	[tilespmem:$0x12A50] =	vst v63  }
0x174: {  	_ =	swait.ge [sflag:s3], $0x400  }
0x175: {  	[sflag:s3] =	ssyncset.done $0x0  }
0x176: {  	s13 =	simm.s32 $0x0;
	[sflag:s3] =	ssyncadd.s32 $0xFFFFFC00  }
.LBB2_9:
0x177: {  	s1 =	sshll.u32 s13, $0x5;
	s5 =	rddreg [dreg:$0x19]  }
0x178: {  	s1 =	sor.u32 s5, s1  }
0x179: {  	s5 =	sshll.u32 s1, $0x4  }
0x17a: {  	s15 =	rddreg [dreg:$0x17];
	s5 =	sand.u32 $0x1FFFFFF0, s5  }
0x17b: {  	s28 =	simm.s32 $0x10B50;
	s15 =	sadd.s32 s15, s5  }
0x17c: {  	[tilespmem:s28], [sflag:$0x2] =	stream.linear.gather [hbm4b:s15+s19], $0x80, $0x38;
	[tilespmem:$0x12A50] =	vst v63  }
0x17d: {  	_ =	swait.ge [sflag:s3], $0x80  }
0x17e: {  	s11 =	simm.s32 $0x0;
	[sflag:s3] =	ssyncset.done $0x0;
	s19 =	rddreg [dreg:$0x18]  }
0x17f: {  	[sflag:s3] =	ssyncadd.s32 $0xFFFFFF80;
	s15 =	sadd.s32 s19, s5;
	s19 =	simm.s32 $0x10BD0  }
0x180: {  	[tilespmem:s19], [sflag:$0x2] =	stream.linear.gather [hbm4b:s15+s11], $0x80, $0x38;
	[tilespmem:$0x12A50] =	vst v63  }
0x181: {  	_ =	swait.ge [sflag:s3], $0x80  }
0x182: {  	[sflag:s3] =	ssyncset.done $0x0  }
0x183: {  	[sflag:s3] =	ssyncadd.s32 $0xFFFFFF80  }
0x184: {  	s15 =	rddreg [dreg:$0x1]  }
0x185: {  	s5 =	sadd.s32 s15, s5;
	s15 =	simm.s32 $0x10C50  }
0x186: {  	[tilespmem:s15], [sflag:$0x2] =	stream.linear.gather [hbm4b:s5+s11], $0x80, $0x38;
	[tilespmem:$0x12A50] =	vst v63  }
0x187: {  	_ =	swait.ge [sflag:s3], $0x80  }
0x188: {  	[sflag:s3] =	ssyncset.done $0x0  }
0x189: {  	s11 =	simm.s32 $0x1;
	s5 =	rddreg [dreg:$0x16];
	[sflag:s3] =	ssyncadd.s32 $0xFFFFFF80  }
0x18a: {  	[tilespmem:s2], [sflag:$0x1] =	stream.indirect.gather [hbm4b:s5+s6], $0x8, s28, s6, $0xb8;
	[tilespmem:$0x12A50] =	vst v63  }
0x18b: {  	_ =	swait.ge [sflag:s11], $0x400  }
0x18c: {  	[sflag:s11] =	ssyncset.done $0x0  }
0x18d: {  	[sflag:s11] =	ssyncadd.s32 $0xFFFFFC00  }
0x18e: {  	[tilespmem:s16], [sflag:$0x1] =	stream.indirect.gather [hbm4b:s5+s6], $0x8, s19, s6, $0xb8;
	[tilespmem:$0x12A50] =	vst v63  }
0x18f: {  	_ =	swait.ge [sflag:s11], $0x400  }
0x190: {  	p2 =	por $0x1, $0x1;
	[sflag:s11] =	ssyncset.done $0x0  }
.Ltmp6:
0x191: {  	s19 =	simm.s32 $0x0;
	[sflag:s11] =	ssyncadd.s32 $0xFFFFFC00;
	(pc) =	sbr.rel @!p2 .LBB2_10-.Ltmp6, $4  }
0x192: {  	[tilespmem:s17], [sflag:$0x1] =	stream.indirect.gather [hbm4b:s5+s6], $0x8, s15, s6, $0xb8;
	[tilespmem:$0x12A50] =	vst v63  }
0x193: {  	v17 =	vmov s19;
	_ =	swait.ge [sflag:s11], $0x400  }
0x194: {  	v17 =	vshll.u32 v17, $0x3;
	[sflag:s11] =	ssyncset.done $0x0  }
0x195: {  	p1 =	por $0x0, $0x0;
	v17 =	vor.u32 v5, v17;
	s5 =	simm.s32 $0x10;
	[sflag:s11] =	ssyncadd.s32 $0xFFFFFC00  }
0x196: {  	_ =	sdelay $0x3  }
0x197: {  	v18 =	vld.idx.msk [tilespmem:v17+s2+$0x0], $0xffff  }
0x198: {  	v19 =	vld.idx.msk [tilespmem:v17+s16+$0x0], $0xffff;
	_ =	sdelay $0x1  }
0x199: {  	v20 =	vld.idx.msk [tilespmem:v17+s17+$0x0], $0xffff;
	_ =	sdelay $0x1  }
0x19a: {  	v21 =	vadd.s32 s19, v3  }
0x19b: {  	v18 =	vadd.f32 v19, v18;
	v19 =	vand.u32 $0x3F8, v21  }
0x19c: {  	v19 =	vor.u32 v6, v19  }
0x19d: {  	v18 =	vadd.f32 v20, v18;
	v20 =	vor.u32 $0x1, v17;
	_ =	sdelay $0x1  }
0x19e: {  	v18 =	vmul.f32 v18, v13;
	_ =	sdelay $0x1  }
0x19f: {  	[tilespmem:v19+s18+$0x0] =	vst.idx.msk $0xffff, v18  }
0x1a0: {  	v18 =	vld.idx.msk [tilespmem:v20+s2+$0x0], $0xffff  }
0x1a1: {  	v19 =	vld.idx.msk [tilespmem:v20+s16+$0x0], $0xffff;
	_ =	sdelay $0x1  }
0x1a2: {  	v20 =	vld.idx.msk [tilespmem:v20+s17+$0x0], $0xffff;
	_ =	sdelay $0x1  }
0x1a3: {  	v21 =	vadd.s32 s19, v7  }
0x1a4: {  	v18 =	vadd.f32 v19, v18;
	v19 =	vand.u32 $0x3F8, v21  }
0x1a5: {  	v19 =	vor.u32 v10, v19  }
0x1a6: {  	v17 =	vor.u32 $0x2, v17;
	v18 =	vadd.f32 v20, v18;
	_ =	sdelay $0x1  }
0x1a7: {  	v18 =	vmul.f32 v18, v13;
	_ =	sdelay $0x1  }
0x1a8: {  	[tilespmem:v19+s18+$0x0] =	vst.idx.msk $0xffff, v18  }
0x1a9: {  	v19 =	vld.idx.msk [tilespmem:v17+s2+$0x0], $0xffff  }
0x1aa: {  	p2 =	por $0x1, $0x1;
	v20 =	vld.idx.msk [tilespmem:v17+s16+$0x0], $0xffff  }
.Ltmp7:
0x1ab: {  	v18 =	vadd.s32 s19, v11;
	(pc) =	sbr.rel @!p2 .LBB2_12-.Ltmp7, $4  }
0x1ac: {  	v22 =	vand.u32 $0x3F8, v18;
	v18 =	vld.idx.msk [tilespmem:v17+s17+$0x0], $0xffff  }
0x1ad: {  	v21 =	vmov s5  }
0x1ae: {  	v21 =	vshll.u32 v21, $0x3  }
0x1af: {  	s15 =	simm.s32 $0x20;
	p1 =	por $0x1, $0x1;
	s28 =	simm.s32 $0x0;
	v17 =	vor.u32 v5, v21;
	v20 =	vadd.f32 v20, v19;
	v19 =	vor.u32 v12, v22  }
.LBB2_13:
0x1b0: {  	p2 =	sne.s32 s15, $0x70  }
0x1b1: {  	v18 =	vadd.f32 v18, v20;
	s28 =	sadd.s32 $0x30, s28;
	s5 =	smov.u32 s15;
	s15 =	sadd.s32 $0x10, s15  }
0x1b2: {  	_ = 	snop  }
0x1b3: {  	v18 =	vmul.f32 v18, v13;
	_ =	sdelay $0x1  }
0x1b4: {  	[tilespmem:v19+s18+$0x0] =	vst.idx.msk $0xffff, v18  }
0x1b5: {  	v18 =	vld.idx.msk [tilespmem:v17+s2+$0x0], $0xffff  }
0x1b6: {  	v19 =	vld.idx.msk [tilespmem:v17+s16+$0x0], $0xffff;
	_ =	sdelay $0x1  }
0x1b7: {  	v20 =	vld.idx.msk [tilespmem:v17+s17+$0x0], $0xffff;
	_ =	sdelay $0x2  }
0x1b8: {  	v21 =	vadd.s32 s28, v3  }
0x1b9: {  	v18 =	vadd.f32 v19, v18;
	v19 =	vand.u32 $0x3F8, v21  }
0x1ba: {  	v19 =	vor.u32 v6, v19  }
0x1bb: {  	v18 =	vadd.f32 v20, v18;
	v20 =	vor.u32 $0x1, v17;
	_ =	sdelay $0x1  }
0x1bc: {  	v18 =	vmul.f32 v18, v13;
	_ =	sdelay $0x1  }
0x1bd: {  	[tilespmem:v19+s18+$0x0] =	vst.idx.msk $0xffff, v18  }
0x1be: {  	v18 =	vld.idx.msk [tilespmem:v20+s2+$0x0], $0xffff  }
0x1bf: {  	v19 =	vld.idx.msk [tilespmem:v20+s16+$0x0], $0xffff;
	_ =	sdelay $0x1  }
0x1c0: {  	v20 =	vld.idx.msk [tilespmem:v20+s17+$0x0], $0xffff;
	_ =	sdelay $0x2  }
0x1c1: {  	v21 =	vadd.s32 s28, v7  }
0x1c2: {  	v18 =	vadd.f32 v19, v18;
	v19 =	vand.u32 $0x3F8, v21  }
0x1c3: {  	v19 =	vor.u32 v10, v19  }
0x1c4: {  	v17 =	vor.u32 $0x2, v17;
	v18 =	vadd.f32 v20, v18;
	_ =	sdelay $0x1  }
0x1c5: {  	v18 =	vmul.f32 v18, v13;
	_ =	sdelay $0x1  }
0x1c6: {  	[tilespmem:v19+s18+$0x0] =	vst.idx.msk $0xffff, v18  }
0x1c7: {  	v19 =	vld.idx.msk [tilespmem:v17+s2+$0x0], $0xffff  }
0x1c8: {  	v20 =	vld.idx.msk [tilespmem:v17+s16+$0x0], $0xffff  }
0x1c9: {  	v18 =	vld.idx.msk [tilespmem:v17+s17+$0x0], $0xffff;
	_ =	sdelay $0x1  }
.Ltmp8:
0x1ca: {  	(pc) =	sbr.rel @p2 .LBB2_13-.Ltmp8, $4  }
0x1cb: {  	v17 =	vadd.s32 s28, v11  }
0x1cc: {  	v21 =	vmov s5;
	v17 =	vand.u32 $0x3F8, v17  }
0x1cd: {  	v21 =	vshll.u32 v21, $0x3;
	v20 =	vadd.f32 v20, v19;
	v19 =	vor.u32 v12, v17  }
0x1ce: {  	v17 =	vor.u32 v5, v21  }
0x1cf: {  	s11 =	simm.s32 $0x105D0  }
.LBB2_15:
0x1d0: {  	v18 =	vadd.f32 @p1 v18, v20;
	_ =	sdelay $0x1  }
0x1d1: {  	v18 =	vmul.f32 @p1 v18, v13;
	_ =	sdelay $0x1  }
0x1d2: {  	[tilespmem:v19+s18+$0x0] =	vst.idx.msk @p1 $0xffff, v18  }
0x1d3: {  	v18 =	vld.idx.msk [tilespmem:v17+s2+$0x0], $0xffff  }
0x1d4: {  	v19 =	vld.idx.msk [tilespmem:v17+s16+$0x0], $0xffff;
	_ =	sdelay $0x1  }
0x1d5: {  	s5 =	sadd.s32 @p1 $0x30, s28;
	s15 =	simm.s32 $0x0;
	v60 =	vld.idx.msk [tilespmem:v17+s17+$0x0], $0xffff  }
0x1d6: {  	s15 =	smov.u32 @p1 s5  }
0x1d7: {  	v21 =	vadd.s32 s15, v3  }
0x1d8: {  	v18 =	vadd.f32 v19, v18;
	v19 =	vand.u32 $0x3F8, v21  }
0x1d9: {  	v19 =	vor.u32 v6, v19  }
0x1da: {  	v61 =	vor.u32 $0x1, v17;
	v18 =	vadd.f32 v60, v18;
	_ =	sdelay $0x1  }
0x1db: {  	v18 =	vmul.f32 v18, v13;
	_ =	sdelay $0x1  }
0x1dc: {  	[tilespmem:v19+s18+$0x0] =	vst.idx.msk $0xffff, v18  }
0x1dd: {  	v18 =	vld.idx.msk [tilespmem:v61+s2+$0x0], $0xffff  }
0x1de: {  	v19 =	vld.idx.msk [tilespmem:v61+s16+$0x0], $0xffff;
	_ =	sdelay $0x1  }
0x1df: {  	v20 =	vld.idx.msk [tilespmem:v61+s17+$0x0], $0xffff;
	_ =	sdelay $0x1  }
0x1e0: {  	v62 =	vadd.s32 s15, v7  }
0x1e1: {  	v18 =	vadd.f32 v19, v18;
	v19 =	vand.u32 $0x3F8, v62  }
0x1e2: {  	v19 =	vor.u32 v10, v19  }
0x1e3: {  	v17 =	vor.u32 $0x2, v17;
	v18 =	vadd.f32 v20, v18;
	_ =	sdelay $0x1  }
0x1e4: {  	v18 =	vmul.f32 v18, v13;
	_ =	sdelay $0x1  }
0x1e5: {  	[tilespmem:v19+s18+$0x0] =	vst.idx.msk $0xffff, v18  }
0x1e6: {  	v18 =	vld.idx.msk [tilespmem:v17+s2+$0x0], $0xffff  }
0x1e7: {  	v19 =	vld.idx.msk [tilespmem:v17+s16+$0x0], $0xffff;
	_ =	sdelay $0x1  }
0x1e8: {  	v17 =	vld.idx.msk [tilespmem:v17+s17+$0x0], $0xffff;
	_ =	sdelay $0x1  }
0x1e9: {  	v63 =	vadd.s32 s15, v11  }
0x1ea: {  	v20 =	vand.u32 $0x3F8, v63;
	v18 =	vadd.f32 v19, v18  }
0x1eb: {  	v19 =	vor.u32 v12, v20  }
0x1ec: {  	v17 =	vadd.f32 v17, v18  }
0x1ed: {  	s1 =	smul.u32 $0x180, s1  }
0x1ee: {  	v17 =	vmul.f32 v17, v13  }
0x1ef: {  	s1 =	sshrl.u32 s1, $0x3;
	s15 =	rddreg [dreg:$0x2]  }
0x1f0: {  	s28 =	simm.s32 $0x0;
	s1 =	sadd.s32 s15, s1;
	[tilespmem:v19+s18+$0x0] =	vst.idx.msk $0xffff, v17  }
0x1f1: {  	[hbm4b:s1+s28] =	stream.linear.scatter [tilespmem:s18], [sflag:$0x2], $0x180, $0x38;
	[tilespmem:$0x12A50] =	vst v63  }
0x1f2: {  	_ =	swait.ge [sflag:s3], $0x180  }
0x1f3: {  	s15 =	sld [smem:$0x7FA];
	_ =	sdelay $0x1  }
0x1f4: {  	s13 =	sadd.s32 $0x1, s13  }
0x1f5: {  	p1 =	sne.s32 s13, s15  }
.Ltmp9:
0x1f6: {  	_ = 	snop;
	(pc) =	sbr.rel @p1 .LBB2_9-.Ltmp9, $4  }
.Ltmp10:
0x1f7: {  	_ = 	snop;
	(pc) =	sbr.rel @!p1 .LBB2_16-.Ltmp10, $4  }
0x1f8: {  	_ = 	snop  }
0x1f9: {  	[sflag:s3] =	ssyncset.done $0x0  }
0x1fa: {  	[sflag:s3] =	ssyncadd.s32 $0xFFFFFE80  }
0x1fb: {  	_ = 	snop  }
.LBB2_10:
.Ltmp11:
0x1fc: {  	(pc) =	sbr.rel .LBB2_15-.Ltmp11, $2  }
0x1fd: {  	_ =	sdelay $0x2  }
0x1fe: {  	s28 =	simm.s32 $0x0;
	s11 =	simm.s32 $0x105D0  }
.LBB2_12:
.Ltmp12:
0x1ff: {  	(pc) =	sbr.rel .LBB2_15-.Ltmp12, $2  }
0x200: {  	_ =	sdelay $0x2  }
0x201: {  	s28 =	simm.s32 $0x0;
	s11 =	simm.s32 $0x105D0  }
.LBB2_16:
0x202: {  	s1 =	simm.s32 $0x0  }
0x203: {  	v17 =	vmov s1  }
0x204: {  	vm2 =	veq.s32 v17, v0  }
0x205: {  	v17 =	vor.u32 s1, v0;
	vm2 =	vmand vm2, vm1  }
0x206: {  	v17 =	vshrl.u32 v17, $0x2;
	v18 =	vsel vm2, $0xFFFFFFFF, v1  }
0x207: {  	v17 =	vadd.s32 v18, v17  }
0x208: {  	s13 =	simm.s32 $0x10;
	[bflag:$0x0] =	sbarrier.arrive $0xFFFF;
	v17 =	vshll.u32 v17, $0x3  }
0x209: {  	s19 =	rddreg [dreg:$0x1a];
	v18 =	vmov s13;
	v17 =	vor.u32 v14, v17  }
0x20a: {  	[tilespmem:s0], [sflag:$0x2] =	stream.linear.gather [spmem:s19], $0x2000, $0x38;
	vm2 =	veq.s32 v18, v0;
	[tilespmem:$0x12A50] =	vst v63  }
0x20b: {  	_ =	swait.ge [sflag:s3], $0x2000;
	v18 =	vor.u32 s13, v0;
	vm2 =	vmand vm2, vm1  }
0x20c: {  	[sflag:s3] =	ssyncset.done $0x0;
	v18 =	vshrl.u32 v18, $0x2;
	v19 =	vsel vm2, $0xFFFFFFFF, v1  }
0x20d: {  	[sflag:s3] =	ssyncadd.s32 $0xFFFFE000;
	v18 =	vadd.s32 v19, v18  }
0x20e: {  	s15 =	simm.s32 $0x20;
	v18 =	vshll.u32 v18, $0x3;
	v17 =	vld.idx.msk [tilespmem:v17+s0+$0x0], $0xffff  }
0x20f: {  	v19 =	vmov s15;
	v18 =	vor.u32 v14, v18  }
0x210: {  	vm2 =	veq.s32 v19, v0  }
0x211: {  	v19 =	vor.u32 s15, v0;
	vm2 =	vmand vm2, vm1  }
0x212: {  	s1 =	simm.s32 $0x11A50;
	v19 =	vshrl.u32 v19, $0x2;
	v20 =	vsel vm2, $0xFFFFFFFF, v1  }
0x213: {  	v19 =	vadd.s32 v20, v19;
	[tilespmem:s1+$0x0] =	vst v17  }
0x214: {  	v19 =	vshll.u32 v19, $0x3;
	v17 =	vld.idx.msk [tilespmem:v18+s0+$0x0], $0xffff  }
0x215: {  	s5 =	simm.s32 $0x30;
	v18 =	vor.u32 v14, v19  }
0x216: {  	s13 =	simm.s32 $0x40;
	v19 =	vmov s5  }
.LBB2_17:
0x217: {  	p1 =	sne.s32 s13, $0xFF0;
	vm2 =	veq.s32 v19, v0  }
0x218: {  	v19 =	vor.u32 s5, v0;
	s1 =	sadd.s32 $0x10, s1;
	s5 =	smov.u32 s13;
	vm2 =	vmand vm2, vm1  }
.Ltmp13:
0x219: {  	v19 =	vshrl.u32 v19, $0x2;
	v20 =	vsel vm2, $0xFFFFFFFF, v1;
	[tilespmem:s1+$0x0] =	vst v17;
	(pc) =	sbr.rel @p1 .LBB2_17-.Ltmp13, $4  }
0x21a: {  	v19 =	vadd.s32 v20, v19;
	v17 =	vld.idx.msk [tilespmem:v18+s0+$0x0], $0xffff  }
0x21b: {  	v18 =	vshll.u32 v19, $0x3  }
0x21c: {  	v18 =	vor.u32 v14, v18  }
0x21d: {  	s13 =	sadd.s32 $0x10, s13;
	v19 =	vmov s5  }
0x21e: {  	vm2 =	veq.s32 v19, v0  }
0x21f: {  	v19 =	vor.u32 s5, v0;
	vm2 =	vmand vm2, vm1  }
0x220: {  	s1 =	sadd.s32 $0x10, s1;
	v19 =	vshrl.u32 v19, $0x2;
	v20 =	vsel vm2, $0xFFFFFFFF, v1  }
0x221: {  	[tilespmem:s1+$0x0] =	vst v17;
	v17 =	vadd.s32 v20, v19  }
0x222: {  	v18 =	vld.idx.msk [tilespmem:v18+s0+$0x0], $0xffff;
	v17 =	vshll.u32 v17, $0x3  }
0x223: {  	v17 =	vor.u32 v14, v17;
	_ =	sdelay $0x2  }
0x224: {  	s1 =	sadd.s32 $0x10, s1  }
0x225: {  	[tilespmem:s1+$0x0] =	vst v18  }
0x226: {  	v17 =	vld.idx.msk [tilespmem:v17+s0+$0x0], $0xffff;
	_ =	sdelay $0x1  }
0x227: {  	s15 =	simm.s32 $0x0  }
0x228: {  	v18 =	vmov s15  }
0x229: {  	s1 =	sadd.s32 $0x10, s1;
	vm2 =	veq.s32 v18, v0  }
0x22a: {  	s13 =	rddreg [dreg:$0xe];
	vm2 =	vmand vm2, vm1;
	[tilespmem:s1+$0x0] =	vst v17;
	s1 =	simm.s32 $0x11A50;
	v17 =	vor.u32 s15, v0  }
0x22b: {  	v18 =	vsel vm2, $0xFFFFFFFF, v1;
	[hbm4b:s13+s15] =	stream.linear.scatter [tilespmem:s1], [sflag:$0x2], $0x1000, $0x38;
	v17 =	vshrl.u32 v17, $0x2;
	[tilespmem:$0x12A50] =	vst v63  }
0x22c: {  	_ =	swait.ge [sflag:s3], $0x1000;
	v17 =	vadd.s32 v18, v17  }
0x22d: {  	s5 =	simm.s32 $0x10;
	[sflag:s3] =	ssyncset.done $0x0;
	v17 =	vshll.u32 v17, $0x3  }
0x22e: {  	v18 =	vmov s5;
	s15 =	rddreg [dreg:$0x1b];
	[sflag:s3] =	ssyncadd.s32 $0xFFFFF000;
	v17 =	vor.u32 v14, v17  }
0x22f: {  	vm2 =	veq.s32 v18, v0;
	[tilespmem:s0], [sflag:$0x2] =	stream.linear.gather [spmem:s15], $0x2000, $0x38;
	[tilespmem:$0x12A50] =	vst v63  }
0x230: {  	v18 =	vor.u32 s5, v0;
	vm2 =	vmand vm2, vm1;
	_ =	swait.ge [sflag:s3], $0x2000  }
0x231: {  	v18 =	vshrl.u32 v18, $0x2;
	v19 =	vsel vm2, $0xFFFFFFFF, v1;
	[sflag:s3] =	ssyncset.done $0x0  }
0x232: {  	v18 =	vadd.s32 v19, v18;
	[sflag:s3] =	ssyncadd.s32 $0xFFFFE000  }
0x233: {  	s15 =	simm.s32 $0x20;
	v18 =	vshll.u32 v18, $0x3;
	v17 =	vld.idx.msk [tilespmem:v17+s0+$0x0], $0xffff  }
0x234: {  	v19 =	vmov s15;
	v18 =	vor.u32 v14, v18  }
0x235: {  	vm2 =	veq.s32 v19, v0  }
0x236: {  	v19 =	vor.u32 s15, v0;
	vm2 =	vmand vm2, vm1  }
0x237: {  	v19 =	vshrl.u32 v19, $0x2;
	v20 =	vsel vm2, $0xFFFFFFFF, v1  }
0x238: {  	v19 =	vadd.s32 v20, v19;
	[tilespmem:s1+$0x0] =	vst v17  }
0x239: {  	v19 =	vshll.u32 v19, $0x3;
	v17 =	vld.idx.msk [tilespmem:v18+s0+$0x0], $0xffff  }
0x23a: {  	s5 =	simm.s32 $0x30;
	v18 =	vor.u32 v14, v19  }
0x23b: {  	s13 =	simm.s32 $0x40;
	s15 =	simm.s32 $0x11A50;
	v19 =	vmov s5  }
.LBB2_19:
0x23c: {  	p1 =	sne.s32 s13, $0xFF0;
	vm2 =	veq.s32 v19, v0  }
0x23d: {  	v19 =	vor.u32 s5, v0;
	s1 =	sadd.s32 $0x10, s1;
	s5 =	smov.u32 s13;
	vm2 =	vmand vm2, vm1  }
.Ltmp14:
0x23e: {  	v19 =	vshrl.u32 v19, $0x2;
	v20 =	vsel vm2, $0xFFFFFFFF, v1;
	[tilespmem:s1+$0x0] =	vst v17;
	(pc) =	sbr.rel @p1 .LBB2_19-.Ltmp14, $4  }
0x23f: {  	v19 =	vadd.s32 v20, v19;
	v17 =	vld.idx.msk [tilespmem:v18+s0+$0x0], $0xffff  }
0x240: {  	v18 =	vshll.u32 v19, $0x3  }
0x241: {  	v18 =	vor.u32 v14, v18  }
0x242: {  	s13 =	sadd.s32 $0x10, s13;
	v19 =	vmov s5  }
0x243: {  	vm2 =	veq.s32 v19, v0  }
0x244: {  	v19 =	vor.u32 s5, v0;
	vm2 =	vmand vm2, vm1  }
0x245: {  	s1 =	sadd.s32 $0x10, s1;
	v19 =	vshrl.u32 v19, $0x2;
	v20 =	vsel vm2, $0xFFFFFFFF, v1  }
0x246: {  	[tilespmem:s1+$0x0] =	vst v17;
	v17 =	vadd.s32 v20, v19  }
0x247: {  	v18 =	vld.idx.msk [tilespmem:v18+s0+$0x0], $0xffff;
	v17 =	vshll.u32 v17, $0x3  }
0x248: {  	v17 =	vor.u32 v14, v17;
	_ =	sdelay $0x2  }
0x249: {  	s1 =	sadd.s32 $0x10, s1  }
0x24a: {  	[tilespmem:s1+$0x0] =	vst v18  }
0x24b: {  	v17 =	vld.idx.msk [tilespmem:v17+s0+$0x0], $0xffff;
	_ =	sdelay $0x1  }
0x24c: {  	s5 =	simm.s32 $0x0  }
0x24d: {  	v18 =	vmov s5  }
0x24e: {  	s1 =	sadd.s32 $0x10, s1;
	vm2 =	veq.s32 v18, v0  }
0x24f: {  	s13 =	rddreg [dreg:$0xf];
	vm2 =	vmand vm2, vm1;
	[tilespmem:s1+$0x0] =	vst v17;
	s1 =	simm.s32 $0x11A50;
	v17 =	vor.u32 s5, v0  }
0x250: {  	v18 =	vsel vm2, $0xFFFFFFFF, v1;
	[hbm4b:s13+s5] =	stream.linear.scatter [tilespmem:s1], [sflag:$0x2], $0x1000, $0x38;
	v17 =	vshrl.u32 v17, $0x2;
	[tilespmem:$0x12A50] =	vst v63  }
0x251: {  	_ =	swait.ge [sflag:s3], $0x1000;
	v17 =	vadd.s32 v18, v17  }
0x252: {  	s5 =	simm.s32 $0x10;
	[sflag:s3] =	ssyncset.done $0x0;
	v17 =	vshll.u32 v17, $0x3  }
0x253: {  	v18 =	vmov s5;
	s13 =	rddreg [dreg:$0x1c];
	[sflag:s3] =	ssyncadd.s32 $0xFFFFF000;
	v17 =	vor.u32 v14, v17  }
0x254: {  	vm2 =	veq.s32 v18, v0;
	[tilespmem:s0], [sflag:$0x2] =	stream.linear.gather [spmem:s13], $0x2000, $0x38;
	[tilespmem:$0x12A50] =	vst v63  }
0x255: {  	v18 =	vor.u32 s5, v0;
	vm2 =	vmand vm2, vm1;
	_ =	swait.ge [sflag:s3], $0x2000  }
0x256: {  	v18 =	vshrl.u32 v18, $0x2;
	v19 =	vsel vm2, $0xFFFFFFFF, v1;
	[sflag:s3] =	ssyncset.done $0x0  }
0x257: {  	v18 =	vadd.s32 v19, v18;
	[sflag:s3] =	ssyncadd.s32 $0xFFFFE000  }
0x258: {  	s13 =	simm.s32 $0x20;
	v18 =	vshll.u32 v18, $0x3;
	v17 =	vld.idx.msk [tilespmem:v17+s0+$0x0], $0xffff  }
0x259: {  	v19 =	vmov s13;
	v18 =	vor.u32 v14, v18  }
0x25a: {  	vm2 =	veq.s32 v19, v0  }
0x25b: {  	v19 =	vor.u32 s13, v0;
	vm2 =	vmand vm2, vm1  }
0x25c: {  	v19 =	vshrl.u32 v19, $0x2;
	v20 =	vsel vm2, $0xFFFFFFFF, v1  }
0x25d: {  	v19 =	vadd.s32 v20, v19;
	[tilespmem:s1+$0x0] =	vst v17  }
0x25e: {  	v19 =	vshll.u32 v19, $0x3;
	v17 =	vld.idx.msk [tilespmem:v18+s0+$0x0], $0xffff  }
0x25f: {  	s5 =	simm.s32 $0x30;
	v18 =	vor.u32 v14, v19  }
0x260: {  	s13 =	simm.s32 $0x40;
	v19 =	vmov s5  }
.LBB2_21:
0x261: {  	p1 =	sne.s32 s13, $0xFF0;
	vm2 =	veq.s32 v19, v0  }
0x262: {  	v19 =	vor.u32 s5, v0;
	s1 =	sadd.s32 $0x10, s1;
	s5 =	smov.u32 s13;
	vm2 =	vmand vm2, vm1  }
.Ltmp15:
0x263: {  	v19 =	vshrl.u32 v19, $0x2;
	v20 =	vsel vm2, $0xFFFFFFFF, v1;
	[tilespmem:s1+$0x0] =	vst v17;
	(pc) =	sbr.rel @p1 .LBB2_21-.Ltmp15, $4  }
0x264: {  	v19 =	vadd.s32 v20, v19;
	v17 =	vld.idx.msk [tilespmem:v18+s0+$0x0], $0xffff  }
0x265: {  	v18 =	vshll.u32 v19, $0x3  }
0x266: {  	v18 =	vor.u32 v14, v18  }
0x267: {  	s13 =	sadd.s32 $0x10, s13;
	v19 =	vmov s5  }
0x268: {  	vm2 =	veq.s32 v19, v0  }
0x269: {  	v19 =	vor.u32 s5, v0;
	vm2 =	vmand vm2, vm1  }
0x26a: {  	s1 =	sadd.s32 $0x10, s1;
	v19 =	vshrl.u32 v19, $0x2;
	v20 =	vsel vm2, $0xFFFFFFFF, v1  }
0x26b: {  	[tilespmem:s1+$0x0] =	vst v17;
	v17 =	vadd.s32 v20, v19  }
0x26c: {  	v18 =	vld.idx.msk [tilespmem:v18+s0+$0x0], $0xffff;
	v17 =	vshll.u32 v17, $0x3  }
0x26d: {  	v17 =	vor.u32 v14, v17;
	_ =	sdelay $0x2  }
0x26e: {  	s1 =	sadd.s32 $0x10, s1  }
0x26f: {  	[tilespmem:s1+$0x0] =	vst v18  }
0x270: {  	v17 =	vld.idx.msk [tilespmem:v17+s0+$0x0], $0xffff;
	_ =	sdelay $0x1  }
0x271: {  	s5 =	simm.s32 $0x0  }
0x272: {  	v18 =	vmov s5  }
0x273: {  	s1 =	sadd.s32 $0x10, s1;
	vm2 =	veq.s32 v18, v0  }
0x274: {  	s13 =	rddreg [dreg:$0x10];
	vm2 =	vmand vm2, vm1;
	[tilespmem:s1+$0x0] =	vst v17;
	s1 =	simm.s32 $0x11A50;
	v17 =	vor.u32 s5, v0  }
0x275: {  	v18 =	vsel vm2, $0xFFFFFFFF, v1;
	[hbm4b:s13+s5] =	stream.linear.scatter [tilespmem:s1], [sflag:$0x2], $0x1000, $0x38;
	v17 =	vshrl.u32 v17, $0x2;
	[tilespmem:$0x12A50] =	vst v63  }
0x276: {  	_ =	swait.ge [sflag:s3], $0x1000;
	v17 =	vadd.s32 v18, v17  }
0x277: {  	s5 =	simm.s32 $0x10;
	[sflag:s3] =	ssyncset.done $0x0;
	v17 =	vshll.u32 v17, $0x3  }
0x278: {  	v18 =	vmov s5;
	s13 =	rddreg [dreg:$0x1d];
	[sflag:s3] =	ssyncadd.s32 $0xFFFFF000;
	v17 =	vor.u32 v14, v17  }
0x279: {  	vm2 =	veq.s32 v18, v0;
	[tilespmem:s0], [sflag:$0x2] =	stream.linear.gather [spmem:s13], $0x2000, $0x38;
	[tilespmem:$0x12A50] =	vst v63  }
0x27a: {  	v18 =	vor.u32 s5, v0;
	vm2 =	vmand vm2, vm1;
	_ =	swait.ge [sflag:s3], $0x2000  }
0x27b: {  	v18 =	vshrl.u32 v18, $0x2;
	v19 =	vsel vm2, $0xFFFFFFFF, v1;
	[sflag:s3] =	ssyncset.done $0x0  }
0x27c: {  	v18 =	vadd.s32 v19, v18;
	[sflag:s3] =	ssyncadd.s32 $0xFFFFE000  }
0x27d: {  	s13 =	simm.s32 $0x20;
	v18 =	vshll.u32 v18, $0x3;
	v17 =	vld.idx.msk [tilespmem:v17+s0+$0x0], $0xffff  }
0x27e: {  	v19 =	vmov s13;
	v18 =	vor.u32 v14, v18  }
0x27f: {  	vm2 =	veq.s32 v19, v0  }
0x280: {  	v19 =	vor.u32 s13, v0;
	vm2 =	vmand vm2, vm1  }
0x281: {  	v19 =	vshrl.u32 v19, $0x2;
	v20 =	vsel vm2, $0xFFFFFFFF, v1  }
0x282: {  	v19 =	vadd.s32 v20, v19;
	[tilespmem:s1+$0x0] =	vst v17  }
0x283: {  	v19 =	vshll.u32 v19, $0x3;
	v17 =	vld.idx.msk [tilespmem:v18+s0+$0x0], $0xffff  }
0x284: {  	s5 =	simm.s32 $0x30;
	v18 =	vor.u32 v14, v19  }
0x285: {  	s13 =	simm.s32 $0x40;
	v19 =	vmov s5  }
.LBB2_23:
0x286: {  	p1 =	sne.s32 s13, $0xFF0;
	vm2 =	veq.s32 v19, v0  }
0x287: {  	v19 =	vor.u32 s5, v0;
	s1 =	sadd.s32 $0x10, s1;
	s5 =	smov.u32 s13;
	vm2 =	vmand vm2, vm1  }
.Ltmp16:
0x288: {  	v19 =	vshrl.u32 v19, $0x2;
	v20 =	vsel vm2, $0xFFFFFFFF, v1;
	[tilespmem:s1+$0x0] =	vst v17;
	(pc) =	sbr.rel @p1 .LBB2_23-.Ltmp16, $4  }
0x289: {  	v19 =	vadd.s32 v20, v19;
	v17 =	vld.idx.msk [tilespmem:v18+s0+$0x0], $0xffff  }
0x28a: {  	v18 =	vshll.u32 v19, $0x3  }
0x28b: {  	v18 =	vor.u32 v14, v18  }
0x28c: {  	s13 =	sadd.s32 $0x10, s13;
	v19 =	vmov s5  }
0x28d: {  	vm2 =	veq.s32 v19, v0  }
0x28e: {  	v19 =	vor.u32 s5, v0;
	vm2 =	vmand vm2, vm1  }
0x28f: {  	s1 =	sadd.s32 $0x10, s1;
	v19 =	vshrl.u32 v19, $0x2;
	v20 =	vsel vm2, $0xFFFFFFFF, v1  }
0x290: {  	[tilespmem:s1+$0x0] =	vst v17;
	v17 =	vadd.s32 v20, v19  }
0x291: {  	v18 =	vld.idx.msk [tilespmem:v18+s0+$0x0], $0xffff;
	v17 =	vshll.u32 v17, $0x3  }
0x292: {  	v17 =	vor.u32 v14, v17;
	_ =	sdelay $0x2  }
0x293: {  	s1 =	sadd.s32 $0x10, s1  }
0x294: {  	[tilespmem:s1+$0x0] =	vst v18  }
0x295: {  	v17 =	vld.idx.msk [tilespmem:v17+s0+$0x0], $0xffff;
	_ =	sdelay $0x1  }
0x296: {  	s5 =	simm.s32 $0x0  }
0x297: {  	v18 =	vmov s5  }
0x298: {  	s1 =	sadd.s32 $0x10, s1;
	vm2 =	veq.s32 v18, v0  }
0x299: {  	s13 =	rddreg [dreg:$0x11];
	vm2 =	vmand vm2, vm1;
	[tilespmem:s1+$0x0] =	vst v17;
	s1 =	simm.s32 $0x11A50;
	v17 =	vor.u32 s5, v0  }
0x29a: {  	v18 =	vsel vm2, $0xFFFFFFFF, v1;
	[hbm4b:s13+s5] =	stream.linear.scatter [tilespmem:s1], [sflag:$0x2], $0x1000, $0x38;
	v17 =	vshrl.u32 v17, $0x2;
	[tilespmem:$0x12A50] =	vst v63  }
0x29b: {  	_ =	swait.ge [sflag:s3], $0x1000;
	v17 =	vadd.s32 v18, v17  }
0x29c: {  	s5 =	simm.s32 $0x10;
	[sflag:s3] =	ssyncset.done $0x0;
	v17 =	vshll.u32 v17, $0x3  }
0x29d: {  	v18 =	vmov s5;
	s13 =	rddreg [dreg:$0x1e];
	[sflag:s3] =	ssyncadd.s32 $0xFFFFF000;
	v17 =	vor.u32 v14, v17  }
0x29e: {  	vm2 =	veq.s32 v18, v0;
	[tilespmem:s0], [sflag:$0x2] =	stream.linear.gather [spmem:s13], $0x2000, $0x38;
	[tilespmem:$0x12A50] =	vst v63  }
0x29f: {  	v18 =	vor.u32 s5, v0;
	vm2 =	vmand vm2, vm1;
	_ =	swait.ge [sflag:s3], $0x2000  }
0x2a0: {  	v18 =	vshrl.u32 v18, $0x2;
	v19 =	vsel vm2, $0xFFFFFFFF, v1;
	[sflag:s3] =	ssyncset.done $0x0  }
0x2a1: {  	v18 =	vadd.s32 v19, v18;
	[sflag:s3] =	ssyncadd.s32 $0xFFFFE000  }
0x2a2: {  	s13 =	simm.s32 $0x20;
	v18 =	vshll.u32 v18, $0x3;
	v17 =	vld.idx.msk [tilespmem:v17+s0+$0x0], $0xffff  }
0x2a3: {  	v19 =	vmov s13;
	v18 =	vor.u32 v14, v18  }
0x2a4: {  	vm2 =	veq.s32 v19, v0  }
0x2a5: {  	v19 =	vor.u32 s13, v0;
	vm2 =	vmand vm2, vm1  }
0x2a6: {  	v19 =	vshrl.u32 v19, $0x2;
	v20 =	vsel vm2, $0xFFFFFFFF, v1  }
0x2a7: {  	v19 =	vadd.s32 v20, v19;
	[tilespmem:s1+$0x0] =	vst v17  }
0x2a8: {  	v19 =	vshll.u32 v19, $0x3;
	v17 =	vld.idx.msk [tilespmem:v18+s0+$0x0], $0xffff  }
0x2a9: {  	s5 =	simm.s32 $0x30;
	v18 =	vor.u32 v14, v19  }
0x2aa: {  	s13 =	simm.s32 $0x40;
	v19 =	vmov s5  }
.LBB2_25:
0x2ab: {  	p1 =	sne.s32 s13, $0xFF0;
	vm2 =	veq.s32 v19, v0  }
0x2ac: {  	v19 =	vor.u32 s5, v0;
	s1 =	sadd.s32 $0x10, s1;
	s5 =	smov.u32 s13;
	vm2 =	vmand vm2, vm1  }
.Ltmp17:
0x2ad: {  	v19 =	vshrl.u32 v19, $0x2;
	v20 =	vsel vm2, $0xFFFFFFFF, v1;
	[tilespmem:s1+$0x0] =	vst v17;
	(pc) =	sbr.rel @p1 .LBB2_25-.Ltmp17, $4  }
0x2ae: {  	v19 =	vadd.s32 v20, v19;
	v17 =	vld.idx.msk [tilespmem:v18+s0+$0x0], $0xffff  }
0x2af: {  	v18 =	vshll.u32 v19, $0x3  }
0x2b0: {  	v18 =	vor.u32 v14, v18  }
0x2b1: {  	s13 =	sadd.s32 $0x10, s13;
	v19 =	vmov s5  }
0x2b2: {  	vm2 =	veq.s32 v19, v0  }
0x2b3: {  	v19 =	vor.u32 s5, v0;
	vm2 =	vmand vm2, vm1  }
0x2b4: {  	s1 =	sadd.s32 $0x10, s1;
	v19 =	vshrl.u32 v19, $0x2;
	v20 =	vsel vm2, $0xFFFFFFFF, v1  }
0x2b5: {  	[tilespmem:s1+$0x0] =	vst v17;
	v17 =	vadd.s32 v20, v19  }
0x2b6: {  	v18 =	vld.idx.msk [tilespmem:v18+s0+$0x0], $0xffff;
	v17 =	vshll.u32 v17, $0x3  }
0x2b7: {  	v17 =	vor.u32 v14, v17;
	_ =	sdelay $0x2  }
0x2b8: {  	s1 =	sadd.s32 $0x10, s1  }
0x2b9: {  	[tilespmem:s1+$0x0] =	vst v18  }
0x2ba: {  	v17 =	vld.idx.msk [tilespmem:v17+s0+$0x0], $0xffff;
	_ =	sdelay $0x1  }
0x2bb: {  	s5 =	simm.s32 $0x0  }
0x2bc: {  	v18 =	vmov s5  }
0x2bd: {  	s1 =	sadd.s32 $0x10, s1;
	vm2 =	veq.s32 v18, v0  }
0x2be: {  	s13 =	rddreg [dreg:$0x12];
	vm2 =	vmand vm2, vm1;
	[tilespmem:s1+$0x0] =	vst v17;
	s1 =	simm.s32 $0x11A50;
	v17 =	vor.u32 s5, v0  }
0x2bf: {  	v18 =	vsel vm2, $0xFFFFFFFF, v1;
	[hbm4b:s13+s5] =	stream.linear.scatter [tilespmem:s1], [sflag:$0x2], $0x1000, $0x38;
	v17 =	vshrl.u32 v17, $0x2;
	[tilespmem:$0x12A50] =	vst v63  }
0x2c0: {  	_ =	swait.ge [sflag:s3], $0x1000;
	v17 =	vadd.s32 v18, v17  }
0x2c1: {  	s5 =	simm.s32 $0x10;
	[sflag:s3] =	ssyncset.done $0x0;
	v17 =	vshll.u32 v17, $0x3  }
0x2c2: {  	v18 =	vmov s5;
	s13 =	rddreg [dreg:$0x1f];
	[sflag:s3] =	ssyncadd.s32 $0xFFFFF000;
	v17 =	vor.u32 v14, v17  }
0x2c3: {  	vm2 =	veq.s32 v18, v0;
	[tilespmem:s0], [sflag:$0x2] =	stream.linear.gather [spmem:s13], $0x2000, $0x38;
	[tilespmem:$0x12A50] =	vst v63  }
0x2c4: {  	v18 =	vor.u32 s5, v0;
	vm2 =	vmand vm2, vm1;
	_ =	swait.ge [sflag:s3], $0x2000  }
0x2c5: {  	v18 =	vshrl.u32 v18, $0x2;
	v19 =	vsel vm2, $0xFFFFFFFF, v1;
	[sflag:s3] =	ssyncset.done $0x0  }
0x2c6: {  	v18 =	vadd.s32 v19, v18;
	[sflag:s3] =	ssyncadd.s32 $0xFFFFE000  }
0x2c7: {  	s13 =	simm.s32 $0x20;
	v18 =	vshll.u32 v18, $0x3;
	v17 =	vld.idx.msk [tilespmem:v17+s0+$0x0], $0xffff  }
0x2c8: {  	v19 =	vmov s13;
	v18 =	vor.u32 v14, v18  }
0x2c9: {  	vm2 =	veq.s32 v19, v0  }
0x2ca: {  	v19 =	vor.u32 s13, v0;
	vm2 =	vmand vm2, vm1  }
0x2cb: {  	v19 =	vshrl.u32 v19, $0x2;
	v20 =	vsel vm2, $0xFFFFFFFF, v1  }
0x2cc: {  	v19 =	vadd.s32 v20, v19;
	[tilespmem:s1+$0x0] =	vst v17  }
0x2cd: {  	v19 =	vshll.u32 v19, $0x3;
	v17 =	vld.idx.msk [tilespmem:v18+s0+$0x0], $0xffff  }
0x2ce: {  	s5 =	simm.s32 $0x30;
	v18 =	vor.u32 v14, v19  }
0x2cf: {  	s13 =	simm.s32 $0x40;
	v19 =	vmov s5  }
.LBB2_27:
0x2d0: {  	p1 =	sne.s32 s13, $0xFF0;
	vm2 =	veq.s32 v19, v0  }
0x2d1: {  	v19 =	vor.u32 s5, v0;
	s1 =	sadd.s32 $0x10, s1;
	s5 =	smov.u32 s13;
	vm2 =	vmand vm2, vm1  }
.Ltmp18:
0x2d2: {  	v19 =	vshrl.u32 v19, $0x2;
	v20 =	vsel vm2, $0xFFFFFFFF, v1;
	[tilespmem:s1+$0x0] =	vst v17;
	(pc) =	sbr.rel @p1 .LBB2_27-.Ltmp18, $4  }
0x2d3: {  	v19 =	vadd.s32 v20, v19;
	v17 =	vld.idx.msk [tilespmem:v18+s0+$0x0], $0xffff  }
0x2d4: {  	v18 =	vshll.u32 v19, $0x3  }
0x2d5: {  	v18 =	vor.u32 v14, v18  }
0x2d6: {  	s13 =	sadd.s32 $0x10, s13;
	v19 =	vmov s5  }
0x2d7: {  	vm2 =	veq.s32 v19, v0  }
0x2d8: {  	v19 =	vor.u32 s5, v0;
	vm2 =	vmand vm2, vm1  }
0x2d9: {  	s1 =	sadd.s32 $0x10, s1;
	v19 =	vshrl.u32 v19, $0x2;
	v20 =	vsel vm2, $0xFFFFFFFF, v1  }
0x2da: {  	[tilespmem:s1+$0x0] =	vst v17;
	v17 =	vadd.s32 v20, v19  }
0x2db: {  	v18 =	vld.idx.msk [tilespmem:v18+s0+$0x0], $0xffff;
	v17 =	vshll.u32 v17, $0x3  }
0x2dc: {  	v17 =	vor.u32 v14, v17;
	_ =	sdelay $0x2  }
0x2dd: {  	s1 =	sadd.s32 $0x10, s1  }
0x2de: {  	[tilespmem:s1+$0x0] =	vst v18  }
0x2df: {  	v17 =	vld.idx.msk [tilespmem:v17+s0+$0x0], $0xffff;
	_ =	sdelay $0x3  }
0x2e0: {  	s1 =	sadd.s32 $0x10, s1  }
.Ltmp19:
0x2e1: {  	s13 =	rddreg [dreg:$0x13];
	[tilespmem:s1+$0x0] =	vst v17;
	(pc) =	sbr.rel @p0 .LBB2_32-.Ltmp19, $4  }
0x2e2: {  	[hbm4b:s13+s28] =	stream.linear.scatter [tilespmem:s15], [sflag:$0x2], $0x1000, $0x38;
	[tilespmem:$0x12A50] =	vst v63  }
0x2e3: {  	_ =	swait.ge [sflag:s3], $0x1000  }
0x2e4: {  	[sflag:s3] =	ssyncset.done $0x0  }
0x2e5: {  	[sflag:s3] =	ssyncadd.s32 $0xFFFFF000  }
0x2e6: {  	s1 =	simm.s32 $0x0  }
0x2e7: {  	v17 =	vmov s1  }
0x2e8: {  	vm2 =	veq.s32 v17, v0  }
0x2e9: {  	v17 =	vor.u32 s1, v0;
	vm2 =	vmand vm2, vm1  }
0x2ea: {  	v17 =	vshrl.u32 v17, $0x2;
	v18 =	vsel vm2, $0xFFFFFFFF, v1  }
0x2eb: {  	s5 =	sld [smem:$0x7F8];
	v17 =	vadd.s32 v18, v17  }
0x2ec: {  	s13 =	simm.s32 $0x10;
	v17 =	vshll.u32 v17, $0x3  }
0x2ed: {  	v18 =	vmov s13;
	v17 =	vor.u32 v14, v17  }
0x2ee: {  	[tilespmem:s0], [sflag:$0x2] =	stream.linear.gather [spmem:s5], $0x380, $0x38;
	vm2 =	veq.s32 v18, v0;
	[tilespmem:$0x12A50] =	vst v63  }
0x2ef: {  	_ =	swait.ge [sflag:s3], $0x380;
	v18 =	vor.u32 s13, v0;
	vm2 =	vmand vm2, vm1  }
0x2f0: {  	[sflag:s3] =	ssyncset.done $0x0;
	v18 =	vshrl.u32 v18, $0x2;
	v19 =	vsel vm2, $0xFFFFFFFF, v1  }
0x2f1: {  	[sflag:s3] =	ssyncadd.s32 $0xFFFFFC80;
	v18 =	vadd.s32 v19, v18  }
0x2f2: {  	s13 =	simm.s32 $0x20;
	v18 =	vshll.u32 v18, $0x3;
	v17 =	vld.idx.msk [tilespmem:v17+s0+$0x0], $0xffff  }
0x2f3: {  	v19 =	vmov s13;
	v18 =	vor.u32 v14, v18  }
0x2f4: {  	vm2 =	veq.s32 v19, v0  }
0x2f5: {  	v19 =	vor.u32 s13, v0;
	vm2 =	vmand vm2, vm1  }
0x2f6: {  	s1 =	simm.s32 $0x11A50;
	v19 =	vshrl.u32 v19, $0x2;
	v20 =	vsel vm2, $0xFFFFFFFF, v1  }
0x2f7: {  	v19 =	vadd.s32 v20, v19;
	[tilespmem:s1+$0x0] =	vst v17  }
0x2f8: {  	v19 =	vshll.u32 v19, $0x3;
	v17 =	vld.idx.msk [tilespmem:v18+s0+$0x0], $0xffff  }
0x2f9: {  	s5 =	simm.s32 $0x30;
	v18 =	vor.u32 v14, v19  }
0x2fa: {  	s13 =	simm.s32 $0x40;
	v19 =	vmov s5  }
.LBB2_30:
0x2fb: {  	p1 =	sne.s32 s13, $0x1B0;
	vm2 =	veq.s32 v19, v0  }
0x2fc: {  	v19 =	vor.u32 s5, v0;
	s1 =	sadd.s32 $0x10, s1;
	s5 =	smov.u32 s13;
	vm2 =	vmand vm2, vm1  }
.Ltmp20:
0x2fd: {  	v19 =	vshrl.u32 v19, $0x2;
	v20 =	vsel vm2, $0xFFFFFFFF, v1;
	[tilespmem:s1+$0x0] =	vst v17;
	(pc) =	sbr.rel @p1 .LBB2_30-.Ltmp20, $4  }
0x2fe: {  	v19 =	vadd.s32 v20, v19;
	v17 =	vld.idx.msk [tilespmem:v18+s0+$0x0], $0xffff  }
0x2ff: {  	v18 =	vshll.u32 v19, $0x3  }
0x300: {  	v18 =	vor.u32 v14, v18  }
0x301: {  	s13 =	sadd.s32 $0x10, s13;
	v19 =	vmov s5  }
0x302: {  	vm2 =	veq.s32 v19, v0  }
0x303: {  	v19 =	vor.u32 s5, v0;
	vm2 =	vmand vm2, vm1  }
0x304: {  	s1 =	sadd.s32 $0x10, s1;
	v19 =	vshrl.u32 v19, $0x2;
	v20 =	vsel vm2, $0xFFFFFFFF, v1  }
0x305: {  	[tilespmem:s1+$0x0] =	vst v17;
	v17 =	vadd.s32 v20, v19  }
0x306: {  	v18 =	vld.idx.msk [tilespmem:v18+s0+$0x0], $0xffff;
	v17 =	vshll.u32 v17, $0x3  }
0x307: {  	v17 =	vor.u32 v14, v17;
	_ =	sdelay $0x2  }
0x308: {  	s1 =	sadd.s32 $0x10, s1  }
0x309: {  	[tilespmem:s1+$0x0] =	vst v18  }
0x30a: {  	v17 =	vld.idx.msk [tilespmem:v17+s0+$0x0], $0xffff;
	_ =	sdelay $0x3  }
0x30b: {  	s1 =	sadd.s32 $0x10, s1  }
.Ltmp21:
0x30c: {  	s13 =	rddreg [dreg:$0x14];
	[tilespmem:s1+$0x0] =	vst v17;
	(pc) =	sbr.rel .LBB2_33-.Ltmp21, $4  }
0x30d: {  	[hbm4b:s13+s28] =	stream.linear.scatter [tilespmem:s15], [sflag:$0x2], $0x1C0, $0x38;
	[tilespmem:$0x12A50] =	vst v63  }
0x30e: {  	_ =	swait.ge [sflag:s3], $0x1C0  }
0x30f: {  	[sflag:s3] =	ssyncset.done $0x0  }
0x310: {  	s5 =	sld [smem:$0x7F7];
	[sflag:s3] =	ssyncadd.s32 $0xFFFFFE40  }
.LBB2_4:
.Ltmp22:
0x311: {  	(pc) =	sbr.rel .LBB2_8-.Ltmp22, $2  }
0x312: {  	_ =	sdelay $0x2  }
0x313: {  	s1 =	smov.u32 s28  }
.LBB2_6:
.Ltmp23:
0x314: {  	(pc) =	sbr.rel .LBB2_8-.Ltmp23, $2  }
0x315: {  	_ =	sdelay $0x2  }
0x316: {  	s1 =	smov.u32 s28  }
.LBB2_34:
0x317: {  	_ =	sfence.sel $0x180000  }
0x318: {  	[bflag:$0x0] =	sbarrier.arrive $0xFFFF  }
0x319: {  	_ =	strace $0x9000004A  }
0x31a: {  	s0 =	stileid.u32;
	[bflag:$0x2] =	sbarrier.arrive $0xFFFF  }
0x31b: {  	p0 =	sne.s32 s0, $0x0;
	s0 =	rddreg [dreg:$0x4]  }
0x31c: {  	s0 =	sadd.s32 @!p0 $0x100000, s0  }
0x31d: {  	[sflag:s0] =	ssyncadd.tile.s32 @!p0 $0x1;
	_ =	shalt  }
.Lfunc_end2:
_tile_overlayer_lowered:
.L_overlay_start_2:
0x31e: {  	(tag) =	ssettag $0x2  }
0x31f: {  	s0 =	rddreg [dreg:$0x0];
	s2 =	stileid.u32  }
0x320: {  	s1 =	rddreg [dreg:$0x1];
	p0 =	sne.s32 s2, $0x0  }
0x321: {  	s3 =	rddreg [dreg:$0x2];
	[bflag:$0x3] =	sbarrier.arrive $0xFFFF;
	s2 =	simm.s32 @!p0 $0x1C02  }
0x322: {  	[timem:s3], [sflag:s2] =	dma.local @!p0 [hbm:s0], s1  }
0x323: {  	s0 =	simm.s32 @!p0 $0x2  }
0x324: {  	_ =	swait.ge @!p0 [sflag:s0], s1  }
0x325: {  	s1 =	ssub.s32 @!p0 $0x0, s1;
	[sflag:s0] =	ssyncset.done @!p0 $0x0  }
0x326: {  	[sflag:s0] =	ssyncadd.s32 @!p0 s1  }
0x327: {  	[bflag:$0x3] =	sbarrier.arrive $0xFFFF  }
0x328: {  	_ =	shalt  }

// kernel: sparse-core-data-format-call.cloned.1.call-start
scs
called_computation_lowered:
.L_overlay_start_0:
0x0: {  	s1 =	sld [smem:$0x3FD9]  }
0x1: {  	s2 =	sld [smem:$0x3FFE];
	_ =	sdelay $0x1  }
0x2: {  	s3 =	srdreg.scid  }
0x3: {  	s0 =	sand.u32 $0x1, s3  }
0x4: {  	s17 =	sshll.u32 s0, $0xA;
	s1 =	sadd.s32 s2, s1  }
0x5: {  	s1 =	sadd.s32 s1, s17  }
0x6: {  	[smem:$0x3FC5] =	sst s1  }
0x7: {  	_ = 	snop  }
0x8: {  	(tm) =	ssettm $0x1  }
0x9: {  	s18 =	sld [smem:$0x3FFB];
	_ =	sdelay $0x3  }
0xa: {  	_ =	strace s18  }
0xb: {  	s1 =	sld [smem:$0x3FFC];
	_ =	sdelay $0x3  }
0xc: {  	_ =	strace s1  }
0xd: {  	s1 =	sld [smem:$0x3FFD];
	_ =	sdelay $0x3  }
0xe: {  	_ =	strace s1  }
0xf: {  	_ =	strace $0x8FFFFFFF  }
0x10: {  	s19 =	sld [smem:$0x3FDB];
	_ =	sdelay $0x1  }
0x11: {  	s20 =	simm.s32 $_scs_section_size  }
0x12: {  	s4 =	simm.s32 $_size__tile_overlayer_lowered;
	s5 =	simm.s32 $_tile_overlayer_lowered  }
0x13: {  	s23 =	simm.s32 $0x1BFF;
	s22 =	sshll.u32 s5, $0x1;
	s1 =	sadd.s32 s20, s19  }
0x14: {  	s6 =	simm.s32 $0x0;
	s21 =	sshll.u32 s4, $0x1;
	s4 =	sadd.s32 s22, s1  }
0x15: {  	[timem:s6], [sflag:s23] =	dma.local [hbm:s4], s21  }
0x16: {  	_ =	swait.ge [sflag:s23], s21  }
0x17: {  	s2 =	ssub.s32 $0x0, s21;
	[sflag:s23] =	ssyncset.done $0x0  }
0x18: {  	[sflag:s23] =	ssyncadd.s32 s2;
	_ =	sdelay $0x1  }
0x19: {  	s24 =	simm.s32 $0x1B8B  }
0x1a: {  	_ =	swait.ge [sflag:s24], $0x1  }
0x1b: {  	[sflag:s24] =	ssyncset.done $0x0  }
0x1c: {  	s26 =	simm.s32 $0x1B8E;
	s25 =	sld [smem:$0x3FFE];
	[sflag:s24] =	ssyncadd.s32 $0xFFFFFFFF  }
0x1d: {  	s27 =	simm.s32 $execute0_lowered;
	[smem:$0x3FD2] =	sst s26  }
0x1e: {  	s4 =	sshll.u32 s27, $0x1;
	_ =	strace $0x80000046;
	[dreg:$0x1] =	wrdreg $0xFFFFFFFF  }
0x1f: {  	s28 =	simm.s32 $_size_execute0_lowered;
	s1 =	sadd.s32 s1, s4;
	[dreg:$0x0] =	wrdreg $0x0  }
0x20: {  	s4 =	sshll.u32 s28, $0x1;
	[dreg:$0x2] =	wrdreg s1  }
0x21: {  	[dreg:$0x3] =	wrdreg s4  }
0x22: {  	[dreg:$0x4] =	wrdreg $0xC0  }
0x23: {  	_ =	task [dreg:s6], $0x5FFFF  }
0x24: {  	[dreg:$0x1] =	wrdreg $0xFFFFFFFF  }
0x25: {  	[dreg:$0x0] =	wrdreg $0x60  }
0x26: {  	[dreg:$0x2] =	wrdreg s25  }
0x27: {  	[dreg:$0x3] =	wrdreg $0x9  }
0x28: {  	_ =	task.clear_ibuf [dreg:s6], $0x4FFFF;
	_ =	strace $0x90000046  }
0x29: {  	s29 =	simm.s32 $0x9;
	_ =	strace $0x80000048  }
0x2a: {  	_ =	swait.ge [sflag:s29], $0x1  }
0x2b: {  	[sflag:s29] =	ssyncadd.s32 $0xFFFFFFFF  }
0x2c: {  	_ =	strace $0x90000048  }
0x2d: {  	_ =	sfence  }
0x2e: {  	s30 =	sld [smem:$0x0];
	_ =	sdelay $0x2  }
0x2f: {  	s31 =	sshll.u32 s3, $0xD;
	s3 =	sshrl.u32 s3, $0x2  }
0x30: {  	s2 =	sand.u32 $0x4000, s31;
	s1 =	sadd.s32 s3, s30  }
0x31: {  	s0 =	sor.u32 s2, s0;
	s1 =	sshll.u32 s1, $0x11  }
0x32: {  	s0 =	sor.u32 s1, s0  }
0x33: {  	s0 =	sadd.s32 $0x8F2B, s0  }
0x34: {  	[sflag:s0] =	ssyncadd.remote.s32 $0x1  }
0x35: {  	_ =	sfence.sel $0xFFFF  }
0x36: {  	[dreg:$0x0] =	wrdreg $0xFFFFFFFF;
	(pc) =	sbr.abs _section_cstart, $3  }
0x37: {  	[dreg:$0x1] =	wrdreg $0xFFFFFFFF  }
0x38: {  	_ =	task.clear_ibuf [dreg:s6], $0x2FFFF;
	_ =	strace $0x9FFFFFFF  }
0x39: {  	(tm) =	ssettm $0x7FFFFFFF  }
tec
execute0_lowered:
.L_overlay_start_1:
0x0: {  	(tag) =	ssettag $0x1  }
0x1: {  	s0 =	srdreg.scid  }
0x2: {  	s6 =	rddreg [dreg:$0x0];
	s7 =	simm.s32 $0x1;
	s1 =	sshll.u32 s0, $0x4  }
0x3: {  	s8 =	simm.s32 $0x2;
	s0 =	stileid.u32;
	s1 =	sand.u32 $0x10, s1  }
0x4: {  	s13 =	simm.s32 $0x0;
	s12 =	simm.s32 $0x0;
	s1 =	sor.u32 s0, s1  }
0x5: {  	s10 =	simm.s32 $0x0;
	s3 =	sadd.s32 $0x400, s6;
	s2 =	sshll.u32 s1, $0x9  }
0x6: {  	s11 =	simm.s32 $0x0;
	s6 =	sadd.s32 $0x186E00, s6;
	s5 =	ssub.s32 $0x186A00, s2  }
.Ltmp0:
0x7: {  	s1 =	rddreg [dreg:$0x1];
	s4 =	sand.u32 $0x3E00, s5;
	(pc) =	sbr.rel .LBB1_1-.Ltmp0, $4  }
0x8: {  	_ =	strace $0x80000047;
	s9 =	smov.u32 s2;
	p0 =	sne.s32 s4, $0x0  }
0x9: {  	s5 =	sshrl.u32 s5, $0xE;
	s4 =	simm.s32 $0x1;
	s7 =	simm.s32 @!p0 $0x0  }
0xa: {  	[sflag:s4] =	ssyncpa.u1 $0x0;
	p0 =	por $0x0, $0x0;
	s5 =	sadd.s32 s7, s5  }
0xb: {  	[sflag:s8] =	ssyncpa.u1 $0x0;
	s8 =	simm.s32 $0x80;
	s7 =	sadd.s32 $0x1, s5  }
.LBB1_4:
0xc: {  	[tilespmem:s17+$0xE10 ss:$0x9] =	vst.msk $0xffff, v3;
	v31 =	vld [tilespmem:s18+$0x450]  }
0xd: {  	[tilespmem:s17+$0xEA0 ss:$0x9] =	vst.msk $0xffff, v1;
	v32 =	vld [tilespmem:s18+$0x460];
	s23 =	sadd.s32 $0x80, s18  }
0xe: {  	[tilespmem:s17+$0xF30 ss:$0x9] =	vst.msk $0xffff, v0;
	v35 =	vld [tilespmem:s23+$0xFFFFF7F0]  }
0xf: {  	[tilespmem:s17+$0xFC0 ss:$0x9] =	vst.msk $0xffff, v2;
	v36 =	vld [tilespmem:s23+$0xFFFFF800]  }
0x10: {  	[tilespmem:s17+$0x1050 ss:$0x9] =	vst.msk $0xffff, v4;
	v37 =	vld [tilespmem:s23+$0xFFFFF810]  }
0x11: {  	s24 =	sshra.s32 s19, $0x2;
	v38 =	vld [tilespmem:s23+$0xFFFFF820];
	[tilespmem:s17+$0x10E0 ss:$0x9] =	vst.msk $0xffff, v31  }
0x12: {  	s15 =	sadd.s32 s24, s15;
	v39 =	vld [tilespmem:s23+$0xFFFFF830];
	[tilespmem:s17+$0x1170 ss:$0x9] =	vst.msk $0xffff, v32  }
0x13: {  	v40 =	vld [tilespmem:s23+$0xFFFFF840];
	[tilespmem:s15+$0x0 ss:$0x9] =	vst.msk $0xffff, v35  }
0x14: {  	v41 =	vld [tilespmem:s23+$0xFFFFF850];
	[tilespmem:s15+$0x90 ss:$0x9] =	vst.msk $0xffff, v36  }
0x15: {  	v42 =	vld [tilespmem:s23+$0xFFFFF860];
	[tilespmem:s15+$0x120 ss:$0x9] =	vst.msk $0xffff, v37  }
0x16: {  	v43 =	vld [tilespmem:s23+$0xFFFFFC00];
	[tilespmem:s15+$0x1B0 ss:$0x9] =	vst.msk $0xffff, v38  }
0x17: {  	v44 =	vld [tilespmem:s23+$0xFFFFFC10];
	[tilespmem:s15+$0x240 ss:$0x9] =	vst.msk $0xffff, v39  }
0x18: {  	v45 =	vld [tilespmem:s23+$0xFFFFFC20];
	[tilespmem:s15+$0x2D0 ss:$0x9] =	vst.msk $0xffff, v40  }
0x19: {  	v46 =	vld [tilespmem:s23+$0xFFFFFC30];
	[tilespmem:s15+$0x360 ss:$0x9] =	vst.msk $0xffff, v41  }
0x1a: {  	v47 =	vld [tilespmem:s23+$0xFFFFFC40];
	[tilespmem:s15+$0x3F0 ss:$0x9] =	vst.msk $0xffff, v42  }
0x1b: {  	v48 =	vld [tilespmem:s23+$0xFFFFFC50];
	[tilespmem:s15+$0x510 ss:$0x9] =	vst.msk $0xffff, v43  }
0x1c: {  	v49 =	vld [tilespmem:s23+$0xFFFFFC60];
	[tilespmem:s15+$0x5A0 ss:$0x9] =	vst.msk $0xffff, v44  }
0x1d: {  	v50 =	vld [tilespmem:s23+$0x0];
	[tilespmem:s15+$0x630 ss:$0x9] =	vst.msk $0xffff, v45  }
0x1e: {  	v51 =	vld [tilespmem:s23+$0x10];
	[tilespmem:s15+$0x6C0 ss:$0x9] =	vst.msk $0xffff, v46  }
0x1f: {  	v52 =	vld [tilespmem:s23+$0x20];
	[tilespmem:s15+$0x750 ss:$0x9] =	vst.msk $0xffff, v47  }
0x20: {  	v53 =	vld [tilespmem:s23+$0x30];
	[tilespmem:s15+$0x7E0 ss:$0x9] =	vst.msk $0xffff, v48  }
0x21: {  	v54 =	vld [tilespmem:s23+$0x40];
	[tilespmem:s15+$0x870 ss:$0x9] =	vst.msk $0xffff, v49  }
0x22: {  	v55 =	vld [tilespmem:s23+$0x50];
	[tilespmem:s15+$0x990 ss:$0x9] =	vst.msk $0xffff, v50  }
0x23: {  	v56 =	vld [tilespmem:s23+$0x60];
	[tilespmem:s15+$0xA20 ss:$0x9] =	vst.msk $0xffff, v51  }
0x24: {  	v57 =	vld [tilespmem:s23+$0x400];
	[tilespmem:s15+$0xAB0 ss:$0x9] =	vst.msk $0xffff, v52  }
0x25: {  	v58 =	vld [tilespmem:s23+$0x410];
	[tilespmem:s15+$0xB40 ss:$0x9] =	vst.msk $0xffff, v53  }
0x26: {  	s13 =	sshll.u32 s13, $0x7;
	s25 =	sshll.u32 s12, $0x3;
	v59 =	vld [tilespmem:s23+$0x420];
	[tilespmem:s15+$0xBD0 ss:$0x9] =	vst.msk $0xffff, v54  }
0x27: {  	s26 =	sand.u32 $0xFFFFFC00, s13;
	v60 =	vld [tilespmem:s23+$0x430];
	s17 =	sand.u32 $0xFFFFFC00, s25;
	[tilespmem:s15+$0xC60 ss:$0x9] =	vst.msk $0xffff, v55  }
0x28: {  	s13 =	sand.u32 $0x380, s13;
	v61 =	vld [tilespmem:s23+$0x440];
	s17 =	sadd.s32 s17, s26;
	[tilespmem:s15+$0xCF0 ss:$0x9] =	vst.msk $0xffff, v56  }
0x29: {  	s20 =	sand.u32 $0x180, s20;
	s16 =	sadd.s32 s22, s16;
	v62 =	vld [tilespmem:s23+$0x450];
	[tilespmem:s15+$0xE10 ss:$0x9] =	vst.msk $0xffff, v57;
	s13 =	sor.u32 s13, s17  }
0x2a: {  	s16 =	sadd.s32 s20, s16;
	v63 =	vld [tilespmem:s23+$0x460];
	[tilespmem:s15+$0xEA0 ss:$0x9] =	vst.msk $0xffff, v58;
	s13 =	sshrl.u32 s13, $0x7  }
0x2b: {  	v5 =	vld [tilespmem:s16+$0xC00];
	[tilespmem:s15+$0xF30 ss:$0x9] =	vst.msk $0xffff, v59;
	s27 =	smulhi.u32 $0x14F8B59, s13  }
0x2c: {  	v33 =	vld [tilespmem:s16+$0x400];
	[tilespmem:s15+$0xFC0 ss:$0x9] =	vst.msk $0xffff, v60  }
0x2d: {  	v34 =	vld [tilespmem:s16+$0x800];
	[tilespmem:s15+$0x1050 ss:$0x9] =	vst.msk $0xffff, v61;
	s28 =	sshrl.u32 s27, $0xD  }
0x2e: {  	[tilespmem:s15+$0x10E0 ss:$0x9] =	vst.msk $0xffff, v62;
	s16 =	smul.u32 $0x186A00, s28  }
0x2f: {  	s29 =	sshrl.u32 s12, $0x3;
	[tilespmem:s15+$0x1170 ss:$0x9] =	vst.msk $0xffff, v63  }
0x30: {  	s31 =	sand.u32 $0x7, s12;
	s30 =	sand.u32 $0xF, s29;
	[tilespmem:s15+$0xD80 ss:$0x9] =	vst.msk $0xffff, v5;
	s13 =	ssub.s32 s13, s16  }
0x31: {  	s12 =	sshll.u32 s31, $0x12;
	[tilespmem:s15+$0x480 ss:$0x9] =	vst.msk $0xffff, v33;
	s16 =	sadd.s32 s6, s30;
	s13 =	sshll.u32 s13, $0x4  }
0x32: {  	s12 =	sor.u32 $0x8, s12;
	[tilespmem:s15+$0x900 ss:$0x9] =	vst.msk $0xffff, v34;
	s13 =	sadd.s32 s13, s16  }
0x33: {  	[hbm4b:s13+s12] =	stream.strided.scatter [tilespmem:s14], [sflag:$0x2], $0x1000, s8, s12, $0x0;
	[tilespmem:$0x4400] =	vst v63  }
.LBB1_5:
0x34: {  	s14 =	sadd.s32 $0x4000, s9  }
0x35: {  	s12 =	sadd.s32 $0x8, s10;
	s16 =	smov.u32 s10;
	p2 =	sgt.s32 s14, $0x1869FF  }
0x36: {  	s16 =	smov.u32 @p2 s12  }
0x37: {  	s14 =	smov.u32 @p2 s2;
	p2 =	sgt.s32 s16, $0x7  }
0x38: {  	s16 =	simm.s32 @p2 $0x0;
	p2 =	sne.s32 s11, s7  }
.Ltmp1:
0x39: {  	p1 =	slt.u32 s11, $0x2;
	(pc) =	sbr.rel @!p2 .LBB1_6-.Ltmp1, $4  }
0x3a: {  	s15 =	simm.s32 @!p1 $0x2  }
0x3b: {  	s13 =	smov.u32 s9;
	p0 =	por !p0, !p0;
	_ =	swait.ge @!p1 [sflag:s15], $0x1000  }
0x3c: {  	s12 =	smov.u32 s10;
	[sflag:s15] =	ssyncset.done @!p1 $0x0;
	s9 =	smov.u32 s14  }
0x3d: {  	s11 =	sadd.s32 $0x1, s11;
	[sflag:s15] =	ssyncadd.s32 @!p1 $0xFFFFF000;
	s10 =	smov.u32 s16  }
.LBB1_1:
0x3e: {  	p1 =	sge.u32 s11, s5  }
0x3f: {  	s14 =	sshrl.u32 @!p1 s10, $0x3  }
0x40: {  	s15 =	sshll.u32 @!p1 s9, $0x3;
	s14 =	smul.u32 @!p1 $0xC35000, s14  }
0x41: {  	s16 =	sshll.u32 @!p1 s10, $0x7;
	s15 =	sand.u32 @!p1 $0xFFFFFC00, s15  }
0x42: {  	s14 =	sadd.s32 @!p1 s14, s15;
	s15 =	sand.u32 @!p1 $0x380, s16  }
0x43: {  	s14 =	sor.u32 @!p1 s15, s14  }
0x44: {  	s15 =	sshrl.u32 @!p1 s14, $0x9  }
0x45: {  	s15 =	smulhi.u32 @!p1 $0xA7C5AD, s15;
	_ =	sdelay $0x1  }
0x46: {  	s15 =	sshrl.u32 @!p1 s15, $0x3  }
0x47: {  	s16 =	sand.u32 @!p1 $0x7F, s9;
	s17 =	smul.u32 @!p1 $0x186A00, s15  }
0x48: {  	s14 =	sor.u32 @!p1 s16, s14  }
0x49: {  	s15 =	sand.u32 @!p1 $0x7, s15;
	s14 =	ssub.s32 @!p1 s14, s17  }
0x4a: {  	s16 =	sxor.u32 @!p1 $0xFFFFFFFF, s11;
	s15 =	smul.u32 @!p1 $0x30D40, s15;
	s17 =	sshrl.u32 @!p1 s14, $0x3  }
0x4b: {  	s31 =	sadd.s32 $0xFFFFFFFF, s11;
	s16 =	sshll.u32 @!p1 s16, $0xC;
	s17 =	sadd.s32 @!p1 s3, s17  }
0x4c: {  	s16 =	sand.u32 @!p1 $0x1000, s16;
	s14 =	sand.u32 @!p1 $0x7, s14;
	s15 =	sadd.s32 @!p1 s15, s17  }
0x4d: {  	[tilespmem:s16], [sflag:$0x1] =	stream.linear.gather @!p1 [hbm4b:s15+s14], $0x1000, $0x38;
	[tilespmem:$0x4400] =	vst v63  }
0x4e: {  	p1 =	sge.u32 s31, s5  }
.Ltmp2:
0x4f: {  	_ = 	snop;
	(pc) =	sbr.rel @p1 .LBB1_5-.Ltmp2, $1  }
0x50: {  	_ =	sdelay $0x3  }
0x51: {  	s14 =	simm.s32 $0x1;
	s19 =	sand.u32 $0x1, s11;
	s15 =	simm.s32 $0x0  }
0x52: {  	_ =	swait.ge [sflag:s4], $0x1000;
	s16 =	sshll.u32 s19, $0xC;
	s17 =	sand.u32 $0x200, s15  }
0x53: {  	[sflag:s4] =	ssyncset.done $0x0;
	s15 =	sand.u32 $0x180, s15;
	s17 =	sadd.s32 s17, s16  }
0x54: {  	s14 =	simm.s32 @!p0 $0x0;
	[sflag:s4] =	ssyncadd.s32 $0xFFFFF000;
	s15 =	sadd.s32 s15, s17  }
0x55: {  	s30 =	smul.u32 $0x4800, s14;
	v0 =	vld [tilespmem:s15+$0xC00]  }
0x56: {  	s14 =	sshll.u32 s14, $0xC;
	v1 =	vld [tilespmem:s15+$0x400]  }
0x57: {  	s18 =	sor.u32 $0x810, s14;
	s17 =	sshrl.u32 s30, $0x2;
	v2 =	vld [tilespmem:s15+$0x800]  }
0x58: {  	v3 =	vld [tilespmem:s18+$0xFFFFF7F0];
	s15 =	sor.u32 $0x2000, s17  }
0x59: {  	v4 =	vld [tilespmem:s18+$0xFFFFF800];
	s17 =	sadd.s32 $0x0, s15  }
0x5a: {  	v5 =	vld [tilespmem:s18+$0xFFFFF810];
	[tilespmem:s17+$0xD80 ss:$0x9] =	vst.msk $0xffff, v0  }
0x5b: {  	v6 =	vld [tilespmem:s18+$0x60];
	[tilespmem:s17+$0x480 ss:$0x9] =	vst.msk $0xffff, v1  }
0x5c: {  	v0 =	vld [tilespmem:s18+$0xFFFFF820];
	[tilespmem:s17+$0x900 ss:$0x9] =	vst.msk $0xffff, v2  }
0x5d: {  	[tilespmem:s17+$0x0 ss:$0x9] =	vst.msk $0xffff, v3;
	v2 =	vld [tilespmem:s18+$0xFFFFF840]  }
0x5e: {  	v1 =	vld [tilespmem:s18+$0xFFFFF830];
	[tilespmem:s17+$0x90 ss:$0x9] =	vst.msk $0xffff, v4  }
0x5f: {  	v3 =	vld [tilespmem:s18+$0xFFFFF850];
	[tilespmem:s17+$0x120 ss:$0x9] =	vst.msk $0xffff, v5  }
0x60: {  	v4 =	vld [tilespmem:s18+$0xFFFFF860];
	[tilespmem:s17+$0xCF0 ss:$0x9] =	vst.msk $0xffff, v6  }
0x61: {  	[tilespmem:s17+$0x1B0 ss:$0x9] =	vst.msk $0xffff, v0;
	v0 =	vld [tilespmem:s18+$0xFFFFFC00]  }
0x62: {  	[tilespmem:s17+$0x2D0 ss:$0x9] =	vst.msk $0xffff, v2;
	v2 =	vld [tilespmem:s18+$0xFFFFFC20]  }
0x63: {  	v5 =	vld [tilespmem:s18+$0x40];
	[tilespmem:s17+$0x240 ss:$0x9] =	vst.msk $0xffff, v1  }
0x64: {  	[tilespmem:s17+$0x360 ss:$0x9] =	vst.msk $0xffff, v3;
	v3 =	vld [tilespmem:s18+$0xFFFFFC30]  }
0x65: {  	v1 =	vld [tilespmem:s18+$0xFFFFFC10];
	[tilespmem:s17+$0x3F0 ss:$0x9] =	vst.msk $0xffff, v4  }
0x66: {  	[tilespmem:s17+$0x510 ss:$0x9] =	vst.msk $0xffff, v0;
	v0 =	vld [tilespmem:s18+$0xFFFFFC50]  }
0x67: {  	[tilespmem:s17+$0x630 ss:$0x9] =	vst.msk $0xffff, v2;
	v2 =	vld [tilespmem:s18+$0x0]  }
0x68: {  	v4 =	vld [tilespmem:s18+$0xFFFFFC40];
	[tilespmem:s17+$0xBD0 ss:$0x9] =	vst.msk $0xffff, v5  }
0x69: {  	[tilespmem:s17+$0x6C0 ss:$0x9] =	vst.msk $0xffff, v3;
	v3 =	vld [tilespmem:s18+$0x10]  }
0x6a: {  	[tilespmem:s17+$0x5A0 ss:$0x9] =	vst.msk $0xffff, v1;
	v1 =	vld [tilespmem:s18+$0xFFFFFC60]  }
0x6b: {  	[tilespmem:s17+$0x7E0 ss:$0x9] =	vst.msk $0xffff, v0;
	v0 =	vld [tilespmem:s18+$0x30]  }
0x6c: {  	[tilespmem:s17+$0x990 ss:$0x9] =	vst.msk $0xffff, v2;
	v2 =	vld [tilespmem:s18+$0x50]  }
0x6d: {  	[tilespmem:s17+$0x750 ss:$0x9] =	vst.msk $0xffff, v4;
	v4 =	vld [tilespmem:s18+$0x20]  }
0x6e: {  	[tilespmem:s17+$0xA20 ss:$0x9] =	vst.msk $0xffff, v3;
	v3 =	vld [tilespmem:s18+$0x400]  }
0x6f: {  	s31 =	smul.u32 $0x4800, s19;
	[tilespmem:s17+$0x870 ss:$0x9] =	vst.msk $0xffff, v1;
	v1 =	vld [tilespmem:s18+$0x410]  }
0x70: {  	[tilespmem:s17+$0xB40 ss:$0x9] =	vst.msk $0xffff, v0;
	v0 =	vld [tilespmem:s18+$0x420]  }
0x71: {  	s20 =	simm.s32 $0x80;
	s21 =	simm.s32 $0x8;
	s14 =	sshrl.u32 s31, $0x2;
	[tilespmem:s17+$0xC60 ss:$0x9] =	vst.msk $0xffff, v2;
	v2 =	vld [tilespmem:s18+$0x430]  }
0x72: {  	s19 =	simm.s32 $0x4;
	s22 =	sand.u32 $0x200, s20;
	s14 =	sor.u32 $0x2000, s14;
	[tilespmem:s17+$0xAB0 ss:$0x9] =	vst.msk $0xffff, v4;
	v4 =	vld [tilespmem:s18+$0x440]  }
.LBB1_3:
0x73: {  	p1 =	sne.s32 s21, $0x1C;
	s23 =	sand.u32 $0x180, s20;
	s22 =	sadd.s32 s22, s16;
	[tilespmem:s17+$0xE10 ss:$0x9] =	vst.msk $0xffff, v3;
	v3 =	vld [tilespmem:s18+$0x450]  }
0x74: {  	s22 =	sadd.s32 s23, s22;
	[tilespmem:s17+$0xEA0 ss:$0x9] =	vst.msk $0xffff, v1;
	v1 =	vld [tilespmem:s18+$0x460]  }
0x75: {  	v5 =	vld [tilespmem:s22+$0xC00];
	[tilespmem:s17+$0xF30 ss:$0x9] =	vst.msk $0xffff, v0  }
0x76: {  	v0 =	vld [tilespmem:s22+$0x400];
	[tilespmem:s17+$0xFC0 ss:$0x9] =	vst.msk $0xffff, v2  }
0x77: {  	s18 =	sadd.s32 $0x80, s18;
	v2 =	vld [tilespmem:s22+$0x800];
	[tilespmem:s17+$0x1050 ss:$0x9] =	vst.msk $0xffff, v4  }
0x78: {  	s22 =	sshra.s32 s19, $0x2;
	s19 =	smov.u32 s21;
	v4 =	vld [tilespmem:s18+$0xFFFFF7F0];
	[tilespmem:s17+$0x10E0 ss:$0x9] =	vst.msk $0xffff, v3  }
0x79: {  	v3 =	vld [tilespmem:s18+$0xFFFFF800];
	[tilespmem:s17+$0x1170 ss:$0x9] =	vst.msk $0xffff, v1;
	s17 =	sadd.s32 s22, s15  }
0x7a: {  	v1 =	vld [tilespmem:s18+$0xFFFFF810];
	[tilespmem:s17+$0xD80 ss:$0x9] =	vst.msk $0xffff, v5  }
0x7b: {  	v5 =	vld [tilespmem:s18+$0xFFFFF820];
	[tilespmem:s17+$0x480 ss:$0x9] =	vst.msk $0xffff, v0  }
0x7c: {  	v0 =	vld [tilespmem:s18+$0xFFFFF830];
	[tilespmem:s17+$0x900 ss:$0x9] =	vst.msk $0xffff, v2  }
0x7d: {  	[tilespmem:s17+$0x0 ss:$0x9] =	vst.msk $0xffff, v4;
	v2 =	vld [tilespmem:s18+$0xFFFFF840]  }
0x7e: {  	[tilespmem:s17+$0x90 ss:$0x9] =	vst.msk $0xffff, v3;
	v3 =	vld [tilespmem:s18+$0xFFFFF850]  }
0x7f: {  	[tilespmem:s17+$0x120 ss:$0x9] =	vst.msk $0xffff, v1;
	v1 =	vld [tilespmem:s18+$0xFFFFF860]  }
0x80: {  	[tilespmem:s17+$0x1B0 ss:$0x9] =	vst.msk $0xffff, v5;
	v4 =	vld [tilespmem:s18+$0xFFFFFC00]  }
0x81: {  	[tilespmem:s17+$0x240 ss:$0x9] =	vst.msk $0xffff, v0;
	v0 =	vld [tilespmem:s18+$0xFFFFFC10]  }
0x82: {  	[tilespmem:s17+$0x2D0 ss:$0x9] =	vst.msk $0xffff, v2;
	v2 =	vld [tilespmem:s18+$0xFFFFFC20]  }
0x83: {  	[tilespmem:s17+$0x360 ss:$0x9] =	vst.msk $0xffff, v3;
	v3 =	vld [tilespmem:s18+$0xFFFFFC30]  }
0x84: {  	[tilespmem:s17+$0x3F0 ss:$0x9] =	vst.msk $0xffff, v1;
	v1 =	vld [tilespmem:s18+$0xFFFFFC40]  }
0x85: {  	[tilespmem:s17+$0x510 ss:$0x9] =	vst.msk $0xffff, v4;
	v4 =	vld [tilespmem:s18+$0xFFFFFC50]  }
0x86: {  	[tilespmem:s17+$0x5A0 ss:$0x9] =	vst.msk $0xffff, v0;
	v0 =	vld [tilespmem:s18+$0xFFFFFC60]  }
0x87: {  	[tilespmem:s17+$0x630 ss:$0x9] =	vst.msk $0xffff, v2;
	v2 =	vld [tilespmem:s18+$0x0]  }
0x88: {  	[tilespmem:s17+$0x6C0 ss:$0x9] =	vst.msk $0xffff, v3;
	v3 =	vld [tilespmem:s18+$0x10]  }
0x89: {  	[tilespmem:s17+$0x750 ss:$0x9] =	vst.msk $0xffff, v1;
	v1 =	vld [tilespmem:s18+$0x20]  }
0x8a: {  	[tilespmem:s17+$0x7E0 ss:$0x9] =	vst.msk $0xffff, v4;
	v4 =	vld [tilespmem:s18+$0x30]  }
0x8b: {  	[tilespmem:s17+$0x870 ss:$0x9] =	vst.msk $0xffff, v0;
	v0 =	vld [tilespmem:s18+$0x40]  }
0x8c: {  	[tilespmem:s17+$0x990 ss:$0x9] =	vst.msk $0xffff, v2;
	v2 =	vld [tilespmem:s18+$0x50]  }
0x8d: {  	[tilespmem:s17+$0xA20 ss:$0x9] =	vst.msk $0xffff, v3;
	v5 =	vld [tilespmem:s18+$0x60]  }
.Ltmp3:
0x8e: {  	[tilespmem:s17+$0xAB0 ss:$0x9] =	vst.msk $0xffff, v1;
	v3 =	vld [tilespmem:s18+$0x400];
	(pc) =	sbr.rel @p1 .LBB1_3-.Ltmp3, $4  }
0x8f: {  	[tilespmem:s17+$0xB40 ss:$0x9] =	vst.msk $0xffff, v4;
	v1 =	vld [tilespmem:s18+$0x410]  }
0x90: {  	[tilespmem:s17+$0xBD0 ss:$0x9] =	vst.msk $0xffff, v0;
	v0 =	vld [tilespmem:s18+$0x420]  }
0x91: {  	s20 =	sadd.s32 $0x80, s20;
	[tilespmem:s17+$0xC60 ss:$0x9] =	vst.msk $0xffff, v2;
	v2 =	vld [tilespmem:s18+$0x430]  }
0x92: {  	s21 =	sadd.s32 $0x4, s21;
	s22 =	sand.u32 $0x200, s20;
	[tilespmem:s17+$0xCF0 ss:$0x9] =	vst.msk $0xffff, v5;
	v4 =	vld [tilespmem:s18+$0x440]  }
.Ltmp4:
0x93: {  	_ = 	snop;
	(pc) =	sbr.rel .LBB1_4-.Ltmp4, $1  }
0x94: {  	_ =	sdelay $0x3  }
.LBB1_6:
0x95: {  	_ =	sfence.sel $0x180000  }
0x96: {  	s2 =	simm.s32 $0x1;
	[bflag:$0x0] =	sbarrier.arrive $0xFFFF  }
0x97: {  	s31 =	simm.s32 $0x2;
	[sflag:s2] =	ssyncpa.u1 $0x1  }
0x98: {  	[sflag:s31] =	ssyncpa.u1 $0x1  }
0x99: {  	p0 =	sne.s32 s0, $0x0;
	_ =	strace $0x90000047  }
0x9a: {  	s0 =	sadd.s32 @!p0 $0x100000, s1;
	[bflag:$0x2] =	sbarrier.arrive $0xFFFF  }
0x9b: {  	[sflag:s0] =	ssyncadd.tile.s32 @!p0 $0x1;
	_ =	shalt  }
.Lfunc_end1:
_tile_overlayer_lowered:
.L_overlay_start_2:
0x9c: {  	(tag) =	ssettag $0x2  }
0x9d: {  	s0 =	rddreg [dreg:$0x0];
	s2 =	stileid.u32  }
0x9e: {  	s1 =	rddreg [dreg:$0x1];
	p0 =	sne.s32 s2, $0x0  }
0x9f: {  	s3 =	rddreg [dreg:$0x2];
	[bflag:$0x3] =	sbarrier.arrive $0xFFFF;
	s2 =	simm.s32 @!p0 $0x1C01  }
0xa0: {  	[timem:s3], [sflag:s2] =	dma.local @!p0 [hbm:s0], s1  }
0xa1: {  	s0 =	simm.s32 @!p0 $0x1  }
0xa2: {  	_ =	swait.ge @!p0 [sflag:s0], s1  }
0xa3: {  	s1 =	ssub.s32 @!p0 $0x0, s1;
	[sflag:s0] =	ssyncset.done @!p0 $0x0  }
0xa4: {  	[sflag:s0] =	ssyncadd.s32 @!p0 s1  }
0xa5: {  	[bflag:$0x3] =	sbarrier.arrive $0xFFFF  }
0xa6: {  	_ =	shalt  }

</sc_bundles>
